<compile_context>
chip_gen: v7x
topology: tpu7x:2x2x1
jax: 0.10.2.dev20260603
libtpu: 0.0.44.dev20260713+nightly
codegen_flags: <defaults>
</compile_context>

<pallas_src>
import functools

import jax
import jax.numpy as jnp
from jax import lax
from jax.experimental import pallas as pl
from jax.experimental.pallas import tpu as pltpu
from jax.experimental.pallas import tpu_sc as plsc

_NUM_GROUPS = 64
_NUM_CLASSES = 80
_MH = 64
_MW = 64
_NUM_PTS = 2048
_NUM_SAMPLED = 6144
_K = 1536
_NUM_RAND = 512
_NVEC = _NUM_SAMPLED // 16
_KVEC = _K // 16
_RPT = 2

_mesh = plsc.VectorSubcoreMesh(core_axis_name="c", subcore_axis_name="s")


@functools.partial(
    pl.kernel,
    out_type=[
        jax.ShapeDtypeStruct((_NUM_GROUPS * _K,), jnp.float32),
        jax.ShapeDtypeStruct((_NUM_GROUPS * _K,), jnp.float32),
    ],
    mesh=_mesh,
    scratch_types=[
        pltpu.VMEM((_RPT, _MH * _MW), jnp.float32),
        pltpu.VMEM((8,), jnp.int32),
        pltpu.VMEM((_NUM_SAMPLED,), jnp.float32),
        pltpu.VMEM((_NUM_SAMPLED,), jnp.float32),
        pltpu.VMEM((_NUM_SAMPLED,), jnp.int32),
        pltpu.VMEM((_NUM_SAMPLED,), jnp.int32),
        pltpu.VMEM((_NUM_SAMPLED,), jnp.int32),
        pltpu.VMEM((_NUM_SAMPLED,), jnp.int32),
        pltpu.VMEM((_NUM_SAMPLED,), jnp.int32),
        pltpu.VMEM((256,), jnp.int32),
        pltpu.VMEM((256,), jnp.int32),
        pltpu.VMEM((_K,), jnp.float32),
        pltpu.VMEM((_K,), jnp.float32),
        pltpu.SemaphoreType.DMA,
    ],
    compiler_params=pltpu.CompilerParams(needs_layout_passes=False),
)
def _sc_kernel(map_hbm, rowidx_hbm, xs_hbm, ys_hbm, selx_hbm, sely_hbm,
               map_v, rowidx_v, xs_v, ys_v, ka_v, kb_v, ia_v, ib_v, prk_v,
               hist_v, cnt_v, outx_v, outy_v, dma_sem):
    wid = lax.axis_index("s") * 2 + lax.axis_index("c")
    lanes = lax.iota(jnp.int32, 16)
    zeros16 = jnp.zeros((16,), jnp.int32)

    pltpu.sync_copy(rowidx_hbm.at[pl.ds(wid * 8, 8)], rowidx_v)
    pltpu.async_copy(map_hbm.at[rowidx_v.at[pl.ds(0, _RPT)]], map_v,
                     dma_sem).wait()

    for t in range(_RPT):
        roi = wid * _RPT + t
        pltpu.sync_copy(xs_hbm.at[pl.ds(roi * _NUM_SAMPLED, _NUM_SAMPLED)],
                        xs_v)
        pltpu.sync_copy(ys_hbm.at[pl.ds(roi * _NUM_SAMPLED, _NUM_SAMPLED)],
                        ys_v)
        tvec = zeros16 + t

        @plsc.parallel_loop(0, _NVEC, unroll=4)
        def sample_body(i):
            sl = pl.ds(i * 16, 16)
            cx = xs_v[sl]
            cy = ys_v[sl]
            gx = 2.0 * cx - 1.0
            gy = 2.0 * cy - 1.0
            x = ((gx + 1.0) * float(_MW) - 1.0) / 2.0
            y = ((gy + 1.0) * float(_MH) - 1.0) / 2.0
            xi = x.astype(jnp.int32)
            yi = y.astype(jnp.int32)
            x0f = jnp.where(x < 0.0, -1.0, xi.astype(jnp.float32))
            y0f = jnp.where(y < 0.0, -1.0, yi.astype(jnp.float32))
            wx1 = x - x0f
            wx0 = 1.0 - wx1
            wy1 = y - y0f
            wy0 = 1.0 - wy1
            x1f = x0f + 1.0
            y1f = y0f + 1.0
            fvx0 = jnp.where(x0f >= 0.0, 1.0, 0.0)
            fvx1 = jnp.where(x1f <= float(_MW - 1), 1.0, 0.0)
            fvy0 = jnp.where(y0f >= 0.0, 1.0, 0.0)
            fvy1 = jnp.where(y1f <= float(_MH - 1), 1.0, 0.0)
            ix0 = jnp.maximum(x0f.astype(jnp.int32), 0)
            iy0 = jnp.maximum(y0f.astype(jnp.int32), 0)
            ix1 = jnp.minimum(x1f.astype(jnp.int32), _MW - 1)
            iy1 = jnp.minimum(y1f.astype(jnp.int32), _MH - 1)
            row0 = iy0 * _MW
            row1 = iy1 * _MW
            g00 = plsc.load_gather(map_v, [tvec, row0 + ix0]) * (fvx0 * fvy0)
            g10 = plsc.load_gather(map_v, [tvec, row0 + ix1]) * (fvx1 * fvy0)
            g01 = plsc.load_gather(map_v, [tvec, row1 + ix0]) * (fvx0 * fvy1)
            g11 = plsc.load_gather(map_v, [tvec, row1 + ix1]) * (fvx1 * fvy1)
            r = (g00 * (wx0 * wy0) + g10 * (wx1 * wy0)
                 + g01 * (wx0 * wy1) + g11 * (wx1 * wy1))
            u = -jnp.abs(r)
            ka_v[sl] = plsc.bitcast(u, jnp.int32)

        for p in range(4):
            shift = 8 * p
            src_k, dst_k = (ka_v, kb_v) if p % 2 == 0 else (kb_v, ka_v)
            src_i, dst_i = (ia_v, ib_v) if p % 2 == 0 else (ib_v, ia_v)

            def zero_body(i, _):
                hist_v[pl.ds(i * 16, 16)] = zeros16
                return 0

            lax.fori_loop(0, 16, zero_body, 0)

            def hist_body(i, _):
                sl = pl.ds(i * 16, 16)
                k = src_k[sl]
                d = lax.shift_right_logical(k, shift) & 255
                rank1, mlast = plsc.scan_count(d)
                base = plsc.load_gather(hist_v, [d])
                prk_v[sl] = base + rank1 - 1
                plsc.store_scatter(hist_v, [d], base + rank1, mask=mlast)
                return 0

            lax.fori_loop(0, _NVEC, hist_body, 0, unroll=4)

            def scan_body(c, carry):
                sl = pl.ds(c * 16, 16)
                v = hist_v[sl]
                inc = plsc.cumsum(v)
                cnt_v[sl] = inc - v + carry
                return carry + jnp.max(inc)

            lax.fori_loop(0, 16, scan_body, jnp.int32(0))

            @plsc.parallel_loop(0, _NVEC, unroll=4)
            def perm_body(i):
                sl = pl.ds(i * 16, 16)
                k = src_k[sl]
                d = lax.shift_right_logical(k, shift) & 255
                base = plsc.load_gather(cnt_v, [d])
                pos = base + prk_v[sl]
                plsc.store_scatter(dst_k, [pos], k)
                if p == 0:
                    idxval = i * 16 + lanes
                else:
                    idxval = src_i[sl]
                plsc.store_scatter(dst_i, [pos], idxval)

        @plsc.parallel_loop(0, _KVEC, unroll=4)
        def out_body(j):
            sl = pl.ds(j * 16, 16)
            sidx = ia_v[sl]
            outx_v[sl] = plsc.load_gather(xs_v, [sidx])
            outy_v[sl] = plsc.load_gather(ys_v, [sidx])

        pltpu.sync_copy(outx_v, selx_hbm.at[pl.ds(roi * _K, _K)])
        pltpu.sync_copy(outy_v, sely_hbm.at[pl.ds(roi * _K, _K)])


def kernel(in_map, labels):
    in_map = in_map.astype(jnp.float32)
    labels = labels.astype(jnp.int32)
    k1, k2 = jax.random.split(jax.random.key(42))
    point_coords = jax.random.uniform(
        k1, (_NUM_GROUPS, _NUM_SAMPLED, 2), dtype=jnp.float32)
    rand_coords = jax.random.uniform(
        k2, (_NUM_GROUPS, _NUM_RAND, 2), dtype=jnp.float32)

    map2d = in_map.reshape(_NUM_GROUPS * _NUM_CLASSES, _MH * _MW)
    row_idx = jnp.arange(_NUM_GROUPS, dtype=jnp.int32) * _NUM_CLASSES + labels
    row_idx = jnp.zeros((_NUM_GROUPS // _RPT, 8), jnp.int32).at[
        :, :_RPT].set(row_idx.reshape(-1, _RPT)).reshape(-1)

    xs = point_coords[..., 0].reshape(-1)
    ys = point_coords[..., 1].reshape(-1)
    selx, sely = _sc_kernel(map2d, row_idx, xs, ys)
    sel = jnp.stack(
        [selx.reshape(_NUM_GROUPS, _K), sely.reshape(_NUM_GROUPS, _K)],
        axis=-1)
    return jnp.concatenate([sel, rand_coords], axis=1)

# --- scband reference (transcript-rebuilt; emitter-appended) ---
"""Pipeline reference for scband-point-rend-train-pts2d-57947698757797 (READ-ONLY COPY).

The authoritative reference and input builder live on the scoring server;
editing this copy changes nothing except your own understanding.
"""

import jax, jax.numpy as jnp
import numpy as np

NUM_GROUPS = 64
NUM_CLASSES = 80
MH = 64
MW = 64
NUM_PTS = 2048
OVERSAMPLE_RATIO = 3.0
IMPORTANCE_RATIO = 0.75


def setup_inputs(seed: int = 0) -> dict:
    key = jax.random.key(seed)
    k1, k2 = jax.random.split(key)
    in_map = jax.random.normal(k1, (NUM_GROUPS, NUM_CLASSES, MH, MW), dtype=jnp.float32)
    labels = jax.random.randint(k2, (NUM_GROUPS,), 0, NUM_CLASSES)
    return {"in_map": in_map, "labels": labels}


def _point_sample(img, coords):
    # img: [N, C, H, W]; coords: [N, P, 2] normalized to [0, 1] (mmcv point_sample
    # denormalizes via 2*coords - 1 and calls F.grid_sample bilinear, align_corners=False,
    # padding_mode='zeros').
    N, C, H, W = img.shape
    g = 2.0 * coords - 1.0
    x = ((g[..., 0] + 1.0) * W - 1.0) / 2.0
    y = ((g[..., 1] + 1.0) * H - 1.0) / 2.0
    x0f = jnp.floor(x)
    y0f = jnp.floor(y)
    wx1 = x - x0f
    wx0 = 1.0 - wx1
    wy1 = y - y0f
    wy0 = 1.0 - wy1

    def gather(ix, iy):
        valid = ((ix >= 0) & (ix < W) & (iy >= 0) & (iy < H)).astype(img.dtype)
        ixc = jnp.clip(ix, 0, W - 1).astype(jnp.int32)
        iyc = jnp.clip(iy, 0, H - 1).astype(jnp.int32)
        vals = jax.vmap(lambda im, yy, xx: im[:, yy, xx])(img, iyc, ixc)  # [N, C, P]
        return vals * valid[:, None, :]

    x0 = x0f
    x1 = x0f + 1.0
    y0 = y0f
    y1 = y0f + 1.0
    out = (gather(x0, y0) * (wx0 * wy0)[:, None, :]
           + gather(x1, y0) * (wx1 * wy0)[:, None, :]
           + gather(x0, y1) * (wx0 * wy1)[:, None, :]
           + gather(x1, y1) * (wx1 * wy1)[:, None, :])
    return out  # [N, C, P]


def _forward(in_map, labels, rand_key):
    # Faithful port of mmdet get_uncertain_point_coords_with_randomness.
    num_rois = in_map.shape[0]
    num_sampled = int(NUM_PTS * OVERSAMPLE_RATIO)
    k1, k2 = jax.random.split(rand_key)
    point_coords = jax.random.uniform(k1, (num_rois, num_sampled, 2), dtype=jnp.float32)
    point_logits = _point_sample(in_map, point_coords)  # [N, C, P]
    # get_uncertainty: pick logit of gt class, uncertainty = -|logit|
    gt_logits = jnp.take_along_axis(point_logits, labels[:, None, None].astype(jnp.int32), axis=1)  # [N,1,P]
    point_uncertainties = -jnp.abs(gt_logits)  # [N, 1, P]
    num_uncertain_points = int(IMPORTANCE_RATIO * NUM_PTS)
    num_random_points = NUM_PTS - num_uncertain_points
    _, idx = jax.lax.top_k(point_uncertainties[:, 0, :], num_uncertain_points)  # [N, K]
    sel_coords = jnp.take_along_axis(point_coords, idx[:, :, None], axis=1)  # [N, K, 2]
    if num_random_points > 0:
        rand_roi_coords = jax.random.uniform(k2, (num_rois, num_random_points, 2), dtype=jnp.float32)
        sel_coords = jnp.concatenate([sel_coords, rand_roi_coords], axis=1)
    return sel_coords  # [N, NUM_PTS, 2]


def reference(in_map, labels):
    return _forward(in_map, labels, jax.random.key(42))

if __name__ == "__main__":
    import jax
    _d = setup_inputs()
    print(jax.jit(kernel)(*tuple(_d.values())))

</pallas_src>

<mosaic_0001>
#map = affine_map<(d0, d1) -> (0, 0)>
#map1 = affine_map<(d0, d1) -> (0)>
module attributes {stable_mosaic.version = 14 : i64} {
  func.func @_sc_kernel(%arg0: i32, %arg1: i32, %arg2: memref<5120x4096xf32, #tpu.memory_space<hbm>>, %arg3: memref<256xi32, #tpu.memory_space<hbm>>, %arg4: memref<393216xf32, #tpu.memory_space<hbm>>, %arg5: memref<393216xf32, #tpu.memory_space<hbm>>, %arg6: memref<98304xf32, #tpu.memory_space<hbm>>, %arg7: memref<98304xf32, #tpu.memory_space<hbm>>, %arg8: memref<2x4096xf32, #tpu.memory_space<vmem>>, %arg9: memref<8xi32, #tpu.memory_space<vmem>>, %arg10: memref<6144xf32, #tpu.memory_space<vmem>>, %arg11: memref<6144xf32, #tpu.memory_space<vmem>>, %arg12: memref<6144xi32, #tpu.memory_space<vmem>>, %arg13: memref<6144xi32, #tpu.memory_space<vmem>>, %arg14: memref<6144xi32, #tpu.memory_space<vmem>>, %arg15: memref<6144xi32, #tpu.memory_space<vmem>>, %arg16: memref<6144xi32, #tpu.memory_space<vmem>>, %arg17: memref<256xi32, #tpu.memory_space<vmem>>, %arg18: memref<256xi32, #tpu.memory_space<vmem>>, %arg19: memref<1536xf32, #tpu.memory_space<vmem>>, %arg20: memref<1536xf32, #tpu.memory_space<vmem>>, %arg21: memref<!tpu.dma_semaphore, #tpu.memory_space<semaphore_mem>>) attributes {dimension_semantics = [#tpu.dimension_semantics<core_parallel>, #tpu.dimension_semantics<subcore_parallel>], iteration_bounds = array<i64: 2, 16>, scalar_prefetch = 0 : i64, scratch_operands = 14 : i64, tpu.core_type = #tpu.core_type<sc_vector_subcore>, window_params = [{transform_indices = #map}, {transform_indices = #map1}, {transform_indices = #map1}, {transform_indices = #map1}, {transform_indices = #map1}, {transform_indices = #map1}]} {
    %mul3A = arith.constant 2 : i32
    %mul3A_0 = arith.muli %arg1, %mul3A : i32
    %add3A = arith.addi %mul3A_0, %arg0 : i32
    %iota3A = tpu.iota {dimensions = array<i32: 0>} : vector<16xi32>
    %broadcast_in_dim3A = arith.constant 0 : i32
    %broadcast_in_dim3A_1 = vector.broadcast %broadcast_in_dim3A : i32 to vector<16xi32>
    %mul3A_2 = arith.constant 8 : i32
    %mul3A_3 = arith.muli %add3A, %mul3A_2 : i32
    "tpu.region"() ({
      %run_scoped3A = tpu.sem_alloc : memref<!tpu.dma_semaphore, #tpu.memory_space<semaphore_mem>>
      %dma_start3A_244 = tpu.memref_slice %arg3[%mul3A_3] : memref<256xi32, #tpu.memory_space<hbm>> -> memref<8xi32, #tpu.memory_space<hbm>>
      %dma_start3A_245 = tpu.memref_slice %arg3[%mul3A_3] : memref<256xi32, #tpu.memory_space<hbm>> -> memref<8xi32, #tpu.memory_space<hbm>>
      tpu.enqueue_dma source(%dma_start3A_245 : memref<8xi32, #tpu.memory_space<hbm>>) target(%arg9 : memref<8xi32, #tpu.memory_space<vmem>>) target_semaphore(%run_scoped3A : memref<!tpu.dma_semaphore, #tpu.memory_space<semaphore_mem>>)
      %dma_wait3A_246 = tpu.memref_slice %arg3[%mul3A_3] : memref<256xi32, #tpu.memory_space<hbm>> -> memref<8xi32, #tpu.memory_space<hbm>>
      %dma_wait3A_247 = tpu.memref_slice %arg3[%mul3A_3] : memref<256xi32, #tpu.memory_space<hbm>> -> memref<8xi32, #tpu.memory_space<hbm>>
      tpu.wait_dma2 semaphore(%run_scoped3A : memref<!tpu.dma_semaphore, #tpu.memory_space<semaphore_mem>>) src(%dma_wait3A_247 : memref<8xi32, #tpu.memory_space<hbm>>) dst(%arg9 : memref<8xi32, #tpu.memory_space<vmem>>)
      tpu.yield
    }) : () -> ()
    %dma_start3A = arith.constant 0 : i32
    %dma_start3A_4 = tpu.memref_slice %arg9[%dma_start3A] : memref<8xi32, #tpu.memory_space<vmem>> -> memref<2xi32, #tpu.memory_space<vmem>>
    %dma_start3A_5 = arith.constant 0 : i32
    %dma_start3A_6 = arith.constant 0 : i32
    %dma_start3A_7 = tpu.memref_slice %arg2[%dma_start3A_5, %dma_start3A_6] : memref<5120x4096xf32, #tpu.memory_space<hbm>> -> memref<5120x4096xf32, #tpu.memory_space<hbm>>
    tpu.enqueue_indirect_dma source(%dma_start3A_7 : memref<5120x4096xf32, #tpu.memory_space<hbm>>) target(%arg8 : memref<2x4096xf32, #tpu.memory_space<vmem>>) offsets(%dma_start3A_4 : memref<2xi32, #tpu.memory_space<vmem>>) semaphore(%arg21 : memref<!tpu.dma_semaphore, #tpu.memory_space<semaphore_mem>>)
    %dma_wait3A = arith.constant 0 : i32
    %dma_wait3A_8 = tpu.memref_slice %arg9[%dma_wait3A] : memref<8xi32, #tpu.memory_space<vmem>> -> memref<2xi32, #tpu.memory_space<vmem>>
    %dma_wait3A_9 = arith.constant 0 : i32
    %dma_wait3A_10 = arith.constant 0 : i32
    %dma_wait3A_11 = tpu.memref_slice %arg2[%dma_wait3A_9, %dma_wait3A_10] : memref<5120x4096xf32, #tpu.memory_space<hbm>> -> memref<5120x4096xf32, #tpu.memory_space<hbm>>
    tpu.wait_indirect_dma semaphore(%arg21 : memref<!tpu.dma_semaphore, #tpu.memory_space<semaphore_mem>>) src(%dma_wait3A_11 : memref<5120x4096xf32, #tpu.memory_space<hbm>>) dst(%arg8 : memref<2x4096xf32, #tpu.memory_space<vmem>>)
    %mul3A_12 = arith.constant 2 : i32
    %mul3A_13 = arith.muli %add3A, %mul3A_12 : i32
    %add3A_14 = arith.constant 0 : i32
    %add3A_15 = arith.addi %mul3A_13, %add3A_14 : i32
    %mul3A_16 = arith.constant 6144 : i32
    %mul3A_17 = arith.muli %add3A_15, %mul3A_16 : i32
    "tpu.region"() ({
      %run_scoped3A = tpu.sem_alloc : memref<!tpu.dma_semaphore, #tpu.memory_space<semaphore_mem>>
      %dma_start3A_244 = tpu.memref_slice %arg4[%mul3A_17] : memref<393216xf32, #tpu.memory_space<hbm>> -> memref<6144xf32, #tpu.memory_space<hbm>>
      %dma_start3A_245 = tpu.memref_slice %arg4[%mul3A_17] : memref<393216xf32, #tpu.memory_space<hbm>> -> memref<6144xf32, #tpu.memory_space<hbm>>
      tpu.enqueue_dma source(%dma_start3A_245 : memref<6144xf32, #tpu.memory_space<hbm>>) target(%arg10 : memref<6144xf32, #tpu.memory_space<vmem>>) target_semaphore(%run_scoped3A : memref<!tpu.dma_semaphore, #tpu.memory_space<semaphore_mem>>)
      %dma_wait3A_246 = tpu.memref_slice %arg4[%mul3A_17] : memref<393216xf32, #tpu.memory_space<hbm>> -> memref<6144xf32, #tpu.memory_space<hbm>>
      %dma_wait3A_247 = tpu.memref_slice %arg4[%mul3A_17] : memref<393216xf32, #tpu.memory_space<hbm>> -> memref<6144xf32, #tpu.memory_space<hbm>>
      tpu.wait_dma2 semaphore(%run_scoped3A : memref<!tpu.dma_semaphore, #tpu.memory_space<semaphore_mem>>) src(%dma_wait3A_247 : memref<6144xf32, #tpu.memory_space<hbm>>) dst(%arg10 : memref<6144xf32, #tpu.memory_space<vmem>>)
      tpu.yield
    }) : () -> ()
    %mul3A_18 = arith.constant 6144 : i32
    %mul3A_19 = arith.muli %add3A_15, %mul3A_18 : i32
    "tpu.region"() ({
      %run_scoped3A = tpu.sem_alloc : memref<!tpu.dma_semaphore, #tpu.memory_space<semaphore_mem>>
      %dma_start3A_244 = tpu.memref_slice %arg5[%mul3A_19] : memref<393216xf32, #tpu.memory_space<hbm>> -> memref<6144xf32, #tpu.memory_space<hbm>>
      %dma_start3A_245 = tpu.memref_slice %arg5[%mul3A_19] : memref<393216xf32, #tpu.memory_space<hbm>> -> memref<6144xf32, #tpu.memory_space<hbm>>
      tpu.enqueue_dma source(%dma_start3A_245 : memref<6144xf32, #tpu.memory_space<hbm>>) target(%arg11 : memref<6144xf32, #tpu.memory_space<vmem>>) target_semaphore(%run_scoped3A : memref<!tpu.dma_semaphore, #tpu.memory_space<semaphore_mem>>)
      %dma_wait3A_246 = tpu.memref_slice %arg5[%mul3A_19] : memref<393216xf32, #tpu.memory_space<hbm>> -> memref<6144xf32, #tpu.memory_space<hbm>>
      %dma_wait3A_247 = tpu.memref_slice %arg5[%mul3A_19] : memref<393216xf32, #tpu.memory_space<hbm>> -> memref<6144xf32, #tpu.memory_space<hbm>>
      tpu.wait_dma2 semaphore(%run_scoped3A : memref<!tpu.dma_semaphore, #tpu.memory_space<semaphore_mem>>) src(%dma_wait3A_247 : memref<6144xf32, #tpu.memory_space<hbm>>) dst(%arg11 : memref<6144xf32, #tpu.memory_space<vmem>>)
      tpu.yield
    }) : () -> ()
    %add3A_20 = arith.constant 0 : i32
    %add3A_21 = vector.broadcast %add3A_20 : i32 to vector<16xi32>
    %add3A_22 = arith.addi %broadcast_in_dim3A_1, %add3A_21 : vector<16xi32>
    %parallel_loop3A = arith.constant 0 : i32
    %parallel_loop3A_23 = arith.constant 384 : i32
    %parallel_loop3A_24 = arith.constant 1 : i32
    scf.for %parallel_loop3A_244 = %parallel_loop3A to %parallel_loop3A_23 step %parallel_loop3A_24  : i32 {
      %parallel_loop3A_245 = arith.constant 16 : i32
      %parallel_loop3A_246 = arith.muli %parallel_loop3A_244, %parallel_loop3A_245 : i32
      %parallel_loop3A_247 = arith.index_cast %parallel_loop3A_246 : i32 to index
      %parallel_loop3A_248 = tpu.vector_load %arg10[%parallel_loop3A_247] {strides = array<i32>} : memref<6144xf32, #tpu.memory_space<vmem>>, vector<16xf32>,
      %parallel_loop3A_249 = arith.index_cast %parallel_loop3A_246 : i32 to index
      %parallel_loop3A_250 = tpu.vector_load %arg11[%parallel_loop3A_249] {strides = array<i32>} : memref<6144xf32, #tpu.memory_space<vmem>>, vector<16xf32>,
      %parallel_loop3A_251 = arith.constant 2.000000e+00 : f32
      %parallel_loop3A_252 = vector.broadcast %parallel_loop3A_251 : f32 to vector<16xf32>
      %parallel_loop3A_253 = arith.mulf %parallel_loop3A_252, %parallel_loop3A_248 : vector<16xf32>
      %parallel_loop3A_254 = arith.constant 1.000000e+00 : f32
      %parallel_loop3A_255 = vector.broadcast %parallel_loop3A_254 : f32 to vector<16xf32>
      %parallel_loop3A_256 = arith.subf %parallel_loop3A_253, %parallel_loop3A_255 : vector<16xf32>
      %parallel_loop3A_257 = arith.constant 2.000000e+00 : f32
      %parallel_loop3A_258 = vector.broadcast %parallel_loop3A_257 : f32 to vector<16xf32>
      %parallel_loop3A_259 = arith.mulf %parallel_loop3A_258, %parallel_loop3A_250 : vector<16xf32>
      %parallel_loop3A_260 = arith.constant 1.000000e+00 : f32
      %parallel_loop3A_261 = vector.broadcast %parallel_loop3A_260 : f32 to vector<16xf32>
      %parallel_loop3A_262 = arith.subf %parallel_loop3A_259, %parallel_loop3A_261 : vector<16xf32>
      %parallel_loop3A_263 = arith.constant 1.000000e+00 : f32
      %parallel_loop3A_264 = vector.broadcast %parallel_loop3A_263 : f32 to vector<16xf32>
      %parallel_loop3A_265 = arith.addf %parallel_loop3A_256, %parallel_loop3A_264 : vector<16xf32>
      %parallel_loop3A_266 = arith.constant 6.400000e+01 : f32
      %parallel_loop3A_267 = vector.broadcast %parallel_loop3A_266 : f32 to vector<16xf32>
      %parallel_loop3A_268 = arith.mulf %parallel_loop3A_265, %parallel_loop3A_267 : vector<16xf32>
      %parallel_loop3A_269 = arith.constant 1.000000e+00 : f32
      %parallel_loop3A_270 = vector.broadcast %parallel_loop3A_269 : f32 to vector<16xf32>
      %parallel_loop3A_271 = arith.subf %parallel_loop3A_268, %parallel_loop3A_270 : vector<16xf32>
      %parallel_loop3A_272 = arith.constant 2.000000e+00 : f32
      %parallel_loop3A_273 = vector.broadcast %parallel_loop3A_272 : f32 to vector<16xf32>
      %parallel_loop3A_274 = arith.divf %parallel_loop3A_271, %parallel_loop3A_273 : vector<16xf32>
      %parallel_loop3A_275 = arith.constant 1.000000e+00 : f32
      %parallel_loop3A_276 = vector.broadcast %parallel_loop3A_275 : f32 to vector<16xf32>
      %parallel_loop3A_277 = arith.addf %parallel_loop3A_262, %parallel_loop3A_276 : vector<16xf32>
      %parallel_loop3A_278 = arith.constant 6.400000e+01 : f32
      %parallel_loop3A_279 = vector.broadcast %parallel_loop3A_278 : f32 to vector<16xf32>
      %parallel_loop3A_280 = arith.mulf %parallel_loop3A_277, %parallel_loop3A_279 : vector<16xf32>
      %parallel_loop3A_281 = arith.constant 1.000000e+00 : f32
      %parallel_loop3A_282 = vector.broadcast %parallel_loop3A_281 : f32 to vector<16xf32>
      %parallel_loop3A_283 = arith.subf %parallel_loop3A_280, %parallel_loop3A_282 : vector<16xf32>
      %parallel_loop3A_284 = arith.constant 2.000000e+00 : f32
      %parallel_loop3A_285 = vector.broadcast %parallel_loop3A_284 : f32 to vector<16xf32>
      %parallel_loop3A_286 = arith.divf %parallel_loop3A_283, %parallel_loop3A_285 : vector<16xf32>
      %parallel_loop3A_287 = arith.fptosi %parallel_loop3A_274 : vector<16xf32> to vector<16xi32>
      %parallel_loop3A_288 = arith.fptosi %parallel_loop3A_286 : vector<16xf32> to vector<16xi32>
      %parallel_loop3A_289 = arith.constant 0.000000e+00 : f32
      %parallel_loop3A_290 = vector.broadcast %parallel_loop3A_289 : f32 to vector<16xf32>
      %parallel_loop3A_291 = arith.cmpf olt, %parallel_loop3A_274, %parallel_loop3A_290 : vector<16xf32>
      %parallel_loop3A_292 = arith.sitofp %parallel_loop3A_287 : vector<16xi32> to vector<16xf32>
      %parallel_loop3A_293 = arith.constant -1.000000e+00 : f32
      %parallel_loop3A_294 = vector.broadcast %parallel_loop3A_293 : f32 to vector<16xf32>
      %parallel_loop3A_295 = arith.select %parallel_loop3A_291, %parallel_loop3A_294, %parallel_loop3A_292 : vector<16xi1>, vector<16xf32>
      %parallel_loop3A_296 = arith.constant 0.000000e+00 : f32
      %parallel_loop3A_297 = vector.broadcast %parallel_loop3A_296 : f32 to vector<16xf32>
      %parallel_loop3A_298 = arith.cmpf olt, %parallel_loop3A_286, %parallel_loop3A_297 : vector<16xf32>
      %parallel_loop3A_299 = arith.sitofp %parallel_loop3A_288 : vector<16xi32> to vector<16xf32>
      %parallel_loop3A_300 = arith.constant -1.000000e+00 : f32
      %parallel_loop3A_301 = vector.broadcast %parallel_loop3A_300 : f32 to vector<16xf32>
      %parallel_loop3A_302 = arith.select %parallel_loop3A_298, %parallel_loop3A_301, %parallel_loop3A_299 : vector<16xi1>, vector<16xf32>
      %parallel_loop3A_303 = arith.subf %parallel_loop3A_274, %parallel_loop3A_295 : vector<16xf32>
      %parallel_loop3A_304 = arith.constant 1.000000e+00 : f32
      %parallel_loop3A_305 = vector.broadcast %parallel_loop3A_304 : f32 to vector<16xf32>
      %parallel_loop3A_306 = arith.subf %parallel_loop3A_305, %parallel_loop3A_303 : vector<16xf32>
      %parallel_loop3A_307 = arith.subf %parallel_loop3A_286, %parallel_loop3A_302 : vector<16xf32>
      %parallel_loop3A_308 = arith.constant 1.000000e+00 : f32
      %parallel_loop3A_309 = vector.broadcast %parallel_loop3A_308 : f32 to vector<16xf32>
      %parallel_loop3A_310 = arith.subf %parallel_loop3A_309, %parallel_loop3A_307 : vector<16xf32>
      %parallel_loop3A_311 = arith.constant 1.000000e+00 : f32
      %parallel_loop3A_312 = vector.broadcast %parallel_loop3A_311 : f32 to vector<16xf32>
      %parallel_loop3A_313 = arith.addf %parallel_loop3A_295, %parallel_loop3A_312 : vector<16xf32>
      %parallel_loop3A_314 = arith.constant 1.000000e+00 : f32
      %parallel_loop3A_315 = vector.broadcast %parallel_loop3A_314 : f32 to vector<16xf32>
      %parallel_loop3A_316 = arith.addf %parallel_loop3A_302, %parallel_loop3A_315 : vector<16xf32>
      %parallel_loop3A_317 = arith.constant 0.000000e+00 : f32
      %parallel_loop3A_318 = vector.broadcast %parallel_loop3A_317 : f32 to vector<16xf32>
      %parallel_loop3A_319 = arith.cmpf oge, %parallel_loop3A_295, %parallel_loop3A_318 : vector<16xf32>
      %parallel_loop3A_320 = arith.constant 1.000000e+00 : f32
      %parallel_loop3A_321 = arith.constant 0.000000e+00 : f32
      %parallel_loop3A_322 = vector.broadcast %parallel_loop3A_320 : f32 to vector<16xf32>
      %parallel_loop3A_323 = vector.broadcast %parallel_loop3A_321 : f32 to vector<16xf32>
      %parallel_loop3A_324 = arith.select %parallel_loop3A_319, %parallel_loop3A_322, %parallel_loop3A_323 : vector<16xi1>, vector<16xf32>
      %parallel_loop3A_325 = arith.constant 6.300000e+01 : f32
      %parallel_loop3A_326 = vector.broadcast %parallel_loop3A_325 : f32 to vector<16xf32>
      %parallel_loop3A_327 = arith.cmpf ole, %parallel_loop3A_313, %parallel_loop3A_326 : vector<16xf32>
      %parallel_loop3A_328 = arith.constant 1.000000e+00 : f32
      %parallel_loop3A_329 = arith.constant 0.000000e+00 : f32
      %parallel_loop3A_330 = vector.broadcast %parallel_loop3A_328 : f32 to vector<16xf32>
      %parallel_loop3A_331 = vector.broadcast %parallel_loop3A_329 : f32 to vector<16xf32>
      %parallel_loop3A_332 = arith.select %parallel_loop3A_327, %parallel_loop3A_330, %parallel_loop3A_331 : vector<16xi1>, vector<16xf32>
      %parallel_loop3A_333 = arith.constant 0.000000e+00 : f32
      %parallel_loop3A_334 = vector.broadcast %parallel_loop3A_333 : f32 to vector<16xf32>
      %parallel_loop3A_335 = arith.cmpf oge, %parallel_loop3A_302, %parallel_loop3A_334 : vector<16xf32>
      %parallel_loop3A_336 = arith.constant 1.000000e+00 : f32
      %parallel_loop3A_337 = arith.constant 0.000000e+00 : f32
      %parallel_loop3A_338 = vector.broadcast %parallel_loop3A_336 : f32 to vector<16xf32>
      %parallel_loop3A_339 = vector.broadcast %parallel_loop3A_337 : f32 to vector<16xf32>
      %parallel_loop3A_340 = arith.select %parallel_loop3A_335, %parallel_loop3A_338, %parallel_loop3A_339 : vector<16xi1>, vector<16xf32>
      %parallel_loop3A_341 = arith.constant 6.300000e+01 : f32
      %parallel_loop3A_342 = vector.broadcast %parallel_loop3A_341 : f32 to vector<16xf32>
      %parallel_loop3A_343 = arith.cmpf ole, %parallel_loop3A_316, %parallel_loop3A_342 : vector<16xf32>
      %parallel_loop3A_344 = arith.constant 1.000000e+00 : f32
      %parallel_loop3A_345 = arith.constant 0.000000e+00 : f32
      %parallel_loop3A_346 = vector.broadcast %parallel_loop3A_344 : f32 to vector<16xf32>
      %parallel_loop3A_347 = vector.broadcast %parallel_loop3A_345 : f32 to vector<16xf32>
      %parallel_loop3A_348 = arith.select %parallel_loop3A_343, %parallel_loop3A_346, %parallel_loop3A_347 : vector<16xi1>, vector<16xf32>
      %parallel_loop3A_349 = arith.fptosi %parallel_loop3A_295 : vector<16xf32> to vector<16xi32>
      %parallel_loop3A_350 = arith.constant 0 : i32
      %parallel_loop3A_351 = vector.broadcast %parallel_loop3A_350 : i32 to vector<16xi32>
      %parallel_loop3A_352 = arith.maxsi %parallel_loop3A_349, %parallel_loop3A_351 : vector<16xi32>
      %parallel_loop3A_353 = arith.fptosi %parallel_loop3A_302 : vector<16xf32> to vector<16xi32>
      %parallel_loop3A_354 = arith.constant 0 : i32
      %parallel_loop3A_355 = vector.broadcast %parallel_loop3A_354 : i32 to vector<16xi32>
      %parallel_loop3A_356 = arith.maxsi %parallel_loop3A_353, %parallel_loop3A_355 : vector<16xi32>
      %parallel_loop3A_357 = arith.fptosi %parallel_loop3A_313 : vector<16xf32> to vector<16xi32>
      %parallel_loop3A_358 = arith.constant 63 : i32
      %parallel_loop3A_359 = vector.broadcast %parallel_loop3A_358 : i32 to vector<16xi32>
      %parallel_loop3A_360 = arith.minsi %parallel_loop3A_357, %parallel_loop3A_359 : vector<16xi32>
      %parallel_loop3A_361 = arith.fptosi %parallel_loop3A_316 : vector<16xf32> to vector<16xi32>
      %parallel_loop3A_362 = arith.constant 63 : i32
      %parallel_loop3A_363 = vector.broadcast %parallel_loop3A_362 : i32 to vector<16xi32>
      %parallel_loop3A_364 = arith.minsi %parallel_loop3A_361, %parallel_loop3A_363 : vector<16xi32>
      %parallel_loop3A_365 = arith.constant 64 : i32
      %parallel_loop3A_366 = vector.broadcast %parallel_loop3A_365 : i32 to vector<16xi32>
      %parallel_loop3A_367 = arith.muli %parallel_loop3A_356, %parallel_loop3A_366 : vector<16xi32>
      %parallel_loop3A_368 = arith.constant 64 : i32
      %parallel_loop3A_369 = vector.broadcast %parallel_loop3A_368 : i32 to vector<16xi32>
      %parallel_loop3A_370 = arith.muli %parallel_loop3A_364, %parallel_loop3A_369 : vector<16xi32>
      %parallel_loop3A_371 = arith.addi %parallel_loop3A_367, %parallel_loop3A_352 : vector<16xi32>
      %parallel_loop3A_372 = tpu.vector_load_idx %arg8[%add3A_22, %parallel_loop3A_371] : memref<2x4096xf32, #tpu.memory_space<vmem>>[vector<16xi32>, vector<16xi32>], vector<16xf32>,
      %parallel_loop3A_373 = arith.mulf %parallel_loop3A_324, %parallel_loop3A_340 : vector<16xf32>
      %parallel_loop3A_374 = arith.mulf %parallel_loop3A_372, %parallel_loop3A_373 : vector<16xf32>
      %parallel_loop3A_375 = arith.addi %parallel_loop3A_367, %parallel_loop3A_360 : vector<16xi32>
      %parallel_loop3A_376 = tpu.vector_load_idx %arg8[%add3A_22, %parallel_loop3A_375] : memref<2x4096xf32, #tpu.memory_space<vmem>>[vector<16xi32>, vector<16xi32>], vector<16xf32>,
      %parallel_loop3A_377 = arith.mulf %parallel_loop3A_332, %parallel_loop3A_340 : vector<16xf32>
      %parallel_loop3A_378 = arith.mulf %parallel_loop3A_376, %parallel_loop3A_377 : vector<16xf32>
      %parallel_loop3A_379 = arith.addi %parallel_loop3A_370, %parallel_loop3A_352 : vector<16xi32>
      %parallel_loop3A_380 = tpu.vector_load_idx %arg8[%add3A_22, %parallel_loop3A_379] : memref<2x4096xf32, #tpu.memory_space<vmem>>[vector<16xi32>, vector<16xi32>], vector<16xf32>,
      %parallel_loop3A_381 = arith.mulf %parallel_loop3A_324, %parallel_loop3A_348 : vector<16xf32>
      %parallel_loop3A_382 = arith.mulf %parallel_loop3A_380, %parallel_loop3A_381 : vector<16xf32>
      %parallel_loop3A_383 = arith.addi %parallel_loop3A_370, %parallel_loop3A_360 : vector<16xi32>
      %parallel_loop3A_384 = tpu.vector_load_idx %arg8[%add3A_22, %parallel_loop3A_383] : memref<2x4096xf32, #tpu.memory_space<vmem>>[vector<16xi32>, vector<16xi32>], vector<16xf32>,
      %parallel_loop3A_385 = arith.mulf %parallel_loop3A_332, %parallel_loop3A_348 : vector<16xf32>
      %parallel_loop3A_386 = arith.mulf %parallel_loop3A_384, %parallel_loop3A_385 : vector<16xf32>
      %parallel_loop3A_387 = arith.mulf %parallel_loop3A_306, %parallel_loop3A_310 : vector<16xf32>
      %parallel_loop3A_388 = arith.mulf %parallel_loop3A_374, %parallel_loop3A_387 : vector<16xf32>
      %parallel_loop3A_389 = arith.mulf %parallel_loop3A_303, %parallel_loop3A_310 : vector<16xf32>
      %parallel_loop3A_390 = arith.mulf %parallel_loop3A_378, %parallel_loop3A_389 : vector<16xf32>
      %parallel_loop3A_391 = arith.addf %parallel_loop3A_388, %parallel_loop3A_390 : vector<16xf32>
      %parallel_loop3A_392 = arith.mulf %parallel_loop3A_306, %parallel_loop3A_307 : vector<16xf32>
      %parallel_loop3A_393 = arith.mulf %parallel_loop3A_382, %parallel_loop3A_392 : vector<16xf32>
      %parallel_loop3A_394 = arith.addf %parallel_loop3A_391, %parallel_loop3A_393 : vector<16xf32>
      %parallel_loop3A_395 = arith.mulf %parallel_loop3A_303, %parallel_loop3A_307 : vector<16xf32>
      %parallel_loop3A_396 = arith.mulf %parallel_loop3A_386, %parallel_loop3A_395 : vector<16xf32>
      %parallel_loop3A_397 = arith.addf %parallel_loop3A_394, %parallel_loop3A_396 : vector<16xf32>
      %parallel_loop3A_398 = math.absf %parallel_loop3A_397 : vector<16xf32>
      %parallel_loop3A_399 = arith.constant 0.000000e+00 : f32
      %parallel_loop3A_400 = vector.broadcast %parallel_loop3A_399 : f32 to vector<16xf32>
      %parallel_loop3A_401 = arith.subf %parallel_loop3A_400, %parallel_loop3A_398 : vector<16xf32>
      %parallel_loop3A_402 = vector.bitcast %parallel_loop3A_401 : vector<16xf32> to vector<16xi32>
      %parallel_loop3A_403 = arith.index_cast %parallel_loop3A_246 : i32 to index
      %parallel_loop3A_404 = tpu.vector_load %arg12[%parallel_loop3A_403] {strides = array<i32>} : memref<6144xi32, #tpu.memory_space<vmem>>, vector<16xi32>,
      tpu.vector_store %arg12[%parallel_loop3A_403], %parallel_loop3A_402 {strides = array<i32>} : memref<6144xi32, #tpu.memory_space<vmem>>, vector<16xi32>,
    } {sc.loop_unroll_factor = 4 : i64, sc.parallel_access}
    %scan3A = arith.constant 0 : i32
    %scan3A_25 = arith.constant 0 : i32
    %scan3A_26 = arith.constant 16 : i32
    %scan3A_27 = arith.addi %scan3A_25, %scan3A_26 : i32
    %scan3A_28 = arith.constant 1 : i32
    %scan3A_29 = scf.for %scan3A_244 = %scan3A_25 to %scan3A_27 step %scan3A_28 iter_args(%scan3A_245 = %scan3A) -> (i32)  : i32 {
      %mul3A_246 = arith.constant 16 : i32
      %mul3A_247 = arith.muli %scan3A_244, %mul3A_246 : i32
      %swap3A = arith.index_cast %mul3A_247 : i32 to index
      %swap3A_248 = tpu.vector_load %arg17[%swap3A] {strides = array<i32>} : memref<256xi32, #tpu.memory_space<vmem>>, vector<16xi32>,
      tpu.vector_store %arg17[%swap3A], %broadcast_in_dim3A_1 {strides = array<i32>} : memref<256xi32, #tpu.memory_space<vmem>>, vector<16xi32>,
      %scan3A_249 = arith.constant 0 : i32
      scf.yield %scan3A_249 : i32
    }
    %scan3A_30 = arith.constant 16 : i32
    %scan3A_31 = arith.constant 0 : i32
    %scan3A_32 = arith.constant 0 : i32
    %scan3A_33 = arith.constant 384 : i32
    %scan3A_34 = arith.addi %scan3A_32, %scan3A_33 : i32
    %scan3A_35 = arith.constant 4 : i32
    %scan3A_36 = scf.for %scan3A_244 = %scan3A_32 to %scan3A_34 step %scan3A_35 iter_args(%scan3A_245 = %scan3A_31) -> (i32)  : i32 {
      %mul3A_246 = arith.constant 16 : i32
      %mul3A_247 = arith.muli %scan3A_244, %mul3A_246 : i32
      %get3A = arith.index_cast %mul3A_247 : i32 to index
      %get3A_248 = tpu.vector_load %arg12[%get3A] {strides = array<i32>} : memref<6144xi32, #tpu.memory_space<vmem>>, vector<16xi32>,
      %shift_right_logical3A = arith.constant 0 : i32
      %shift_right_logical3A_249 = vector.broadcast %shift_right_logical3A : i32 to vector<16xi32>
      %shift_right_logical3A_250 = arith.shrui %get3A_248, %shift_right_logical3A_249 : vector<16xi32>
      %and3A = arith.constant 255 : i32
      %and3A_251 = vector.broadcast %and3A : i32 to vector<16xi32>
      %and3A_252 = arith.andi %shift_right_logical3A_250, %and3A_251 : vector<16xi32>
      %broadcast_in_dim3A_253 = arith.constant true
      %broadcast_in_dim3A_254 = vector.broadcast %broadcast_in_dim3A_253 : i1 to vector<16xi1>
      %unique3A, %unique3A_255 = tpu.scan_count mask(%broadcast_in_dim3A_254 : vector<16xi1>) value(%and3A_252 : vector<16xi32>) : vector<16xi1>, vector<16xi32>
      %gather3A = tpu.vector_load_idx %arg17[%and3A_252] : memref<256xi32, #tpu.memory_space<vmem>>[vector<16xi32>], vector<16xi32>,
      %add3A_256 = arith.addi %gather3A, %unique3A_255 : vector<16xi32>
      %sub3A = arith.constant 1 : i32
      %sub3A_257 = vector.broadcast %sub3A : i32 to vector<16xi32>
      %sub3A_258 = arith.subi %add3A_256, %sub3A_257 : vector<16xi32>
      %swap3A = arith.index_cast %mul3A_247 : i32 to index
      %swap3A_259 = tpu.vector_load %arg16[%swap3A] {strides = array<i32>} : memref<6144xi32, #tpu.memory_space<vmem>>, vector<16xi32>,
      tpu.vector_store %arg16[%swap3A], %sub3A_258 {strides = array<i32>} : memref<6144xi32, #tpu.memory_space<vmem>>, vector<16xi32>,
      %add3A_260 = arith.addi %gather3A, %unique3A_255 : vector<16xi32>
      tpu.vector_store_idx %arg17[%and3A_252], %add3A_260 masked %unique3A : memref<256xi32, #tpu.memory_space<vmem>>[vector<16xi32>], vector<16xi32>, vector<16xi1>
      %scan3A_261 = arith.constant 0 : i32
      %scan3A_262 = arith.constant 1 : i32
      %scan3A_263 = arith.addi %scan3A_244, %scan3A_262 : i32
      %mul3A_264 = arith.constant 16 : i32
      %mul3A_265 = arith.muli %scan3A_263, %mul3A_264 : i32
      %get3A_266 = arith.index_cast %mul3A_265 : i32 to index
      %get3A_267 = tpu.vector_load %arg12[%get3A_266] {strides = array<i32>} : memref<6144xi32, #tpu.memory_space<vmem>>, vector<16xi32>,
      %shift_right_logical3A_268 = arith.constant 0 : i32
      %shift_right_logical3A_269 = vector.broadcast %shift_right_logical3A_268 : i32 to vector<16xi32>
      %shift_right_logical3A_270 = arith.shrui %get3A_267, %shift_right_logical3A_269 : vector<16xi32>
      %and3A_271 = arith.constant 255 : i32
      %and3A_272 = vector.broadcast %and3A_271 : i32 to vector<16xi32>
      %and3A_273 = arith.andi %shift_right_logical3A_270, %and3A_272 : vector<16xi32>
      %broadcast_in_dim3A_274 = arith.constant true
      %broadcast_in_dim3A_275 = vector.broadcast %broadcast_in_dim3A_274 : i1 to vector<16xi1>
      %unique3A_276, %unique3A_277 = tpu.scan_count mask(%broadcast_in_dim3A_275 : vector<16xi1>) value(%and3A_273 : vector<16xi32>) : vector<16xi1>, vector<16xi32>
      %gather3A_278 = tpu.vector_load_idx %arg17[%and3A_273] : memref<256xi32, #tpu.memory_space<vmem>>[vector<16xi32>], vector<16xi32>,
      %add3A_279 = arith.addi %gather3A_278, %unique3A_277 : vector<16xi32>
      %sub3A_280 = arith.constant 1 : i32
      %sub3A_281 = vector.broadcast %sub3A_280 : i32 to vector<16xi32>
      %sub3A_282 = arith.subi %add3A_279, %sub3A_281 : vector<16xi32>
      %swap3A_283 = arith.index_cast %mul3A_265 : i32 to index
      %swap3A_284 = tpu.vector_load %arg16[%swap3A_283] {strides = array<i32>} : memref<6144xi32, #tpu.memory_space<vmem>>, vector<16xi32>,
      tpu.vector_store %arg16[%swap3A_283], %sub3A_282 {strides = array<i32>} : memref<6144xi32, #tpu.memory_space<vmem>>, vector<16xi32>,
      %add3A_285 = arith.addi %gather3A_278, %unique3A_277 : vector<16xi32>
      tpu.vector_store_idx %arg17[%and3A_273], %add3A_285 masked %unique3A_276 : memref<256xi32, #tpu.memory_space<vmem>>[vector<16xi32>], vector<16xi32>, vector<16xi1>
      %scan3A_286 = arith.constant 0 : i32
      %scan3A_287 = arith.constant 2 : i32
      %scan3A_288 = arith.addi %scan3A_244, %scan3A_287 : i32
      %mul3A_289 = arith.constant 16 : i32
      %mul3A_290 = arith.muli %scan3A_288, %mul3A_289 : i32
      %get3A_291 = arith.index_cast %mul3A_290 : i32 to index
      %get3A_292 = tpu.vector_load %arg12[%get3A_291] {strides = array<i32>} : memref<6144xi32, #tpu.memory_space<vmem>>, vector<16xi32>,
      %shift_right_logical3A_293 = arith.constant 0 : i32
      %shift_right_logical3A_294 = vector.broadcast %shift_right_logical3A_293 : i32 to vector<16xi32>
      %shift_right_logical3A_295 = arith.shrui %get3A_292, %shift_right_logical3A_294 : vector<16xi32>
      %and3A_296 = arith.constant 255 : i32
      %and3A_297 = vector.broadcast %and3A_296 : i32 to vector<16xi32>
      %and3A_298 = arith.andi %shift_right_logical3A_295, %and3A_297 : vector<16xi32>
      %broadcast_in_dim3A_299 = arith.constant true
      %broadcast_in_dim3A_300 = vector.broadcast %broadcast_in_dim3A_299 : i1 to vector<16xi1>
      %unique3A_301, %unique3A_302 = tpu.scan_count mask(%broadcast_in_dim3A_300 : vector<16xi1>) value(%and3A_298 : vector<16xi32>) : vector<16xi1>, vector<16xi32>
      %gather3A_303 = tpu.vector_load_idx %arg17[%and3A_298] : memref<256xi32, #tpu.memory_space<vmem>>[vector<16xi32>], vector<16xi32>,
      %add3A_304 = arith.addi %gather3A_303, %unique3A_302 : vector<16xi32>
      %sub3A_305 = arith.constant 1 : i32
      %sub3A_306 = vector.broadcast %sub3A_305 : i32 to vector<16xi32>
      %sub3A_307 = arith.subi %add3A_304, %sub3A_306 : vector<16xi32>
      %swap3A_308 = arith.index_cast %mul3A_290 : i32 to index
      %swap3A_309 = tpu.vector_load %arg16[%swap3A_308] {strides = array<i32>} : memref<6144xi32, #tpu.memory_space<vmem>>, vector<16xi32>,
      tpu.vector_store %arg16[%swap3A_308], %sub3A_307 {strides = array<i32>} : memref<6144xi32, #tpu.memory_space<vmem>>, vector<16xi32>,
      %add3A_310 = arith.addi %gather3A_303, %unique3A_302 : vector<16xi32>
      tpu.vector_store_idx %arg17[%and3A_298], %add3A_310 masked %unique3A_301 : memref<256xi32, #tpu.memory_space<vmem>>[vector<16xi32>], vector<16xi32>, vector<16xi1>
      %scan3A_311 = arith.constant 0 : i32
      %scan3A_312 = arith.constant 3 : i32
      %scan3A_313 = arith.addi %scan3A_244, %scan3A_312 : i32
      %mul3A_314 = arith.constant 16 : i32
      %mul3A_315 = arith.muli %scan3A_313, %mul3A_314 : i32
      %get3A_316 = arith.index_cast %mul3A_315 : i32 to index
      %get3A_317 = tpu.vector_load %arg12[%get3A_316] {strides = array<i32>} : memref<6144xi32, #tpu.memory_space<vmem>>, vector<16xi32>,
      %shift_right_logical3A_318 = arith.constant 0 : i32
      %shift_right_logical3A_319 = vector.broadcast %shift_right_logical3A_318 : i32 to vector<16xi32>
      %shift_right_logical3A_320 = arith.shrui %get3A_317, %shift_right_logical3A_319 : vector<16xi32>
      %and3A_321 = arith.constant 255 : i32
      %and3A_322 = vector.broadcast %and3A_321 : i32 to vector<16xi32>
      %and3A_323 = arith.andi %shift_right_logical3A_320, %and3A_322 : vector<16xi32>
      %broadcast_in_dim3A_324 = arith.constant true
      %broadcast_in_dim3A_325 = vector.broadcast %broadcast_in_dim3A_324 : i1 to vector<16xi1>
      %unique3A_326, %unique3A_327 = tpu.scan_count mask(%broadcast_in_dim3A_325 : vector<16xi1>) value(%and3A_323 : vector<16xi32>) : vector<16xi1>, vector<16xi32>
      %gather3A_328 = tpu.vector_load_idx %arg17[%and3A_323] : memref<256xi32, #tpu.memory_space<vmem>>[vector<16xi32>], vector<16xi32>,
      %add3A_329 = arith.addi %gather3A_328, %unique3A_327 : vector<16xi32>
      %sub3A_330 = arith.constant 1 : i32
      %sub3A_331 = vector.broadcast %sub3A_330 : i32 to vector<16xi32>
      %sub3A_332 = arith.subi %add3A_329, %sub3A_331 : vector<16xi32>
      %swap3A_333 = arith.index_cast %mul3A_315 : i32 to index
      %swap3A_334 = tpu.vector_load %arg16[%swap3A_333] {strides = array<i32>} : memref<6144xi32, #tpu.memory_space<vmem>>, vector<16xi32>,
      tpu.vector_store %arg16[%swap3A_333], %sub3A_332 {strides = array<i32>} : memref<6144xi32, #tpu.memory_space<vmem>>, vector<16xi32>,
      %add3A_335 = arith.addi %gather3A_328, %unique3A_327 : vector<16xi32>
      tpu.vector_store_idx %arg17[%and3A_323], %add3A_335 masked %unique3A_326 : memref<256xi32, #tpu.memory_space<vmem>>[vector<16xi32>], vector<16xi32>, vector<16xi1>
      %scan3A_336 = arith.constant 0 : i32
      scf.yield %scan3A_336 : i32
    }
    %scan3A_37 = arith.constant 384 : i32
    %scan3A_38 = arith.constant 0 : i32
    %scan3A_39 = arith.constant 0 : i32
    %scan3A_40 = arith.constant 16 : i32
    %scan3A_41 = arith.addi %scan3A_39, %scan3A_40 : i32
    %scan3A_42 = arith.constant 1 : i32
    %scan3A_43 = scf.for %scan3A_244 = %scan3A_39 to %scan3A_41 step %scan3A_42 iter_args(%scan3A_245 = %scan3A_38) -> (i32)  : i32 {
      %mul3A_246 = arith.constant 16 : i32
      %mul3A_247 = arith.muli %scan3A_244, %mul3A_246 : i32
      %get3A = arith.index_cast %mul3A_247 : i32 to index
      %get3A_248 = tpu.vector_load %arg17[%get3A] {strides = array<i32>} : memref<256xi32, #tpu.memory_space<vmem>>, vector<16xi32>,
      %broadcast_in_dim3A_249 = arith.constant true
      %broadcast_in_dim3A_250 = vector.broadcast %broadcast_in_dim3A_249 : i1 to vector<16xi1>
      %masked_cumsum3A = tpu.scan <sum>, %get3A_248 masked %broadcast_in_dim3A_250 : vector<16xi32>, vector<16xi1> -> vector<16xi32>
      %sub3A = arith.subi %masked_cumsum3A, %get3A_248 : vector<16xi32>
      %add3A_251 = vector.broadcast %scan3A_245 : i32 to vector<16xi32>
      %add3A_252 = arith.addi %sub3A, %add3A_251 : vector<16xi32>
      %swap3A = arith.index_cast %mul3A_247 : i32 to index
      %swap3A_253 = tpu.vector_load %arg18[%swap3A] {strides = array<i32>} : memref<256xi32, #tpu.memory_space<vmem>>, vector<16xi32>,
      tpu.vector_store %arg18[%swap3A], %add3A_252 {strides = array<i32>} : memref<256xi32, #tpu.memory_space<vmem>>, vector<16xi32>,
      %reduce_max3A = arith.constant true
      %reduce_max3A_254 = vector.broadcast %reduce_max3A : i1 to vector<16xi1>
      %reduce_max3A_255 = arith.constant -2147483648 : i32
      %reduce_max3A_256 = vector.broadcast %reduce_max3A_255 : i32 to vector<16xi32>
      %reduce_max3A_257 = arith.xori %masked_cumsum3A, %reduce_max3A_256 : vector<16xi32>
      %reduce_max3A_258 = tpu.scan <max>, %reduce_max3A_257 masked %reduce_max3A_254 : vector<16xi32>, vector<16xi1> -> vector<16xi32>
      %reduce_max3A_259 = arith.xori %reduce_max3A_258, %reduce_max3A_256 : vector<16xi32>
      %reduce_max3A_260 = vector.extract %reduce_max3A_259[15] : i32 from vector<16xi32>
      %add3A_261 = arith.addi %scan3A_245, %reduce_max3A_260 : i32
      scf.yield %add3A_261 : i32
    }
    %scan3A_44 = arith.constant 16 : i32
    %parallel_loop3A_45 = arith.constant 0 : i32
    %parallel_loop3A_46 = arith.constant 384 : i32
    %parallel_loop3A_47 = arith.constant 1 : i32
    scf.for %parallel_loop3A_244 = %parallel_loop3A_45 to %parallel_loop3A_46 step %parallel_loop3A_47  : i32 {
      %parallel_loop3A_245 = arith.constant 16 : i32
      %parallel_loop3A_246 = arith.muli %parallel_loop3A_244, %parallel_loop3A_245 : i32
      %parallel_loop3A_247 = arith.index_cast %parallel_loop3A_246 : i32 to index
      %parallel_loop3A_248 = tpu.vector_load %arg12[%parallel_loop3A_247] {strides = array<i32>} : memref<6144xi32, #tpu.memory_space<vmem>>, vector<16xi32>,
      %parallel_loop3A_249 = arith.constant 0 : i32
      %parallel_loop3A_250 = vector.broadcast %parallel_loop3A_249 : i32 to vector<16xi32>
      %parallel_loop3A_251 = arith.shrui %parallel_loop3A_248, %parallel_loop3A_250 : vector<16xi32>
      %parallel_loop3A_252 = arith.constant 255 : i32
      %parallel_loop3A_253 = vector.broadcast %parallel_loop3A_252 : i32 to vector<16xi32>
      %parallel_loop3A_254 = arith.andi %parallel_loop3A_251, %parallel_loop3A_253 : vector<16xi32>
      %parallel_loop3A_255 = tpu.vector_load_idx %arg18[%parallel_loop3A_254] : memref<256xi32, #tpu.memory_space<vmem>>[vector<16xi32>], vector<16xi32>,
      %parallel_loop3A_256 = arith.index_cast %parallel_loop3A_246 : i32 to index
      %parallel_loop3A_257 = tpu.vector_load %arg16[%parallel_loop3A_256] {strides = array<i32>} : memref<6144xi32, #tpu.memory_space<vmem>>, vector<16xi32>,
      %parallel_loop3A_258 = arith.addi %parallel_loop3A_255, %parallel_loop3A_257 : vector<16xi32>
      tpu.vector_store_idx %arg13[%parallel_loop3A_258], %parallel_loop3A_248 : memref<6144xi32, #tpu.memory_space<vmem>>[vector<16xi32>], vector<16xi32>,
      %parallel_loop3A_259 = arith.constant 16 : i32
      %parallel_loop3A_260 = arith.muli %parallel_loop3A_244, %parallel_loop3A_259 : i32
      %parallel_loop3A_261 = vector.broadcast %parallel_loop3A_260 : i32 to vector<16xi32>
      %parallel_loop3A_262 = arith.addi %parallel_loop3A_261, %iota3A : vector<16xi32>
      tpu.vector_store_idx %arg15[%parallel_loop3A_258], %parallel_loop3A_262 : memref<6144xi32, #tpu.memory_space<vmem>>[vector<16xi32>], vector<16xi32>,
    } {sc.loop_unroll_factor = 4 : i64, sc.parallel_access}
    %scan3A_48 = arith.constant 0 : i32
    %scan3A_49 = arith.constant 0 : i32
    %scan3A_50 = arith.constant 16 : i32
    %scan3A_51 = arith.addi %scan3A_49, %scan3A_50 : i32
    %scan3A_52 = arith.constant 1 : i32
    %scan3A_53 = scf.for %scan3A_244 = %scan3A_49 to %scan3A_51 step %scan3A_52 iter_args(%scan3A_245 = %scan3A_48) -> (i32)  : i32 {
      %mul3A_246 = arith.constant 16 : i32
      %mul3A_247 = arith.muli %scan3A_244, %mul3A_246 : i32
      %swap3A = arith.index_cast %mul3A_247 : i32 to index
      %swap3A_248 = tpu.vector_load %arg17[%swap3A] {strides = array<i32>} : memref<256xi32, #tpu.memory_space<vmem>>, vector<16xi32>,
      tpu.vector_store %arg17[%swap3A], %broadcast_in_dim3A_1 {strides = array<i32>} : memref<256xi32, #tpu.memory_space<vmem>>, vector<16xi32>,
      %scan3A_249 = arith.constant 0 : i32
      scf.yield %scan3A_249 : i32
    }
    %scan3A_54 = arith.constant 16 : i32
    %scan3A_55 = arith.constant 0 : i32
    %scan3A_56 = arith.constant 0 : i32
    %scan3A_57 = arith.constant 384 : i32
    %scan3A_58 = arith.addi %scan3A_56, %scan3A_57 : i32
    %scan3A_59 = arith.constant 4 : i32
    %scan3A_60 = scf.for %scan3A_244 = %scan3A_56 to %scan3A_58 step %scan3A_59 iter_args(%scan3A_245 = %scan3A_55) -> (i32)  : i32 {
      %mul3A_246 = arith.constant 16 : i32
      %mul3A_247 = arith.muli %scan3A_244, %mul3A_246 : i32
      %get3A = arith.index_cast %mul3A_247 : i32 to index
      %get3A_248 = tpu.vector_load %arg13[%get3A] {strides = array<i32>} : memref<6144xi32, #tpu.memory_space<vmem>>, vector<16xi32>,
      %shift_right_logical3A = arith.constant 8 : i32
      %shift_right_logical3A_249 = vector.broadcast %shift_right_logical3A : i32 to vector<16xi32>
      %shift_right_logical3A_250 = arith.shrui %get3A_248, %shift_right_logical3A_249 : vector<16xi32>
      %and3A = arith.constant 255 : i32
      %and3A_251 = vector.broadcast %and3A : i32 to vector<16xi32>
      %and3A_252 = arith.andi %shift_right_logical3A_250, %and3A_251 : vector<16xi32>
      %broadcast_in_dim3A_253 = arith.constant true
      %broadcast_in_dim3A_254 = vector.broadcast %broadcast_in_dim3A_253 : i1 to vector<16xi1>
      %unique3A, %unique3A_255 = tpu.scan_count mask(%broadcast_in_dim3A_254 : vector<16xi1>) value(%and3A_252 : vector<16xi32>) : vector<16xi1>, vector<16xi32>
      %gather3A = tpu.vector_load_idx %arg17[%and3A_252] : memref<256xi32, #tpu.memory_space<vmem>>[vector<16xi32>], vector<16xi32>,
      %add3A_256 = arith.addi %gather3A, %unique3A_255 : vector<16xi32>
      %sub3A = arith.constant 1 : i32
      %sub3A_257 = vector.broadcast %sub3A : i32 to vector<16xi32>
      %sub3A_258 = arith.subi %add3A_256, %sub3A_257 : vector<16xi32>
      %swap3A = arith.index_cast %mul3A_247 : i32 to index
      %swap3A_259 = tpu.vector_load %arg16[%swap3A] {strides = array<i32>} : memref<6144xi32, #tpu.memory_space<vmem>>, vector<16xi32>,
      tpu.vector_store %arg16[%swap3A], %sub3A_258 {strides = array<i32>} : memref<6144xi32, #tpu.memory_space<vmem>>, vector<16xi32>,
      %add3A_260 = arith.addi %gather3A, %unique3A_255 : vector<16xi32>
      tpu.vector_store_idx %arg17[%and3A_252], %add3A_260 masked %unique3A : memref<256xi32, #tpu.memory_space<vmem>>[vector<16xi32>], vector<16xi32>, vector<16xi1>
      %scan3A_261 = arith.constant 0 : i32
      %scan3A_262 = arith.constant 1 : i32
      %scan3A_263 = arith.addi %scan3A_244, %scan3A_262 : i32
      %mul3A_264 = arith.constant 16 : i32
      %mul3A_265 = arith.muli %scan3A_263, %mul3A_264 : i32
      %get3A_266 = arith.index_cast %mul3A_265 : i32 to index
      %get3A_267 = tpu.vector_load %arg13[%get3A_266] {strides = array<i32>} : memref<6144xi32, #tpu.memory_space<vmem>>, vector<16xi32>,
      %shift_right_logical3A_268 = arith.constant 8 : i32
      %shift_right_logical3A_269 = vector.broadcast %shift_right_logical3A_268 : i32 to vector<16xi32>
      %shift_right_logical3A_270 = arith.shrui %get3A_267, %shift_right_logical3A_269 : vector<16xi32>
      %and3A_271 = arith.constant 255 : i32
      %and3A_272 = vector.broadcast %and3A_271 : i32 to vector<16xi32>
      %and3A_273 = arith.andi %shift_right_logical3A_270, %and3A_272 : vector<16xi32>
      %broadcast_in_dim3A_274 = arith.constant true
      %broadcast_in_dim3A_275 = vector.broadcast %broadcast_in_dim3A_274 : i1 to vector<16xi1>
      %unique3A_276, %unique3A_277 = tpu.scan_count mask(%broadcast_in_dim3A_275 : vector<16xi1>) value(%and3A_273 : vector<16xi32>) : vector<16xi1>, vector<16xi32>
      %gather3A_278 = tpu.vector_load_idx %arg17[%and3A_273] : memref<256xi32, #tpu.memory_space<vmem>>[vector<16xi32>], vector<16xi32>,
      %add3A_279 = arith.addi %gather3A_278, %unique3A_277 : vector<16xi32>
      %sub3A_280 = arith.constant 1 : i32
      %sub3A_281 = vector.broadcast %sub3A_280 : i32 to vector<16xi32>
      %sub3A_282 = arith.subi %add3A_279, %sub3A_281 : vector<16xi32>
      %swap3A_283 = arith.index_cast %mul3A_265 : i32 to index
      %swap3A_284 = tpu.vector_load %arg16[%swap3A_283] {strides = array<i32>} : memref<6144xi32, #tpu.memory_space<vmem>>, vector<16xi32>,
      tpu.vector_store %arg16[%swap3A_283], %sub3A_282 {strides = array<i32>} : memref<6144xi32, #tpu.memory_space<vmem>>, vector<16xi32>,
      %add3A_285 = arith.addi %gather3A_278, %unique3A_277 : vector<16xi32>
      tpu.vector_store_idx %arg17[%and3A_273], %add3A_285 masked %unique3A_276 : memref<256xi32, #tpu.memory_space<vmem>>[vector<16xi32>], vector<16xi32>, vector<16xi1>
      %scan3A_286 = arith.constant 0 : i32
      %scan3A_287 = arith.constant 2 : i32
      %scan3A_288 = arith.addi %scan3A_244, %scan3A_287 : i32
      %mul3A_289 = arith.constant 16 : i32
      %mul3A_290 = arith.muli %scan3A_288, %mul3A_289 : i32
      %get3A_291 = arith.index_cast %mul3A_290 : i32 to index
      %get3A_292 = tpu.vector_load %arg13[%get3A_291] {strides = array<i32>} : memref<6144xi32, #tpu.memory_space<vmem>>, vector<16xi32>,
      %shift_right_logical3A_293 = arith.constant 8 : i32
      %shift_right_logical3A_294 = vector.broadcast %shift_right_logical3A_293 : i32 to vector<16xi32>
      %shift_right_logical3A_295 = arith.shrui %get3A_292, %shift_right_logical3A_294 : vector<16xi32>
      %and3A_296 = arith.constant 255 : i32
      %and3A_297 = vector.broadcast %and3A_296 : i32 to vector<16xi32>
      %and3A_298 = arith.andi %shift_right_logical3A_295, %and3A_297 : vector<16xi32>
      %broadcast_in_dim3A_299 = arith.constant true
      %broadcast_in_dim3A_300 = vector.broadcast %broadcast_in_dim3A_299 : i1 to vector<16xi1>
      %unique3A_301, %unique3A_302 = tpu.scan_count mask(%broadcast_in_dim3A_300 : vector<16xi1>) value(%and3A_298 : vector<16xi32>) : vector<16xi1>, vector<16xi32>
      %gather3A_303 = tpu.vector_load_idx %arg17[%and3A_298] : memref<256xi32, #tpu.memory_space<vmem>>[vector<16xi32>], vector<16xi32>,
      %add3A_304 = arith.addi %gather3A_303, %unique3A_302 : vector<16xi32>
      %sub3A_305 = arith.constant 1 : i32
      %sub3A_306 = vector.broadcast %sub3A_305 : i32 to vector<16xi32>
      %sub3A_307 = arith.subi %add3A_304, %sub3A_306 : vector<16xi32>
      %swap3A_308 = arith.index_cast %mul3A_290 : i32 to index
      %swap3A_309 = tpu.vector_load %arg16[%swap3A_308] {strides = array<i32>} : memref<6144xi32, #tpu.memory_space<vmem>>, vector<16xi32>,
      tpu.vector_store %arg16[%swap3A_308], %sub3A_307 {strides = array<i32>} : memref<6144xi32, #tpu.memory_space<vmem>>, vector<16xi32>,
      %add3A_310 = arith.addi %gather3A_303, %unique3A_302 : vector<16xi32>
      tpu.vector_store_idx %arg17[%and3A_298], %add3A_310 masked %unique3A_301 : memref<256xi32, #tpu.memory_space<vmem>>[vector<16xi32>], vector<16xi32>, vector<16xi1>
      %scan3A_311 = arith.constant 0 : i32
      %scan3A_312 = arith.constant 3 : i32
      %scan3A_313 = arith.addi %scan3A_244, %scan3A_312 : i32
      %mul3A_314 = arith.constant 16 : i32
      %mul3A_315 = arith.muli %scan3A_313, %mul3A_314 : i32
      %get3A_316 = arith.index_cast %mul3A_315 : i32 to index
      %get3A_317 = tpu.vector_load %arg13[%get3A_316] {strides = array<i32>} : memref<6144xi32, #tpu.memory_space<vmem>>, vector<16xi32>,
      %shift_right_logical3A_318 = arith.constant 8 : i32
      %shift_right_logical3A_319 = vector.broadcast %shift_right_logical3A_318 : i32 to vector<16xi32>
      %shift_right_logical3A_320 = arith.shrui %get3A_317, %shift_right_logical3A_319 : vector<16xi32>
      %and3A_321 = arith.constant 255 : i32
      %and3A_322 = vector.broadcast %and3A_321 : i32 to vector<16xi32>
      %and3A_323 = arith.andi %shift_right_logical3A_320, %and3A_322 : vector<16xi32>
      %broadcast_in_dim3A_324 = arith.constant true
      %broadcast_in_dim3A_325 = vector.broadcast %broadcast_in_dim3A_324 : i1 to vector<16xi1>
      %unique3A_326, %unique3A_327 = tpu.scan_count mask(%broadcast_in_dim3A_325 : vector<16xi1>) value(%and3A_323 : vector<16xi32>) : vector<16xi1>, vector<16xi32>
      %gather3A_328 = tpu.vector_load_idx %arg17[%and3A_323] : memref<256xi32, #tpu.memory_space<vmem>>[vector<16xi32>], vector<16xi32>,
      %add3A_329 = arith.addi %gather3A_328, %unique3A_327 : vector<16xi32>
      %sub3A_330 = arith.constant 1 : i32
      %sub3A_331 = vector.broadcast %sub3A_330 : i32 to vector<16xi32>
      %sub3A_332 = arith.subi %add3A_329, %sub3A_331 : vector<16xi32>
      %swap3A_333 = arith.index_cast %mul3A_315 : i32 to index
      %swap3A_334 = tpu.vector_load %arg16[%swap3A_333] {strides = array<i32>} : memref<6144xi32, #tpu.memory_space<vmem>>, vector<16xi32>,
      tpu.vector_store %arg16[%swap3A_333], %sub3A_332 {strides = array<i32>} : memref<6144xi32, #tpu.memory_space<vmem>>, vector<16xi32>,
      %add3A_335 = arith.addi %gather3A_328, %unique3A_327 : vector<16xi32>
      tpu.vector_store_idx %arg17[%and3A_323], %add3A_335 masked %unique3A_326 : memref<256xi32, #tpu.memory_space<vmem>>[vector<16xi32>], vector<16xi32>, vector<16xi1>
      %scan3A_336 = arith.constant 0 : i32
      scf.yield %scan3A_336 : i32
    }
    %scan3A_61 = arith.constant 384 : i32
    %scan3A_62 = arith.constant 0 : i32
    %scan3A_63 = arith.constant 0 : i32
    %scan3A_64 = arith.constant 16 : i32
    %scan3A_65 = arith.addi %scan3A_63, %scan3A_64 : i32
    %scan3A_66 = arith.constant 1 : i32
    %scan3A_67 = scf.for %scan3A_244 = %scan3A_63 to %scan3A_65 step %scan3A_66 iter_args(%scan3A_245 = %scan3A_62) -> (i32)  : i32 {
      %mul3A_246 = arith.constant 16 : i32
      %mul3A_247 = arith.muli %scan3A_244, %mul3A_246 : i32
      %get3A = arith.index_cast %mul3A_247 : i32 to index
      %get3A_248 = tpu.vector_load %arg17[%get3A] {strides = array<i32>} : memref<256xi32, #tpu.memory_space<vmem>>, vector<16xi32>,
      %broadcast_in_dim3A_249 = arith.constant true
      %broadcast_in_dim3A_250 = vector.broadcast %broadcast_in_dim3A_249 : i1 to vector<16xi1>
      %masked_cumsum3A = tpu.scan <sum>, %get3A_248 masked %broadcast_in_dim3A_250 : vector<16xi32>, vector<16xi1> -> vector<16xi32>
      %sub3A = arith.subi %masked_cumsum3A, %get3A_248 : vector<16xi32>
      %add3A_251 = vector.broadcast %scan3A_245 : i32 to vector<16xi32>
      %add3A_252 = arith.addi %sub3A, %add3A_251 : vector<16xi32>
      %swap3A = arith.index_cast %mul3A_247 : i32 to index
      %swap3A_253 = tpu.vector_load %arg18[%swap3A] {strides = array<i32>} : memref<256xi32, #tpu.memory_space<vmem>>, vector<16xi32>,
      tpu.vector_store %arg18[%swap3A], %add3A_252 {strides = array<i32>} : memref<256xi32, #tpu.memory_space<vmem>>, vector<16xi32>,
      %reduce_max3A = arith.constant true
      %reduce_max3A_254 = vector.broadcast %reduce_max3A : i1 to vector<16xi1>
      %reduce_max3A_255 = arith.constant -2147483648 : i32
      %reduce_max3A_256 = vector.broadcast %reduce_max3A_255 : i32 to vector<16xi32>
      %reduce_max3A_257 = arith.xori %masked_cumsum3A, %reduce_max3A_256 : vector<16xi32>
      %reduce_max3A_258 = tpu.scan <max>, %reduce_max3A_257 masked %reduce_max3A_254 : vector<16xi32>, vector<16xi1> -> vector<16xi32>
      %reduce_max3A_259 = arith.xori %reduce_max3A_258, %reduce_max3A_256 : vector<16xi32>
      %reduce_max3A_260 = vector.extract %reduce_max3A_259[15] : i32 from vector<16xi32>
      %add3A_261 = arith.addi %scan3A_245, %reduce_max3A_260 : i32
      scf.yield %add3A_261 : i32
    }
    %scan3A_68 = arith.constant 16 : i32
    %parallel_loop3A_69 = arith.constant 0 : i32
    %parallel_loop3A_70 = arith.constant 384 : i32
    %parallel_loop3A_71 = arith.constant 1 : i32
    scf.for %parallel_loop3A_244 = %parallel_loop3A_69 to %parallel_loop3A_70 step %parallel_loop3A_71  : i32 {
      %parallel_loop3A_245 = arith.constant 16 : i32
      %parallel_loop3A_246 = arith.muli %parallel_loop3A_244, %parallel_loop3A_245 : i32
      %parallel_loop3A_247 = arith.index_cast %parallel_loop3A_246 : i32 to index
      %parallel_loop3A_248 = tpu.vector_load %arg13[%parallel_loop3A_247] {strides = array<i32>} : memref<6144xi32, #tpu.memory_space<vmem>>, vector<16xi32>,
      %parallel_loop3A_249 = arith.constant 8 : i32
      %parallel_loop3A_250 = vector.broadcast %parallel_loop3A_249 : i32 to vector<16xi32>
      %parallel_loop3A_251 = arith.shrui %parallel_loop3A_248, %parallel_loop3A_250 : vector<16xi32>
      %parallel_loop3A_252 = arith.constant 255 : i32
      %parallel_loop3A_253 = vector.broadcast %parallel_loop3A_252 : i32 to vector<16xi32>
      %parallel_loop3A_254 = arith.andi %parallel_loop3A_251, %parallel_loop3A_253 : vector<16xi32>
      %parallel_loop3A_255 = tpu.vector_load_idx %arg18[%parallel_loop3A_254] : memref<256xi32, #tpu.memory_space<vmem>>[vector<16xi32>], vector<16xi32>,
      %parallel_loop3A_256 = arith.index_cast %parallel_loop3A_246 : i32 to index
      %parallel_loop3A_257 = tpu.vector_load %arg16[%parallel_loop3A_256] {strides = array<i32>} : memref<6144xi32, #tpu.memory_space<vmem>>, vector<16xi32>,
      %parallel_loop3A_258 = arith.addi %parallel_loop3A_255, %parallel_loop3A_257 : vector<16xi32>
      tpu.vector_store_idx %arg12[%parallel_loop3A_258], %parallel_loop3A_248 : memref<6144xi32, #tpu.memory_space<vmem>>[vector<16xi32>], vector<16xi32>,
      %parallel_loop3A_259 = arith.index_cast %parallel_loop3A_246 : i32 to index
      %parallel_loop3A_260 = tpu.vector_load %arg15[%parallel_loop3A_259] {strides = array<i32>} : memref<6144xi32, #tpu.memory_space<vmem>>, vector<16xi32>,
      tpu.vector_store_idx %arg14[%parallel_loop3A_258], %parallel_loop3A_260 : memref<6144xi32, #tpu.memory_space<vmem>>[vector<16xi32>], vector<16xi32>,
    } {sc.loop_unroll_factor = 4 : i64, sc.parallel_access}
    %scan3A_72 = arith.constant 0 : i32
    %scan3A_73 = arith.constant 0 : i32
    %scan3A_74 = arith.constant 16 : i32
    %scan3A_75 = arith.addi %scan3A_73, %scan3A_74 : i32
    %scan3A_76 = arith.constant 1 : i32
    %scan3A_77 = scf.for %scan3A_244 = %scan3A_73 to %scan3A_75 step %scan3A_76 iter_args(%scan3A_245 = %scan3A_72) -> (i32)  : i32 {
      %mul3A_246 = arith.constant 16 : i32
      %mul3A_247 = arith.muli %scan3A_244, %mul3A_246 : i32
      %swap3A = arith.index_cast %mul3A_247 : i32 to index
      %swap3A_248 = tpu.vector_load %arg17[%swap3A] {strides = array<i32>} : memref<256xi32, #tpu.memory_space<vmem>>, vector<16xi32>,
      tpu.vector_store %arg17[%swap3A], %broadcast_in_dim3A_1 {strides = array<i32>} : memref<256xi32, #tpu.memory_space<vmem>>, vector<16xi32>,
      %scan3A_249 = arith.constant 0 : i32
      scf.yield %scan3A_249 : i32
    }
    %scan3A_78 = arith.constant 16 : i32
    %scan3A_79 = arith.constant 0 : i32
    %scan3A_80 = arith.constant 0 : i32
    %scan3A_81 = arith.constant 384 : i32
    %scan3A_82 = arith.addi %scan3A_80, %scan3A_81 : i32
    %scan3A_83 = arith.constant 4 : i32
    %scan3A_84 = scf.for %scan3A_244 = %scan3A_80 to %scan3A_82 step %scan3A_83 iter_args(%scan3A_245 = %scan3A_79) -> (i32)  : i32 {
      %mul3A_246 = arith.constant 16 : i32
      %mul3A_247 = arith.muli %scan3A_244, %mul3A_246 : i32
      %get3A = arith.index_cast %mul3A_247 : i32 to index
      %get3A_248 = tpu.vector_load %arg12[%get3A] {strides = array<i32>} : memref<6144xi32, #tpu.memory_space<vmem>>, vector<16xi32>,
      %shift_right_logical3A = arith.constant 16 : i32
      %shift_right_logical3A_249 = vector.broadcast %shift_right_logical3A : i32 to vector<16xi32>
      %shift_right_logical3A_250 = arith.shrui %get3A_248, %shift_right_logical3A_249 : vector<16xi32>
      %and3A = arith.constant 255 : i32
      %and3A_251 = vector.broadcast %and3A : i32 to vector<16xi32>
      %and3A_252 = arith.andi %shift_right_logical3A_250, %and3A_251 : vector<16xi32>
      %broadcast_in_dim3A_253 = arith.constant true
      %broadcast_in_dim3A_254 = vector.broadcast %broadcast_in_dim3A_253 : i1 to vector<16xi1>
      %unique3A, %unique3A_255 = tpu.scan_count mask(%broadcast_in_dim3A_254 : vector<16xi1>) value(%and3A_252 : vector<16xi32>) : vector<16xi1>, vector<16xi32>
      %gather3A = tpu.vector_load_idx %arg17[%and3A_252] : memref<256xi32, #tpu.memory_space<vmem>>[vector<16xi32>], vector<16xi32>,
      %add3A_256 = arith.addi %gather3A, %unique3A_255 : vector<16xi32>
      %sub3A = arith.constant 1 : i32
      %sub3A_257 = vector.broadcast %sub3A : i32 to vector<16xi32>
      %sub3A_258 = arith.subi %add3A_256, %sub3A_257 : vector<16xi32>
      %swap3A = arith.index_cast %mul3A_247 : i32 to index
      %swap3A_259 = tpu.vector_load %arg16[%swap3A] {strides = array<i32>} : memref<6144xi32, #tpu.memory_space<vmem>>, vector<16xi32>,
      tpu.vector_store %arg16[%swap3A], %sub3A_258 {strides = array<i32>} : memref<6144xi32, #tpu.memory_space<vmem>>, vector<16xi32>,
      %add3A_260 = arith.addi %gather3A, %unique3A_255 : vector<16xi32>
      tpu.vector_store_idx %arg17[%and3A_252], %add3A_260 masked %unique3A : memref<256xi32, #tpu.memory_space<vmem>>[vector<16xi32>], vector<16xi32>, vector<16xi1>
      %scan3A_261 = arith.constant 0 : i32
      %scan3A_262 = arith.constant 1 : i32
      %scan3A_263 = arith.addi %scan3A_244, %scan3A_262 : i32
      %mul3A_264 = arith.constant 16 : i32
      %mul3A_265 = arith.muli %scan3A_263, %mul3A_264 : i32
      %get3A_266 = arith.index_cast %mul3A_265 : i32 to index
      %get3A_267 = tpu.vector_load %arg12[%get3A_266] {strides = array<i32>} : memref<6144xi32, #tpu.memory_space<vmem>>, vector<16xi32>,
      %shift_right_logical3A_268 = arith.constant 16 : i32
      %shift_right_logical3A_269 = vector.broadcast %shift_right_logical3A_268 : i32 to vector<16xi32>
      %shift_right_logical3A_270 = arith.shrui %get3A_267, %shift_right_logical3A_269 : vector<16xi32>
      %and3A_271 = arith.constant 255 : i32
      %and3A_272 = vector.broadcast %and3A_271 : i32 to vector<16xi32>
      %and3A_273 = arith.andi %shift_right_logical3A_270, %and3A_272 : vector<16xi32>
      %broadcast_in_dim3A_274 = arith.constant true
      %broadcast_in_dim3A_275 = vector.broadcast %broadcast_in_dim3A_274 : i1 to vector<16xi1>
      %unique3A_276, %unique3A_277 = tpu.scan_count mask(%broadcast_in_dim3A_275 : vector<16xi1>) value(%and3A_273 : vector<16xi32>) : vector<16xi1>, vector<16xi32>
      %gather3A_278 = tpu.vector_load_idx %arg17[%and3A_273] : memref<256xi32, #tpu.memory_space<vmem>>[vector<16xi32>], vector<16xi32>,
      %add3A_279 = arith.addi %gather3A_278, %unique3A_277 : vector<16xi32>
      %sub3A_280 = arith.constant 1 : i32
      %sub3A_281 = vector.broadcast %sub3A_280 : i32 to vector<16xi32>
      %sub3A_282 = arith.subi %add3A_279, %sub3A_281 : vector<16xi32>
      %swap3A_283 = arith.index_cast %mul3A_265 : i32 to index
      %swap3A_284 = tpu.vector_load %arg16[%swap3A_283] {strides = array<i32>} : memref<6144xi32, #tpu.memory_space<vmem>>, vector<16xi32>,
      tpu.vector_store %arg16[%swap3A_283], %sub3A_282 {strides = array<i32>} : memref<6144xi32, #tpu.memory_space<vmem>>, vector<16xi32>,
      %add3A_285 = arith.addi %gather3A_278, %unique3A_277 : vector<16xi32>
      tpu.vector_store_idx %arg17[%and3A_273], %add3A_285 masked %unique3A_276 : memref<256xi32, #tpu.memory_space<vmem>>[vector<16xi32>], vector<16xi32>, vector<16xi1>
      %scan3A_286 = arith.constant 0 : i32
      %scan3A_287 = arith.constant 2 : i32
      %scan3A_288 = arith.addi %scan3A_244, %scan3A_287 : i32
      %mul3A_289 = arith.constant 16 : i32
      %mul3A_290 = arith.muli %scan3A_288, %mul3A_289 : i32
      %get3A_291 = arith.index_cast %mul3A_290 : i32 to index
      %get3A_292 = tpu.vector_load %arg12[%get3A_291] {strides = array<i32>} : memref<6144xi32, #tpu.memory_space<vmem>>, vector<16xi32>,
      %shift_right_logical3A_293 = arith.constant 16 : i32
      %shift_right_logical3A_294 = vector.broadcast %shift_right_logical3A_293 : i32 to vector<16xi32>
      %shift_right_logical3A_295 = arith.shrui %get3A_292, %shift_right_logical3A_294 : vector<16xi32>
      %and3A_296 = arith.constant 255 : i32
      %and3A_297 = vector.broadcast %and3A_296 : i32 to vector<16xi32>
      %and3A_298 = arith.andi %shift_right_logical3A_295, %and3A_297 : vector<16xi32>
      %broadcast_in_dim3A_299 = arith.constant true
      %broadcast_in_dim3A_300 = vector.broadcast %broadcast_in_dim3A_299 : i1 to vector<16xi1>
      %unique3A_301, %unique3A_302 = tpu.scan_count mask(%broadcast_in_dim3A_300 : vector<16xi1>) value(%and3A_298 : vector<16xi32>) : vector<16xi1>, vector<16xi32>
      %gather3A_303 = tpu.vector_load_idx %arg17[%and3A_298] : memref<256xi32, #tpu.memory_space<vmem>>[vector<16xi32>], vector<16xi32>,
      %add3A_304 = arith.addi %gather3A_303, %unique3A_302 : vector<16xi32>
      %sub3A_305 = arith.constant 1 : i32
      %sub3A_306 = vector.broadcast %sub3A_305 : i32 to vector<16xi32>
      %sub3A_307 = arith.subi %add3A_304, %sub3A_306 : vector<16xi32>
      %swap3A_308 = arith.index_cast %mul3A_290 : i32 to index
      %swap3A_309 = tpu.vector_load %arg16[%swap3A_308] {strides = array<i32>} : memref<6144xi32, #tpu.memory_space<vmem>>, vector<16xi32>,
      tpu.vector_store %arg16[%swap3A_308], %sub3A_307 {strides = array<i32>} : memref<6144xi32, #tpu.memory_space<vmem>>, vector<16xi32>,
      %add3A_310 = arith.addi %gather3A_303, %unique3A_302 : vector<16xi32>
      tpu.vector_store_idx %arg17[%and3A_298], %add3A_310 masked %unique3A_301 : memref<256xi32, #tpu.memory_space<vmem>>[vector<16xi32>], vector<16xi32>, vector<16xi1>
      %scan3A_311 = arith.constant 0 : i32
      %scan3A_312 = arith.constant 3 : i32
      %scan3A_313 = arith.addi %scan3A_244, %scan3A_312 : i32
      %mul3A_314 = arith.constant 16 : i32
      %mul3A_315 = arith.muli %scan3A_313, %mul3A_314 : i32
      %get3A_316 = arith.index_cast %mul3A_315 : i32 to index
      %get3A_317 = tpu.vector_load %arg12[%get3A_316] {strides = array<i32>} : memref<6144xi32, #tpu.memory_space<vmem>>, vector<16xi32>,
      %shift_right_logical3A_318 = arith.constant 16 : i32
      %shift_right_logical3A_319 = vector.broadcast %shift_right_logical3A_318 : i32 to vector<16xi32>
      %shift_right_logical3A_320 = arith.shrui %get3A_317, %shift_right_logical3A_319 : vector<16xi32>
      %and3A_321 = arith.constant 255 : i32
      %and3A_322 = vector.broadcast %and3A_321 : i32 to vector<16xi32>
      %and3A_323 = arith.andi %shift_right_logical3A_320, %and3A_322 : vector<16xi32>
      %broadcast_in_dim3A_324 = arith.constant true
      %broadcast_in_dim3A_325 = vector.broadcast %broadcast_in_dim3A_324 : i1 to vector<16xi1>
      %unique3A_326, %unique3A_327 = tpu.scan_count mask(%broadcast_in_dim3A_325 : vector<16xi1>) value(%and3A_323 : vector<16xi32>) : vector<16xi1>, vector<16xi32>
      %gather3A_328 = tpu.vector_load_idx %arg17[%and3A_323] : memref<256xi32, #tpu.memory_space<vmem>>[vector<16xi32>], vector<16xi32>,
      %add3A_329 = arith.addi %gather3A_328, %unique3A_327 : vector<16xi32>
      %sub3A_330 = arith.constant 1 : i32
      %sub3A_331 = vector.broadcast %sub3A_330 : i32 to vector<16xi32>
      %sub3A_332 = arith.subi %add3A_329, %sub3A_331 : vector<16xi32>
      %swap3A_333 = arith.index_cast %mul3A_315 : i32 to index
      %swap3A_334 = tpu.vector_load %arg16[%swap3A_333] {strides = array<i32>} : memref<6144xi32, #tpu.memory_space<vmem>>, vector<16xi32>,
      tpu.vector_store %arg16[%swap3A_333], %sub3A_332 {strides = array<i32>} : memref<6144xi32, #tpu.memory_space<vmem>>, vector<16xi32>,
      %add3A_335 = arith.addi %gather3A_328, %unique3A_327 : vector<16xi32>
      tpu.vector_store_idx %arg17[%and3A_323], %add3A_335 masked %unique3A_326 : memref<256xi32, #tpu.memory_space<vmem>>[vector<16xi32>], vector<16xi32>, vector<16xi1>
      %scan3A_336 = arith.constant 0 : i32
      scf.yield %scan3A_336 : i32
    }
    %scan3A_85 = arith.constant 384 : i32
    %scan3A_86 = arith.constant 0 : i32
    %scan3A_87 = arith.constant 0 : i32
    %scan3A_88 = arith.constant 16 : i32
    %scan3A_89 = arith.addi %scan3A_87, %scan3A_88 : i32
    %scan3A_90 = arith.constant 1 : i32
    %scan3A_91 = scf.for %scan3A_244 = %scan3A_87 to %scan3A_89 step %scan3A_90 iter_args(%scan3A_245 = %scan3A_86) -> (i32)  : i32 {
      %mul3A_246 = arith.constant 16 : i32
      %mul3A_247 = arith.muli %scan3A_244, %mul3A_246 : i32
      %get3A = arith.index_cast %mul3A_247 : i32 to index
      %get3A_248 = tpu.vector_load %arg17[%get3A] {strides = array<i32>} : memref<256xi32, #tpu.memory_space<vmem>>, vector<16xi32>,
      %broadcast_in_dim3A_249 = arith.constant true
      %broadcast_in_dim3A_250 = vector.broadcast %broadcast_in_dim3A_249 : i1 to vector<16xi1>
      %masked_cumsum3A = tpu.scan <sum>, %get3A_248 masked %broadcast_in_dim3A_250 : vector<16xi32>, vector<16xi1> -> vector<16xi32>
      %sub3A = arith.subi %masked_cumsum3A, %get3A_248 : vector<16xi32>
      %add3A_251 = vector.broadcast %scan3A_245 : i32 to vector<16xi32>
      %add3A_252 = arith.addi %sub3A, %add3A_251 : vector<16xi32>
      %swap3A = arith.index_cast %mul3A_247 : i32 to index
      %swap3A_253 = tpu.vector_load %arg18[%swap3A] {strides = array<i32>} : memref<256xi32, #tpu.memory_space<vmem>>, vector<16xi32>,
      tpu.vector_store %arg18[%swap3A], %add3A_252 {strides = array<i32>} : memref<256xi32, #tpu.memory_space<vmem>>, vector<16xi32>,
      %reduce_max3A = arith.constant true
      %reduce_max3A_254 = vector.broadcast %reduce_max3A : i1 to vector<16xi1>
      %reduce_max3A_255 = arith.constant -2147483648 : i32
      %reduce_max3A_256 = vector.broadcast %reduce_max3A_255 : i32 to vector<16xi32>
      %reduce_max3A_257 = arith.xori %masked_cumsum3A, %reduce_max3A_256 : vector<16xi32>
      %reduce_max3A_258 = tpu.scan <max>, %reduce_max3A_257 masked %reduce_max3A_254 : vector<16xi32>, vector<16xi1> -> vector<16xi32>
      %reduce_max3A_259 = arith.xori %reduce_max3A_258, %reduce_max3A_256 : vector<16xi32>
      %reduce_max3A_260 = vector.extract %reduce_max3A_259[15] : i32 from vector<16xi32>
      %add3A_261 = arith.addi %scan3A_245, %reduce_max3A_260 : i32
      scf.yield %add3A_261 : i32
    }
    %scan3A_92 = arith.constant 16 : i32
    %parallel_loop3A_93 = arith.constant 0 : i32
    %parallel_loop3A_94 = arith.constant 384 : i32
    %parallel_loop3A_95 = arith.constant 1 : i32
    scf.for %parallel_loop3A_244 = %parallel_loop3A_93 to %parallel_loop3A_94 step %parallel_loop3A_95  : i32 {
      %parallel_loop3A_245 = arith.constant 16 : i32
      %parallel_loop3A_246 = arith.muli %parallel_loop3A_244, %parallel_loop3A_245 : i32
      %parallel_loop3A_247 = arith.index_cast %parallel_loop3A_246 : i32 to index
      %parallel_loop3A_248 = tpu.vector_load %arg12[%parallel_loop3A_247] {strides = array<i32>} : memref<6144xi32, #tpu.memory_space<vmem>>, vector<16xi32>,
      %parallel_loop3A_249 = arith.constant 16 : i32
      %parallel_loop3A_250 = vector.broadcast %parallel_loop3A_249 : i32 to vector<16xi32>
      %parallel_loop3A_251 = arith.shrui %parallel_loop3A_248, %parallel_loop3A_250 : vector<16xi32>
      %parallel_loop3A_252 = arith.constant 255 : i32
      %parallel_loop3A_253 = vector.broadcast %parallel_loop3A_252 : i32 to vector<16xi32>
      %parallel_loop3A_254 = arith.andi %parallel_loop3A_251, %parallel_loop3A_253 : vector<16xi32>
      %parallel_loop3A_255 = tpu.vector_load_idx %arg18[%parallel_loop3A_254] : memref<256xi32, #tpu.memory_space<vmem>>[vector<16xi32>], vector<16xi32>,
      %parallel_loop3A_256 = arith.index_cast %parallel_loop3A_246 : i32 to index
      %parallel_loop3A_257 = tpu.vector_load %arg16[%parallel_loop3A_256] {strides = array<i32>} : memref<6144xi32, #tpu.memory_space<vmem>>, vector<16xi32>,
      %parallel_loop3A_258 = arith.addi %parallel_loop3A_255, %parallel_loop3A_257 : vector<16xi32>
      tpu.vector_store_idx %arg13[%parallel_loop3A_258], %parallel_loop3A_248 : memref<6144xi32, #tpu.memory_space<vmem>>[vector<16xi32>], vector<16xi32>,
      %parallel_loop3A_259 = arith.index_cast %parallel_loop3A_246 : i32 to index
      %parallel_loop3A_260 = tpu.vector_load %arg14[%parallel_loop3A_259] {strides = array<i32>} : memref<6144xi32, #tpu.memory_space<vmem>>, vector<16xi32>,
      tpu.vector_store_idx %arg15[%parallel_loop3A_258], %parallel_loop3A_260 : memref<6144xi32, #tpu.memory_space<vmem>>[vector<16xi32>], vector<16xi32>,
    } {sc.loop_unroll_factor = 4 : i64, sc.parallel_access}
    %scan3A_96 = arith.constant 0 : i32
    %scan3A_97 = arith.constant 0 : i32
    %scan3A_98 = arith.constant 16 : i32
    %scan3A_99 = arith.addi %scan3A_97, %scan3A_98 : i32
    %scan3A_100 = arith.constant 1 : i32
    %scan3A_101 = scf.for %scan3A_244 = %scan3A_97 to %scan3A_99 step %scan3A_100 iter_args(%scan3A_245 = %scan3A_96) -> (i32)  : i32 {
      %mul3A_246 = arith.constant 16 : i32
      %mul3A_247 = arith.muli %scan3A_244, %mul3A_246 : i32
      %swap3A = arith.index_cast %mul3A_247 : i32 to index
      %swap3A_248 = tpu.vector_load %arg17[%swap3A] {strides = array<i32>} : memref<256xi32, #tpu.memory_space<vmem>>, vector<16xi32>,
      tpu.vector_store %arg17[%swap3A], %broadcast_in_dim3A_1 {strides = array<i32>} : memref<256xi32, #tpu.memory_space<vmem>>, vector<16xi32>,
      %scan3A_249 = arith.constant 0 : i32
      scf.yield %scan3A_249 : i32
    }
    %scan3A_102 = arith.constant 16 : i32
    %scan3A_103 = arith.constant 0 : i32
    %scan3A_104 = arith.constant 0 : i32
    %scan3A_105 = arith.constant 384 : i32
    %scan3A_106 = arith.addi %scan3A_104, %scan3A_105 : i32
    %scan3A_107 = arith.constant 4 : i32
    %scan3A_108 = scf.for %scan3A_244 = %scan3A_104 to %scan3A_106 step %scan3A_107 iter_args(%scan3A_245 = %scan3A_103) -> (i32)  : i32 {
      %mul3A_246 = arith.constant 16 : i32
      %mul3A_247 = arith.muli %scan3A_244, %mul3A_246 : i32
      %get3A = arith.index_cast %mul3A_247 : i32 to index
      %get3A_248 = tpu.vector_load %arg13[%get3A] {strides = array<i32>} : memref<6144xi32, #tpu.memory_space<vmem>>, vector<16xi32>,
      %shift_right_logical3A = arith.constant 24 : i32
      %shift_right_logical3A_249 = vector.broadcast %shift_right_logical3A : i32 to vector<16xi32>
      %shift_right_logical3A_250 = arith.shrui %get3A_248, %shift_right_logical3A_249 : vector<16xi32>
      %and3A = arith.constant 255 : i32
      %and3A_251 = vector.broadcast %and3A : i32 to vector<16xi32>
      %and3A_252 = arith.andi %shift_right_logical3A_250, %and3A_251 : vector<16xi32>
      %broadcast_in_dim3A_253 = arith.constant true
      %broadcast_in_dim3A_254 = vector.broadcast %broadcast_in_dim3A_253 : i1 to vector<16xi1>
      %unique3A, %unique3A_255 = tpu.scan_count mask(%broadcast_in_dim3A_254 : vector<16xi1>) value(%and3A_252 : vector<16xi32>) : vector<16xi1>, vector<16xi32>
      %gather3A = tpu.vector_load_idx %arg17[%and3A_252] : memref<256xi32, #tpu.memory_space<vmem>>[vector<16xi32>], vector<16xi32>,
      %add3A_256 = arith.addi %gather3A, %unique3A_255 : vector<16xi32>
      %sub3A = arith.constant 1 : i32
      %sub3A_257 = vector.broadcast %sub3A : i32 to vector<16xi32>
      %sub3A_258 = arith.subi %add3A_256, %sub3A_257 : vector<16xi32>
      %swap3A = arith.index_cast %mul3A_247 : i32 to index
      %swap3A_259 = tpu.vector_load %arg16[%swap3A] {strides = array<i32>} : memref<6144xi32, #tpu.memory_space<vmem>>, vector<16xi32>,
      tpu.vector_store %arg16[%swap3A], %sub3A_258 {strides = array<i32>} : memref<6144xi32, #tpu.memory_space<vmem>>, vector<16xi32>,
      %add3A_260 = arith.addi %gather3A, %unique3A_255 : vector<16xi32>
      tpu.vector_store_idx %arg17[%and3A_252], %add3A_260 masked %unique3A : memref<256xi32, #tpu.memory_space<vmem>>[vector<16xi32>], vector<16xi32>, vector<16xi1>
      %scan3A_261 = arith.constant 0 : i32
      %scan3A_262 = arith.constant 1 : i32
      %scan3A_263 = arith.addi %scan3A_244, %scan3A_262 : i32
      %mul3A_264 = arith.constant 16 : i32
      %mul3A_265 = arith.muli %scan3A_263, %mul3A_264 : i32
      %get3A_266 = arith.index_cast %mul3A_265 : i32 to index
      %get3A_267 = tpu.vector_load %arg13[%get3A_266] {strides = array<i32>} : memref<6144xi32, #tpu.memory_space<vmem>>, vector<16xi32>,
      %shift_right_logical3A_268 = arith.constant 24 : i32
      %shift_right_logical3A_269 = vector.broadcast %shift_right_logical3A_268 : i32 to vector<16xi32>
      %shift_right_logical3A_270 = arith.shrui %get3A_267, %shift_right_logical3A_269 : vector<16xi32>
      %and3A_271 = arith.constant 255 : i32
      %and3A_272 = vector.broadcast %and3A_271 : i32 to vector<16xi32>
      %and3A_273 = arith.andi %shift_right_logical3A_270, %and3A_272 : vector<16xi32>
      %broadcast_in_dim3A_274 = arith.constant true
      %broadcast_in_dim3A_275 = vector.broadcast %broadcast_in_dim3A_274 : i1 to vector<16xi1>
      %unique3A_276, %unique3A_277 = tpu.scan_count mask(%broadcast_in_dim3A_275 : vector<16xi1>) value(%and3A_273 : vector<16xi32>) : vector<16xi1>, vector<16xi32>
      %gather3A_278 = tpu.vector_load_idx %arg17[%and3A_273] : memref<256xi32, #tpu.memory_space<vmem>>[vector<16xi32>], vector<16xi32>,
      %add3A_279 = arith.addi %gather3A_278, %unique3A_277 : vector<16xi32>
      %sub3A_280 = arith.constant 1 : i32
      %sub3A_281 = vector.broadcast %sub3A_280 : i32 to vector<16xi32>
      %sub3A_282 = arith.subi %add3A_279, %sub3A_281 : vector<16xi32>
      %swap3A_283 = arith.index_cast %mul3A_265 : i32 to index
      %swap3A_284 = tpu.vector_load %arg16[%swap3A_283] {strides = array<i32>} : memref<6144xi32, #tpu.memory_space<vmem>>, vector<16xi32>,
      tpu.vector_store %arg16[%swap3A_283], %sub3A_282 {strides = array<i32>} : memref<6144xi32, #tpu.memory_space<vmem>>, vector<16xi32>,
      %add3A_285 = arith.addi %gather3A_278, %unique3A_277 : vector<16xi32>
      tpu.vector_store_idx %arg17[%and3A_273], %add3A_285 masked %unique3A_276 : memref<256xi32, #tpu.memory_space<vmem>>[vector<16xi32>], vector<16xi32>, vector<16xi1>
      %scan3A_286 = arith.constant 0 : i32
      %scan3A_287 = arith.constant 2 : i32
      %scan3A_288 = arith.addi %scan3A_244, %scan3A_287 : i32
      %mul3A_289 = arith.constant 16 : i32
      %mul3A_290 = arith.muli %scan3A_288, %mul3A_289 : i32
      %get3A_291 = arith.index_cast %mul3A_290 : i32 to index
      %get3A_292 = tpu.vector_load %arg13[%get3A_291] {strides = array<i32>} : memref<6144xi32, #tpu.memory_space<vmem>>, vector<16xi32>,
      %shift_right_logical3A_293 = arith.constant 24 : i32
      %shift_right_logical3A_294 = vector.broadcast %shift_right_logical3A_293 : i32 to vector<16xi32>
      %shift_right_logical3A_295 = arith.shrui %get3A_292, %shift_right_logical3A_294 : vector<16xi32>
      %and3A_296 = arith.constant 255 : i32
      %and3A_297 = vector.broadcast %and3A_296 : i32 to vector<16xi32>
      %and3A_298 = arith.andi %shift_right_logical3A_295, %and3A_297 : vector<16xi32>
      %broadcast_in_dim3A_299 = arith.constant true
      %broadcast_in_dim3A_300 = vector.broadcast %broadcast_in_dim3A_299 : i1 to vector<16xi1>
      %unique3A_301, %unique3A_302 = tpu.scan_count mask(%broadcast_in_dim3A_300 : vector<16xi1>) value(%and3A_298 : vector<16xi32>) : vector<16xi1>, vector<16xi32>
      %gather3A_303 = tpu.vector_load_idx %arg17[%and3A_298] : memref<256xi32, #tpu.memory_space<vmem>>[vector<16xi32>], vector<16xi32>,
      %add3A_304 = arith.addi %gather3A_303, %unique3A_302 : vector<16xi32>
      %sub3A_305 = arith.constant 1 : i32
      %sub3A_306 = vector.broadcast %sub3A_305 : i32 to vector<16xi32>
      %sub3A_307 = arith.subi %add3A_304, %sub3A_306 : vector<16xi32>
      %swap3A_308 = arith.index_cast %mul3A_290 : i32 to index
      %swap3A_309 = tpu.vector_load %arg16[%swap3A_308] {strides = array<i32>} : memref<6144xi32, #tpu.memory_space<vmem>>, vector<16xi32>,
      tpu.vector_store %arg16[%swap3A_308], %sub3A_307 {strides = array<i32>} : memref<6144xi32, #tpu.memory_space<vmem>>, vector<16xi32>,
      %add3A_310 = arith.addi %gather3A_303, %unique3A_302 : vector<16xi32>
      tpu.vector_store_idx %arg17[%and3A_298], %add3A_310 masked %unique3A_301 : memref<256xi32, #tpu.memory_space<vmem>>[vector<16xi32>], vector<16xi32>, vector<16xi1>
      %scan3A_311 = arith.constant 0 : i32
      %scan3A_312 = arith.constant 3 : i32
      %scan3A_313 = arith.addi %scan3A_244, %scan3A_312 : i32
      %mul3A_314 = arith.constant 16 : i32
      %mul3A_315 = arith.muli %scan3A_313, %mul3A_314 : i32
      %get3A_316 = arith.index_cast %mul3A_315 : i32 to index
      %get3A_317 = tpu.vector_load %arg13[%get3A_316] {strides = array<i32>} : memref<6144xi32, #tpu.memory_space<vmem>>, vector<16xi32>,
      %shift_right_logical3A_318 = arith.constant 24 : i32
      %shift_right_logical3A_319 = vector.broadcast %shift_right_logical3A_318 : i32 to vector<16xi32>
      %shift_right_logical3A_320 = arith.shrui %get3A_317, %shift_right_logical3A_319 : vector<16xi32>
      %and3A_321 = arith.constant 255 : i32
      %and3A_322 = vector.broadcast %and3A_321 : i32 to vector<16xi32>
      %and3A_323 = arith.andi %shift_right_logical3A_320, %and3A_322 : vector<16xi32>
      %broadcast_in_dim3A_324 = arith.constant true
      %broadcast_in_dim3A_325 = vector.broadcast %broadcast_in_dim3A_324 : i1 to vector<16xi1>
      %unique3A_326, %unique3A_327 = tpu.scan_count mask(%broadcast_in_dim3A_325 : vector<16xi1>) value(%and3A_323 : vector<16xi32>) : vector<16xi1>, vector<16xi32>
      %gather3A_328 = tpu.vector_load_idx %arg17[%and3A_323] : memref<256xi32, #tpu.memory_space<vmem>>[vector<16xi32>], vector<16xi32>,
      %add3A_329 = arith.addi %gather3A_328, %unique3A_327 : vector<16xi32>
      %sub3A_330 = arith.constant 1 : i32
      %sub3A_331 = vector.broadcast %sub3A_330 : i32 to vector<16xi32>
      %sub3A_332 = arith.subi %add3A_329, %sub3A_331 : vector<16xi32>
      %swap3A_333 = arith.index_cast %mul3A_315 : i32 to index
      %swap3A_334 = tpu.vector_load %arg16[%swap3A_333] {strides = array<i32>} : memref<6144xi32, #tpu.memory_space<vmem>>, vector<16xi32>,
      tpu.vector_store %arg16[%swap3A_333], %sub3A_332 {strides = array<i32>} : memref<6144xi32, #tpu.memory_space<vmem>>, vector<16xi32>,
      %add3A_335 = arith.addi %gather3A_328, %unique3A_327 : vector<16xi32>
      tpu.vector_store_idx %arg17[%and3A_323], %add3A_335 masked %unique3A_326 : memref<256xi32, #tpu.memory_space<vmem>>[vector<16xi32>], vector<16xi32>, vector<16xi1>
      %scan3A_336 = arith.constant 0 : i32
      scf.yield %scan3A_336 : i32
    }
    %scan3A_109 = arith.constant 384 : i32
    %scan3A_110 = arith.constant 0 : i32
    %scan3A_111 = arith.constant 0 : i32
    %scan3A_112 = arith.constant 16 : i32
    %scan3A_113 = arith.addi %scan3A_111, %scan3A_112 : i32
    %scan3A_114 = arith.constant 1 : i32
    %scan3A_115 = scf.for %scan3A_244 = %scan3A_111 to %scan3A_113 step %scan3A_114 iter_args(%scan3A_245 = %scan3A_110) -> (i32)  : i32 {
      %mul3A_246 = arith.constant 16 : i32
      %mul3A_247 = arith.muli %scan3A_244, %mul3A_246 : i32
      %get3A = arith.index_cast %mul3A_247 : i32 to index
      %get3A_248 = tpu.vector_load %arg17[%get3A] {strides = array<i32>} : memref<256xi32, #tpu.memory_space<vmem>>, vector<16xi32>,
      %broadcast_in_dim3A_249 = arith.constant true
      %broadcast_in_dim3A_250 = vector.broadcast %broadcast_in_dim3A_249 : i1 to vector<16xi1>
      %masked_cumsum3A = tpu.scan <sum>, %get3A_248 masked %broadcast_in_dim3A_250 : vector<16xi32>, vector<16xi1> -> vector<16xi32>
      %sub3A = arith.subi %masked_cumsum3A, %get3A_248 : vector<16xi32>
      %add3A_251 = vector.broadcast %scan3A_245 : i32 to vector<16xi32>
      %add3A_252 = arith.addi %sub3A, %add3A_251 : vector<16xi32>
      %swap3A = arith.index_cast %mul3A_247 : i32 to index
      %swap3A_253 = tpu.vector_load %arg18[%swap3A] {strides = array<i32>} : memref<256xi32, #tpu.memory_space<vmem>>, vector<16xi32>,
      tpu.vector_store %arg18[%swap3A], %add3A_252 {strides = array<i32>} : memref<256xi32, #tpu.memory_space<vmem>>, vector<16xi32>,
      %reduce_max3A = arith.constant true
      %reduce_max3A_254 = vector.broadcast %reduce_max3A : i1 to vector<16xi1>
      %reduce_max3A_255 = arith.constant -2147483648 : i32
      %reduce_max3A_256 = vector.broadcast %reduce_max3A_255 : i32 to vector<16xi32>
      %reduce_max3A_257 = arith.xori %masked_cumsum3A, %reduce_max3A_256 : vector<16xi32>
      %reduce_max3A_258 = tpu.scan <max>, %reduce_max3A_257 masked %reduce_max3A_254 : vector<16xi32>, vector<16xi1> -> vector<16xi32>
      %reduce_max3A_259 = arith.xori %reduce_max3A_258, %reduce_max3A_256 : vector<16xi32>
      %reduce_max3A_260 = vector.extract %reduce_max3A_259[15] : i32 from vector<16xi32>
      %add3A_261 = arith.addi %scan3A_245, %reduce_max3A_260 : i32
      scf.yield %add3A_261 : i32
    }
    %scan3A_116 = arith.constant 16 : i32
    %parallel_loop3A_117 = arith.constant 0 : i32
    %parallel_loop3A_118 = arith.constant 384 : i32
    %parallel_loop3A_119 = arith.constant 1 : i32
    scf.for %parallel_loop3A_244 = %parallel_loop3A_117 to %parallel_loop3A_118 step %parallel_loop3A_119  : i32 {
      %parallel_loop3A_245 = arith.constant 16 : i32
      %parallel_loop3A_246 = arith.muli %parallel_loop3A_244, %parallel_loop3A_245 : i32
      %parallel_loop3A_247 = arith.index_cast %parallel_loop3A_246 : i32 to index
      %parallel_loop3A_248 = tpu.vector_load %arg13[%parallel_loop3A_247] {strides = array<i32>} : memref<6144xi32, #tpu.memory_space<vmem>>, vector<16xi32>,
      %parallel_loop3A_249 = arith.constant 24 : i32
      %parallel_loop3A_250 = vector.broadcast %parallel_loop3A_249 : i32 to vector<16xi32>
      %parallel_loop3A_251 = arith.shrui %parallel_loop3A_248, %parallel_loop3A_250 : vector<16xi32>
      %parallel_loop3A_252 = arith.constant 255 : i32
      %parallel_loop3A_253 = vector.broadcast %parallel_loop3A_252 : i32 to vector<16xi32>
      %parallel_loop3A_254 = arith.andi %parallel_loop3A_251, %parallel_loop3A_253 : vector<16xi32>
      %parallel_loop3A_255 = tpu.vector_load_idx %arg18[%parallel_loop3A_254] : memref<256xi32, #tpu.memory_space<vmem>>[vector<16xi32>], vector<16xi32>,
      %parallel_loop3A_256 = arith.index_cast %parallel_loop3A_246 : i32 to index
      %parallel_loop3A_257 = tpu.vector_load %arg16[%parallel_loop3A_256] {strides = array<i32>} : memref<6144xi32, #tpu.memory_space<vmem>>, vector<16xi32>,
      %parallel_loop3A_258 = arith.addi %parallel_loop3A_255, %parallel_loop3A_257 : vector<16xi32>
      tpu.vector_store_idx %arg12[%parallel_loop3A_258], %parallel_loop3A_248 : memref<6144xi32, #tpu.memory_space<vmem>>[vector<16xi32>], vector<16xi32>,
      %parallel_loop3A_259 = arith.index_cast %parallel_loop3A_246 : i32 to index
      %parallel_loop3A_260 = tpu.vector_load %arg15[%parallel_loop3A_259] {strides = array<i32>} : memref<6144xi32, #tpu.memory_space<vmem>>, vector<16xi32>,
      tpu.vector_store_idx %arg14[%parallel_loop3A_258], %parallel_loop3A_260 : memref<6144xi32, #tpu.memory_space<vmem>>[vector<16xi32>], vector<16xi32>,
    } {sc.loop_unroll_factor = 4 : i64, sc.parallel_access}
    %parallel_loop3A_120 = arith.constant 0 : i32
    %parallel_loop3A_121 = arith.constant 96 : i32
    %parallel_loop3A_122 = arith.constant 1 : i32
    scf.for %parallel_loop3A_244 = %parallel_loop3A_120 to %parallel_loop3A_121 step %parallel_loop3A_122  : i32 {
      %parallel_loop3A_245 = arith.constant 16 : i32
      %parallel_loop3A_246 = arith.muli %parallel_loop3A_244, %parallel_loop3A_245 : i32
      %parallel_loop3A_247 = arith.index_cast %parallel_loop3A_246 : i32 to index
      %parallel_loop3A_248 = tpu.vector_load %arg14[%parallel_loop3A_247] {strides = array<i32>} : memref<6144xi32, #tpu.memory_space<vmem>>, vector<16xi32>,
      %parallel_loop3A_249 = tpu.vector_load_idx %arg10[%parallel_loop3A_248] : memref<6144xf32, #tpu.memory_space<vmem>>[vector<16xi32>], vector<16xf32>,
      %parallel_loop3A_250 = arith.index_cast %parallel_loop3A_246 : i32 to index
      %parallel_loop3A_251 = tpu.vector_load %arg19[%parallel_loop3A_250] {strides = array<i32>} : memref<1536xf32, #tpu.memory_space<vmem>>, vector<16xf32>,
      tpu.vector_store %arg19[%parallel_loop3A_250], %parallel_loop3A_249 {strides = array<i32>} : memref<1536xf32, #tpu.memory_space<vmem>>, vector<16xf32>,
      %parallel_loop3A_252 = tpu.vector_load_idx %arg11[%parallel_loop3A_248] : memref<6144xf32, #tpu.memory_space<vmem>>[vector<16xi32>], vector<16xf32>,
      %parallel_loop3A_253 = arith.index_cast %parallel_loop3A_246 : i32 to index
      %parallel_loop3A_254 = tpu.vector_load %arg20[%parallel_loop3A_253] {strides = array<i32>} : memref<1536xf32, #tpu.memory_space<vmem>>, vector<16xf32>,
      tpu.vector_store %arg20[%parallel_loop3A_253], %parallel_loop3A_252 {strides = array<i32>} : memref<1536xf32, #tpu.memory_space<vmem>>, vector<16xf32>,
    } {sc.loop_unroll_factor = 4 : i64, sc.parallel_access}
    %mul3A_123 = arith.constant 1536 : i32
    %mul3A_124 = arith.muli %add3A_15, %mul3A_123 : i32
    "tpu.region"() ({
      %run_scoped3A = tpu.sem_alloc : memref<!tpu.dma_semaphore, #tpu.memory_space<semaphore_mem>>
      %dma_start3A_244 = tpu.memref_slice %arg6[%mul3A_124] : memref<98304xf32, #tpu.memory_space<hbm>> -> memref<1536xf32, #tpu.memory_space<hbm>>
      %dma_start3A_245 = tpu.memref_slice %arg6[%mul3A_124] : memref<98304xf32, #tpu.memory_space<hbm>> -> memref<1536xf32, #tpu.memory_space<hbm>>
      tpu.enqueue_dma source(%arg19 : memref<1536xf32, #tpu.memory_space<vmem>>) target(%dma_start3A_245 : memref<1536xf32, #tpu.memory_space<hbm>>) target_semaphore(%run_scoped3A : memref<!tpu.dma_semaphore, #tpu.memory_space<semaphore_mem>>)
      %dma_wait3A_246 = tpu.memref_slice %arg6[%mul3A_124] : memref<98304xf32, #tpu.memory_space<hbm>> -> memref<1536xf32, #tpu.memory_space<hbm>>
      %dma_wait3A_247 = tpu.memref_slice %arg6[%mul3A_124] : memref<98304xf32, #tpu.memory_space<hbm>> -> memref<1536xf32, #tpu.memory_space<hbm>>
      tpu.wait_dma2 semaphore(%run_scoped3A : memref<!tpu.dma_semaphore, #tpu.memory_space<semaphore_mem>>) src(%arg19 : memref<1536xf32, #tpu.memory_space<vmem>>) dst(%dma_wait3A_247 : memref<1536xf32, #tpu.memory_space<hbm>>)
      tpu.yield
    }) : () -> ()
    %mul3A_125 = arith.constant 1536 : i32
    %mul3A_126 = arith.muli %add3A_15, %mul3A_125 : i32
    "tpu.region"() ({
      %run_scoped3A = tpu.sem_alloc : memref<!tpu.dma_semaphore, #tpu.memory_space<semaphore_mem>>
      %dma_start3A_244 = tpu.memref_slice %arg7[%mul3A_126] : memref<98304xf32, #tpu.memory_space<hbm>> -> memref<1536xf32, #tpu.memory_space<hbm>>
      %dma_start3A_245 = tpu.memref_slice %arg7[%mul3A_126] : memref<98304xf32, #tpu.memory_space<hbm>> -> memref<1536xf32, #tpu.memory_space<hbm>>
      tpu.enqueue_dma source(%arg20 : memref<1536xf32, #tpu.memory_space<vmem>>) target(%dma_start3A_245 : memref<1536xf32, #tpu.memory_space<hbm>>) target_semaphore(%run_scoped3A : memref<!tpu.dma_semaphore, #tpu.memory_space<semaphore_mem>>)
      %dma_wait3A_246 = tpu.memref_slice %arg7[%mul3A_126] : memref<98304xf32, #tpu.memory_space<hbm>> -> memref<1536xf32, #tpu.memory_space<hbm>>
      %dma_wait3A_247 = tpu.memref_slice %arg7[%mul3A_126] : memref<98304xf32, #tpu.memory_space<hbm>> -> memref<1536xf32, #tpu.memory_space<hbm>>
      tpu.wait_dma2 semaphore(%run_scoped3A : memref<!tpu.dma_semaphore, #tpu.memory_space<semaphore_mem>>) src(%arg20 : memref<1536xf32, #tpu.memory_space<vmem>>) dst(%dma_wait3A_247 : memref<1536xf32, #tpu.memory_space<hbm>>)
      tpu.yield
    }) : () -> ()
    %mul3A_127 = arith.constant 2 : i32
    %mul3A_128 = arith.muli %add3A, %mul3A_127 : i32
    %add3A_129 = arith.constant 1 : i32
    %add3A_130 = arith.addi %mul3A_128, %add3A_129 : i32
    %mul3A_131 = arith.constant 6144 : i32
    %mul3A_132 = arith.muli %add3A_130, %mul3A_131 : i32
    "tpu.region"() ({
      %run_scoped3A = tpu.sem_alloc : memref<!tpu.dma_semaphore, #tpu.memory_space<semaphore_mem>>
      %dma_start3A_244 = tpu.memref_slice %arg4[%mul3A_132] : memref<393216xf32, #tpu.memory_space<hbm>> -> memref<6144xf32, #tpu.memory_space<hbm>>
      %dma_start3A_245 = tpu.memref_slice %arg4[%mul3A_132] : memref<393216xf32, #tpu.memory_space<hbm>> -> memref<6144xf32, #tpu.memory_space<hbm>>
      tpu.enqueue_dma source(%dma_start3A_245 : memref<6144xf32, #tpu.memory_space<hbm>>) target(%arg10 : memref<6144xf32, #tpu.memory_space<vmem>>) target_semaphore(%run_scoped3A : memref<!tpu.dma_semaphore, #tpu.memory_space<semaphore_mem>>)
      %dma_wait3A_246 = tpu.memref_slice %arg4[%mul3A_132] : memref<393216xf32, #tpu.memory_space<hbm>> -> memref<6144xf32, #tpu.memory_space<hbm>>
      %dma_wait3A_247 = tpu.memref_slice %arg4[%mul3A_132] : memref<393216xf32, #tpu.memory_space<hbm>> -> memref<6144xf32, #tpu.memory_space<hbm>>
      tpu.wait_dma2 semaphore(%run_scoped3A : memref<!tpu.dma_semaphore, #tpu.memory_space<semaphore_mem>>) src(%dma_wait3A_247 : memref<6144xf32, #tpu.memory_space<hbm>>) dst(%arg10 : memref<6144xf32, #tpu.memory_space<vmem>>)
      tpu.yield
    }) : () -> ()
    %mul3A_133 = arith.constant 6144 : i32
    %mul3A_134 = arith.muli %add3A_130, %mul3A_133 : i32
    "tpu.region"() ({
      %run_scoped3A = tpu.sem_alloc : memref<!tpu.dma_semaphore, #tpu.memory_space<semaphore_mem>>
      %dma_start3A_244 = tpu.memref_slice %arg5[%mul3A_134] : memref<393216xf32, #tpu.memory_space<hbm>> -> memref<6144xf32, #tpu.memory_space<hbm>>
      %dma_start3A_245 = tpu.memref_slice %arg5[%mul3A_134] : memref<393216xf32, #tpu.memory_space<hbm>> -> memref<6144xf32, #tpu.memory_space<hbm>>
      tpu.enqueue_dma source(%dma_start3A_245 : memref<6144xf32, #tpu.memory_space<hbm>>) target(%arg11 : memref<6144xf32, #tpu.memory_space<vmem>>) target_semaphore(%run_scoped3A : memref<!tpu.dma_semaphore, #tpu.memory_space<semaphore_mem>>)
      %dma_wait3A_246 = tpu.memref_slice %arg5[%mul3A_134] : memref<393216xf32, #tpu.memory_space<hbm>> -> memref<6144xf32, #tpu.memory_space<hbm>>
      %dma_wait3A_247 = tpu.memref_slice %arg5[%mul3A_134] : memref<393216xf32, #tpu.memory_space<hbm>> -> memref<6144xf32, #tpu.memory_space<hbm>>
      tpu.wait_dma2 semaphore(%run_scoped3A : memref<!tpu.dma_semaphore, #tpu.memory_space<semaphore_mem>>) src(%dma_wait3A_247 : memref<6144xf32, #tpu.memory_space<hbm>>) dst(%arg11 : memref<6144xf32, #tpu.memory_space<vmem>>)
      tpu.yield
    }) : () -> ()
    %add3A_135 = arith.constant 1 : i32
    %add3A_136 = vector.broadcast %add3A_135 : i32 to vector<16xi32>
    %add3A_137 = arith.addi %broadcast_in_dim3A_1, %add3A_136 : vector<16xi32>
    %parallel_loop3A_138 = arith.constant 0 : i32
    %parallel_loop3A_139 = arith.constant 384 : i32
    %parallel_loop3A_140 = arith.constant 1 : i32
    scf.for %parallel_loop3A_244 = %parallel_loop3A_138 to %parallel_loop3A_139 step %parallel_loop3A_140  : i32 {
      %parallel_loop3A_245 = arith.constant 16 : i32
      %parallel_loop3A_246 = arith.muli %parallel_loop3A_244, %parallel_loop3A_245 : i32
      %parallel_loop3A_247 = arith.index_cast %parallel_loop3A_246 : i32 to index
      %parallel_loop3A_248 = tpu.vector_load %arg10[%parallel_loop3A_247] {strides = array<i32>} : memref<6144xf32, #tpu.memory_space<vmem>>, vector<16xf32>,
      %parallel_loop3A_249 = arith.index_cast %parallel_loop3A_246 : i32 to index
      %parallel_loop3A_250 = tpu.vector_load %arg11[%parallel_loop3A_249] {strides = array<i32>} : memref<6144xf32, #tpu.memory_space<vmem>>, vector<16xf32>,
      %parallel_loop3A_251 = arith.constant 2.000000e+00 : f32
      %parallel_loop3A_252 = vector.broadcast %parallel_loop3A_251 : f32 to vector<16xf32>
      %parallel_loop3A_253 = arith.mulf %parallel_loop3A_252, %parallel_loop3A_248 : vector<16xf32>
      %parallel_loop3A_254 = arith.constant 1.000000e+00 : f32
      %parallel_loop3A_255 = vector.broadcast %parallel_loop3A_254 : f32 to vector<16xf32>
      %parallel_loop3A_256 = arith.subf %parallel_loop3A_253, %parallel_loop3A_255 : vector<16xf32>
      %parallel_loop3A_257 = arith.constant 2.000000e+00 : f32
      %parallel_loop3A_258 = vector.broadcast %parallel_loop3A_257 : f32 to vector<16xf32>
      %parallel_loop3A_259 = arith.mulf %parallel_loop3A_258, %parallel_loop3A_250 : vector<16xf32>
      %parallel_loop3A_260 = arith.constant 1.000000e+00 : f32
      %parallel_loop3A_261 = vector.broadcast %parallel_loop3A_260 : f32 to vector<16xf32>
      %parallel_loop3A_262 = arith.subf %parallel_loop3A_259, %parallel_loop3A_261 : vector<16xf32>
      %parallel_loop3A_263 = arith.constant 1.000000e+00 : f32
      %parallel_loop3A_264 = vector.broadcast %parallel_loop3A_263 : f32 to vector<16xf32>
      %parallel_loop3A_265 = arith.addf %parallel_loop3A_256, %parallel_loop3A_264 : vector<16xf32>
      %parallel_loop3A_266 = arith.constant 6.400000e+01 : f32
      %parallel_loop3A_267 = vector.broadcast %parallel_loop3A_266 : f32 to vector<16xf32>
      %parallel_loop3A_268 = arith.mulf %parallel_loop3A_265, %parallel_loop3A_267 : vector<16xf32>
      %parallel_loop3A_269 = arith.constant 1.000000e+00 : f32
      %parallel_loop3A_270 = vector.broadcast %parallel_loop3A_269 : f32 to vector<16xf32>
      %parallel_loop3A_271 = arith.subf %parallel_loop3A_268, %parallel_loop3A_270 : vector<16xf32>
      %parallel_loop3A_272 = arith.constant 2.000000e+00 : f32
      %parallel_loop3A_273 = vector.broadcast %parallel_loop3A_272 : f32 to vector<16xf32>
      %parallel_loop3A_274 = arith.divf %parallel_loop3A_271, %parallel_loop3A_273 : vector<16xf32>
      %parallel_loop3A_275 = arith.constant 1.000000e+00 : f32
      %parallel_loop3A_276 = vector.broadcast %parallel_loop3A_275 : f32 to vector<16xf32>
      %parallel_loop3A_277 = arith.addf %parallel_loop3A_262, %parallel_loop3A_276 : vector<16xf32>
      %parallel_loop3A_278 = arith.constant 6.400000e+01 : f32
      %parallel_loop3A_279 = vector.broadcast %parallel_loop3A_278 : f32 to vector<16xf32>
      %parallel_loop3A_280 = arith.mulf %parallel_loop3A_277, %parallel_loop3A_279 : vector<16xf32>
      %parallel_loop3A_281 = arith.constant 1.000000e+00 : f32
      %parallel_loop3A_282 = vector.broadcast %parallel_loop3A_281 : f32 to vector<16xf32>
      %parallel_loop3A_283 = arith.subf %parallel_loop3A_280, %parallel_loop3A_282 : vector<16xf32>
      %parallel_loop3A_284 = arith.constant 2.000000e+00 : f32
      %parallel_loop3A_285 = vector.broadcast %parallel_loop3A_284 : f32 to vector<16xf32>
      %parallel_loop3A_286 = arith.divf %parallel_loop3A_283, %parallel_loop3A_285 : vector<16xf32>
      %parallel_loop3A_287 = arith.fptosi %parallel_loop3A_274 : vector<16xf32> to vector<16xi32>
      %parallel_loop3A_288 = arith.fptosi %parallel_loop3A_286 : vector<16xf32> to vector<16xi32>
      %parallel_loop3A_289 = arith.constant 0.000000e+00 : f32
      %parallel_loop3A_290 = vector.broadcast %parallel_loop3A_289 : f32 to vector<16xf32>
      %parallel_loop3A_291 = arith.cmpf olt, %parallel_loop3A_274, %parallel_loop3A_290 : vector<16xf32>
      %parallel_loop3A_292 = arith.sitofp %parallel_loop3A_287 : vector<16xi32> to vector<16xf32>
      %parallel_loop3A_293 = arith.constant -1.000000e+00 : f32
      %parallel_loop3A_294 = vector.broadcast %parallel_loop3A_293 : f32 to vector<16xf32>
      %parallel_loop3A_295 = arith.select %parallel_loop3A_291, %parallel_loop3A_294, %parallel_loop3A_292 : vector<16xi1>, vector<16xf32>
      %parallel_loop3A_296 = arith.constant 0.000000e+00 : f32
      %parallel_loop3A_297 = vector.broadcast %parallel_loop3A_296 : f32 to vector<16xf32>
      %parallel_loop3A_298 = arith.cmpf olt, %parallel_loop3A_286, %parallel_loop3A_297 : vector<16xf32>
      %parallel_loop3A_299 = arith.sitofp %parallel_loop3A_288 : vector<16xi32> to vector<16xf32>
      %parallel_loop3A_300 = arith.constant -1.000000e+00 : f32
      %parallel_loop3A_301 = vector.broadcast %parallel_loop3A_300 : f32 to vector<16xf32>
      %parallel_loop3A_302 = arith.select %parallel_loop3A_298, %parallel_loop3A_301, %parallel_loop3A_299 : vector<16xi1>, vector<16xf32>
      %parallel_loop3A_303 = arith.subf %parallel_loop3A_274, %parallel_loop3A_295 : vector<16xf32>
      %parallel_loop3A_304 = arith.constant 1.000000e+00 : f32
      %parallel_loop3A_305 = vector.broadcast %parallel_loop3A_304 : f32 to vector<16xf32>
      %parallel_loop3A_306 = arith.subf %parallel_loop3A_305, %parallel_loop3A_303 : vector<16xf32>
      %parallel_loop3A_307 = arith.subf %parallel_loop3A_286, %parallel_loop3A_302 : vector<16xf32>
      %parallel_loop3A_308 = arith.constant 1.000000e+00 : f32
      %parallel_loop3A_309 = vector.broadcast %parallel_loop3A_308 : f32 to vector<16xf32>
      %parallel_loop3A_310 = arith.subf %parallel_loop3A_309, %parallel_loop3A_307 : vector<16xf32>
      %parallel_loop3A_311 = arith.constant 1.000000e+00 : f32
      %parallel_loop3A_312 = vector.broadcast %parallel_loop3A_311 : f32 to vector<16xf32>
      %parallel_loop3A_313 = arith.addf %parallel_loop3A_295, %parallel_loop3A_312 : vector<16xf32>
      %parallel_loop3A_314 = arith.constant 1.000000e+00 : f32
      %parallel_loop3A_315 = vector.broadcast %parallel_loop3A_314 : f32 to vector<16xf32>
      %parallel_loop3A_316 = arith.addf %parallel_loop3A_302, %parallel_loop3A_315 : vector<16xf32>
      %parallel_loop3A_317 = arith.constant 0.000000e+00 : f32
      %parallel_loop3A_318 = vector.broadcast %parallel_loop3A_317 : f32 to vector<16xf32>
      %parallel_loop3A_319 = arith.cmpf oge, %parallel_loop3A_295, %parallel_loop3A_318 : vector<16xf32>
      %parallel_loop3A_320 = arith.constant 1.000000e+00 : f32
      %parallel_loop3A_321 = arith.constant 0.000000e+00 : f32
      %parallel_loop3A_322 = vector.broadcast %parallel_loop3A_320 : f32 to vector<16xf32>
      %parallel_loop3A_323 = vector.broadcast %parallel_loop3A_321 : f32 to vector<16xf32>
      %parallel_loop3A_324 = arith.select %parallel_loop3A_319, %parallel_loop3A_322, %parallel_loop3A_323 : vector<16xi1>, vector<16xf32>
      %parallel_loop3A_325 = arith.constant 6.300000e+01 : f32
      %parallel_loop3A_326 = vector.broadcast %parallel_loop3A_325 : f32 to vector<16xf32>
      %parallel_loop3A_327 = arith.cmpf ole, %parallel_loop3A_313, %parallel_loop3A_326 : vector<16xf32>
      %parallel_loop3A_328 = arith.constant 1.000000e+00 : f32
      %parallel_loop3A_329 = arith.constant 0.000000e+00 : f32
      %parallel_loop3A_330 = vector.broadcast %parallel_loop3A_328 : f32 to vector<16xf32>
      %parallel_loop3A_331 = vector.broadcast %parallel_loop3A_329 : f32 to vector<16xf32>
      %parallel_loop3A_332 = arith.select %parallel_loop3A_327, %parallel_loop3A_330, %parallel_loop3A_331 : vector<16xi1>, vector<16xf32>
      %parallel_loop3A_333 = arith.constant 0.000000e+00 : f32
      %parallel_loop3A_334 = vector.broadcast %parallel_loop3A_333 : f32 to vector<16xf32>
      %parallel_loop3A_335 = arith.cmpf oge, %parallel_loop3A_302, %parallel_loop3A_334 : vector<16xf32>
      %parallel_loop3A_336 = arith.constant 1.000000e+00 : f32
      %parallel_loop3A_337 = arith.constant 0.000000e+00 : f32
      %parallel_loop3A_338 = vector.broadcast %parallel_loop3A_336 : f32 to vector<16xf32>
      %parallel_loop3A_339 = vector.broadcast %parallel_loop3A_337 : f32 to vector<16xf32>
      %parallel_loop3A_340 = arith.select %parallel_loop3A_335, %parallel_loop3A_338, %parallel_loop3A_339 : vector<16xi1>, vector<16xf32>
      %parallel_loop3A_341 = arith.constant 6.300000e+01 : f32
      %parallel_loop3A_342 = vector.broadcast %parallel_loop3A_341 : f32 to vector<16xf32>
      %parallel_loop3A_343 = arith.cmpf ole, %parallel_loop3A_316, %parallel_loop3A_342 : vector<16xf32>
      %parallel_loop3A_344 = arith.constant 1.000000e+00 : f32
      %parallel_loop3A_345 = arith.constant 0.000000e+00 : f32
      %parallel_loop3A_346 = vector.broadcast %parallel_loop3A_344 : f32 to vector<16xf32>
      %parallel_loop3A_347 = vector.broadcast %parallel_loop3A_345 : f32 to vector<16xf32>
      %parallel_loop3A_348 = arith.select %parallel_loop3A_343, %parallel_loop3A_346, %parallel_loop3A_347 : vector<16xi1>, vector<16xf32>
      %parallel_loop3A_349 = arith.fptosi %parallel_loop3A_295 : vector<16xf32> to vector<16xi32>
      %parallel_loop3A_350 = arith.constant 0 : i32
      %parallel_loop3A_351 = vector.broadcast %parallel_loop3A_350 : i32 to vector<16xi32>
      %parallel_loop3A_352 = arith.maxsi %parallel_loop3A_349, %parallel_loop3A_351 : vector<16xi32>
      %parallel_loop3A_353 = arith.fptosi %parallel_loop3A_302 : vector<16xf32> to vector<16xi32>
      %parallel_loop3A_354 = arith.constant 0 : i32
      %parallel_loop3A_355 = vector.broadcast %parallel_loop3A_354 : i32 to vector<16xi32>
      %parallel_loop3A_356 = arith.maxsi %parallel_loop3A_353, %parallel_loop3A_355 : vector<16xi32>
      %parallel_loop3A_357 = arith.fptosi %parallel_loop3A_313 : vector<16xf32> to vector<16xi32>
      %parallel_loop3A_358 = arith.constant 63 : i32
      %parallel_loop3A_359 = vector.broadcast %parallel_loop3A_358 : i32 to vector<16xi32>
      %parallel_loop3A_360 = arith.minsi %parallel_loop3A_357, %parallel_loop3A_359 : vector<16xi32>
      %parallel_loop3A_361 = arith.fptosi %parallel_loop3A_316 : vector<16xf32> to vector<16xi32>
      %parallel_loop3A_362 = arith.constant 63 : i32
      %parallel_loop3A_363 = vector.broadcast %parallel_loop3A_362 : i32 to vector<16xi32>
      %parallel_loop3A_364 = arith.minsi %parallel_loop3A_361, %parallel_loop3A_363 : vector<16xi32>
      %parallel_loop3A_365 = arith.constant 64 : i32
      %parallel_loop3A_366 = vector.broadcast %parallel_loop3A_365 : i32 to vector<16xi32>
      %parallel_loop3A_367 = arith.muli %parallel_loop3A_356, %parallel_loop3A_366 : vector<16xi32>
      %parallel_loop3A_368 = arith.constant 64 : i32
      %parallel_loop3A_369 = vector.broadcast %parallel_loop3A_368 : i32 to vector<16xi32>
      %parallel_loop3A_370 = arith.muli %parallel_loop3A_364, %parallel_loop3A_369 : vector<16xi32>
      %parallel_loop3A_371 = arith.addi %parallel_loop3A_367, %parallel_loop3A_352 : vector<16xi32>
      %parallel_loop3A_372 = tpu.vector_load_idx %arg8[%add3A_137, %parallel_loop3A_371] : memref<2x4096xf32, #tpu.memory_space<vmem>>[vector<16xi32>, vector<16xi32>], vector<16xf32>,
      %parallel_loop3A_373 = arith.mulf %parallel_loop3A_324, %parallel_loop3A_340 : vector<16xf32>
      %parallel_loop3A_374 = arith.mulf %parallel_loop3A_372, %parallel_loop3A_373 : vector<16xf32>
      %parallel_loop3A_375 = arith.addi %parallel_loop3A_367, %parallel_loop3A_360 : vector<16xi32>
      %parallel_loop3A_376 = tpu.vector_load_idx %arg8[%add3A_137, %parallel_loop3A_375] : memref<2x4096xf32, #tpu.memory_space<vmem>>[vector<16xi32>, vector<16xi32>], vector<16xf32>,
      %parallel_loop3A_377 = arith.mulf %parallel_loop3A_332, %parallel_loop3A_340 : vector<16xf32>
      %parallel_loop3A_378 = arith.mulf %parallel_loop3A_376, %parallel_loop3A_377 : vector<16xf32>
      %parallel_loop3A_379 = arith.addi %parallel_loop3A_370, %parallel_loop3A_352 : vector<16xi32>
      %parallel_loop3A_380 = tpu.vector_load_idx %arg8[%add3A_137, %parallel_loop3A_379] : memref<2x4096xf32, #tpu.memory_space<vmem>>[vector<16xi32>, vector<16xi32>], vector<16xf32>,
      %parallel_loop3A_381 = arith.mulf %parallel_loop3A_324, %parallel_loop3A_348 : vector<16xf32>
      %parallel_loop3A_382 = arith.mulf %parallel_loop3A_380, %parallel_loop3A_381 : vector<16xf32>
      %parallel_loop3A_383 = arith.addi %parallel_loop3A_370, %parallel_loop3A_360 : vector<16xi32>
      %parallel_loop3A_384 = tpu.vector_load_idx %arg8[%add3A_137, %parallel_loop3A_383] : memref<2x4096xf32, #tpu.memory_space<vmem>>[vector<16xi32>, vector<16xi32>], vector<16xf32>,
      %parallel_loop3A_385 = arith.mulf %parallel_loop3A_332, %parallel_loop3A_348 : vector<16xf32>
      %parallel_loop3A_386 = arith.mulf %parallel_loop3A_384, %parallel_loop3A_385 : vector<16xf32>
      %parallel_loop3A_387 = arith.mulf %parallel_loop3A_306, %parallel_loop3A_310 : vector<16xf32>
      %parallel_loop3A_388 = arith.mulf %parallel_loop3A_374, %parallel_loop3A_387 : vector<16xf32>
      %parallel_loop3A_389 = arith.mulf %parallel_loop3A_303, %parallel_loop3A_310 : vector<16xf32>
      %parallel_loop3A_390 = arith.mulf %parallel_loop3A_378, %parallel_loop3A_389 : vector<16xf32>
      %parallel_loop3A_391 = arith.addf %parallel_loop3A_388, %parallel_loop3A_390 : vector<16xf32>
      %parallel_loop3A_392 = arith.mulf %parallel_loop3A_306, %parallel_loop3A_307 : vector<16xf32>
      %parallel_loop3A_393 = arith.mulf %parallel_loop3A_382, %parallel_loop3A_392 : vector<16xf32>
      %parallel_loop3A_394 = arith.addf %parallel_loop3A_391, %parallel_loop3A_393 : vector<16xf32>
      %parallel_loop3A_395 = arith.mulf %parallel_loop3A_303, %parallel_loop3A_307 : vector<16xf32>
      %parallel_loop3A_396 = arith.mulf %parallel_loop3A_386, %parallel_loop3A_395 : vector<16xf32>
      %parallel_loop3A_397 = arith.addf %parallel_loop3A_394, %parallel_loop3A_396 : vector<16xf32>
      %parallel_loop3A_398 = math.absf %parallel_loop3A_397 : vector<16xf32>
      %parallel_loop3A_399 = arith.constant 0.000000e+00 : f32
      %parallel_loop3A_400 = vector.broadcast %parallel_loop3A_399 : f32 to vector<16xf32>
      %parallel_loop3A_401 = arith.subf %parallel_loop3A_400, %parallel_loop3A_398 : vector<16xf32>
      %parallel_loop3A_402 = vector.bitcast %parallel_loop3A_401 : vector<16xf32> to vector<16xi32>
      %parallel_loop3A_403 = arith.index_cast %parallel_loop3A_246 : i32 to index
      %parallel_loop3A_404 = tpu.vector_load %arg12[%parallel_loop3A_403] {strides = array<i32>} : memref<6144xi32, #tpu.memory_space<vmem>>, vector<16xi32>,
      tpu.vector_store %arg12[%parallel_loop3A_403], %parallel_loop3A_402 {strides = array<i32>} : memref<6144xi32, #tpu.memory_space<vmem>>, vector<16xi32>,
    } {sc.loop_unroll_factor = 4 : i64, sc.parallel_access}
    %scan3A_141 = arith.constant 0 : i32
    %scan3A_142 = arith.constant 0 : i32
    %scan3A_143 = arith.constant 16 : i32
    %scan3A_144 = arith.addi %scan3A_142, %scan3A_143 : i32
    %scan3A_145 = arith.constant 1 : i32
    %scan3A_146 = scf.for %scan3A_244 = %scan3A_142 to %scan3A_144 step %scan3A_145 iter_args(%scan3A_245 = %scan3A_141) -> (i32)  : i32 {
      %mul3A_246 = arith.constant 16 : i32
      %mul3A_247 = arith.muli %scan3A_244, %mul3A_246 : i32
      %swap3A = arith.index_cast %mul3A_247 : i32 to index
      %swap3A_248 = tpu.vector_load %arg17[%swap3A] {strides = array<i32>} : memref<256xi32, #tpu.memory_space<vmem>>, vector<16xi32>,
      tpu.vector_store %arg17[%swap3A], %broadcast_in_dim3A_1 {strides = array<i32>} : memref<256xi32, #tpu.memory_space<vmem>>, vector<16xi32>,
      %scan3A_249 = arith.constant 0 : i32
      scf.yield %scan3A_249 : i32
    }
    %scan3A_147 = arith.constant 16 : i32
    %scan3A_148 = arith.constant 0 : i32
    %scan3A_149 = arith.constant 0 : i32
    %scan3A_150 = arith.constant 384 : i32
    %scan3A_151 = arith.addi %scan3A_149, %scan3A_150 : i32
    %scan3A_152 = arith.constant 4 : i32
    %scan3A_153 = scf.for %scan3A_244 = %scan3A_149 to %scan3A_151 step %scan3A_152 iter_args(%scan3A_245 = %scan3A_148) -> (i32)  : i32 {
      %mul3A_246 = arith.constant 16 : i32
      %mul3A_247 = arith.muli %scan3A_244, %mul3A_246 : i32
      %get3A = arith.index_cast %mul3A_247 : i32 to index
      %get3A_248 = tpu.vector_load %arg12[%get3A] {strides = array<i32>} : memref<6144xi32, #tpu.memory_space<vmem>>, vector<16xi32>,
      %shift_right_logical3A = arith.constant 0 : i32
      %shift_right_logical3A_249 = vector.broadcast %shift_right_logical3A : i32 to vector<16xi32>
      %shift_right_logical3A_250 = arith.shrui %get3A_248, %shift_right_logical3A_249 : vector<16xi32>
      %and3A = arith.constant 255 : i32
      %and3A_251 = vector.broadcast %and3A : i32 to vector<16xi32>
      %and3A_252 = arith.andi %shift_right_logical3A_250, %and3A_251 : vector<16xi32>
      %broadcast_in_dim3A_253 = arith.constant true
      %broadcast_in_dim3A_254 = vector.broadcast %broadcast_in_dim3A_253 : i1 to vector<16xi1>
      %unique3A, %unique3A_255 = tpu.scan_count mask(%broadcast_in_dim3A_254 : vector<16xi1>) value(%and3A_252 : vector<16xi32>) : vector<16xi1>, vector<16xi32>
      %gather3A = tpu.vector_load_idx %arg17[%and3A_252] : memref<256xi32, #tpu.memory_space<vmem>>[vector<16xi32>], vector<16xi32>,
      %add3A_256 = arith.addi %gather3A, %unique3A_255 : vector<16xi32>
      %sub3A = arith.constant 1 : i32
      %sub3A_257 = vector.broadcast %sub3A : i32 to vector<16xi32>
      %sub3A_258 = arith.subi %add3A_256, %sub3A_257 : vector<16xi32>
      %swap3A = arith.index_cast %mul3A_247 : i32 to index
      %swap3A_259 = tpu.vector_load %arg16[%swap3A] {strides = array<i32>} : memref<6144xi32, #tpu.memory_space<vmem>>, vector<16xi32>,
      tpu.vector_store %arg16[%swap3A], %sub3A_258 {strides = array<i32>} : memref<6144xi32, #tpu.memory_space<vmem>>, vector<16xi32>,
      %add3A_260 = arith.addi %gather3A, %unique3A_255 : vector<16xi32>
      tpu.vector_store_idx %arg17[%and3A_252], %add3A_260 masked %unique3A : memref<256xi32, #tpu.memory_space<vmem>>[vector<16xi32>], vector<16xi32>, vector<16xi1>
      %scan3A_261 = arith.constant 0 : i32
      %scan3A_262 = arith.constant 1 : i32
      %scan3A_263 = arith.addi %scan3A_244, %scan3A_262 : i32
      %mul3A_264 = arith.constant 16 : i32
      %mul3A_265 = arith.muli %scan3A_263, %mul3A_264 : i32
      %get3A_266 = arith.index_cast %mul3A_265 : i32 to index
      %get3A_267 = tpu.vector_load %arg12[%get3A_266] {strides = array<i32>} : memref<6144xi32, #tpu.memory_space<vmem>>, vector<16xi32>,
      %shift_right_logical3A_268 = arith.constant 0 : i32
      %shift_right_logical3A_269 = vector.broadcast %shift_right_logical3A_268 : i32 to vector<16xi32>
      %shift_right_logical3A_270 = arith.shrui %get3A_267, %shift_right_logical3A_269 : vector<16xi32>
      %and3A_271 = arith.constant 255 : i32
      %and3A_272 = vector.broadcast %and3A_271 : i32 to vector<16xi32>
      %and3A_273 = arith.andi %shift_right_logical3A_270, %and3A_272 : vector<16xi32>
      %broadcast_in_dim3A_274 = arith.constant true
      %broadcast_in_dim3A_275 = vector.broadcast %broadcast_in_dim3A_274 : i1 to vector<16xi1>
      %unique3A_276, %unique3A_277 = tpu.scan_count mask(%broadcast_in_dim3A_275 : vector<16xi1>) value(%and3A_273 : vector<16xi32>) : vector<16xi1>, vector<16xi32>
      %gather3A_278 = tpu.vector_load_idx %arg17[%and3A_273] : memref<256xi32, #tpu.memory_space<vmem>>[vector<16xi32>], vector<16xi32>,
      %add3A_279 = arith.addi %gather3A_278, %unique3A_277 : vector<16xi32>
      %sub3A_280 = arith.constant 1 : i32
      %sub3A_281 = vector.broadcast %sub3A_280 : i32 to vector<16xi32>
      %sub3A_282 = arith.subi %add3A_279, %sub3A_281 : vector<16xi32>
      %swap3A_283 = arith.index_cast %mul3A_265 : i32 to index
      %swap3A_284 = tpu.vector_load %arg16[%swap3A_283] {strides = array<i32>} : memref<6144xi32, #tpu.memory_space<vmem>>, vector<16xi32>,
      tpu.vector_store %arg16[%swap3A_283], %sub3A_282 {strides = array<i32>} : memref<6144xi32, #tpu.memory_space<vmem>>, vector<16xi32>,
      %add3A_285 = arith.addi %gather3A_278, %unique3A_277 : vector<16xi32>
      tpu.vector_store_idx %arg17[%and3A_273], %add3A_285 masked %unique3A_276 : memref<256xi32, #tpu.memory_space<vmem>>[vector<16xi32>], vector<16xi32>, vector<16xi1>
      %scan3A_286 = arith.constant 0 : i32
      %scan3A_287 = arith.constant 2 : i32
      %scan3A_288 = arith.addi %scan3A_244, %scan3A_287 : i32
      %mul3A_289 = arith.constant 16 : i32
      %mul3A_290 = arith.muli %scan3A_288, %mul3A_289 : i32
      %get3A_291 = arith.index_cast %mul3A_290 : i32 to index
      %get3A_292 = tpu.vector_load %arg12[%get3A_291] {strides = array<i32>} : memref<6144xi32, #tpu.memory_space<vmem>>, vector<16xi32>,
      %shift_right_logical3A_293 = arith.constant 0 : i32
      %shift_right_logical3A_294 = vector.broadcast %shift_right_logical3A_293 : i32 to vector<16xi32>
      %shift_right_logical3A_295 = arith.shrui %get3A_292, %shift_right_logical3A_294 : vector<16xi32>
      %and3A_296 = arith.constant 255 : i32
      %and3A_297 = vector.broadcast %and3A_296 : i32 to vector<16xi32>
      %and3A_298 = arith.andi %shift_right_logical3A_295, %and3A_297 : vector<16xi32>
      %broadcast_in_dim3A_299 = arith.constant true
      %broadcast_in_dim3A_300 = vector.broadcast %broadcast_in_dim3A_299 : i1 to vector<16xi1>
      %unique3A_301, %unique3A_302 = tpu.scan_count mask(%broadcast_in_dim3A_300 : vector<16xi1>) value(%and3A_298 : vector<16xi32>) : vector<16xi1>, vector<16xi32>
      %gather3A_303 = tpu.vector_load_idx %arg17[%and3A_298] : memref<256xi32, #tpu.memory_space<vmem>>[vector<16xi32>], vector<16xi32>,
      %add3A_304 = arith.addi %gather3A_303, %unique3A_302 : vector<16xi32>
      %sub3A_305 = arith.constant 1 : i32
      %sub3A_306 = vector.broadcast %sub3A_305 : i32 to vector<16xi32>
      %sub3A_307 = arith.subi %add3A_304, %sub3A_306 : vector<16xi32>
      %swap3A_308 = arith.index_cast %mul3A_290 : i32 to index
      %swap3A_309 = tpu.vector_load %arg16[%swap3A_308] {strides = array<i32>} : memref<6144xi32, #tpu.memory_space<vmem>>, vector<16xi32>,
      tpu.vector_store %arg16[%swap3A_308], %sub3A_307 {strides = array<i32>} : memref<6144xi32, #tpu.memory_space<vmem>>, vector<16xi32>,
      %add3A_310 = arith.addi %gather3A_303, %unique3A_302 : vector<16xi32>
      tpu.vector_store_idx %arg17[%and3A_298], %add3A_310 masked %unique3A_301 : memref<256xi32, #tpu.memory_space<vmem>>[vector<16xi32>], vector<16xi32>, vector<16xi1>
      %scan3A_311 = arith.constant 0 : i32
      %scan3A_312 = arith.constant 3 : i32
      %scan3A_313 = arith.addi %scan3A_244, %scan3A_312 : i32
      %mul3A_314 = arith.constant 16 : i32
      %mul3A_315 = arith.muli %scan3A_313, %mul3A_314 : i32
      %get3A_316 = arith.index_cast %mul3A_315 : i32 to index
      %get3A_317 = tpu.vector_load %arg12[%get3A_316] {strides = array<i32>} : memref<6144xi32, #tpu.memory_space<vmem>>, vector<16xi32>,
      %shift_right_logical3A_318 = arith.constant 0 : i32
      %shift_right_logical3A_319 = vector.broadcast %shift_right_logical3A_318 : i32 to vector<16xi32>
      %shift_right_logical3A_320 = arith.shrui %get3A_317, %shift_right_logical3A_319 : vector<16xi32>
      %and3A_321 = arith.constant 255 : i32
      %and3A_322 = vector.broadcast %and3A_321 : i32 to vector<16xi32>
      %and3A_323 = arith.andi %shift_right_logical3A_320, %and3A_322 : vector<16xi32>
      %broadcast_in_dim3A_324 = arith.constant true
      %broadcast_in_dim3A_325 = vector.broadcast %broadcast_in_dim3A_324 : i1 to vector<16xi1>
      %unique3A_326, %unique3A_327 = tpu.scan_count mask(%broadcast_in_dim3A_325 : vector<16xi1>) value(%and3A_323 : vector<16xi32>) : vector<16xi1>, vector<16xi32>
      %gather3A_328 = tpu.vector_load_idx %arg17[%and3A_323] : memref<256xi32, #tpu.memory_space<vmem>>[vector<16xi32>], vector<16xi32>,
      %add3A_329 = arith.addi %gather3A_328, %unique3A_327 : vector<16xi32>
      %sub3A_330 = arith.constant 1 : i32
      %sub3A_331 = vector.broadcast %sub3A_330 : i32 to vector<16xi32>
      %sub3A_332 = arith.subi %add3A_329, %sub3A_331 : vector<16xi32>
      %swap3A_333 = arith.index_cast %mul3A_315 : i32 to index
      %swap3A_334 = tpu.vector_load %arg16[%swap3A_333] {strides = array<i32>} : memref<6144xi32, #tpu.memory_space<vmem>>, vector<16xi32>,
      tpu.vector_store %arg16[%swap3A_333], %sub3A_332 {strides = array<i32>} : memref<6144xi32, #tpu.memory_space<vmem>>, vector<16xi32>,
      %add3A_335 = arith.addi %gather3A_328, %unique3A_327 : vector<16xi32>
      tpu.vector_store_idx %arg17[%and3A_323], %add3A_335 masked %unique3A_326 : memref<256xi32, #tpu.memory_space<vmem>>[vector<16xi32>], vector<16xi32>, vector<16xi1>
      %scan3A_336 = arith.constant 0 : i32
      scf.yield %scan3A_336 : i32
    }
    %scan3A_154 = arith.constant 384 : i32
    %scan3A_155 = arith.constant 0 : i32
    %scan3A_156 = arith.constant 0 : i32
    %scan3A_157 = arith.constant 16 : i32
    %scan3A_158 = arith.addi %scan3A_156, %scan3A_157 : i32
    %scan3A_159 = arith.constant 1 : i32
    %scan3A_160 = scf.for %scan3A_244 = %scan3A_156 to %scan3A_158 step %scan3A_159 iter_args(%scan3A_245 = %scan3A_155) -> (i32)  : i32 {
      %mul3A_246 = arith.constant 16 : i32
      %mul3A_247 = arith.muli %scan3A_244, %mul3A_246 : i32
      %get3A = arith.index_cast %mul3A_247 : i32 to index
      %get3A_248 = tpu.vector_load %arg17[%get3A] {strides = array<i32>} : memref<256xi32, #tpu.memory_space<vmem>>, vector<16xi32>,
      %broadcast_in_dim3A_249 = arith.constant true
      %broadcast_in_dim3A_250 = vector.broadcast %broadcast_in_dim3A_249 : i1 to vector<16xi1>
      %masked_cumsum3A = tpu.scan <sum>, %get3A_248 masked %broadcast_in_dim3A_250 : vector<16xi32>, vector<16xi1> -> vector<16xi32>
      %sub3A = arith.subi %masked_cumsum3A, %get3A_248 : vector<16xi32>
      %add3A_251 = vector.broadcast %scan3A_245 : i32 to vector<16xi32>
      %add3A_252 = arith.addi %sub3A, %add3A_251 : vector<16xi32>
      %swap3A = arith.index_cast %mul3A_247 : i32 to index
      %swap3A_253 = tpu.vector_load %arg18[%swap3A] {strides = array<i32>} : memref<256xi32, #tpu.memory_space<vmem>>, vector<16xi32>,
      tpu.vector_store %arg18[%swap3A], %add3A_252 {strides = array<i32>} : memref<256xi32, #tpu.memory_space<vmem>>, vector<16xi32>,
      %reduce_max3A = arith.constant true
      %reduce_max3A_254 = vector.broadcast %reduce_max3A : i1 to vector<16xi1>
      %reduce_max3A_255 = arith.constant -2147483648 : i32
      %reduce_max3A_256 = vector.broadcast %reduce_max3A_255 : i32 to vector<16xi32>
      %reduce_max3A_257 = arith.xori %masked_cumsum3A, %reduce_max3A_256 : vector<16xi32>
      %reduce_max3A_258 = tpu.scan <max>, %reduce_max3A_257 masked %reduce_max3A_254 : vector<16xi32>, vector<16xi1> -> vector<16xi32>
      %reduce_max3A_259 = arith.xori %reduce_max3A_258, %reduce_max3A_256 : vector<16xi32>
      %reduce_max3A_260 = vector.extract %reduce_max3A_259[15] : i32 from vector<16xi32>
      %add3A_261 = arith.addi %scan3A_245, %reduce_max3A_260 : i32
      scf.yield %add3A_261 : i32
    }
    %scan3A_161 = arith.constant 16 : i32
    %parallel_loop3A_162 = arith.constant 0 : i32
    %parallel_loop3A_163 = arith.constant 384 : i32
    %parallel_loop3A_164 = arith.constant 1 : i32
    scf.for %parallel_loop3A_244 = %parallel_loop3A_162 to %parallel_loop3A_163 step %parallel_loop3A_164  : i32 {
      %parallel_loop3A_245 = arith.constant 16 : i32
      %parallel_loop3A_246 = arith.muli %parallel_loop3A_244, %parallel_loop3A_245 : i32
      %parallel_loop3A_247 = arith.index_cast %parallel_loop3A_246 : i32 to index
      %parallel_loop3A_248 = tpu.vector_load %arg12[%parallel_loop3A_247] {strides = array<i32>} : memref<6144xi32, #tpu.memory_space<vmem>>, vector<16xi32>,
      %parallel_loop3A_249 = arith.constant 0 : i32
      %parallel_loop3A_250 = vector.broadcast %parallel_loop3A_249 : i32 to vector<16xi32>
      %parallel_loop3A_251 = arith.shrui %parallel_loop3A_248, %parallel_loop3A_250 : vector<16xi32>
      %parallel_loop3A_252 = arith.constant 255 : i32
      %parallel_loop3A_253 = vector.broadcast %parallel_loop3A_252 : i32 to vector<16xi32>
      %parallel_loop3A_254 = arith.andi %parallel_loop3A_251, %parallel_loop3A_253 : vector<16xi32>
      %parallel_loop3A_255 = tpu.vector_load_idx %arg18[%parallel_loop3A_254] : memref<256xi32, #tpu.memory_space<vmem>>[vector<16xi32>], vector<16xi32>,
      %parallel_loop3A_256 = arith.index_cast %parallel_loop3A_246 : i32 to index
      %parallel_loop3A_257 = tpu.vector_load %arg16[%parallel_loop3A_256] {strides = array<i32>} : memref<6144xi32, #tpu.memory_space<vmem>>, vector<16xi32>,
      %parallel_loop3A_258 = arith.addi %parallel_loop3A_255, %parallel_loop3A_257 : vector<16xi32>
      tpu.vector_store_idx %arg13[%parallel_loop3A_258], %parallel_loop3A_248 : memref<6144xi32, #tpu.memory_space<vmem>>[vector<16xi32>], vector<16xi32>,
      %parallel_loop3A_259 = arith.constant 16 : i32
      %parallel_loop3A_260 = arith.muli %parallel_loop3A_244, %parallel_loop3A_259 : i32
      %parallel_loop3A_261 = vector.broadcast %parallel_loop3A_260 : i32 to vector<16xi32>
      %parallel_loop3A_262 = arith.addi %parallel_loop3A_261, %iota3A : vector<16xi32>
      tpu.vector_store_idx %arg15[%parallel_loop3A_258], %parallel_loop3A_262 : memref<6144xi32, #tpu.memory_space<vmem>>[vector<16xi32>], vector<16xi32>,
    } {sc.loop_unroll_factor = 4 : i64, sc.parallel_access}
    %scan3A_165 = arith.constant 0 : i32
    %scan3A_166 = arith.constant 0 : i32
    %scan3A_167 = arith.constant 16 : i32
    %scan3A_168 = arith.addi %scan3A_166, %scan3A_167 : i32
    %scan3A_169 = arith.constant 1 : i32
    %scan3A_170 = scf.for %scan3A_244 = %scan3A_166 to %scan3A_168 step %scan3A_169 iter_args(%scan3A_245 = %scan3A_165) -> (i32)  : i32 {
      %mul3A_246 = arith.constant 16 : i32
      %mul3A_247 = arith.muli %scan3A_244, %mul3A_246 : i32
      %swap3A = arith.index_cast %mul3A_247 : i32 to index
      %swap3A_248 = tpu.vector_load %arg17[%swap3A] {strides = array<i32>} : memref<256xi32, #tpu.memory_space<vmem>>, vector<16xi32>,
      tpu.vector_store %arg17[%swap3A], %broadcast_in_dim3A_1 {strides = array<i32>} : memref<256xi32, #tpu.memory_space<vmem>>, vector<16xi32>,
      %scan3A_249 = arith.constant 0 : i32
      scf.yield %scan3A_249 : i32
    }
    %scan3A_171 = arith.constant 16 : i32
    %scan3A_172 = arith.constant 0 : i32
    %scan3A_173 = arith.constant 0 : i32
    %scan3A_174 = arith.constant 384 : i32
    %scan3A_175 = arith.addi %scan3A_173, %scan3A_174 : i32
    %scan3A_176 = arith.constant 4 : i32
    %scan3A_177 = scf.for %scan3A_244 = %scan3A_173 to %scan3A_175 step %scan3A_176 iter_args(%scan3A_245 = %scan3A_172) -> (i32)  : i32 {
      %mul3A_246 = arith.constant 16 : i32
      %mul3A_247 = arith.muli %scan3A_244, %mul3A_246 : i32
      %get3A = arith.index_cast %mul3A_247 : i32 to index
      %get3A_248 = tpu.vector_load %arg13[%get3A] {strides = array<i32>} : memref<6144xi32, #tpu.memory_space<vmem>>, vector<16xi32>,
      %shift_right_logical3A = arith.constant 8 : i32
      %shift_right_logical3A_249 = vector.broadcast %shift_right_logical3A : i32 to vector<16xi32>
      %shift_right_logical3A_250 = arith.shrui %get3A_248, %shift_right_logical3A_249 : vector<16xi32>
      %and3A = arith.constant 255 : i32
      %and3A_251 = vector.broadcast %and3A : i32 to vector<16xi32>
      %and3A_252 = arith.andi %shift_right_logical3A_250, %and3A_251 : vector<16xi32>
      %broadcast_in_dim3A_253 = arith.constant true
      %broadcast_in_dim3A_254 = vector.broadcast %broadcast_in_dim3A_253 : i1 to vector<16xi1>
      %unique3A, %unique3A_255 = tpu.scan_count mask(%broadcast_in_dim3A_254 : vector<16xi1>) value(%and3A_252 : vector<16xi32>) : vector<16xi1>, vector<16xi32>
      %gather3A = tpu.vector_load_idx %arg17[%and3A_252] : memref<256xi32, #tpu.memory_space<vmem>>[vector<16xi32>], vector<16xi32>,
      %add3A_256 = arith.addi %gather3A, %unique3A_255 : vector<16xi32>
      %sub3A = arith.constant 1 : i32
      %sub3A_257 = vector.broadcast %sub3A : i32 to vector<16xi32>
      %sub3A_258 = arith.subi %add3A_256, %sub3A_257 : vector<16xi32>
      %swap3A = arith.index_cast %mul3A_247 : i32 to index
      %swap3A_259 = tpu.vector_load %arg16[%swap3A] {strides = array<i32>} : memref<6144xi32, #tpu.memory_space<vmem>>, vector<16xi32>,
      tpu.vector_store %arg16[%swap3A], %sub3A_258 {strides = array<i32>} : memref<6144xi32, #tpu.memory_space<vmem>>, vector<16xi32>,
      %add3A_260 = arith.addi %gather3A, %unique3A_255 : vector<16xi32>
      tpu.vector_store_idx %arg17[%and3A_252], %add3A_260 masked %unique3A : memref<256xi32, #tpu.memory_space<vmem>>[vector<16xi32>], vector<16xi32>, vector<16xi1>
      %scan3A_261 = arith.constant 0 : i32
      %scan3A_262 = arith.constant 1 : i32
      %scan3A_263 = arith.addi %scan3A_244, %scan3A_262 : i32
      %mul3A_264 = arith.constant 16 : i32
      %mul3A_265 = arith.muli %scan3A_263, %mul3A_264 : i32
      %get3A_266 = arith.index_cast %mul3A_265 : i32 to index
      %get3A_267 = tpu.vector_load %arg13[%get3A_266] {strides = array<i32>} : memref<6144xi32, #tpu.memory_space<vmem>>, vector<16xi32>,
      %shift_right_logical3A_268 = arith.constant 8 : i32
      %shift_right_logical3A_269 = vector.broadcast %shift_right_logical3A_268 : i32 to vector<16xi32>
      %shift_right_logical3A_270 = arith.shrui %get3A_267, %shift_right_logical3A_269 : vector<16xi32>
      %and3A_271 = arith.constant 255 : i32
      %and3A_272 = vector.broadcast %and3A_271 : i32 to vector<16xi32>
      %and3A_273 = arith.andi %shift_right_logical3A_270, %and3A_272 : vector<16xi32>
      %broadcast_in_dim3A_274 = arith.constant true
      %broadcast_in_dim3A_275 = vector.broadcast %broadcast_in_dim3A_274 : i1 to vector<16xi1>
      %unique3A_276, %unique3A_277 = tpu.scan_count mask(%broadcast_in_dim3A_275 : vector<16xi1>) value(%and3A_273 : vector<16xi32>) : vector<16xi1>, vector<16xi32>
      %gather3A_278 = tpu.vector_load_idx %arg17[%and3A_273] : memref<256xi32, #tpu.memory_space<vmem>>[vector<16xi32>], vector<16xi32>,
      %add3A_279 = arith.addi %gather3A_278, %unique3A_277 : vector<16xi32>
      %sub3A_280 = arith.constant 1 : i32
      %sub3A_281 = vector.broadcast %sub3A_280 : i32 to vector<16xi32>
      %sub3A_282 = arith.subi %add3A_279, %sub3A_281 : vector<16xi32>
      %swap3A_283 = arith.index_cast %mul3A_265 : i32 to index
      %swap3A_284 = tpu.vector_load %arg16[%swap3A_283] {strides = array<i32>} : memref<6144xi32, #tpu.memory_space<vmem>>, vector<16xi32>,
      tpu.vector_store %arg16[%swap3A_283], %sub3A_282 {strides = array<i32>} : memref<6144xi32, #tpu.memory_space<vmem>>, vector<16xi32>,
      %add3A_285 = arith.addi %gather3A_278, %unique3A_277 : vector<16xi32>
      tpu.vector_store_idx %arg17[%and3A_273], %add3A_285 masked %unique3A_276 : memref<256xi32, #tpu.memory_space<vmem>>[vector<16xi32>], vector<16xi32>, vector<16xi1>
      %scan3A_286 = arith.constant 0 : i32
      %scan3A_287 = arith.constant 2 : i32
      %scan3A_288 = arith.addi %scan3A_244, %scan3A_287 : i32
      %mul3A_289 = arith.constant 16 : i32
      %mul3A_290 = arith.muli %scan3A_288, %mul3A_289 : i32
      %get3A_291 = arith.index_cast %mul3A_290 : i32 to index
      %get3A_292 = tpu.vector_load %arg13[%get3A_291] {strides = array<i32>} : memref<6144xi32, #tpu.memory_space<vmem>>, vector<16xi32>,
      %shift_right_logical3A_293 = arith.constant 8 : i32
      %shift_right_logical3A_294 = vector.broadcast %shift_right_logical3A_293 : i32 to vector<16xi32>
      %shift_right_logical3A_295 = arith.shrui %get3A_292, %shift_right_logical3A_294 : vector<16xi32>
      %and3A_296 = arith.constant 255 : i32
      %and3A_297 = vector.broadcast %and3A_296 : i32 to vector<16xi32>
      %and3A_298 = arith.andi %shift_right_logical3A_295, %and3A_297 : vector<16xi32>
      %broadcast_in_dim3A_299 = arith.constant true
      %broadcast_in_dim3A_300 = vector.broadcast %broadcast_in_dim3A_299 : i1 to vector<16xi1>
      %unique3A_301, %unique3A_302 = tpu.scan_count mask(%broadcast_in_dim3A_300 : vector<16xi1>) value(%and3A_298 : vector<16xi32>) : vector<16xi1>, vector<16xi32>
      %gather3A_303 = tpu.vector_load_idx %arg17[%and3A_298] : memref<256xi32, #tpu.memory_space<vmem>>[vector<16xi32>], vector<16xi32>,
      %add3A_304 = arith.addi %gather3A_303, %unique3A_302 : vector<16xi32>
      %sub3A_305 = arith.constant 1 : i32
      %sub3A_306 = vector.broadcast %sub3A_305 : i32 to vector<16xi32>
      %sub3A_307 = arith.subi %add3A_304, %sub3A_306 : vector<16xi32>
      %swap3A_308 = arith.index_cast %mul3A_290 : i32 to index
      %swap3A_309 = tpu.vector_load %arg16[%swap3A_308] {strides = array<i32>} : memref<6144xi32, #tpu.memory_space<vmem>>, vector<16xi32>,
      tpu.vector_store %arg16[%swap3A_308], %sub3A_307 {strides = array<i32>} : memref<6144xi32, #tpu.memory_space<vmem>>, vector<16xi32>,
      %add3A_310 = arith.addi %gather3A_303, %unique3A_302 : vector<16xi32>
      tpu.vector_store_idx %arg17[%and3A_298], %add3A_310 masked %unique3A_301 : memref<256xi32, #tpu.memory_space<vmem>>[vector<16xi32>], vector<16xi32>, vector<16xi1>
      %scan3A_311 = arith.constant 0 : i32
      %scan3A_312 = arith.constant 3 : i32
      %scan3A_313 = arith.addi %scan3A_244, %scan3A_312 : i32
      %mul3A_314 = arith.constant 16 : i32
      %mul3A_315 = arith.muli %scan3A_313, %mul3A_314 : i32
      %get3A_316 = arith.index_cast %mul3A_315 : i32 to index
      %get3A_317 = tpu.vector_load %arg13[%get3A_316] {strides = array<i32>} : memref<6144xi32, #tpu.memory_space<vmem>>, vector<16xi32>,
      %shift_right_logical3A_318 = arith.constant 8 : i32
      %shift_right_logical3A_319 = vector.broadcast %shift_right_logical3A_318 : i32 to vector<16xi32>
      %shift_right_logical3A_320 = arith.shrui %get3A_317, %shift_right_logical3A_319 : vector<16xi32>
      %and3A_321 = arith.constant 255 : i32
      %and3A_322 = vector.broadcast %and3A_321 : i32 to vector<16xi32>
      %and3A_323 = arith.andi %shift_right_logical3A_320, %and3A_322 : vector<16xi32>
      %broadcast_in_dim3A_324 = arith.constant true
      %broadcast_in_dim3A_325 = vector.broadcast %broadcast_in_dim3A_324 : i1 to vector<16xi1>
      %unique3A_326, %unique3A_327 = tpu.scan_count mask(%broadcast_in_dim3A_325 : vector<16xi1>) value(%and3A_323 : vector<16xi32>) : vector<16xi1>, vector<16xi32>
      %gather3A_328 = tpu.vector_load_idx %arg17[%and3A_323] : memref<256xi32, #tpu.memory_space<vmem>>[vector<16xi32>], vector<16xi32>,
      %add3A_329 = arith.addi %gather3A_328, %unique3A_327 : vector<16xi32>
      %sub3A_330 = arith.constant 1 : i32
      %sub3A_331 = vector.broadcast %sub3A_330 : i32 to vector<16xi32>
      %sub3A_332 = arith.subi %add3A_329, %sub3A_331 : vector<16xi32>
      %swap3A_333 = arith.index_cast %mul3A_315 : i32 to index
      %swap3A_334 = tpu.vector_load %arg16[%swap3A_333] {strides = array<i32>} : memref<6144xi32, #tpu.memory_space<vmem>>, vector<16xi32>,
      tpu.vector_store %arg16[%swap3A_333], %sub3A_332 {strides = array<i32>} : memref<6144xi32, #tpu.memory_space<vmem>>, vector<16xi32>,
      %add3A_335 = arith.addi %gather3A_328, %unique3A_327 : vector<16xi32>
      tpu.vector_store_idx %arg17[%and3A_323], %add3A_335 masked %unique3A_326 : memref<256xi32, #tpu.memory_space<vmem>>[vector<16xi32>], vector<16xi32>, vector<16xi1>
      %scan3A_336 = arith.constant 0 : i32
      scf.yield %scan3A_336 : i32
    }
    %scan3A_178 = arith.constant 384 : i32
    %scan3A_179 = arith.constant 0 : i32
    %scan3A_180 = arith.constant 0 : i32
    %scan3A_181 = arith.constant 16 : i32
    %scan3A_182 = arith.addi %scan3A_180, %scan3A_181 : i32
    %scan3A_183 = arith.constant 1 : i32
    %scan3A_184 = scf.for %scan3A_244 = %scan3A_180 to %scan3A_182 step %scan3A_183 iter_args(%scan3A_245 = %scan3A_179) -> (i32)  : i32 {
      %mul3A_246 = arith.constant 16 : i32
      %mul3A_247 = arith.muli %scan3A_244, %mul3A_246 : i32
      %get3A = arith.index_cast %mul3A_247 : i32 to index
      %get3A_248 = tpu.vector_load %arg17[%get3A] {strides = array<i32>} : memref<256xi32, #tpu.memory_space<vmem>>, vector<16xi32>,
      %broadcast_in_dim3A_249 = arith.constant true
      %broadcast_in_dim3A_250 = vector.broadcast %broadcast_in_dim3A_249 : i1 to vector<16xi1>
      %masked_cumsum3A = tpu.scan <sum>, %get3A_248 masked %broadcast_in_dim3A_250 : vector<16xi32>, vector<16xi1> -> vector<16xi32>
      %sub3A = arith.subi %masked_cumsum3A, %get3A_248 : vector<16xi32>
      %add3A_251 = vector.broadcast %scan3A_245 : i32 to vector<16xi32>
      %add3A_252 = arith.addi %sub3A, %add3A_251 : vector<16xi32>
      %swap3A = arith.index_cast %mul3A_247 : i32 to index
      %swap3A_253 = tpu.vector_load %arg18[%swap3A] {strides = array<i32>} : memref<256xi32, #tpu.memory_space<vmem>>, vector<16xi32>,
      tpu.vector_store %arg18[%swap3A], %add3A_252 {strides = array<i32>} : memref<256xi32, #tpu.memory_space<vmem>>, vector<16xi32>,
      %reduce_max3A = arith.constant true
      %reduce_max3A_254 = vector.broadcast %reduce_max3A : i1 to vector<16xi1>
      %reduce_max3A_255 = arith.constant -2147483648 : i32
      %reduce_max3A_256 = vector.broadcast %reduce_max3A_255 : i32 to vector<16xi32>
      %reduce_max3A_257 = arith.xori %masked_cumsum3A, %reduce_max3A_256 : vector<16xi32>
      %reduce_max3A_258 = tpu.scan <max>, %reduce_max3A_257 masked %reduce_max3A_254 : vector<16xi32>, vector<16xi1> -> vector<16xi32>
      %reduce_max3A_259 = arith.xori %reduce_max3A_258, %reduce_max3A_256 : vector<16xi32>
      %reduce_max3A_260 = vector.extract %reduce_max3A_259[15] : i32 from vector<16xi32>
      %add3A_261 = arith.addi %scan3A_245, %reduce_max3A_260 : i32
      scf.yield %add3A_261 : i32
    }
    %scan3A_185 = arith.constant 16 : i32
    %parallel_loop3A_186 = arith.constant 0 : i32
    %parallel_loop3A_187 = arith.constant 384 : i32
    %parallel_loop3A_188 = arith.constant 1 : i32
    scf.for %parallel_loop3A_244 = %parallel_loop3A_186 to %parallel_loop3A_187 step %parallel_loop3A_188  : i32 {
      %parallel_loop3A_245 = arith.constant 16 : i32
      %parallel_loop3A_246 = arith.muli %parallel_loop3A_244, %parallel_loop3A_245 : i32
      %parallel_loop3A_247 = arith.index_cast %parallel_loop3A_246 : i32 to index
      %parallel_loop3A_248 = tpu.vector_load %arg13[%parallel_loop3A_247] {strides = array<i32>} : memref<6144xi32, #tpu.memory_space<vmem>>, vector<16xi32>,
      %parallel_loop3A_249 = arith.constant 8 : i32
      %parallel_loop3A_250 = vector.broadcast %parallel_loop3A_249 : i32 to vector<16xi32>
      %parallel_loop3A_251 = arith.shrui %parallel_loop3A_248, %parallel_loop3A_250 : vector<16xi32>
      %parallel_loop3A_252 = arith.constant 255 : i32
      %parallel_loop3A_253 = vector.broadcast %parallel_loop3A_252 : i32 to vector<16xi32>
      %parallel_loop3A_254 = arith.andi %parallel_loop3A_251, %parallel_loop3A_253 : vector<16xi32>
      %parallel_loop3A_255 = tpu.vector_load_idx %arg18[%parallel_loop3A_254] : memref<256xi32, #tpu.memory_space<vmem>>[vector<16xi32>], vector<16xi32>,
      %parallel_loop3A_256 = arith.index_cast %parallel_loop3A_246 : i32 to index
      %parallel_loop3A_257 = tpu.vector_load %arg16[%parallel_loop3A_256] {strides = array<i32>} : memref<6144xi32, #tpu.memory_space<vmem>>, vector<16xi32>,
      %parallel_loop3A_258 = arith.addi %parallel_loop3A_255, %parallel_loop3A_257 : vector<16xi32>
      tpu.vector_store_idx %arg12[%parallel_loop3A_258], %parallel_loop3A_248 : memref<6144xi32, #tpu.memory_space<vmem>>[vector<16xi32>], vector<16xi32>,
      %parallel_loop3A_259 = arith.index_cast %parallel_loop3A_246 : i32 to index
      %parallel_loop3A_260 = tpu.vector_load %arg15[%parallel_loop3A_259] {strides = array<i32>} : memref<6144xi32, #tpu.memory_space<vmem>>, vector<16xi32>,
      tpu.vector_store_idx %arg14[%parallel_loop3A_258], %parallel_loop3A_260 : memref<6144xi32, #tpu.memory_space<vmem>>[vector<16xi32>], vector<16xi32>,
    } {sc.loop_unroll_factor = 4 : i64, sc.parallel_access}
    %scan3A_189 = arith.constant 0 : i32
    %scan3A_190 = arith.constant 0 : i32
    %scan3A_191 = arith.constant 16 : i32
    %scan3A_192 = arith.addi %scan3A_190, %scan3A_191 : i32
    %scan3A_193 = arith.constant 1 : i32
    %scan3A_194 = scf.for %scan3A_244 = %scan3A_190 to %scan3A_192 step %scan3A_193 iter_args(%scan3A_245 = %scan3A_189) -> (i32)  : i32 {
      %mul3A_246 = arith.constant 16 : i32
      %mul3A_247 = arith.muli %scan3A_244, %mul3A_246 : i32
      %swap3A = arith.index_cast %mul3A_247 : i32 to index
      %swap3A_248 = tpu.vector_load %arg17[%swap3A] {strides = array<i32>} : memref<256xi32, #tpu.memory_space<vmem>>, vector<16xi32>,
      tpu.vector_store %arg17[%swap3A], %broadcast_in_dim3A_1 {strides = array<i32>} : memref<256xi32, #tpu.memory_space<vmem>>, vector<16xi32>,
      %scan3A_249 = arith.constant 0 : i32
      scf.yield %scan3A_249 : i32
    }
    %scan3A_195 = arith.constant 16 : i32
    %scan3A_196 = arith.constant 0 : i32
    %scan3A_197 = arith.constant 0 : i32
    %scan3A_198 = arith.constant 384 : i32
    %scan3A_199 = arith.addi %scan3A_197, %scan3A_198 : i32
    %scan3A_200 = arith.constant 4 : i32
    %scan3A_201 = scf.for %scan3A_244 = %scan3A_197 to %scan3A_199 step %scan3A_200 iter_args(%scan3A_245 = %scan3A_196) -> (i32)  : i32 {
      %mul3A_246 = arith.constant 16 : i32
      %mul3A_247 = arith.muli %scan3A_244, %mul3A_246 : i32
      %get3A = arith.index_cast %mul3A_247 : i32 to index
      %get3A_248 = tpu.vector_load %arg12[%get3A] {strides = array<i32>} : memref<6144xi32, #tpu.memory_space<vmem>>, vector<16xi32>,
      %shift_right_logical3A = arith.constant 16 : i32
      %shift_right_logical3A_249 = vector.broadcast %shift_right_logical3A : i32 to vector<16xi32>
      %shift_right_logical3A_250 = arith.shrui %get3A_248, %shift_right_logical3A_249 : vector<16xi32>
      %and3A = arith.constant 255 : i32
      %and3A_251 = vector.broadcast %and3A : i32 to vector<16xi32>
      %and3A_252 = arith.andi %shift_right_logical3A_250, %and3A_251 : vector<16xi32>
      %broadcast_in_dim3A_253 = arith.constant true
      %broadcast_in_dim3A_254 = vector.broadcast %broadcast_in_dim3A_253 : i1 to vector<16xi1>
      %unique3A, %unique3A_255 = tpu.scan_count mask(%broadcast_in_dim3A_254 : vector<16xi1>) value(%and3A_252 : vector<16xi32>) : vector<16xi1>, vector<16xi32>
      %gather3A = tpu.vector_load_idx %arg17[%and3A_252] : memref<256xi32, #tpu.memory_space<vmem>>[vector<16xi32>], vector<16xi32>,
      %add3A_256 = arith.addi %gather3A, %unique3A_255 : vector<16xi32>
      %sub3A = arith.constant 1 : i32
      %sub3A_257 = vector.broadcast %sub3A : i32 to vector<16xi32>
      %sub3A_258 = arith.subi %add3A_256, %sub3A_257 : vector<16xi32>
      %swap3A = arith.index_cast %mul3A_247 : i32 to index
      %swap3A_259 = tpu.vector_load %arg16[%swap3A] {strides = array<i32>} : memref<6144xi32, #tpu.memory_space<vmem>>, vector<16xi32>,
      tpu.vector_store %arg16[%swap3A], %sub3A_258 {strides = array<i32>} : memref<6144xi32, #tpu.memory_space<vmem>>, vector<16xi32>,
      %add3A_260 = arith.addi %gather3A, %unique3A_255 : vector<16xi32>
      tpu.vector_store_idx %arg17[%and3A_252], %add3A_260 masked %unique3A : memref<256xi32, #tpu.memory_space<vmem>>[vector<16xi32>], vector<16xi32>, vector<16xi1>
      %scan3A_261 = arith.constant 0 : i32
      %scan3A_262 = arith.constant 1 : i32
      %scan3A_263 = arith.addi %scan3A_244, %scan3A_262 : i32
      %mul3A_264 = arith.constant 16 : i32
      %mul3A_265 = arith.muli %scan3A_263, %mul3A_264 : i32
      %get3A_266 = arith.index_cast %mul3A_265 : i32 to index
      %get3A_267 = tpu.vector_load %arg12[%get3A_266] {strides = array<i32>} : memref<6144xi32, #tpu.memory_space<vmem>>, vector<16xi32>,
      %shift_right_logical3A_268 = arith.constant 16 : i32
      %shift_right_logical3A_269 = vector.broadcast %shift_right_logical3A_268 : i32 to vector<16xi32>
      %shift_right_logical3A_270 = arith.shrui %get3A_267, %shift_right_logical3A_269 : vector<16xi32>
      %and3A_271 = arith.constant 255 : i32
      %and3A_272 = vector.broadcast %and3A_271 : i32 to vector<16xi32>
      %and3A_273 = arith.andi %shift_right_logical3A_270, %and3A_272 : vector<16xi32>
      %broadcast_in_dim3A_274 = arith.constant true
      %broadcast_in_dim3A_275 = vector.broadcast %broadcast_in_dim3A_274 : i1 to vector<16xi1>
      %unique3A_276, %unique3A_277 = tpu.scan_count mask(%broadcast_in_dim3A_275 : vector<16xi1>) value(%and3A_273 : vector<16xi32>) : vector<16xi1>, vector<16xi32>
      %gather3A_278 = tpu.vector_load_idx %arg17[%and3A_273] : memref<256xi32, #tpu.memory_space<vmem>>[vector<16xi32>], vector<16xi32>,
      %add3A_279 = arith.addi %gather3A_278, %unique3A_277 : vector<16xi32>
      %sub3A_280 = arith.constant 1 : i32
      %sub3A_281 = vector.broadcast %sub3A_280 : i32 to vector<16xi32>
      %sub3A_282 = arith.subi %add3A_279, %sub3A_281 : vector<16xi32>
      %swap3A_283 = arith.index_cast %mul3A_265 : i32 to index
      %swap3A_284 = tpu.vector_load %arg16[%swap3A_283] {strides = array<i32>} : memref<6144xi32, #tpu.memory_space<vmem>>, vector<16xi32>,
      tpu.vector_store %arg16[%swap3A_283], %sub3A_282 {strides = array<i32>} : memref<6144xi32, #tpu.memory_space<vmem>>, vector<16xi32>,
      %add3A_285 = arith.addi %gather3A_278, %unique3A_277 : vector<16xi32>
      tpu.vector_store_idx %arg17[%and3A_273], %add3A_285 masked %unique3A_276 : memref<256xi32, #tpu.memory_space<vmem>>[vector<16xi32>], vector<16xi32>, vector<16xi1>
      %scan3A_286 = arith.constant 0 : i32
      %scan3A_287 = arith.constant 2 : i32
      %scan3A_288 = arith.addi %scan3A_244, %scan3A_287 : i32
      %mul3A_289 = arith.constant 16 : i32
      %mul3A_290 = arith.muli %scan3A_288, %mul3A_289 : i32
      %get3A_291 = arith.index_cast %mul3A_290 : i32 to index
      %get3A_292 = tpu.vector_load %arg12[%get3A_291] {strides = array<i32>} : memref<6144xi32, #tpu.memory_space<vmem>>, vector<16xi32>,
      %shift_right_logical3A_293 = arith.constant 16 : i32
      %shift_right_logical3A_294 = vector.broadcast %shift_right_logical3A_293 : i32 to vector<16xi32>
      %shift_right_logical3A_295 = arith.shrui %get3A_292, %shift_right_logical3A_294 : vector<16xi32>
      %and3A_296 = arith.constant 255 : i32
      %and3A_297 = vector.broadcast %and3A_296 : i32 to vector<16xi32>
      %and3A_298 = arith.andi %shift_right_logical3A_295, %and3A_297 : vector<16xi32>
      %broadcast_in_dim3A_299 = arith.constant true
      %broadcast_in_dim3A_300 = vector.broadcast %broadcast_in_dim3A_299 : i1 to vector<16xi1>
      %unique3A_301, %unique3A_302 = tpu.scan_count mask(%broadcast_in_dim3A_300 : vector<16xi1>) value(%and3A_298 : vector<16xi32>) : vector<16xi1>, vector<16xi32>
      %gather3A_303 = tpu.vector_load_idx %arg17[%and3A_298] : memref<256xi32, #tpu.memory_space<vmem>>[vector<16xi32>], vector<16xi32>,
      %add3A_304 = arith.addi %gather3A_303, %unique3A_302 : vector<16xi32>
      %sub3A_305 = arith.constant 1 : i32
      %sub3A_306 = vector.broadcast %sub3A_305 : i32 to vector<16xi32>
      %sub3A_307 = arith.subi %add3A_304, %sub3A_306 : vector<16xi32>
      %swap3A_308 = arith.index_cast %mul3A_290 : i32 to index
      %swap3A_309 = tpu.vector_load %arg16[%swap3A_308] {strides = array<i32>} : memref<6144xi32, #tpu.memory_space<vmem>>, vector<16xi32>,
      tpu.vector_store %arg16[%swap3A_308], %sub3A_307 {strides = array<i32>} : memref<6144xi32, #tpu.memory_space<vmem>>, vector<16xi32>,
      %add3A_310 = arith.addi %gather3A_303, %unique3A_302 : vector<16xi32>
      tpu.vector_store_idx %arg17[%and3A_298], %add3A_310 masked %unique3A_301 : memref<256xi32, #tpu.memory_space<vmem>>[vector<16xi32>], vector<16xi32>, vector<16xi1>
      %scan3A_311 = arith.constant 0 : i32
      %scan3A_312 = arith.constant 3 : i32
      %scan3A_313 = arith.addi %scan3A_244, %scan3A_312 : i32
      %mul3A_314 = arith.constant 16 : i32
      %mul3A_315 = arith.muli %scan3A_313, %mul3A_314 : i32
      %get3A_316 = arith.index_cast %mul3A_315 : i32 to index
      %get3A_317 = tpu.vector_load %arg12[%get3A_316] {strides = array<i32>} : memref<6144xi32, #tpu.memory_space<vmem>>, vector<16xi32>,
      %shift_right_logical3A_318 = arith.constant 16 : i32
      %shift_right_logical3A_319 = vector.broadcast %shift_right_logical3A_318 : i32 to vector<16xi32>
      %shift_right_logical3A_320 = arith.shrui %get3A_317, %shift_right_logical3A_319 : vector<16xi32>
      %and3A_321 = arith.constant 255 : i32
      %and3A_322 = vector.broadcast %and3A_321 : i32 to vector<16xi32>
      %and3A_323 = arith.andi %shift_right_logical3A_320, %and3A_322 : vector<16xi32>
      %broadcast_in_dim3A_324 = arith.constant true
      %broadcast_in_dim3A_325 = vector.broadcast %broadcast_in_dim3A_324 : i1 to vector<16xi1>
      %unique3A_326, %unique3A_327 = tpu.scan_count mask(%broadcast_in_dim3A_325 : vector<16xi1>) value(%and3A_323 : vector<16xi32>) : vector<16xi1>, vector<16xi32>
      %gather3A_328 = tpu.vector_load_idx %arg17[%and3A_323] : memref<256xi32, #tpu.memory_space<vmem>>[vector<16xi32>], vector<16xi32>,
      %add3A_329 = arith.addi %gather3A_328, %unique3A_327 : vector<16xi32>
      %sub3A_330 = arith.constant 1 : i32
      %sub3A_331 = vector.broadcast %sub3A_330 : i32 to vector<16xi32>
      %sub3A_332 = arith.subi %add3A_329, %sub3A_331 : vector<16xi32>
      %swap3A_333 = arith.index_cast %mul3A_315 : i32 to index
      %swap3A_334 = tpu.vector_load %arg16[%swap3A_333] {strides = array<i32>} : memref<6144xi32, #tpu.memory_space<vmem>>, vector<16xi32>,
      tpu.vector_store %arg16[%swap3A_333], %sub3A_332 {strides = array<i32>} : memref<6144xi32, #tpu.memory_space<vmem>>, vector<16xi32>,
      %add3A_335 = arith.addi %gather3A_328, %unique3A_327 : vector<16xi32>
      tpu.vector_store_idx %arg17[%and3A_323], %add3A_335 masked %unique3A_326 : memref<256xi32, #tpu.memory_space<vmem>>[vector<16xi32>], vector<16xi32>, vector<16xi1>
      %scan3A_336 = arith.constant 0 : i32
      scf.yield %scan3A_336 : i32
    }
    %scan3A_202 = arith.constant 384 : i32
    %scan3A_203 = arith.constant 0 : i32
    %scan3A_204 = arith.constant 0 : i32
    %scan3A_205 = arith.constant 16 : i32
    %scan3A_206 = arith.addi %scan3A_204, %scan3A_205 : i32
    %scan3A_207 = arith.constant 1 : i32
    %scan3A_208 = scf.for %scan3A_244 = %scan3A_204 to %scan3A_206 step %scan3A_207 iter_args(%scan3A_245 = %scan3A_203) -> (i32)  : i32 {
      %mul3A_246 = arith.constant 16 : i32
      %mul3A_247 = arith.muli %scan3A_244, %mul3A_246 : i32
      %get3A = arith.index_cast %mul3A_247 : i32 to index
      %get3A_248 = tpu.vector_load %arg17[%get3A] {strides = array<i32>} : memref<256xi32, #tpu.memory_space<vmem>>, vector<16xi32>,
      %broadcast_in_dim3A_249 = arith.constant true
      %broadcast_in_dim3A_250 = vector.broadcast %broadcast_in_dim3A_249 : i1 to vector<16xi1>
      %masked_cumsum3A = tpu.scan <sum>, %get3A_248 masked %broadcast_in_dim3A_250 : vector<16xi32>, vector<16xi1> -> vector<16xi32>
      %sub3A = arith.subi %masked_cumsum3A, %get3A_248 : vector<16xi32>
      %add3A_251 = vector.broadcast %scan3A_245 : i32 to vector<16xi32>
      %add3A_252 = arith.addi %sub3A, %add3A_251 : vector<16xi32>
      %swap3A = arith.index_cast %mul3A_247 : i32 to index
      %swap3A_253 = tpu.vector_load %arg18[%swap3A] {strides = array<i32>} : memref<256xi32, #tpu.memory_space<vmem>>, vector<16xi32>,
      tpu.vector_store %arg18[%swap3A], %add3A_252 {strides = array<i32>} : memref<256xi32, #tpu.memory_space<vmem>>, vector<16xi32>,
      %reduce_max3A = arith.constant true
      %reduce_max3A_254 = vector.broadcast %reduce_max3A : i1 to vector<16xi1>
      %reduce_max3A_255 = arith.constant -2147483648 : i32
      %reduce_max3A_256 = vector.broadcast %reduce_max3A_255 : i32 to vector<16xi32>
      %reduce_max3A_257 = arith.xori %masked_cumsum3A, %reduce_max3A_256 : vector<16xi32>
      %reduce_max3A_258 = tpu.scan <max>, %reduce_max3A_257 masked %reduce_max3A_254 : vector<16xi32>, vector<16xi1> -> vector<16xi32>
      %reduce_max3A_259 = arith.xori %reduce_max3A_258, %reduce_max3A_256 : vector<16xi32>
      %reduce_max3A_260 = vector.extract %reduce_max3A_259[15] : i32 from vector<16xi32>
      %add3A_261 = arith.addi %scan3A_245, %reduce_max3A_260 : i32
      scf.yield %add3A_261 : i32
    }
    %scan3A_209 = arith.constant 16 : i32
    %parallel_loop3A_210 = arith.constant 0 : i32
    %parallel_loop3A_211 = arith.constant 384 : i32
    %parallel_loop3A_212 = arith.constant 1 : i32
    scf.for %parallel_loop3A_244 = %parallel_loop3A_210 to %parallel_loop3A_211 step %parallel_loop3A_212  : i32 {
      %parallel_loop3A_245 = arith.constant 16 : i32
      %parallel_loop3A_246 = arith.muli %parallel_loop3A_244, %parallel_loop3A_245 : i32
      %parallel_loop3A_247 = arith.index_cast %parallel_loop3A_246 : i32 to index
      %parallel_loop3A_248 = tpu.vector_load %arg12[%parallel_loop3A_247] {strides = array<i32>} : memref<6144xi32, #tpu.memory_space<vmem>>, vector<16xi32>,
      %parallel_loop3A_249 = arith.constant 16 : i32
      %parallel_loop3A_250 = vector.broadcast %parallel_loop3A_249 : i32 to vector<16xi32>
      %parallel_loop3A_251 = arith.shrui %parallel_loop3A_248, %parallel_loop3A_250 : vector<16xi32>
      %parallel_loop3A_252 = arith.constant 255 : i32
      %parallel_loop3A_253 = vector.broadcast %parallel_loop3A_252 : i32 to vector<16xi32>
      %parallel_loop3A_254 = arith.andi %parallel_loop3A_251, %parallel_loop3A_253 : vector<16xi32>
      %parallel_loop3A_255 = tpu.vector_load_idx %arg18[%parallel_loop3A_254] : memref<256xi32, #tpu.memory_space<vmem>>[vector<16xi32>], vector<16xi32>,
      %parallel_loop3A_256 = arith.index_cast %parallel_loop3A_246 : i32 to index
      %parallel_loop3A_257 = tpu.vector_load %arg16[%parallel_loop3A_256] {strides = array<i32>} : memref<6144xi32, #tpu.memory_space<vmem>>, vector<16xi32>,
      %parallel_loop3A_258 = arith.addi %parallel_loop3A_255, %parallel_loop3A_257 : vector<16xi32>
      tpu.vector_store_idx %arg13[%parallel_loop3A_258], %parallel_loop3A_248 : memref<6144xi32, #tpu.memory_space<vmem>>[vector<16xi32>], vector<16xi32>,
      %parallel_loop3A_259 = arith.index_cast %parallel_loop3A_246 : i32 to index
      %parallel_loop3A_260 = tpu.vector_load %arg14[%parallel_loop3A_259] {strides = array<i32>} : memref<6144xi32, #tpu.memory_space<vmem>>, vector<16xi32>,
      tpu.vector_store_idx %arg15[%parallel_loop3A_258], %parallel_loop3A_260 : memref<6144xi32, #tpu.memory_space<vmem>>[vector<16xi32>], vector<16xi32>,
    } {sc.loop_unroll_factor = 4 : i64, sc.parallel_access}
    %scan3A_213 = arith.constant 0 : i32
    %scan3A_214 = arith.constant 0 : i32
    %scan3A_215 = arith.constant 16 : i32
    %scan3A_216 = arith.addi %scan3A_214, %scan3A_215 : i32
    %scan3A_217 = arith.constant 1 : i32
    %scan3A_218 = scf.for %scan3A_244 = %scan3A_214 to %scan3A_216 step %scan3A_217 iter_args(%scan3A_245 = %scan3A_213) -> (i32)  : i32 {
      %mul3A_246 = arith.constant 16 : i32
      %mul3A_247 = arith.muli %scan3A_244, %mul3A_246 : i32
      %swap3A = arith.index_cast %mul3A_247 : i32 to index
      %swap3A_248 = tpu.vector_load %arg17[%swap3A] {strides = array<i32>} : memref<256xi32, #tpu.memory_space<vmem>>, vector<16xi32>,
      tpu.vector_store %arg17[%swap3A], %broadcast_in_dim3A_1 {strides = array<i32>} : memref<256xi32, #tpu.memory_space<vmem>>, vector<16xi32>,
      %scan3A_249 = arith.constant 0 : i32
      scf.yield %scan3A_249 : i32
    }
    %scan3A_219 = arith.constant 16 : i32
    %scan3A_220 = arith.constant 0 : i32
    %scan3A_221 = arith.constant 0 : i32
    %scan3A_222 = arith.constant 384 : i32
    %scan3A_223 = arith.addi %scan3A_221, %scan3A_222 : i32
    %scan3A_224 = arith.constant 4 : i32
    %scan3A_225 = scf.for %scan3A_244 = %scan3A_221 to %scan3A_223 step %scan3A_224 iter_args(%scan3A_245 = %scan3A_220) -> (i32)  : i32 {
      %mul3A_246 = arith.constant 16 : i32
      %mul3A_247 = arith.muli %scan3A_244, %mul3A_246 : i32
      %get3A = arith.index_cast %mul3A_247 : i32 to index
      %get3A_248 = tpu.vector_load %arg13[%get3A] {strides = array<i32>} : memref<6144xi32, #tpu.memory_space<vmem>>, vector<16xi32>,
      %shift_right_logical3A = arith.constant 24 : i32
      %shift_right_logical3A_249 = vector.broadcast %shift_right_logical3A : i32 to vector<16xi32>
      %shift_right_logical3A_250 = arith.shrui %get3A_248, %shift_right_logical3A_249 : vector<16xi32>
      %and3A = arith.constant 255 : i32
      %and3A_251 = vector.broadcast %and3A : i32 to vector<16xi32>
      %and3A_252 = arith.andi %shift_right_logical3A_250, %and3A_251 : vector<16xi32>
      %broadcast_in_dim3A_253 = arith.constant true
      %broadcast_in_dim3A_254 = vector.broadcast %broadcast_in_dim3A_253 : i1 to vector<16xi1>
      %unique3A, %unique3A_255 = tpu.scan_count mask(%broadcast_in_dim3A_254 : vector<16xi1>) value(%and3A_252 : vector<16xi32>) : vector<16xi1>, vector<16xi32>
      %gather3A = tpu.vector_load_idx %arg17[%and3A_252] : memref<256xi32, #tpu.memory_space<vmem>>[vector<16xi32>], vector<16xi32>,
      %add3A_256 = arith.addi %gather3A, %unique3A_255 : vector<16xi32>
      %sub3A = arith.constant 1 : i32
      %sub3A_257 = vector.broadcast %sub3A : i32 to vector<16xi32>
      %sub3A_258 = arith.subi %add3A_256, %sub3A_257 : vector<16xi32>
      %swap3A = arith.index_cast %mul3A_247 : i32 to index
      %swap3A_259 = tpu.vector_load %arg16[%swap3A] {strides = array<i32>} : memref<6144xi32, #tpu.memory_space<vmem>>, vector<16xi32>,
      tpu.vector_store %arg16[%swap3A], %sub3A_258 {strides = array<i32>} : memref<6144xi32, #tpu.memory_space<vmem>>, vector<16xi32>,
      %add3A_260 = arith.addi %gather3A, %unique3A_255 : vector<16xi32>
      tpu.vector_store_idx %arg17[%and3A_252], %add3A_260 masked %unique3A : memref<256xi32, #tpu.memory_space<vmem>>[vector<16xi32>], vector<16xi32>, vector<16xi1>
      %scan3A_261 = arith.constant 0 : i32
      %scan3A_262 = arith.constant 1 : i32
      %scan3A_263 = arith.addi %scan3A_244, %scan3A_262 : i32
      %mul3A_264 = arith.constant 16 : i32
      %mul3A_265 = arith.muli %scan3A_263, %mul3A_264 : i32
      %get3A_266 = arith.index_cast %mul3A_265 : i32 to index
      %get3A_267 = tpu.vector_load %arg13[%get3A_266] {strides = array<i32>} : memref<6144xi32, #tpu.memory_space<vmem>>, vector<16xi32>,
      %shift_right_logical3A_268 = arith.constant 24 : i32
      %shift_right_logical3A_269 = vector.broadcast %shift_right_logical3A_268 : i32 to vector<16xi32>
      %shift_right_logical3A_270 = arith.shrui %get3A_267, %shift_right_logical3A_269 : vector<16xi32>
      %and3A_271 = arith.constant 255 : i32
      %and3A_272 = vector.broadcast %and3A_271 : i32 to vector<16xi32>
      %and3A_273 = arith.andi %shift_right_logical3A_270, %and3A_272 : vector<16xi32>
      %broadcast_in_dim3A_274 = arith.constant true
      %broadcast_in_dim3A_275 = vector.broadcast %broadcast_in_dim3A_274 : i1 to vector<16xi1>
      %unique3A_276, %unique3A_277 = tpu.scan_count mask(%broadcast_in_dim3A_275 : vector<16xi1>) value(%and3A_273 : vector<16xi32>) : vector<16xi1>, vector<16xi32>
      %gather3A_278 = tpu.vector_load_idx %arg17[%and3A_273] : memref<256xi32, #tpu.memory_space<vmem>>[vector<16xi32>], vector<16xi32>,
      %add3A_279 = arith.addi %gather3A_278, %unique3A_277 : vector<16xi32>
      %sub3A_280 = arith.constant 1 : i32
      %sub3A_281 = vector.broadcast %sub3A_280 : i32 to vector<16xi32>
      %sub3A_282 = arith.subi %add3A_279, %sub3A_281 : vector<16xi32>
      %swap3A_283 = arith.index_cast %mul3A_265 : i32 to index
      %swap3A_284 = tpu.vector_load %arg16[%swap3A_283] {strides = array<i32>} : memref<6144xi32, #tpu.memory_space<vmem>>, vector<16xi32>,
      tpu.vector_store %arg16[%swap3A_283], %sub3A_282 {strides = array<i32>} : memref<6144xi32, #tpu.memory_space<vmem>>, vector<16xi32>,
      %add3A_285 = arith.addi %gather3A_278, %unique3A_277 : vector<16xi32>
      tpu.vector_store_idx %arg17[%and3A_273], %add3A_285 masked %unique3A_276 : memref<256xi32, #tpu.memory_space<vmem>>[vector<16xi32>], vector<16xi32>, vector<16xi1>
      %scan3A_286 = arith.constant 0 : i32
      %scan3A_287 = arith.constant 2 : i32
      %scan3A_288 = arith.addi %scan3A_244, %scan3A_287 : i32
      %mul3A_289 = arith.constant 16 : i32
      %mul3A_290 = arith.muli %scan3A_288, %mul3A_289 : i32
      %get3A_291 = arith.index_cast %mul3A_290 : i32 to index
      %get3A_292 = tpu.vector_load %arg13[%get3A_291] {strides = array<i32>} : memref<6144xi32, #tpu.memory_space<vmem>>, vector<16xi32>,
      %shift_right_logical3A_293 = arith.constant 24 : i32
      %shift_right_logical3A_294 = vector.broadcast %shift_right_logical3A_293 : i32 to vector<16xi32>
      %shift_right_logical3A_295 = arith.shrui %get3A_292, %shift_right_logical3A_294 : vector<16xi32>
      %and3A_296 = arith.constant 255 : i32
      %and3A_297 = vector.broadcast %and3A_296 : i32 to vector<16xi32>
      %and3A_298 = arith.andi %shift_right_logical3A_295, %and3A_297 : vector<16xi32>
      %broadcast_in_dim3A_299 = arith.constant true
      %broadcast_in_dim3A_300 = vector.broadcast %broadcast_in_dim3A_299 : i1 to vector<16xi1>
      %unique3A_301, %unique3A_302 = tpu.scan_count mask(%broadcast_in_dim3A_300 : vector<16xi1>) value(%and3A_298 : vector<16xi32>) : vector<16xi1>, vector<16xi32>
      %gather3A_303 = tpu.vector_load_idx %arg17[%and3A_298] : memref<256xi32, #tpu.memory_space<vmem>>[vector<16xi32>], vector<16xi32>,
      %add3A_304 = arith.addi %gather3A_303, %unique3A_302 : vector<16xi32>
      %sub3A_305 = arith.constant 1 : i32
      %sub3A_306 = vector.broadcast %sub3A_305 : i32 to vector<16xi32>
      %sub3A_307 = arith.subi %add3A_304, %sub3A_306 : vector<16xi32>
      %swap3A_308 = arith.index_cast %mul3A_290 : i32 to index
      %swap3A_309 = tpu.vector_load %arg16[%swap3A_308] {strides = array<i32>} : memref<6144xi32, #tpu.memory_space<vmem>>, vector<16xi32>,
      tpu.vector_store %arg16[%swap3A_308], %sub3A_307 {strides = array<i32>} : memref<6144xi32, #tpu.memory_space<vmem>>, vector<16xi32>,
      %add3A_310 = arith.addi %gather3A_303, %unique3A_302 : vector<16xi32>
      tpu.vector_store_idx %arg17[%and3A_298], %add3A_310 masked %unique3A_301 : memref<256xi32, #tpu.memory_space<vmem>>[vector<16xi32>], vector<16xi32>, vector<16xi1>
      %scan3A_311 = arith.constant 0 : i32
      %scan3A_312 = arith.constant 3 : i32
      %scan3A_313 = arith.addi %scan3A_244, %scan3A_312 : i32
      %mul3A_314 = arith.constant 16 : i32
      %mul3A_315 = arith.muli %scan3A_313, %mul3A_314 : i32
      %get3A_316 = arith.index_cast %mul3A_315 : i32 to index
      %get3A_317 = tpu.vector_load %arg13[%get3A_316] {strides = array<i32>} : memref<6144xi32, #tpu.memory_space<vmem>>, vector<16xi32>,
      %shift_right_logical3A_318 = arith.constant 24 : i32
      %shift_right_logical3A_319 = vector.broadcast %shift_right_logical3A_318 : i32 to vector<16xi32>
      %shift_right_logical3A_320 = arith.shrui %get3A_317, %shift_right_logical3A_319 : vector<16xi32>
      %and3A_321 = arith.constant 255 : i32
      %and3A_322 = vector.broadcast %and3A_321 : i32 to vector<16xi32>
      %and3A_323 = arith.andi %shift_right_logical3A_320, %and3A_322 : vector<16xi32>
      %broadcast_in_dim3A_324 = arith.constant true
      %broadcast_in_dim3A_325 = vector.broadcast %broadcast_in_dim3A_324 : i1 to vector<16xi1>
      %unique3A_326, %unique3A_327 = tpu.scan_count mask(%broadcast_in_dim3A_325 : vector<16xi1>) value(%and3A_323 : vector<16xi32>) : vector<16xi1>, vector<16xi32>
      %gather3A_328 = tpu.vector_load_idx %arg17[%and3A_323] : memref<256xi32, #tpu.memory_space<vmem>>[vector<16xi32>], vector<16xi32>,
      %add3A_329 = arith.addi %gather3A_328, %unique3A_327 : vector<16xi32>
      %sub3A_330 = arith.constant 1 : i32
      %sub3A_331 = vector.broadcast %sub3A_330 : i32 to vector<16xi32>
      %sub3A_332 = arith.subi %add3A_329, %sub3A_331 : vector<16xi32>
      %swap3A_333 = arith.index_cast %mul3A_315 : i32 to index
      %swap3A_334 = tpu.vector_load %arg16[%swap3A_333] {strides = array<i32>} : memref<6144xi32, #tpu.memory_space<vmem>>, vector<16xi32>,
      tpu.vector_store %arg16[%swap3A_333], %sub3A_332 {strides = array<i32>} : memref<6144xi32, #tpu.memory_space<vmem>>, vector<16xi32>,
      %add3A_335 = arith.addi %gather3A_328, %unique3A_327 : vector<16xi32>
      tpu.vector_store_idx %arg17[%and3A_323], %add3A_335 masked %unique3A_326 : memref<256xi32, #tpu.memory_space<vmem>>[vector<16xi32>], vector<16xi32>, vector<16xi1>
      %scan3A_336 = arith.constant 0 : i32
      scf.yield %scan3A_336 : i32
    }
    %scan3A_226 = arith.constant 384 : i32
    %scan3A_227 = arith.constant 0 : i32
    %scan3A_228 = arith.constant 0 : i32
    %scan3A_229 = arith.constant 16 : i32
    %scan3A_230 = arith.addi %scan3A_228, %scan3A_229 : i32
    %scan3A_231 = arith.constant 1 : i32
    %scan3A_232 = scf.for %scan3A_244 = %scan3A_228 to %scan3A_230 step %scan3A_231 iter_args(%scan3A_245 = %scan3A_227) -> (i32)  : i32 {
      %mul3A_246 = arith.constant 16 : i32
      %mul3A_247 = arith.muli %scan3A_244, %mul3A_246 : i32
      %get3A = arith.index_cast %mul3A_247 : i32 to index
      %get3A_248 = tpu.vector_load %arg17[%get3A] {strides = array<i32>} : memref<256xi32, #tpu.memory_space<vmem>>, vector<16xi32>,
      %broadcast_in_dim3A_249 = arith.constant true
      %broadcast_in_dim3A_250 = vector.broadcast %broadcast_in_dim3A_249 : i1 to vector<16xi1>
      %masked_cumsum3A = tpu.scan <sum>, %get3A_248 masked %broadcast_in_dim3A_250 : vector<16xi32>, vector<16xi1> -> vector<16xi32>
      %sub3A = arith.subi %masked_cumsum3A, %get3A_248 : vector<16xi32>
      %add3A_251 = vector.broadcast %scan3A_245 : i32 to vector<16xi32>
      %add3A_252 = arith.addi %sub3A, %add3A_251 : vector<16xi32>
      %swap3A = arith.index_cast %mul3A_247 : i32 to index
      %swap3A_253 = tpu.vector_load %arg18[%swap3A] {strides = array<i32>} : memref<256xi32, #tpu.memory_space<vmem>>, vector<16xi32>,
      tpu.vector_store %arg18[%swap3A], %add3A_252 {strides = array<i32>} : memref<256xi32, #tpu.memory_space<vmem>>, vector<16xi32>,
      %reduce_max3A = arith.constant true
      %reduce_max3A_254 = vector.broadcast %reduce_max3A : i1 to vector<16xi1>
      %reduce_max3A_255 = arith.constant -2147483648 : i32
      %reduce_max3A_256 = vector.broadcast %reduce_max3A_255 : i32 to vector<16xi32>
      %reduce_max3A_257 = arith.xori %masked_cumsum3A, %reduce_max3A_256 : vector<16xi32>
      %reduce_max3A_258 = tpu.scan <max>, %reduce_max3A_257 masked %reduce_max3A_254 : vector<16xi32>, vector<16xi1> -> vector<16xi32>
      %reduce_max3A_259 = arith.xori %reduce_max3A_258, %reduce_max3A_256 : vector<16xi32>
      %reduce_max3A_260 = vector.extract %reduce_max3A_259[15] : i32 from vector<16xi32>
      %add3A_261 = arith.addi %scan3A_245, %reduce_max3A_260 : i32
      scf.yield %add3A_261 : i32
    }
    %scan3A_233 = arith.constant 16 : i32
    %parallel_loop3A_234 = arith.constant 0 : i32
    %parallel_loop3A_235 = arith.constant 384 : i32
    %parallel_loop3A_236 = arith.constant 1 : i32
    scf.for %parallel_loop3A_244 = %parallel_loop3A_234 to %parallel_loop3A_235 step %parallel_loop3A_236  : i32 {
      %parallel_loop3A_245 = arith.constant 16 : i32
      %parallel_loop3A_246 = arith.muli %parallel_loop3A_244, %parallel_loop3A_245 : i32
      %parallel_loop3A_247 = arith.index_cast %parallel_loop3A_246 : i32 to index
      %parallel_loop3A_248 = tpu.vector_load %arg13[%parallel_loop3A_247] {strides = array<i32>} : memref<6144xi32, #tpu.memory_space<vmem>>, vector<16xi32>,
      %parallel_loop3A_249 = arith.constant 24 : i32
      %parallel_loop3A_250 = vector.broadcast %parallel_loop3A_249 : i32 to vector<16xi32>
      %parallel_loop3A_251 = arith.shrui %parallel_loop3A_248, %parallel_loop3A_250 : vector<16xi32>
      %parallel_loop3A_252 = arith.constant 255 : i32
      %parallel_loop3A_253 = vector.broadcast %parallel_loop3A_252 : i32 to vector<16xi32>
      %parallel_loop3A_254 = arith.andi %parallel_loop3A_251, %parallel_loop3A_253 : vector<16xi32>
      %parallel_loop3A_255 = tpu.vector_load_idx %arg18[%parallel_loop3A_254] : memref<256xi32, #tpu.memory_space<vmem>>[vector<16xi32>], vector<16xi32>,
      %parallel_loop3A_256 = arith.index_cast %parallel_loop3A_246 : i32 to index
      %parallel_loop3A_257 = tpu.vector_load %arg16[%parallel_loop3A_256] {strides = array<i32>} : memref<6144xi32, #tpu.memory_space<vmem>>, vector<16xi32>,
      %parallel_loop3A_258 = arith.addi %parallel_loop3A_255, %parallel_loop3A_257 : vector<16xi32>
      tpu.vector_store_idx %arg12[%parallel_loop3A_258], %parallel_loop3A_248 : memref<6144xi32, #tpu.memory_space<vmem>>[vector<16xi32>], vector<16xi32>,
      %parallel_loop3A_259 = arith.index_cast %parallel_loop3A_246 : i32 to index
      %parallel_loop3A_260 = tpu.vector_load %arg15[%parallel_loop3A_259] {strides = array<i32>} : memref<6144xi32, #tpu.memory_space<vmem>>, vector<16xi32>,
      tpu.vector_store_idx %arg14[%parallel_loop3A_258], %parallel_loop3A_260 : memref<6144xi32, #tpu.memory_space<vmem>>[vector<16xi32>], vector<16xi32>,
    } {sc.loop_unroll_factor = 4 : i64, sc.parallel_access}
    %parallel_loop3A_237 = arith.constant 0 : i32
    %parallel_loop3A_238 = arith.constant 96 : i32
    %parallel_loop3A_239 = arith.constant 1 : i32
    scf.for %parallel_loop3A_244 = %parallel_loop3A_237 to %parallel_loop3A_238 step %parallel_loop3A_239  : i32 {
      %parallel_loop3A_245 = arith.constant 16 : i32
      %parallel_loop3A_246 = arith.muli %parallel_loop3A_244, %parallel_loop3A_245 : i32
      %parallel_loop3A_247 = arith.index_cast %parallel_loop3A_246 : i32 to index
      %parallel_loop3A_248 = tpu.vector_load %arg14[%parallel_loop3A_247] {strides = array<i32>} : memref<6144xi32, #tpu.memory_space<vmem>>, vector<16xi32>,
      %parallel_loop3A_249 = tpu.vector_load_idx %arg10[%parallel_loop3A_248] : memref<6144xf32, #tpu.memory_space<vmem>>[vector<16xi32>], vector<16xf32>,
      %parallel_loop3A_250 = arith.index_cast %parallel_loop3A_246 : i32 to index
      %parallel_loop3A_251 = tpu.vector_load %arg19[%parallel_loop3A_250] {strides = array<i32>} : memref<1536xf32, #tpu.memory_space<vmem>>, vector<16xf32>,
      tpu.vector_store %arg19[%parallel_loop3A_250], %parallel_loop3A_249 {strides = array<i32>} : memref<1536xf32, #tpu.memory_space<vmem>>, vector<16xf32>,
      %parallel_loop3A_252 = tpu.vector_load_idx %arg11[%parallel_loop3A_248] : memref<6144xf32, #tpu.memory_space<vmem>>[vector<16xi32>], vector<16xf32>,
      %parallel_loop3A_253 = arith.index_cast %parallel_loop3A_246 : i32 to index
      %parallel_loop3A_254 = tpu.vector_load %arg20[%parallel_loop3A_253] {strides = array<i32>} : memref<1536xf32, #tpu.memory_space<vmem>>, vector<16xf32>,
      tpu.vector_store %arg20[%parallel_loop3A_253], %parallel_loop3A_252 {strides = array<i32>} : memref<1536xf32, #tpu.memory_space<vmem>>, vector<16xf32>,
    } {sc.loop_unroll_factor = 4 : i64, sc.parallel_access}
    %mul3A_240 = arith.constant 1536 : i32
    %mul3A_241 = arith.muli %add3A_130, %mul3A_240 : i32
    "tpu.region"() ({
      %run_scoped3A = tpu.sem_alloc : memref<!tpu.dma_semaphore, #tpu.memory_space<semaphore_mem>>
      %dma_start3A_244 = tpu.memref_slice %arg6[%mul3A_241] : memref<98304xf32, #tpu.memory_space<hbm>> -> memref<1536xf32, #tpu.memory_space<hbm>>
      %dma_start3A_245 = tpu.memref_slice %arg6[%mul3A_241] : memref<98304xf32, #tpu.memory_space<hbm>> -> memref<1536xf32, #tpu.memory_space<hbm>>
      tpu.enqueue_dma source(%arg19 : memref<1536xf32, #tpu.memory_space<vmem>>) target(%dma_start3A_245 : memref<1536xf32, #tpu.memory_space<hbm>>) target_semaphore(%run_scoped3A : memref<!tpu.dma_semaphore, #tpu.memory_space<semaphore_mem>>)
      %dma_wait3A_246 = tpu.memref_slice %arg6[%mul3A_241] : memref<98304xf32, #tpu.memory_space<hbm>> -> memref<1536xf32, #tpu.memory_space<hbm>>
      %dma_wait3A_247 = tpu.memref_slice %arg6[%mul3A_241] : memref<98304xf32, #tpu.memory_space<hbm>> -> memref<1536xf32, #tpu.memory_space<hbm>>
      tpu.wait_dma2 semaphore(%run_scoped3A : memref<!tpu.dma_semaphore, #tpu.memory_space<semaphore_mem>>) src(%arg19 : memref<1536xf32, #tpu.memory_space<vmem>>) dst(%dma_wait3A_247 : memref<1536xf32, #tpu.memory_space<hbm>>)
      tpu.yield
    }) : () -> ()
    %mul3A_242 = arith.constant 1536 : i32
    %mul3A_243 = arith.muli %add3A_130, %mul3A_242 : i32
    "tpu.region"() ({
      %run_scoped3A = tpu.sem_alloc : memref<!tpu.dma_semaphore, #tpu.memory_space<semaphore_mem>>
      %dma_start3A_244 = tpu.memref_slice %arg7[%mul3A_243] : memref<98304xf32, #tpu.memory_space<hbm>> -> memref<1536xf32, #tpu.memory_space<hbm>>
      %dma_start3A_245 = tpu.memref_slice %arg7[%mul3A_243] : memref<98304xf32, #tpu.memory_space<hbm>> -> memref<1536xf32, #tpu.memory_space<hbm>>
      tpu.enqueue_dma source(%arg20 : memref<1536xf32, #tpu.memory_space<vmem>>) target(%dma_start3A_245 : memref<1536xf32, #tpu.memory_space<hbm>>) target_semaphore(%run_scoped3A : memref<!tpu.dma_semaphore, #tpu.memory_space<semaphore_mem>>)
      %dma_wait3A_246 = tpu.memref_slice %arg7[%mul3A_243] : memref<98304xf32, #tpu.memory_space<hbm>> -> memref<1536xf32, #tpu.memory_space<hbm>>
      %dma_wait3A_247 = tpu.memref_slice %arg7[%mul3A_243] : memref<98304xf32, #tpu.memory_space<hbm>> -> memref<1536xf32, #tpu.memory_space<hbm>>
      tpu.wait_dma2 semaphore(%run_scoped3A : memref<!tpu.dma_semaphore, #tpu.memory_space<semaphore_mem>>) src(%arg20 : memref<1536xf32, #tpu.memory_space<vmem>>) dst(%dma_wait3A_247 : memref<1536xf32, #tpu.memory_space<hbm>>)
      tpu.yield
    }) : () -> ()
    return
  }
}

</mosaic_0001>

<sc_bundles>
// kernel: kernel.3.cloned.1.call-start
scs
__scs_entry_jumppad:
0x0: {  	(pc) =	sbr.rel $0x88, $3  }
0x1: {  	(tag) =	ssettag $0x0;
	lr =	simm.s32 $0x1  }
0x2: {  	[smem:$0x3F9F] =	sst lr;
	_ =	strace $0xD0000000  }
0x3: {  	_ = 	snop  }
0x4: {  	_ = 	snop  }
0x5: {  	_ = 	snop  }
0x6: {  	_ = 	snop  }
0x7: {  	_ = 	snop  }
__scs_overlays_trampoline_lowered:
0x8: {  	[smem:$0x3FAE] =	sst s0  }
0x9: {  	[smem:$0x3FAF] =	sst s1  }
0xa: {  	[smem:$0x3FB0] =	sst s2  }
0xb: {  	[smem:$0x3FB1] =	sst s3  }
0xc: {  	[smem:$0x3FB2] =	sst s4  }
0xd: {  	[smem:$0x3FB3] =	sst s5  }
0xe: {  	[smem:$0x3FB4] =	sst s6  }
0xf: {  	[smem:$0x3FB5] =	sst s7  }
0x10: {  	[smem:$0x3FB6] =	sst s8  }
0x11: {  	[smem:$0x3FB7] =	sst s9;
	s0 =	simm.s32 @!p0 $0x0  }
0x12: {  	s1 =	sld [smem:$0x3F9D];
	s0 =	simm.s32 @p0 $0x1  }
0x13: {  	[smem:$0x3FB8] =	sst s0;
	s0 =	simm.s32 @!p1 $0x0  }
0x14: {  	s2 =	sld [smem:$0x3F9C];
	s0 =	simm.s32 @p1 $0x1  }
0x15: {  	[smem:$0x3FB9] =	sst s0;
	s0 =	simm.s32 @!p2 $0x0  }
0x16: {  	s3 =	sld [smem:$0x3FDB];
	s0 =	simm.s32 @p2 $0x1  }
0x17: {  	s4 =	simm.s32 $0x1BF5;
	[smem:$0x3FBB] =	sst s0  }
0x18: {  	s0 =	sld [smem:$0x3F9E];
	_ =	swait.ge [sflag:s4], $0x0  }
0x19: {  	s7 =	sld [smem:$0x3F9F]  }
0x1a: {  	s8 =	sadd.s32 $0xFFFFE003, lr  }
0x1b: {  	s9 =	sadd.s32 $0xFFFFFEF7, lr;
	s5 =	simm.s32 $0xFFFFFFFF;
	p2 =	slt.u32 s8, $0xFFFFF086  }
0x1c: {  	p1 =	slt.u32 s9, $0xF7A;
	s5 =	simm.s32 @!p2 $0x0  }
0x1d: {  	s5 =	simm.s32 @p1 $0x1;
	p0 =	seq.s32 s7, s2  }
0x1e: {  	s7 =	smul.u32 @!p0 $0xF7A, s2;
	p2 =	seq.s32 @!p0 s5, $0x0  }
0x1f: {  	s9 =	smul.u32 $0xF7A, s1;
	s8 =	simm.s32 @!p0 $0x1BF5;
	p2 =	por !p2, p0  }
0x20: {  	[sflag:s8] =	ssyncset.s32 @!p0 $0xFFFFF086;
	s6 =	sadd.s32 @!p0 s3, s7;
	s7 =	simm.s32 @!p0 $0x108  }
0x21: {  	s3 =	sadd.s32 s3, s9;
	s6 =	sadd.s32 @!p0 $0x88, s6;
	s7 =	simm.s32 @p2 $0x1082  }
0x22: {  	[simem:s7], [sflag:s8] =	dma.local @!p0 [hbm:s6], $0xF7A  }
0x23: {  	s9 =	sor.u32 $0xD0000000, s2;
	s6 =	simm.s32 $0x108;
	_ =	swait.ge @!p0 [sflag:s8], $0x0  }
0x24: {  	s3 =	sadd.s32 $0x88, s3;
	s6 =	simm.s32 @!p1 $0x1082;
	[sflag:s4] =	ssyncset.s32 $0xFFFFF086  }
0x25: {  	[simem:s6], [sflag:s4] =	dma.local [hbm:s3], $0xF7A  }
0x26: {  	[smem:$0x3F9F] =	sst s1;
	(tag) =	ssettag s2;
	_ =	strace s9  }
0x27: {  	s1 =	sld [smem:$0x3FAF]  }
0x28: {  	s2 =	sld [smem:$0x3FB0]  }
0x29: {  	s4 =	sld [smem:$0x3FB2]  }
0x2a: {  	p0 =	seq.s32 s5, $0x0;
	s5 =	sld [smem:$0x3FB3]  }
0x2b: {  	s6 =	sld [smem:$0x3FB4]  }
0x2c: {  	s7 =	sld [smem:$0x3FB5]  }
0x2d: {  	s3 =	simm.s32 $0x108;
	s8 =	sld [smem:$0x3FB6]  }
0x2e: {  	s3 =	simm.s32 @!p0 $0x1082;
	s9 =	sld [smem:$0x3FB7]  }
0x2f: {  	lr =	sadd.s32 s0, s3;
	s0 =	sld [smem:$0x3FAE]  }
0x30: {  	s3 =	sld [smem:$0x3FB1]  }
0x31: {  	[smem:$0x3FBA] =	sst s10  }
0x32: {  	s10 =	sld [smem:$0x3FB8];
	_ =	sdelay $0x3  }
0x33: {  	p0 =	seq.s32 s10, $0x1;
	s10 =	sld [smem:$0x3FBA];
	_ =	sdelay $0x3  }
0x34: {  	[smem:$0x3FBA] =	sst s10  }
0x35: {  	s10 =	sld [smem:$0x3FB9];
	_ =	sdelay $0x3  }
0x36: {  	p1 =	seq.s32 s10, $0x1;
	s10 =	sld [smem:$0x3FBA];
	_ =	sdelay $0x3  }
0x37: {  	[smem:$0x3FBA] =	sst s10  }
0x38: {  	s10 =	sld [smem:$0x3FBB]  }
0x39: {  	_ = 	snop;
	(pc) =	sbr.ind lr, $3  }
0x3a: {  	_ = 	snop  }
0x3b: {  	_ = 	snop  }
0x3c: {  	p2 =	seq.s32 s10, $0x1;
	s10 =	sld [smem:$0x3FBA]  }
0x3d: {  	_ =	shalt  }
0x3e: {  	_ =	shalt  }
0x3f: {  	_ =	shalt  }
0x40: {  	_ =	shalt  }
0x41: {  	_ =	shalt  }
0x42: {  	_ =	shalt  }
0x43: {  	_ =	shalt  }
0x44: {  	_ =	shalt  }
0x45: {  	_ =	shalt  }
0x46: {  	_ =	shalt  }
0x47: {  	_ =	shalt  }
0x48: {  	_ =	shalt  }
0x49: {  	_ =	shalt  }
0x4a: {  	_ =	shalt  }
0x4b: {  	_ =	shalt  }
0x4c: {  	_ =	shalt  }
0x4d: {  	_ =	shalt  }
0x4e: {  	_ =	shalt  }
0x4f: {  	_ =	shalt  }
0x50: {  	_ =	shalt  }
0x51: {  	_ =	shalt  }
0x52: {  	_ =	shalt  }
0x53: {  	_ =	shalt  }
0x54: {  	_ =	shalt  }
0x55: {  	_ =	shalt  }
0x56: {  	_ =	shalt  }
0x57: {  	_ =	shalt  }
0x58: {  	_ =	shalt  }
0x59: {  	_ =	shalt  }
0x5a: {  	_ =	shalt  }
0x5b: {  	_ =	shalt  }
0x5c: {  	_ =	shalt  }
0x5d: {  	_ =	shalt  }
0x5e: {  	_ =	shalt  }
0x5f: {  	_ =	shalt  }
0x60: {  	_ =	shalt  }
0x61: {  	_ =	shalt  }
0x62: {  	_ =	shalt  }
0x63: {  	_ =	shalt  }
0x64: {  	_ =	shalt  }
0x65: {  	_ =	shalt  }
0x66: {  	_ =	shalt  }
0x67: {  	_ =	shalt  }
0x68: {  	_ =	shalt  }
0x69: {  	_ =	shalt  }
0x6a: {  	_ =	shalt  }
0x6b: {  	_ =	shalt  }
0x6c: {  	_ =	shalt  }
0x6d: {  	_ =	shalt  }
0x6e: {  	_ =	shalt  }
0x6f: {  	_ =	shalt  }
0x70: {  	_ =	shalt  }
0x71: {  	_ =	shalt  }
0x72: {  	_ =	shalt  }
0x73: {  	_ =	shalt  }
0x74: {  	_ =	shalt  }
0x75: {  	_ =	shalt  }
0x76: {  	_ =	shalt  }
0x77: {  	_ =	shalt  }
0x78: {  	_ =	shalt  }
0x79: {  	_ =	shalt  }
0x7a: {  	_ =	shalt  }
0x7b: {  	_ =	shalt  }
0x7c: {  	_ =	shalt  }
0x7d: {  	_ =	shalt  }
0x7e: {  	_ =	shalt  }
0x7f: {  	_ =	shalt  }
0x80: {  	_ =	shalt  }
0x81: {  	_ =	shalt  }
0x82: {  	_ =	shalt  }
0x83: {  	_ =	shalt  }
0x84: {  	_ =	shalt  }
0x85: {  	_ =	shalt  }
0x86: {  	_ =	shalt  }
0x87: {  	_ =	shalt  }
.Lfunc_end0:
.L_simem_size_0:
called_computation.1_lowered:
.L_overlay_start_0:
0x88: {  	s2 =	sld [smem:$0x3FD9]  }
0x89: {  	s3 =	sld [smem:$0x3FFE];
	_ =	sdelay $0x1  }
0x8a: {  	s1 =	srdreg.scid  }
0x8b: {  	s0 =	sand.u32 $0x1, s1  }
0x8c: {  	s17 =	sshll.u32 s0, $0xA;
	s2 =	sadd.s32 s3, s2  }
0x8d: {  	s2 =	sadd.s32 s2, s17  }
0x8e: {  	[smem:$0x3FC6] =	sst s2  }
0x8f: {  	_ = 	snop  }
0x90: {  	s2 =	sld [smem:$0x3FD0];
	(tm) =	ssettm $0x1  }
0x91: {  	s18 =	sld [smem:$0x3FFB];
	_ =	sdelay $0x3  }
0x92: {  	_ =	strace s18  }
0x93: {  	s3 =	sld [smem:$0x3FFC];
	_ =	sdelay $0x3  }
0x94: {  	_ =	strace s3  }
0x95: {  	s3 =	sld [smem:$0x3FFD];
	_ =	sdelay $0x3  }
0x96: {  	_ =	strace s3  }
0x97: {  	_ =	strace $0x8FFFFFFF  }
0x98: {  	s19 =	sld [smem:$0x3FDB];
	_ =	sdelay $0x1  }
0x99: {  	s4 =	simm.s32 $_scs_section_size  }
0x9a: {  	s5 =	simm.s32 $_size__tile_overlayer_lowered;
	s6 =	simm.s32 $_tile_overlayer_lowered  }
0x9b: {  	s22 =	simm.s32 $0x1BFF;
	s21 =	sshll.u32 s6, $0x1;
	s3 =	sadd.s32 s4, s19  }
0x9c: {  	s7 =	simm.s32 $0x0;
	s20 =	sshll.u32 s5, $0x1;
	s5 =	sadd.s32 s21, s3  }
0x9d: {  	[timem:s7], [sflag:s22] =	dma.local [hbm:s5], s20  }
0x9e: {  	_ =	swait.ge [sflag:s22], s20  }
0x9f: {  	s4 =	ssub.s32 $0x0, s20;
	[sflag:s22] =	ssyncset.done $0x0  }
0xa0: {  	[sflag:s22] =	ssyncadd.s32 s4;
	_ =	sdelay $0x1  }
0xa1: {  	s23 =	simm.s32 $0x1B8B  }
0xa2: {  	_ =	swait.ge [sflag:s23], $0x1  }
0xa3: {  	[sflag:s23] =	ssyncset.done $0x0  }
0xa4: {  	s25 =	simm.s32 $0x1B8E;
	s24 =	sld [smem:$0x3FFE];
	[sflag:s23] =	ssyncadd.s32 $0xFFFFFFFF  }
0xa5: {  	s26 =	simm.s32 $execute0_lowered;
	[smem:$0x3FD2] =	sst s25  }
0xa6: {  	s5 =	sshll.u32 s26, $0x1;
	_ =	strace $0x80000049;
	[dreg:$0x1] =	wrdreg $0xFFFFFFFF  }
0xa7: {  	s28 =	simm.s32 $_size_execute0_lowered;
	s3 =	sadd.s32 s3, s5;
	[dreg:$0x0] =	wrdreg $0x0  }
0xa8: {  	s5 =	sshll.u32 s28, $0x1;
	[dreg:$0x2] =	wrdreg s3  }
0xa9: {  	[dreg:$0x3] =	wrdreg s5  }
0xaa: {  	[dreg:$0x4] =	wrdreg $0xC0  }
0xab: {  	_ =	task [dreg:s7], $0x5FFFF  }
0xac: {  	[dreg:$0x1] =	wrdreg $0xFFFFFFFF  }
0xad: {  	[dreg:$0x0] =	wrdreg $0x60  }
0xae: {  	[dreg:$0x2] =	wrdreg s24  }
0xaf: {  	[dreg:$0x3] =	wrdreg s2  }
0xb0: {  	[dreg:$0x4] =	wrdreg $0x9  }
0xb1: {  	_ =	task.clear_ibuf [dreg:s7], $0x5FFFF;
	_ =	strace $0x90000049  }
0xb2: {  	s29 =	simm.s32 $0x9;
	_ =	strace $0x8000004B  }
0xb3: {  	_ =	swait.ge [sflag:s29], $0x1  }
0xb4: {  	[sflag:s29] =	ssyncadd.s32 $0xFFFFFFFF  }
0xb5: {  	_ =	strace $0x9000004B  }
0xb6: {  	_ =	sfence  }
0xb7: {  	s30 =	sld [smem:$0x0];
	_ =	sdelay $0x2  }
0xb8: {  	s31 =	sshll.u32 s1, $0xD;
	s1 =	sshrl.u32 s1, $0x2  }
0xb9: {  	s3 =	sand.u32 $0x4000, s31;
	s1 =	sadd.s32 s1, s30  }
0xba: {  	s0 =	sor.u32 s3, s0;
	s1 =	sshll.u32 s1, $0x11  }
0xbb: {  	s0 =	sor.u32 s1, s0  }
0xbc: {  	s0 =	sadd.s32 $0x8F2B, s0  }
0xbd: {  	[sflag:s0] =	ssyncadd.remote.s32 $0x1  }
0xbe: {  	_ =	sfence.sel $0xFFFF  }
0xbf: {  	[dreg:$0x0] =	wrdreg $0xFFFFFFFF;
	(pc) =	sbr.abs _section_cstart, $3  }
0xc0: {  	[dreg:$0x1] =	wrdreg $0xFFFFFFFF  }
0xc1: {  	_ =	task.clear_ibuf [dreg:s7], $0x2FFFF;
	_ =	strace $0x9FFFFFFF  }
0xc2: {  	(tm) =	ssettm $0x7FFFFFFF  }
0xc3: {  	_ =	shalt  }
tec
execute0_lowered:
.L_overlay_start_1:
0x0: {  	(tag) =	ssettag $0x1  }
0x1: {  	s0 =	rddreg [dreg:$0x0]  }
0x2: {  	s2 =	rddreg [dreg:$0x1];
	s1 =	simm.s32 $0x0  }
0x3: {  	s4 =	srdreg.scid;
	s8 =	stileid.u32;
	s18 =	simm.s32 $0x2  }
0x4: {  	s28 =	simm.s32 $0x6880;
	s29 =	simm.s32 $0x9880;
	s30 =	simm.s32 $0x5080  }
0x5: {  	s31 =	simm.s32 $0x8080;
	[smem:$0x7FF] =	sst s1;
	s3 =	sadd.s32 $0x51A000, s0  }
0x6: {  	s19 =	sadd.s32 $0x502000, s0;
	s5 =	sadd.s32 $0x50E000, s0;
	s4 =	sand.u32 $0x1, s4  }
0x7: {  	s6 =	sadd.s32 $0x1A00, s0;
	s8 =	sshll.u32 s8, $0x1;
	s15 =	sadd.s32 $0x4A00, s0  }
0x8: {  	s20 =	sadd.s32 $0x51A400, s0;
	_ =	strace $0x8000004A;
	[dreg:$0x3] =	wrdreg s3  }
0x9: {  	v0 =	vimm.f32 $2.000000000e+00;
	s22 =	sadd.s32 $0x51A800, s0;
	s0 =	sadd.s32 $0x51AC00, s0;
	[dreg:$0x4] =	wrdreg s20  }
0xa: {  	s7 =	ssub.s32 $0x2, s4;
	s4 =	sor.u32 s4, s8;
	[dreg:$0x5] =	wrdreg s22;
	(erf) = vrcp.f32 v0  }
0xb: {  	s17 =	simm.s32 $0x0;
	[dreg:$0x7] =	wrdreg s0;
	s21 =	smul.u32 $0x600, s4  }
0xc: {  	s22 =	simm.s32 $0x1;
	s11 =	smul.u32 $0x180, s4;
	s10 =	sshllo.u32 s4, $0x1  }
0xd: {  	s9 =	sshrl.u32 s7, $0x1;
	s2 =	sadd.s32 s2, s4;
	s23 =	smul.u32 $0x300, s10  }
0xe: {  	s7 =	ssub.s32 s7, s9;
	[dreg:$0x6] =	wrdreg s2;
	s26 =	smul.u32 $0xC0, s10  }
0xf: {  	s24 =	sadd.s32 s19, s21;
	s25 =	sadd.s32 s5, s21;
	s10 =	sadd.s32 s6, s11  }
0x10: {  	s11 =	sadd.s32 s15, s11;
	s16 =	smax.u32 s7, $0x1;
	[dreg:$0x8] =	wrdreg s24  }
0x11: {  	v0 =	vlaneseq.u32;
	[dreg:$0x9] =	wrdreg s25;
	s12 =	sadd.s32 s19, s23;
	s13 =	sadd.s32 s5, s23  }
0x12: {  	vm0 =	vmmov $0xffff;
	v4 =	vimm.f32 $0.0e+00;
	v2 =	vshrl.u32 v0, $0x1;
	s14 =	sadd.s32 s6, s26;
	s15 =	sadd.s32 s15, s26;
	s23 =	simm.s32 $0x2080  }
0x13: {  	v5 =	vimm.s32 $0x0;
	v1 =	vand.u32 $0x1, v0;
	v2 =	vmul.u32 $0x8, v2;
	s24 =	simm.s32 $0x3880;
	s25 =	simm.s32 $0xC880;
	s26 =	simm.s32 $0xC980;
	v3 =	vpop (erf)  }
.LBB2_1:
0x14: {  	s0 =	rddreg [dreg:$0x6];
	s2 =	simm.s32 $0x2000  }
0x15: {  	[tilespmem:s2], [sflag:$0x2] =	stream.linear.gather [hbm4b:s0+s1], $0x8, $0x38;
	[tilespmem:$0xD680] =	vst v63  }
0x16: {  	_ =	swait.ge [sflag:s18], $0x8  }
0x17: {  	[sflag:s18] =	ssyncset.done $0x0  }
0x18: {  	[sflag:s18] =	ssyncadd.s32 $0xFFFFFFF8  }
0x19: {  	v6 =	vld.msk [tilespmem:$0x2000], $0x3;
	_ =	sdelay $0x4  }
0x1a: {  	v7 =	vshll.u32 v6, $0x5  }
0x1b: {  	v6 =	vand.u32 $0x7, v6;
	v7 =	vand.u32 $0xFFFFFF00, v7  }
0x1c: {  	v6 =	vor.u32 v6, v7  }
0x1d: {  	v6 =	vperm.xlane v6, v1;
	_ =	sdelay $0x1  }
0x1e: {  	v6 =	vadd.s32 v2, v6;
	_ =	sdelay $0x3  }
0x1f: {  	s3 =	rddreg [dreg:$0x3]  }
0x20: {  	[tilespmem:s1], [sflag:$0x1] =	stream.indirect_vreg.gather [hbm4b:s3+s1], $0x80, v6, vm0, $0xb8;
	[tilespmem:$0xD680] =	vst v63  }
0x21: {  	s5 =	simm.s32 $0x800;
	s4 =	rddreg [dreg:$0x4]  }
0x22: {  	[tilespmem:s5], [sflag:$0x1] =	stream.indirect_vreg.gather [hbm4b:s4+s1], $0x80, v6, vm0, $0xb8;
	[tilespmem:$0xD680] =	vst v63  }
0x23: {  	s7 =	simm.s32 $0x1000;
	s6 =	rddreg [dreg:$0x5]  }
0x24: {  	[tilespmem:s7], [sflag:$0x1] =	stream.indirect_vreg.gather [hbm4b:s6+s1], $0x80, v6, vm0, $0xb8;
	[tilespmem:$0xD680] =	vst v63  }
0x25: {  	s9 =	simm.s32 $0x1800;
	s8 =	rddreg [dreg:$0x7]  }
0x26: {  	[tilespmem:s9], [sflag:$0x1] =	stream.indirect_vreg.gather [hbm4b:s8+s1], $0x80, v6, vm0, $0xb8;
	[tilespmem:$0xD680] =	vst v63  }
0x27: {  	_ =	swait.ge [sflag:s22], $0x2000  }
0x28: {  	[sflag:s22] =	ssyncset.done $0x0  }
0x29: {  	s19 =	rddreg [dreg:$0x8];
	[sflag:s22] =	ssyncadd.s32 $0xFFFFE000  }
0x2a: {  	[tilespmem:s23], [sflag:$0x2] =	stream.linear.gather [hbm4b:s19+s1], $0x1800, $0x38;
	[tilespmem:$0xD680] =	vst v63  }
0x2b: {  	_ =	swait.ge [sflag:s18], $0x1800  }
0x2c: {  	[sflag:s18] =	ssyncset.done $0x0  }
0x2d: {  	s20 =	rddreg [dreg:$0x9];
	[sflag:s18] =	ssyncadd.s32 $0xFFFFE800  }
0x2e: {  	[tilespmem:s24], [sflag:$0x2] =	stream.linear.gather [hbm4b:s20+s1], $0x1800, $0x38;
	[tilespmem:$0xD680] =	vst v63  }
0x2f: {  	_ =	swait.ge [sflag:s18], $0x1800  }
0x30: {  	[sflag:s18] =	ssyncset.done $0x0  }
0x31: {  	s21 =	simm.s32 $0x38A0;
	[sflag:s18] =	ssyncadd.s32 $0xFFFFE800  }
0x32: {  	s19 =	simm.s32 $0x20A0;
	v6 =	vld [tilespmem:s21+$0x10]  }
0x33: {  	v7 =	vld [tilespmem:s19+$0x10]  }
0x34: {  	v8 =	vld [tilespmem:s19+$0xFFFFFFF0]  }
0x35: {  	v9 =	vld [tilespmem:s19+$0x0]  }
0x36: {  	v10 =	vld [tilespmem:s19+$0xFFFFFFE0]  }
0x37: {  	v11 =	vld [tilespmem:s21+$0xFFFFFFE0]  }
0x38: {  	v12 =	vld [tilespmem:s21+$0xFFFFFFF0]  }
0x39: {  	v13 =	vld [tilespmem:s21+$0x0];
	v6 =	vadd.f32 v6, v6  }
0x3a: {  	v7 =	vadd.f32 v7, v7;
	v8 =	vadd.f32 v8, v8  }
0x3b: {  	v10 =	vadd.f32 v10, v10;
	v9 =	vadd.f32 v9, v9  }
0x3c: {  	v11 =	vadd.f32 v11, v11;
	v6 =	vadd.f32 $-1.000000000e+00, v6  }
0x3d: {  	v12 =	vadd.f32 v12, v12;
	v7 =	vadd.f32 $-1.000000000e+00, v7  }
0x3e: {  	v13 =	vadd.f32 v13, v13;
	v6 =	vadd.f32 $1.000000000e+00, v6  }
0x3f: {  	v10 =	vadd.f32 $-1.000000000e+00, v10;
	v7 =	vadd.f32 $1.000000000e+00, v7  }
0x40: {  	v8 =	vadd.f32 $-1.000000000e+00, v8;
	v9 =	vadd.f32 $-1.000000000e+00, v9;
	v6 =	vmul.f32 $6.400000000e+01, v6  }
0x41: {  	v11 =	vadd.f32 $-1.000000000e+00, v11;
	v12 =	vadd.f32 $-1.000000000e+00, v12;
	v7 =	vmul.f32 $6.400000000e+01, v7  }
0x42: {  	v10 =	vadd.f32 $1.000000000e+00, v10;
	v6 =	vadd.f32 $-1.000000000e+00, v6  }
0x43: {  	v8 =	vadd.f32 $1.000000000e+00, v8;
	v7 =	vadd.f32 $-1.000000000e+00, v7  }
0x44: {  	v11 =	vadd.f32 $1.000000000e+00, v11;
	v10 =	vmul.f32 $6.400000000e+01, v10;
	v6 =	vmul.f32 v6, v3  }
0x45: {  	v13 =	vadd.f32 $-1.000000000e+00, v13;
	v8 =	vmul.f32 $6.400000000e+01, v8;
	v7 =	vmul.f32 v7, v3  }
0x46: {  	v9 =	vadd.f32 $1.000000000e+00, v9;
	v11 =	vmul.f32 $6.400000000e+01, v11;
	v14 =	vtrunc.f32 v6  }
0x47: {  	v12 =	vadd.f32 $1.000000000e+00, v12;
	v15 =	vtrunc.f32 v7;
	v14 =	vcvt.f32.s32 v14  }
0x48: {  	v13 =	vadd.f32 $1.000000000e+00, v13;
	v9 =	vmul.f32 $6.400000000e+01, v9;
	v15 =	vcvt.f32.s32 v15  }
0x49: {  	v12 =	vmul.f32 $6.400000000e+01, v12;
	v11 =	vadd.f32 $-1.000000000e+00, v11;
	v14 =	vcvt.s32.f32 v14  }
0x4a: {  	v13 =	vmul.f32 $6.400000000e+01, v13;
	vm1 =	vlt.f32 v6, $0.0e+00;
	v15 =	vcvt.s32.f32 v15  }
0x4b: {  	v11 =	vmul.f32 v11, v3;
	vm2 =	vlt.f32 v7, $0.0e+00;
	v14 =	vsel vm1, $0xBF800000, v14  }
0x4c: {  	v15 =	vsel vm2, $0xBF800000, v15;
	v16 =	vadd.f32 $1.000000000e+00, v14;
	v17 =	vtrunc.f32 v14  }
0x4d: {  	v18 =	vadd.f32 $1.000000000e+00, v15;
	v19 =	vtrunc.f32 v15;
	v17 =	vcvt.f32.s32 v17  }
0x4e: {  	v13 =	vadd.f32 $-1.000000000e+00, v13;
	v19 =	vcvt.f32.s32 v19;
	v20 =	vtrunc.f32 v16  }
0x4f: {  	v21 =	vtrunc.f32 v18;
	vm1 =	vgt.s32 v17, $0x0;
	v20 =	vcvt.f32.s32 v20  }
0x50: {  	vm2 =	vgt.s32 v19, $0x0;
	v21 =	vcvt.f32.s32 v21;
	v17 =	vnsel vm1, $0x0, v17  }
0x51: {  	v19 =	vnsel vm2, $0x0, v19;
	vm1 =	vlt.s32 v20, $0x3F;
	v17 =	vshll.u32 v17, $0x6  }
0x52: {  	vm2 =	vlt.s32 v21, $0x3F;
	v20 =	vnsel vm1, $0x3F, v20;
	v22 =	vadd.s32 v19, v17  }
0x53: {  	v21 =	vnsel vm2, $0x3F, v21;
	v23 =	vand.u32 $0x7F, v22;
	v22 =	vshll.u32 v22, $0x1  }
0x54: {  	v17 =	vadd.s32 v21, v17;
	v20 =	vshll.u32 v20, $0x6;
	v22 =	vand.u32 $0xFFFFFF00, v22  }
0x55: {  	v24 =	vshll.u32 v17, $0x1;
	v17 =	vand.u32 $0x7F, v17;
	v19 =	vadd.s32 v19, v20  }
0x56: {  	v24 =	vand.u32 $0xFFFFFF00, v24;
	v22 =	vor.u32 v23, v22;
	v23 =	vshll.u32 v19, $0x1  }
0x57: {  	v19 =	vand.u32 $0x7F, v19;
	v17 =	vor.u32 v17, v24;
	v23 =	vand.u32 $0xFFFFFF00, v23  }
0x58: {  	v13 =	vmul.f32 v13, v3;
	v20 =	vadd.s32 v21, v20;
	v19 =	vor.u32 v19, v23  }
0x59: {  	v7 =	vsub.f32 v7, v15;
	v6 =	vsub.f32 v6, v14;
	v21 =	vshll.u32 v20, $0x1  }
0x5a: {  	vm1 =	vge.f32 v15, $0.0e+00;
	v20 =	vand.u32 $0x7F, v20;
	v21 =	vand.u32 $0xFFFFFF00, v21  }
0x5b: {  	v15 =	vor.u32 v20, v21;
	v21 =	vsel vm1, $0x3F800000, v4;
	vm1 =	vge.f32 v14, $0.0e+00;
	v20 =	vld.idx.msk [tilespmem:v22+s1+$0x0], $0xffff  }
0x5c: {  	vm2 =	vle.f32 v18, $6.300000000e+01;
	v14 =	vld.idx.msk [tilespmem:v17+s1+$0x0], $0xffff;
	v17 =	vsel vm1, $0x3F800000, v4;
	vm1 =	vle.f32 v16, $6.300000000e+01  }
0x5d: {  	v18 =	vsub.f32 $1.000000000e+00, v7;
	v16 =	vld.idx.msk [tilespmem:v19+s1+$0x0], $0xffff;
	v19 =	vsel vm2, $0x3F800000, v4;
	v22 =	vsel vm1, $0x3F800000, v4  }
0x5e: {  	v23 =	vsub.f32 $1.000000000e+00, v6;
	v24 =	vmul.f32 v17, v21;
	v25 =	vmul.f32 v22, v19  }
0x5f: {  	v17 =	vmul.f32 v17, v19;
	v19 =	vmul.f32 v22, v21  }
0x60: {  	v10 =	vadd.f32 $-1.000000000e+00, v10;
	v15 =	vld.idx.msk [tilespmem:v15+s1+$0x0], $0xffff;
	v21 =	vmul.f32 v23, v18;
	v22 =	vmul.f32 v23, v7  }
0x61: {  	v8 =	vadd.f32 $-1.000000000e+00, v8;
	v20 =	vmul.f32 v24, v20;
	v14 =	vmul.f32 v17, v14  }
0x62: {  	v17 =	vmul.f32 v6, v18;
	v18 =	vadd.f32 $-1.000000000e+00, v9;
	v9 =	vmul.f32 v10, v3  }
0x63: {  	v6 =	vmul.f32 v6, v7;
	v10 =	vmul.f32 v8, v3  }
0x64: {  	v16 =	vmul.f32 v19, v16;
	v19 =	vmul.f32 v20, v21  }
0x65: {  	v7 =	vadd.f32 $-1.000000000e+00, v12;
	v12 =	vmul.f32 v25, v15;
	v14 =	vmul.f32 v14, v22  }
0x66: {  	vm4 =	vlt.f32 v11, $0.0e+00;
	v8 =	vmul.f32 v18, v3;
	v18 =	vtrunc.f32 v13  }
0x67: {  	vm6 =	vlt.f32 v13, $0.0e+00;
	v15 =	vmul.f32 v16, v17;
	v6 =	vmul.f32 v12, v6  }
0x68: {  	vm1 =	vlt.f32 v9, $0.0e+00;
	v12 =	vmul.f32 v7, v3;
	v7 =	vtrunc.f32 v9  }
0x69: {  	v16 =	vtrunc.f32 v10;
	v18 =	vcvt.f32.s32 v18;
	v14 =	vadd.f32 v14, v19  }
0x6a: {  	vm2 =	vlt.f32 v10, $0.0e+00;
	v7 =	vcvt.f32.s32 v7;
	v16 =	vcvt.f32.s32 v16  }
0x6b: {  	v17 =	vtrunc.f32 v12;
	v14 =	vadd.f32 v15, v14;
	v15 =	vtrunc.f32 v8  }
0x6c: {  	vm3 =	vlt.f32 v8, $0.0e+00;
	v17 =	vcvt.f32.s32 v17;
	v7 =	vcvt.s32.f32 v7  }
0x6d: {  	vm5 =	vlt.f32 v12, $0.0e+00;
	v16 =	vcvt.s32.f32 v16;
	v15 =	vcvt.f32.s32 v15  }
0x6e: {  	v6 =	vadd.f32 v14, v6;
	v14 =	vtrunc.f32 v11;
	v19 =	vsel vm1, $0xBF800000, v7  }
0x6f: {  	v7 =	vcvt.s32.f32 v17;
	v17 =	vcvt.s32.f32 v18;
	v20 =	vsel vm2, $0xBF800000, v16  }
0x70: {  	v14 =	vcvt.f32.s32 v14;
	v15 =	vcvt.s32.f32 v15;
	v18 =	vadd.f32 $1.000000000e+00, v19  }
0x71: {  	v9 =	vsub.f32 v9, v19;
	v10 =	vsub.f32 v10, v20;
	v23 =	vsel vm5, $0xBF800000, v7  }
0x72: {  	v24 =	vsel vm6, $0xBF800000, v17;
	v14 =	vcvt.s32.f32 v14;
	v21 =	vsel vm3, $0xBF800000, v15  }
0x73: {  	v15 =	vadd.f32 $1.000000000e+00, v20;
	v17 =	vadd.f32 $1.000000000e+00, v23;
	v26 =	vtrunc.f32 v23  }
0x74: {  	v27 =	vtrunc.f32 v18;
	v7 =	vadd.f32 $1.000000000e+00, v24;
	v28 =	vtrunc.f32 v24  }
0x75: {  	vm2 =	vle.f32 v18, $6.300000000e+01;
	v12 =	vsub.f32 v12, v23;
	v30 =	vtrunc.f32 v21  }
0x76: {  	v22 =	vadd.f32 $1.000000000e+00, v21;
	v27 =	vcvt.f32.s32 v27;
	v18 =	vtrunc.f32 v15  }
0x77: {  	vm1 =	vle.f32 v15, $6.300000000e+01;
	v15 =	vcvt.f32.s32 v26;
	v26 =	vtrunc.f32 v19  }
0x78: {  	v14 =	vsel vm4, $0xBF800000, v14;
	v32 =	vtrunc.f32 v17;
	v33 =	vtrunc.f32 v7  }
0x79: {  	v30 =	vcvt.f32.s32 v30;
	v43 =	vsub.f32 $1.000000000e+00, v12;
	v25 =	vtrunc.f32 v14  }
0x7a: {  	v29 =	vtrunc.f32 v22;
	vm3 =	vle.f32 v22, $6.300000000e+01;
	v22 =	vcvt.f32.s32 v28  }
0x7b: {  	v16 =	vadd.f32 $1.000000000e+00, v14;
	v28 =	vtrunc.f32 v20;
	v18 =	vcvt.f32.s32 v18  }
0x7c: {  	vm7 =	vlt.s32 v27, $0x3F;
	v26 =	vcvt.f32.s32 v26;
	v32 =	vcvt.f32.s32 v32  }
0x7d: {  	v33 =	vcvt.f32.s32 v33;
	v11 =	vsub.f32 v11, v14;
	vm5 =	vge.f32 v14, $0.0e+00  }
0x7e: {  	v14 =	vsub.f32 v8, v21;
	v25 =	vcvt.f32.s32 v25;
	vm14 =	vgt.s32 v15, $0x0  }
0x7f: {  	v29 =	vcvt.f32.s32 v29;
	v28 =	vcvt.f32.s32 v28;
	v27 =	vnsel vm7, $0x3F, v27  }
0x80: {  	v31 =	vtrunc.f32 v16;
	vm15 =	vgt.s32 v22, $0x0;
	vm8 =	vlt.s32 v18, $0x3F  }
0x81: {  	vm4 =	vgt.s32 v26, $0x0;
	v15 =	vnsel vm14, $0x0, v15;
	vm11 =	vlt.s32 v33, $0x3F  }
0x82: {  	v42 =	vsub.f32 $1.000000000e+00, v11;
	vm13 =	vgt.s32 v25, $0x0;
	v31 =	vcvt.f32.s32 v31  }
0x83: {  	vm9 =	vlt.s32 v29, $0x3F;
	v22 =	vnsel vm15, $0x0, v22;
	vm12 =	vgt.s32 v28, $0x0  }
0x84: {  	v18 =	vnsel vm8, $0x3F, v18;
	vm15 =	vlt.s32 v32, $0x3F;
	v15 =	vshll.u32 v15, $0x6  }
0x85: {  	v26 =	vnsel vm4, $0x0, v26;
	v33 =	vnsel vm11, $0x3F, v33;
	vm4 =	vge.f32 v19, $0.0e+00  }
0x86: {  	v19 =	vsel vm3, $0x3F800000, v4;
	v25 =	vnsel vm13, $0x0, v25;
	vm13 =	vgt.s32 v30, $0x0  }
0x87: {  	v29 =	vnsel vm9, $0x3F, v29;
	v22 =	vshll.u32 v22, $0x6;
	v28 =	vnsel vm12, $0x0, v28  }
0x88: {  	v35 =	vadd.s32 v18, v15;
	v32 =	vnsel vm15, $0x3F, v32;
	v33 =	vshll.u32 v33, $0x6  }
0x89: {  	vm12 =	vge.f32 v20, $0.0e+00;
	vm15 =	vge.f32 v24, $0.0e+00;
	v20 =	vsel vm1, $0x3F800000, v4  }
0x8a: {  	vm1 =	vle.f32 v16, $6.300000000e+01;
	vm14 =	vlt.s32 v31, $0x3F;
	v25 =	vshll.u32 v25, $0x6  }
0x8b: {  	v30 =	vnsel vm13, $0x0, v30;
	v36 =	vadd.s32 v29, v22;
	v15 =	vadd.s32 v28, v15  }
0x8c: {  	v38 =	vshll.u32 v35, $0x1;
	v32 =	vshll.u32 v32, $0x6;
	v35 =	vand.u32 $0x7F, v35  }
0x8d: {  	vm13 =	vge.f32 v23, $0.0e+00;
	v23 =	vsel vm5, $0x3F800000, v4;
	v48 =	vsel vm12, $0x3F800000, v4  }
0x8e: {  	v51 =	vsel vm15, $0x3F800000, v4;
	v34 =	vadd.s32 v27, v25;
	v31 =	vnsel vm14, $0x3F, v31  }
0x8f: {  	v25 =	vadd.s32 v26, v25;
	v22 =	vadd.s32 v30, v22;
	v39 =	vshll.u32 v36, $0x1  }
0x90: {  	v41 =	vshll.u32 v15, $0x1;
	v38 =	vand.u32 $0xFFFFFF00, v38;
	v28 =	vadd.s32 v28, v32  }
0x91: {  	v36 =	vand.u32 $0x7F, v36;
	v30 =	vadd.s32 v30, v33;
	v15 =	vand.u32 $0x7F, v15  }
0x92: {  	v18 =	vadd.s32 v18, v32;
	vm14 =	vge.f32 v21, $0.0e+00;
	v21 =	vsel vm2, $0x3F800000, v4  }
0x93: {  	v49 =	vsel vm13, $0x3F800000, v4;
	v55 =	vmul.f32 v51, v19;
	vm2 =	vle.f32 v17, $6.300000000e+01  }
0x94: {  	v17 =	vsub.f32 $1.000000000e+00, v14;
	v37 =	vshll.u32 v34, $0x1;
	v31 =	vshll.u32 v31, $0x6  }
0x95: {  	v40 =	vshll.u32 v25, $0x1;
	v34 =	vand.u32 $0x7F, v34;
	v63 =	vshll.u32 v22, $0x1  }
0x96: {  	v39 =	vand.u32 $0xFFFFFF00, v39;
	v41 =	vand.u32 $0xFFFFFF00, v41;
	v25 =	vand.u32 $0x7F, v25  }
0x97: {  	v22 =	vand.u32 $0x7F, v22;
	v35 =	vor.u32 v35, v38;
	v52 =	vmul.f32 v23, v21  }
0x98: {  	v54 =	vmul.f32 v49, v20;
	v37 =	vand.u32 $0xFFFFFF00, v37;
	v40 =	vand.u32 $0xFFFFFF00, v40  }
0x99: {  	v26 =	vadd.s32 v26, v31;
	v36 =	vor.u32 v36, v39;
	v45 =	vor.u32 v15, v41  }
0x9a: {  	v15 =	vshll.u32 v28, $0x1;
	v27 =	vadd.s32 v27, v31;
	v28 =	vand.u32 $0x7F, v28  }
0x9b: {  	v34 =	vor.u32 v34, v37;
	v37 =	vand.u32 $0xFFFFFF00, v63;
	v25 =	vor.u32 v25, v40  }
0x9c: {  	v44 =	vshll.u32 v26, $0x1;
	v26 =	vand.u32 $0x7F, v26;
	v15 =	vand.u32 $0xFFFFFF00, v15  }
0x9d: {  	v38 =	vand.u32 $0xFFFFFF00, v44;
	v37 =	vor.u32 v22, v37;
	v22 =	vshll.u32 v30, $0x1  }
0x9e: {  	v30 =	vand.u32 $0x7F, v30;
	v28 =	vor.u32 v28, v15;
	v15 =	vsub.f32 v13, v24  }
0x9f: {  	v13 =	vand.u32 $0x7F, v27;
	v22 =	vand.u32 $0xFFFFFF00, v22;
	v31 =	vor.u32 v26, v38  }
0xa0: {  	v26 =	vadd.s32 v29, v33;
	v29 =	vshll.u32 v27, $0x1;
	v27 =	vsel vm4, $0x3F800000, v4  }
0xa1: {  	v30 =	vor.u32 v30, v22;
	v22 =	vshll.u32 v18, $0x1;
	v46 =	vshll.u32 v26, $0x1  }
0xa2: {  	v8 =	vand.u32 $0xFFFFFF00, v29;
	v18 =	vand.u32 $0x7F, v18;
	v29 =	vand.u32 $0x7F, v26;
	v47 =	vld.idx.msk [tilespmem:v35+s1+$0x0], $0xffff  }
0xa3: {  	v16 =	vmul.f32 v23, v27;
	v23 =	vsub.f32 $1.000000000e+00, v10;
	v56 =	vsub.f32 $1.000000000e+00, v15;
	v50 =	vld.idx.msk [tilespmem:v36+s1+$0x0], $0xffff  }
0xa4: {  	v22 =	vand.u32 $0xFFFFFF00, v22;
	v24 =	vand.u32 $0xFFFFFF00, v46;
	v13 =	vor.u32 v13, v8;
	v26 =	vld.idx.msk [tilespmem:v34+s1+$0x0], $0xffff  }
0xa5: {  	v8 =	vsel vm14, $0x3F800000, v4;
	v25 =	vld.idx.msk [tilespmem:v25+s1+$0x0], $0xffff;
	v53 =	vor.u32 v18, v22;
	v34 =	vmul.f32 v49, v48  }
0xa6: {  	v22 =	vsub.f32 $1.000000000e+00, v9;
	v18 =	vld.idx.msk [tilespmem:v45+s1+$0x0], $0xffff;
	v36 =	vmul.f32 v51, v8;
	v44 =	vmul.f32 v43, v23  }
0xa7: {  	v29 =	vor.u32 v29, v24;
	v24 =	vmul.f32 v43, v10;
	v62 =	vmul.f32 v56, v14;
	v37 =	vld.idx.msk [tilespmem:v37+s1+$0x0], $0xffff  }
0xa8: {  	v6 =	vand.u32 $0x7FFFFFFF, v6;
	v59 =	vmul.f32 v42, v22;
	v32 =	vmul.f32 v54, v47  }
0xa9: {  	v63 =	vsub.f32 $0.0e+00, v6;
	v45 =	vld.idx.msk [tilespmem:v30+s1+$0x0], $0xffff;
	v30 =	vmul.f32 v56, v17;
	v35 =	vmul.f32 v55, v50  }
0xaa: {  	v38 =	vmul.f32 v52, v26;
	v26 =	vsel vm1, $0x3F800000, v4;
	v25 =	vmul.f32 v16, v25  }
0xab: {  	v58 =	vld.idx.msk [tilespmem:v31+s1+$0x0], $0xffff;
	v34 =	vmul.f32 v34, v18;
	vm1 =	vle.f32 v7, $6.300000000e+01;
	v18 =	vmul.f32 v42, v9  }
0xac: {  	v28 =	vld.idx.msk [tilespmem:v28+s1+$0x0], $0xffff;
	v57 =	vmul.f32 v26, v27;
	v7 =	vmul.f32 v36, v37;
	v27 =	vsel vm2, $0x3F800000, v4  }
0xad: {  	v16 =	vsel vm1, $0x3F800000, v4;
	v6 =	vmul.f32 v35, v62;
	v60 =	vmul.f32 v27, v48  }
0xae: {  	v61 =	vmul.f32 v16, v8;
	v31 =	vmul.f32 v38, v18  }
0xaf: {  	v8 =	vmul.f32 v32, v24;
	v18 =	vld.idx.msk [tilespmem:v13+s1+$0x0], $0xffff;
	v33 =	vmul.f32 v25, v59  }
0xb0: {  	s0 =	simm.s32 $0x50A0;
	v24 =	vld.idx.msk [tilespmem:v53+s1+$0x0], $0xffff;
	v32 =	vmul.f32 v34, v44;
	v13 =	vmul.f32 v57, v58  }
0xb1: {  	s2 =	simm.s32 $0x0;
	s20 =	simm.s32 $0x50A0;
	s21 =	simm.s32 $0x38E0;
	[tilespmem:s0+$0x10] =	vst v63;
	v25 =	vld.idx.msk [tilespmem:v29+s1+$0x0], $0xffff;
	v28 =	vmul.f32 v60, v28;
	v29 =	vmul.f32 v61, v45  }
.LBB2_2:
0xb2: {  	v34 =	vld [tilespmem:s21+$0x10];
	v21 =	vmul.f32 v26, v21;
	v26 =	vadd.f32 v31, v33;
	v30 =	vmul.f32 v7, v30;
	s19 =	sadd.s32 $0x40, s19  }
0xb3: {  	s2 =	sadd.s32 $0x4, s2;
	v22 =	vmul.f32 v11, v22;
	v20 =	vmul.f32 v27, v20;
	v31 =	vld [tilespmem:s19+$0x10];
	v7 =	vadd.f32 v8, v32  }
0xb4: {  	v23 =	vmul.f32 v12, v23;
	v19 =	vmul.f32 v16, v19;
	p0 =	slt.u32 s2, $0x17C;
	v27 =	vld [tilespmem:s19+$0xFFFFFFF0];
	v8 =	vadd.f32 v6, v30  }
0xb5: {  	v22 =	vmul.f32 v13, v22;
	v13 =	vmul.f32 v15, v17;
	v6 =	vld [tilespmem:s19+$0x0]  }
0xb6: {  	v18 =	vmul.f32 v21, v18;
	v16 =	vmul.f32 v28, v23;
	v30 =	vld [tilespmem:s19+$0xFFFFFFE0]  }
0xb7: {  	v20 =	vmul.f32 v20, v24;
	v17 =	vmul.f32 v29, v13;
	v21 =	vld [tilespmem:s21+$0xFFFFFFE0];
	v23 =	vadd.f32 v34, v34  }
0xb8: {  	v9 =	vmul.f32 v11, v9;
	v11 =	vmul.f32 v19, v25;
	v24 =	vld [tilespmem:s21+$0xFFFFFFF0];
	v13 =	vadd.f32 v31, v31  }
0xb9: {  	v12 =	vmul.f32 v12, v10;
	v19 =	vadd.f32 v27, v27;
	v25 =	vld [tilespmem:s21+$0x0];
	v23 =	vadd.f32 $-1.000000000e+00, v23  }
0xba: {  	v14 =	vmul.f32 v15, v14;
	v6 =	vadd.f32 v6, v6;
	v13 =	vadd.f32 $-1.000000000e+00, v13  }
0xbb: {  	v10 =	vmul.f32 v18, v9;
	v15 =	vadd.f32 v30, v30;
	v23 =	vadd.f32 $1.000000000e+00, v23  }
0xbc: {  	v9 =	vadd.f32 v21, v21;
	v18 =	vadd.f32 $1.000000000e+00, v13;
	v13 =	vmul.f32 v20, v12  }
0xbd: {  	v12 =	vadd.f32 $-1.000000000e+00, v15;
	v15 =	vadd.f32 v24, v24;
	v20 =	vmul.f32 $6.400000000e+01, v23  }
0xbe: {  	v19 =	vadd.f32 $-1.000000000e+00, v19;
	v21 =	vadd.f32 v25, v25;
	v18 =	vmul.f32 $6.400000000e+01, v18  }
0xbf: {  	v23 =	vadd.f32 $-1.000000000e+00, v6;
	v6 =	vmul.f32 v11, v14;
	v20 =	vadd.f32 $-1.000000000e+00, v20  }
0xc0: {  	v9 =	vadd.f32 $-1.000000000e+00, v9;
	v11 =	vadd.f32 $-1.000000000e+00, v18  }
0xc1: {  	v14 =	vadd.f32 $-1.000000000e+00, v15;
	v15 =	vadd.f32 $-1.000000000e+00, v21;
	v18 =	vmul.f32 v20, v3  }
0xc2: {  	v19 =	vadd.f32 $1.000000000e+00, v19;
	v12 =	vadd.f32 $1.000000000e+00, v12;
	v11 =	vmul.f32 v11, v3  }
0xc3: {  	v9 =	vadd.f32 $1.000000000e+00, v9;
	v20 =	vadd.f32 $1.000000000e+00, v23;
	v21 =	vtrunc.f32 v18  }
0xc4: {  	v14 =	vadd.f32 $1.000000000e+00, v14;
	v23 =	vtrunc.f32 v11;
	v21 =	vcvt.f32.s32 v21  }
0xc5: {  	v12 =	vmul.f32 $6.400000000e+01, v12;
	v15 =	vadd.f32 $1.000000000e+00, v15;
	v23 =	vcvt.f32.s32 v23  }
0xc6: {  	v22 =	vadd.f32 v22, v26;
	v19 =	vmul.f32 $6.400000000e+01, v19;
	v21 =	vcvt.s32.f32 v21  }
0xc7: {  	v20 =	vmul.f32 $6.400000000e+01, v20;
	vm1 =	vlt.f32 v18, $0.0e+00;
	v23 =	vcvt.s32.f32 v23  }
0xc8: {  	v9 =	vmul.f32 $6.400000000e+01, v9;
	vm2 =	vlt.f32 v11, $0.0e+00;
	v21 =	vsel vm1, $0xBF800000, v21  }
0xc9: {  	v23 =	vsel vm2, $0xBF800000, v23;
	v24 =	vadd.f32 $1.000000000e+00, v21;
	v25 =	vtrunc.f32 v21  }
0xca: {  	v26 =	vadd.f32 $1.000000000e+00, v23;
	v27 =	vtrunc.f32 v23;
	v25 =	vcvt.f32.s32 v25  }
0xcb: {  	v12 =	vadd.f32 $-1.000000000e+00, v12;
	v27 =	vcvt.f32.s32 v27;
	v28 =	vtrunc.f32 v24  }
0xcc: {  	vm1 =	vgt.s32 v25, $0x0;
	v29 =	vtrunc.f32 v26;
	v28 =	vcvt.f32.s32 v28  }
0xcd: {  	vm2 =	vgt.s32 v27, $0x0;
	v25 =	vnsel vm1, $0x0, v25;
	v29 =	vcvt.f32.s32 v29  }
0xce: {  	v27 =	vnsel vm2, $0x0, v27;
	vm1 =	vlt.s32 v28, $0x3F;
	v25 =	vshll.u32 v25, $0x6  }
0xcf: {  	vm2 =	vlt.s32 v29, $0x3F;
	v28 =	vnsel vm1, $0x3F, v28;
	v30 =	vadd.s32 v27, v25  }
0xd0: {  	v29 =	vnsel vm2, $0x3F, v29;
	v31 =	vand.u32 $0x7F, v30;
	v30 =	vshll.u32 v30, $0x1  }
0xd1: {  	v28 =	vshll.u32 v28, $0x6;
	v30 =	vand.u32 $0xFFFFFF00, v30;
	v25 =	vadd.s32 v29, v25  }
0xd2: {  	v27 =	vadd.s32 v27, v28;
	v32 =	vand.u32 $0x7F, v25;
	v25 =	vshll.u32 v25, $0x1  }
0xd3: {  	v30 =	vor.u32 v31, v30;
	v31 =	vshll.u32 v27, $0x1;
	v25 =	vand.u32 $0xFFFFFF00, v25  }
0xd4: {  	v27 =	vand.u32 $0x7F, v27;
	v31 =	vand.u32 $0xFFFFFF00, v31;
	v25 =	vor.u32 v32, v25  }
0xd5: {  	v14 =	vmul.f32 $6.400000000e+01, v14;
	v28 =	vadd.s32 v29, v28;
	v27 =	vor.u32 v27, v31  }
0xd6: {  	v19 =	vadd.f32 $-1.000000000e+00, v19;
	v15 =	vmul.f32 $6.400000000e+01, v15;
	v29 =	vshll.u32 v28, $0x1  }
0xd7: {  	v20 =	vadd.f32 $-1.000000000e+00, v20;
	v28 =	vand.u32 $0x7F, v28;
	v29 =	vand.u32 $0xFFFFFF00, v29  }
0xd8: {  	v11 =	vsub.f32 v11, v23;
	vm1 =	vge.f32 v23, $0.0e+00;
	v28 =	vor.u32 v28, v29;
	v23 =	vld.idx.msk [tilespmem:v30+s1+$0x0], $0xffff  }
0xd9: {  	v18 =	vsub.f32 v18, v21;
	v29 =	vsel vm1, $0x3F800000, v4;
	vm1 =	vge.f32 v21, $0.0e+00;
	v21 =	vld.idx.msk [tilespmem:v25+s1+$0x0], $0xffff  }
0xda: {  	vm2 =	vle.f32 v26, $6.300000000e+01;
	v25 =	vsel vm1, $0x3F800000, v4;
	vm1 =	vle.f32 v24, $6.300000000e+01;
	v24 =	vld.idx.msk [tilespmem:v27+s1+$0x0], $0xffff  }
0xdb: {  	v26 =	vsub.f32 $1.000000000e+00, v11;
	v27 =	vsel vm2, $0x3F800000, v4;
	v30 =	vsel vm1, $0x3F800000, v4  }
0xdc: {  	v31 =	vsub.f32 $1.000000000e+00, v18;
	v32 =	vmul.f32 v25, v29;
	v33 =	vmul.f32 v30, v27  }
0xdd: {  	v34 =	vadd.f32 $-1.000000000e+00, v9;
	v9 =	vmul.f32 v25, v27;
	v25 =	vmul.f32 v30, v29;
	v27 =	vld.idx.msk [tilespmem:v28+s1+$0x0], $0xffff  }
0xde: {  	v29 =	vmul.f32 v31, v11;
	v28 =	vadd.f32 $-1.000000000e+00, v14;
	v14 =	vmul.f32 v31, v26  }
0xdf: {  	v15 =	vadd.f32 $-1.000000000e+00, v15;
	v23 =	vmul.f32 v32, v23;
	v9 =	vmul.f32 v9, v21  }
0xe0: {  	v16 =	vadd.f32 v16, v7;
	v21 =	vmul.f32 v25, v24;
	v24 =	vmul.f32 v18, v26  }
0xe1: {  	v8 =	vadd.f32 v17, v8;
	v14 =	vmul.f32 v23, v14;
	v23 =	vmul.f32 v9, v29  }
0xe2: {  	v7 =	vadd.f32 v22, v10;
	v9 =	vmul.f32 v12, v3;
	v12 =	vmul.f32 v18, v11  }
0xe3: {  	v21 =	vmul.f32 v21, v24;
	v17 =	vmul.f32 v33, v27;
	v18 =	vadd.f32 v23, v14  }
0xe4: {  	v10 =	vmul.f32 v19, v3;
	vm1 =	vlt.f32 v9, $0.0e+00;
	v14 =	vmul.f32 v20, v3  }
0xe5: {  	v11 =	vmul.f32 v34, v3;
	v18 =	vadd.f32 v21, v18;
	v17 =	vmul.f32 v17, v12  }
0xe6: {  	v15 =	vmul.f32 v15, v3;
	vm2 =	vlt.f32 v10, $0.0e+00;
	v12 =	vmul.f32 v28, v3  }
0xe7: {  	v19 =	vtrunc.f32 v9;
	v20 =	vtrunc.f32 v10;
	v17 =	vadd.f32 v18, v17  }
0xe8: {  	vm3 =	vlt.f32 v14, $0.0e+00;
	v18 =	vcvt.f32.s32 v19;
	v19 =	vtrunc.f32 v14  }
0xe9: {  	v20 =	vcvt.f32.s32 v20;
	v19 =	vcvt.f32.s32 v19;
	v17 =	vand.u32 $0x7FFFFFFF, v17  }
0xea: {  	v21 =	vtrunc.f32 v11;
	v22 =	vtrunc.f32 v12;
	v17 =	vsub.f32 $0.0e+00, v17  }
0xeb: {  	s0 =	sadd.s32 $0x40, s0;
	vm4 =	vlt.f32 v11, $0.0e+00;
	v23 =	vtrunc.f32 v15;
	v21 =	vcvt.f32.s32 v21  }
0xec: {  	v23 =	vcvt.f32.s32 v23;
	vm5 =	vlt.f32 v12, $0.0e+00;
	v24 =	vcvt.f32.s32 v22;
	[tilespmem:s0+$0x10] =	vst v17  }
0xed: {  	vm6 =	vlt.f32 v15, $0.0e+00;
	v17 =	vcvt.s32.f32 v18;
	v18 =	vcvt.s32.f32 v20  }
0xee: {  	v13 =	vadd.f32 v16, v13;
	v19 =	vcvt.s32.f32 v19;
	v20 =	vcvt.s32.f32 v21  }
0xef: {  	v25 =	vcvt.s32.f32 v23;
	v16 =	vcvt.s32.f32 v24;
	v22 =	vsel vm1, $0xBF800000, v17  }
0xf0: {  	v19 =	vsel vm3, $0xBF800000, v19;
	v21 =	vsel vm2, $0xBF800000, v18;
	v26 =	vadd.f32 $1.000000000e+00, v22  }
0xf1: {  	v28 =	vadd.f32 $1.000000000e+00, v19;
	v24 =	vsel vm4, $0xBF800000, v20;
	v27 =	vadd.f32 $1.000000000e+00, v21  }
0xf2: {  	v23 =	vsel vm5, $0xBF800000, v16;
	v20 =	vsel vm6, $0xBF800000, v25;
	v17 =	vadd.f32 $1.000000000e+00, v24  }
0xf3: {  	v29 =	vtrunc.f32 v23;
	v18 =	vadd.f32 $1.000000000e+00, v23;
	v25 =	vtrunc.f32 v24  }
0xf4: {  	v16 =	vadd.f32 $1.000000000e+00, v20;
	v31 =	vtrunc.f32 v20;
	v30 =	vtrunc.f32 v26  }
0xf5: {  	v32 =	vtrunc.f32 v28;
	vm1 =	vle.f32 v26, $6.300000000e+01;
	v26 =	vtrunc.f32 v27  }
0xf6: {  	v25 =	vcvt.f32.s32 v25;
	vm2 =	vle.f32 v27, $6.300000000e+01;
	v27 =	vcvt.f32.s32 v29  }
0xf7: {  	vm3 =	vle.f32 v28, $6.300000000e+01;
	v28 =	vcvt.f32.s32 v31;
	v29 =	vtrunc.f32 v22  }
0xf8: {  	v33 =	vtrunc.f32 v19;
	v31 =	vtrunc.f32 v21;
	vm4 =	vgt.s32 v25, $0x0  }
0xf9: {  	v30 =	vcvt.f32.s32 v30;
	v26 =	vcvt.f32.s32 v26;
	vm5 =	vgt.s32 v27, $0x0  }
0xfa: {  	v32 =	vcvt.f32.s32 v32;
	v34 =	vtrunc.f32 v17;
	vm6 =	vgt.s32 v28, $0x0  }
0xfb: {  	v35 =	vtrunc.f32 v18;
	v36 =	vtrunc.f32 v16;
	vm7 =	vlt.s32 v30, $0x3F  }
0xfc: {  	v31 =	vcvt.f32.s32 v31;
	v29 =	vcvt.f32.s32 v29;
	vm8 =	vlt.s32 v26, $0x3F  }
0xfd: {  	v33 =	vcvt.f32.s32 v33;
	vm9 =	vlt.s32 v32, $0x3F;
	v34 =	vcvt.f32.s32 v34  }
0xfe: {  	v35 =	vcvt.f32.s32 v35;
	v36 =	vcvt.f32.s32 v36;
	v25 =	vnsel vm4, $0x0, v25  }
0xff: {  	v28 =	vnsel vm6, $0x0, v28;
	vm4 =	vgt.s32 v29, $0x0;
	v27 =	vnsel vm5, $0x0, v27  }
0x100: {  	vm6 =	vgt.s32 v33, $0x0;
	vm5 =	vgt.s32 v31, $0x0;
	v30 =	vnsel vm7, $0x3F, v30  }
0x101: {  	v32 =	vnsel vm9, $0x3F, v32;
	vm7 =	vlt.s32 v34, $0x3F;
	v26 =	vnsel vm8, $0x3F, v26  }
0x102: {  	v25 =	vshll.u32 v25, $0x6;
	vm8 =	vlt.s32 v35, $0x3F;
	v27 =	vshll.u32 v27, $0x6  }
0x103: {  	v28 =	vshll.u32 v28, $0x6;
	v29 =	vnsel vm4, $0x0, v29;
	vm4 =	vlt.s32 v36, $0x3F  }
0x104: {  	v33 =	vnsel vm6, $0x0, v33;
	v31 =	vnsel vm5, $0x0, v31;
	v37 =	vadd.s32 v30, v25  }
0x105: {  	v39 =	vadd.s32 v32, v28;
	v34 =	vnsel vm7, $0x3F, v34;
	v38 =	vadd.s32 v26, v27  }
0x106: {  	v25 =	vadd.s32 v29, v25;
	v35 =	vnsel vm8, $0x3F, v35;
	v27 =	vadd.s32 v31, v27  }
0x107: {  	v28 =	vadd.s32 v33, v28;
	v36 =	vnsel vm4, $0x3F, v36;
	v40 =	vshll.u32 v37, $0x1  }
0x108: {  	v42 =	vshll.u32 v39, $0x1;
	v34 =	vshll.u32 v34, $0x6;
	v41 =	vshll.u32 v38, $0x1  }
0x109: {  	v43 =	vshll.u32 v25, $0x1;
	v35 =	vshll.u32 v35, $0x6;
	v44 =	vshll.u32 v27, $0x1  }
0x10a: {  	v45 =	vshll.u32 v28, $0x1;
	v36 =	vshll.u32 v36, $0x6;
	v40 =	vand.u32 $0xFFFFFF00, v40  }
0x10b: {  	v42 =	vand.u32 $0xFFFFFF00, v42;
	v43 =	vand.u32 $0xFFFFFF00, v43;
	v41 =	vand.u32 $0xFFFFFF00, v41  }
0x10c: {  	v37 =	vand.u32 $0x7F, v37;
	v29 =	vadd.s32 v29, v34;
	v44 =	vand.u32 $0xFFFFFF00, v44  }
0x10d: {  	v38 =	vand.u32 $0x7F, v38;
	v45 =	vand.u32 $0xFFFFFF00, v45;
	v31 =	vadd.s32 v31, v35  }
0x10e: {  	v39 =	vand.u32 $0x7F, v39;
	v25 =	vand.u32 $0x7F, v25;
	v33 =	vadd.s32 v33, v36  }
0x10f: {  	v28 =	vand.u32 $0x7F, v28;
	v27 =	vand.u32 $0x7F, v27;
	v37 =	vor.u32 v37, v40  }
0x110: {  	v39 =	vor.u32 v39, v42;
	v25 =	vor.u32 v25, v43;
	v38 =	vor.u32 v38, v41  }
0x111: {  	v40 =	vshll.u32 v29, $0x1;
	v27 =	vor.u32 v27, v44;
	v41 =	vshll.u32 v31, $0x1  }
0x112: {  	v28 =	vor.u32 v28, v45;
	v42 =	vshll.u32 v33, $0x1;
	v40 =	vand.u32 $0xFFFFFF00, v40  }
0x113: {  	v29 =	vand.u32 $0x7F, v29;
	v41 =	vand.u32 $0xFFFFFF00, v41;
	v42 =	vand.u32 $0xFFFFFF00, v42  }
0x114: {  	v30 =	vadd.s32 v30, v34;
	v31 =	vand.u32 $0x7F, v31;
	v33 =	vand.u32 $0x7F, v33;
	v37 =	vld.idx.msk [tilespmem:v37+s1+$0x0], $0xffff  }
0x115: {  	v26 =	vadd.s32 v26, v35;
	v32 =	vadd.s32 v32, v36;
	v29 =	vor.u32 v29, v40;
	v34 =	vld.idx.msk [tilespmem:v38+s1+$0x0], $0xffff  }
0x116: {  	v35 =	vshll.u32 v30, $0x1;
	v31 =	vor.u32 v31, v41;
	v33 =	vor.u32 v33, v42;
	v36 =	vld.idx.msk [tilespmem:v39+s1+$0x0], $0xffff  }
0x117: {  	v9 =	vsub.f32 v9, v22;
	v39 =	vshll.u32 v32, $0x1;
	v38 =	vld.idx.msk [tilespmem:v25+s1+$0x0], $0xffff;
	v25 =	vshll.u32 v26, $0x1  }
0x118: {  	v11 =	vsub.f32 v11, v24;
	vm5 =	vge.f32 v24, $0.0e+00;
	vm4 =	vge.f32 v22, $0.0e+00;
	v40 =	vld.idx.msk [tilespmem:v27+s1+$0x0], $0xffff  }
0x119: {  	v12 =	vsub.f32 v12, v23;
	v10 =	vsub.f32 v10, v21;
	vm6 =	vge.f32 v21, $0.0e+00;
	v28 =	vld.idx.msk [tilespmem:v28+s1+$0x0], $0xffff  }
0x11a: {  	v14 =	vsub.f32 v14, v19;
	v15 =	vsub.f32 v15, v20;
	vm7 =	vge.f32 v23, $0.0e+00;
	v29 =	vld.idx.msk [tilespmem:v29+s1+$0x0], $0xffff  }
0x11b: {  	vm9 =	vge.f32 v20, $0.0e+00;
	vm8 =	vge.f32 v19, $0.0e+00;
	v22 =	vand.u32 $0xFFFFFF00, v35;
	v35 =	vld.idx.msk [tilespmem:v31+s1+$0x0], $0xffff  }
0x11c: {  	v23 =	vand.u32 $0x7F, v30;
	v24 =	vand.u32 $0xFFFFFF00, v25;
	v25 =	vand.u32 $0xFFFFFF00, v39;
	v41 =	vld.idx.msk [tilespmem:v33+s1+$0x0], $0xffff  }
0x11d: {  	v21 =	vsel vm1, $0x3F800000, v4;
	v26 =	vand.u32 $0x7F, v26;
	v27 =	vand.u32 $0x7F, v32  }
0x11e: {  	v20 =	vsel vm2, $0x3F800000, v4;
	v19 =	vsel vm3, $0x3F800000, v4;
	v30 =	vsel vm4, $0x3F800000, v4  }
0x11f: {  	v32 =	vsel vm6, $0x3F800000, v4;
	v31 =	vsel vm5, $0x3F800000, v4;
	v33 =	vsel vm7, $0x3F800000, v4  }
0x120: {  	v43 =	vsel vm9, $0x3F800000, v4;
	v42 =	vsel vm8, $0x3F800000, v4;
	v39 =	vor.u32 v23, v22  }
0x121: {  	v24 =	vor.u32 v26, v24;
	v25 =	vor.u32 v27, v25;
	v44 =	vmul.f32 v31, v21  }
0x122: {  	v46 =	vmul.f32 v43, v19;
	v22 =	vsub.f32 $1.000000000e+00, v9;
	v45 =	vmul.f32 v33, v20  }
0x123: {  	v47 =	vsub.f32 $1.000000000e+00, v11;
	vm1 =	vle.f32 v17, $6.300000000e+01;
	v31 =	vmul.f32 v31, v30  }
0x124: {  	v48 =	vsub.f32 $1.000000000e+00, v12;
	vm2 =	vle.f32 v18, $6.300000000e+01;
	v23 =	vsub.f32 $1.000000000e+00, v10  }
0x125: {  	v17 =	vsub.f32 $1.000000000e+00, v14;
	v33 =	vmul.f32 v33, v32;
	v18 =	vld.idx.msk [tilespmem:v39+s1+$0x0], $0xffff;
	v39 =	vsub.f32 $1.000000000e+00, v15  }
0x126: {  	v43 =	vmul.f32 v43, v42;
	v26 =	vsel vm1, $0x3F800000, v4;
	vm1 =	vle.f32 v16, $6.300000000e+01;
	v24 =	vld.idx.msk [tilespmem:v24+s1+$0x0], $0xffff  }
0x127: {  	v27 =	vsel vm2, $0x3F800000, v4;
	v16 =	vsel vm1, $0x3F800000, v4;
	v37 =	vmul.f32 v44, v37;
	v25 =	vld.idx.msk [tilespmem:v25+s1+$0x0], $0xffff  }
0x128: {  	v6 =	vadd.f32 v8, v6;
	v36 =	vmul.f32 v46, v36;
	v34 =	vmul.f32 v45, v34  }
0x129: {  	v8 =	vand.u32 $0x7FFFFFFF, v7;
	v38 =	vmul.f32 v31, v38;
	v40 =	vmul.f32 v33, v40  }
0x12a: {  	v13 =	vand.u32 $0x7FFFFFFF, v13;
	v7 =	vmul.f32 v43, v28;
	v33 =	vmul.f32 v26, v30  }
0x12b: {  	v6 =	vand.u32 $0x7FFFFFFF, v6;
	v28 =	vmul.f32 v47, v22;
	v31 =	vmul.f32 v47, v9  }
0x12c: {  	v8 =	vsub.f32 $0.0e+00, v8;
	v32 =	vmul.f32 v27, v32;
	v43 =	vmul.f32 v48, v23  }
0x12d: {  	v13 =	vsub.f32 $0.0e+00, v13;
	v42 =	vmul.f32 v16, v42;
	v44 =	vmul.f32 v48, v10  }
.Ltmp0:
0x12e: {  	v45 =	vsub.f32 $0.0e+00, v6;
	v30 =	vmul.f32 v39, v17;
	v39 =	vmul.f32 v39, v14;
	[tilespmem:s20+$0xFFFFFFE0] =	vst v8;
	(pc) =	sbr.rel @p0 .LBB2_2-.Ltmp0, $4  }
0x12f: {  	v31 =	vmul.f32 v37, v31;
	v8 =	vmul.f32 v34, v44;
	[tilespmem:s20+$0xFFFFFFF0] =	vst v13  }
0x130: {  	v6 =	vmul.f32 v36, v39;
	v13 =	vmul.f32 v33, v29;
	[tilespmem:s20+$0x0] =	vst v45;
	s20 =	smov.u32 s0  }
0x131: {  	v33 =	vmul.f32 v38, v28;
	v28 =	vmul.f32 v32, v35  }
0x132: {  	s21 =	sadd.s32 $0x40, s21;
	v32 =	vmul.f32 v40, v43;
	v29 =	vmul.f32 v42, v41  }
0x133: {  	v21 =	vmul.f32 v26, v21  }
0x134: {  	v7 =	vmul.f32 v7, v30;
	v22 =	vmul.f32 v11, v22  }
0x135: {  	v20 =	vmul.f32 v27, v20;
	v23 =	vmul.f32 v12, v23  }
0x136: {  	v16 =	vmul.f32 v16, v19;
	v17 =	vmul.f32 v15, v17  }
0x137: {  	v9 =	vmul.f32 v11, v9;
	v10 =	vmul.f32 v12, v10  }
0x138: {  	v60 =	vadd.f32 v31, v33;
	v62 =	vmul.f32 v15, v14;
	v13 =	vmul.f32 v13, v22  }
0x139: {  	v8 =	vadd.f32 v8, v32;
	v18 =	vmul.f32 v21, v18;
	v61 =	vmul.f32 v28, v23  }
0x13a: {  	v20 =	vmul.f32 v20, v24;
	v17 =	vmul.f32 v29, v17;
	v6 =	vadd.f32 v6, v7  }
0x13b: {  	v7 =	vmul.f32 v16, v25;
	v9 =	vmul.f32 v18, v9;
	v63 =	vadd.f32 v13, v60  }
0x13c: {  	v10 =	vmul.f32 v20, v10;
	v8 =	vadd.f32 v61, v8  }
0x13d: {  	v7 =	vmul.f32 v7, v62;
	v6 =	vadd.f32 v17, v6;
	v9 =	vadd.f32 v63, v9  }
0x13e: {  	v8 =	vadd.f32 v8, v10  }
0x13f: {  	v6 =	vadd.f32 v6, v7;
	v7 =	vand.u32 $0x7FFFFFFF, v9  }
0x140: {  	v8 =	vand.u32 $0x7FFFFFFF, v8;
	v7 =	vsub.f32 $0.0e+00, v7  }
0x141: {  	v6 =	vand.u32 $0x7FFFFFFF, v6;
	v8 =	vsub.f32 $0.0e+00, v8  }
0x142: {  	v6 =	vsub.f32 $0.0e+00, v6;
	[tilespmem:s20+$0xFFFFFFE0] =	vst v7  }
0x143: {  	[tilespmem:s20+$0xFFFFFFF0] =	vst v8  }
0x144: {  	[tilespmem:s20+$0x0] =	vst v6  }
0x145: {  	[tilespmem:$0xC880] =	vst v5  }
0x146: {  	[tilespmem:$0xC890] =	vst v5  }
0x147: {  	[tilespmem:$0xC8A0] =	vst v5  }
0x148: {  	[tilespmem:$0xC8B0] =	vst v5  }
0x149: {  	[tilespmem:$0xC8C0] =	vst v5  }
0x14a: {  	[tilespmem:$0xC8D0] =	vst v5  }
0x14b: {  	[tilespmem:$0xC8E0] =	vst v5  }
0x14c: {  	[tilespmem:$0xC8F0] =	vst v5  }
0x14d: {  	[tilespmem:$0xC900] =	vst v5  }
0x14e: {  	[tilespmem:$0xC910] =	vst v5  }
0x14f: {  	[tilespmem:$0xC920] =	vst v5  }
0x150: {  	[tilespmem:$0xC930] =	vst v5  }
0x151: {  	[tilespmem:$0xC940] =	vst v5  }
0x152: {  	[tilespmem:$0xC950] =	vst v5  }
0x153: {  	[tilespmem:$0xC960] =	vst v5  }
0x154: {  	s0 =	simm.s32 $0xFFFFFFFC;
	s3 =	simm.s32 $0xB0A0;
	s4 =	simm.s32 $0x50A0;
	[tilespmem:$0xC970] =	vst v5  }
.LBB2_4:
0x155: {  	v6 =	vld [tilespmem:s4+$0xFFFFFFE0];
	_ =	sdelay $0x4  }
0x156: {  	v6 =	vand.u32 $0xFF, v6  }
0x157: {  	(xrf1) =	vunique.msk.u32 $0xffff, v6;
	_ =	sdelay $0xb  }
0x158: {  	v7 =	vld.idx.msk [tilespmem:v6+s25+$0x0], $0xffff;
	_ =	sdelay $0x1  }
0x159: {  	_, v8, vm1 =	vpop (xrf1);
	_ =	sdelay $0x2  }
0x15a: {  	v7 =	vadd.s32 v7, v8  }
0x15b: {  	v8 =	vadd.s32 $0xFFFFFFFF, v7  }
0x15c: {  	[tilespmem:s3+$0xFFFFFFE0] =	vst v8  }
0x15d: {  	[tilespmem:v6+s25+$0x0] =	vst.idx.msk vm1, v7  }
0x15e: {  	v6 =	vld [tilespmem:s4+$0xFFFFFFF0];
	_ =	sdelay $0x4  }
0x15f: {  	v6 =	vand.u32 $0xFF, v6  }
0x160: {  	(xrf1) =	vunique.msk.u32 $0xffff, v6;
	_ =	sdelay $0xb  }
0x161: {  	v7 =	vld.idx.msk [tilespmem:v6+s25+$0x0], $0xffff;
	_ =	sdelay $0x1  }
0x162: {  	_, v61, vm1 =	vpop (xrf1);
	_ =	sdelay $0x2  }
0x163: {  	v7 =	vadd.s32 v7, v61  }
0x164: {  	v8 =	vadd.s32 $0xFFFFFFFF, v7  }
0x165: {  	[tilespmem:s3+$0xFFFFFFF0] =	vst v8  }
0x166: {  	[tilespmem:v6+s25+$0x0] =	vst.idx.msk vm1, v7  }
0x167: {  	v6 =	vld [tilespmem:s4+$0x0];
	_ =	sdelay $0x4  }
0x168: {  	v6 =	vand.u32 $0xFF, v6  }
0x169: {  	(xrf1) =	vunique.msk.u32 $0xffff, v6;
	_ =	sdelay $0xb  }
0x16a: {  	v7 =	vld.idx.msk [tilespmem:v6+s25+$0x0], $0xffff;
	_ =	sdelay $0x1  }
0x16b: {  	_, v62, vm1 =	vpop (xrf1);
	_ =	sdelay $0x2  }
0x16c: {  	v7 =	vadd.s32 v7, v62  }
0x16d: {  	v8 =	vadd.s32 $0xFFFFFFFF, v7  }
0x16e: {  	[tilespmem:s3+$0x0] =	vst v8  }
0x16f: {  	[tilespmem:v6+s25+$0x0] =	vst.idx.msk vm1, v7  }
0x170: {  	v6 =	vld [tilespmem:s4+$0x10];
	_ =	sdelay $0x4  }
0x171: {  	v6 =	vand.u32 $0xFF, v6  }
0x172: {  	(xrf1) =	vunique.msk.u32 $0xffff, v6;
	_ =	sdelay $0xb  }
0x173: {  	v7 =	vld.idx.msk [tilespmem:v6+s25+$0x0], $0xffff;
	_ =	sdelay $0x1  }
0x174: {  	s0 =	sadd.s32 $0x4, s0;
	_, v63, vm1 =	vpop (xrf1)  }
0x175: {  	p0 =	slt.u32 s0, $0x17C  }
.Ltmp1:
0x176: {  	_ = 	snop;
	(pc) =	sbr.rel @p0 .LBB2_4-.Ltmp1, $4  }
0x177: {  	v7 =	vadd.s32 v7, v63  }
0x178: {  	v8 =	vadd.s32 $0xFFFFFFFF, v7  }
0x179: {  	[tilespmem:s3+$0x10] =	vst v8  }
0x17a: {  	s2 =	simm.s32 $0x0;
	s4 =	sadd.s32 $0x40, s4;
	s3 =	sadd.s32 $0x40, s3;
	[tilespmem:v6+s25+$0x0] =	vst.idx.msk vm1, v7  }
0x17b: {  	s21 =	simm.s32 $0x0  }
0x17c: {  	v13 =	vld [tilespmem:s21+$0xC880];
	_ =	sdelay $0x4  }
0x17d: {  	s19 =	simm.s32 $0x10;
	(xrf0) =	vadd.scan.msk.s32 $0xffff, v13  }
0x17e: {  	v7 =	vld [tilespmem:s19+$0xC880];
	_ =	sdelay $0x2  }
0x17f: {  	s3 =	simm.s32 $0x20  }
0x180: {  	v6 =	vld [tilespmem:s3+$0xC880]  }
0x181: {  	v14, _, _ =	vpop (xrf0);
	(xrf0) =	vadd.scan.msk.s32 $0xffff, v7;
	_ =	sdelay $0x1  }
0x182: {  	v8 =	vxor.u32 $0x80000000, v14  }
0x183: {  	(xrf0) =	vmax.scan.msk.u32 $0xffff, v8  }
0x184: {  	(xrf0) =	vadd.scan.msk.s32 $0xffff, v6  }
0x185: {  	s20 =	simm.s32 $0x30  }
0x186: {  	v8 =	vld [tilespmem:s20+$0xC880];
	v10, _, _ =	vpop (xrf0)  }
0x187: {  	v9 =	vxor.u32 $0x80000000, v10;
	_ =	sdelay $0x1  }
0x188: {  	v11, _, _ =	vpop (xrf0)  }
0x189: {  	(xrf0) =	vmax.scan.msk.u32 $0xffff, v9;
	v9, _, _ =	vpop (xrf0)  }
0x18a: {  	(xrf0) =	vadd.scan.msk.s32 $0xffff, v8;
	v12 =	vxor.u32 $0x80000000, v9  }
0x18b: {  	(xrf0) =	vmax.scan.msk.u32 $0xffff, v12;
	_ =	sdelay $0x2  }
0x18c: {  	(v2sf) =	vpush v11, $0xF  }
0x18d: {  	v15, _, _ =	vpop (xrf0)  }
0x18e: {  	v11, _, _ =	vpop (xrf0)  }
0x18f: {  	s4 =	simm.s32 $0x40;
	(v2sf) =	vpush v15, $0xF;
	v16, _, _ =	vpop (xrf0)  }
0x190: {  	v12 =	vld [tilespmem:s4+$0xC880];
	(v2sf) =	vpush v16, $0xF;
	_ =	sdelay $0x4  }
0x191: {  	s5 =	simm.s32 $0x50;
	(xrf0) =	vadd.scan.msk.s32 $0xffff, v12  }
0x192: {  	v17 =	vsub.s32 s2, v13;
	v13 =	vld [tilespmem:s5+$0xC880];
	v15 =	vxor.u32 $0x80000000, v11  }
0x193: {  	(xrf0) =	vmax.scan.msk.u32 $0xffff, v15  }
0x194: {  	s0 =	simm.s32 $0x40;
	s6 =	simm.s32 $0x180;
	s7 =	simm.s32 $0x0;
	v14 =	vadd.s32 v14, v17  }
.LBB2_6:
0x195: {  	s8 =	sshra.s32 s6, $0x2  }
0x196: {  	[tilespmem:s21+$0xC980] =	vst v14;
	s21 =	smov.u32 s19;
	s19 =	smov.u32 s3;
	p0 =	sne.s32 s6, $0x3C0  }
.Ltmp2:
0x197: {  	s6 =	sadd.s32 $0x40, s6;
	(xrf0) =	vadd.scan.msk.s32 $0xffff, v13;
	v15, _, _ =	vpop (xrf0);
	s3 =	spop (v2sf);
	(pc) =	sbr.rel @p0 .LBB2_6-.Ltmp2, $4  }
0x198: {  	v16 =	vmov v13;
	v17 =	vxor.u32 $0x80000000, v15;
	s7 =	sadd.s32 s3, s7;
	v13 =	vld [tilespmem:s8+$0xC880];
	s3 =	smov.u32 s20;
	s20 =	smov.u32 s4  }
0x199: {  	s4 =	smov.u32 s5;
	s5 =	smov.u32 s8;
	(xrf0) =	vmax.scan.msk.u32 $0xffff, v17;
	v14, _, _ =	vpop (xrf0);
	s7 =	sadd.s32 $0x80000000, s7  }
0x19a: {  	(v2sf) =	vpush v14, $0xF;
	v14 =	vsub.s32 s7, v7;
	v7 =	vmovc v6;
	v6 =	vmovc v8;
	v8 =	vmov v12  }
0x19b: {  	v12 =	vmovc v16;
	v14 =	vadd.s32 v10, v14;
	v10 =	vmovc v9;
	v9 =	vmov v11;
	v11 =	vmov v15  }
0x19c: {  	_ = 	snop  }
0x19d: {  	v15, _, _ =	vpop (xrf0)  }
0x19e: {  	(xrf0) =	vadd.scan.msk.s32 $0xffff, v13;
	v16 =	vxor.u32 $0x80000000, v15  }
0x19f: {  	(xrf0) =	vmax.scan.msk.u32 $0xffff, v16;
	_ =	sdelay $0x3  }
0x1a0: {  	v16, _, _ =	vpop (xrf0)  }
0x1a1: {  	(v2sf) =	vpush v16, $0xF;
	v16, _, _ =	vpop (xrf0)  }
0x1a2: {  	v17, _, _ =	vpop (xrf0)  }
0x1a3: {  	(v2sf) =	vpush v17, $0xF;
	_ =	sdelay $0x6  }
0x1a4: {  	s6 =	spop (v2sf)  }
0x1a5: {  	s6 =	sadd.s32 s6, s7  }
0x1a6: {  	s8 =	spop (v2sf);
	s6 =	sadd.s32 $0x80000000, s6  }
0x1a7: {  	s7 =	sadd.s32 s8, s6  }
0x1a8: {  	s7 =	sadd.s32 $0x80000000, s7;
	s8 =	spop (v2sf)  }
0x1a9: {  	s8 =	sadd.s32 s8, s7  }
0x1aa: {  	s8 =	sadd.s32 $0x80000000, s8;
	s9 =	spop (v2sf)  }
0x1ab: {  	v7 =	vsub.s32 s6, v7;
	s9 =	sadd.s32 s9, s8  }
0x1ac: {  	[tilespmem:s21+$0xC980] =	vst v14;
	v7 =	vadd.s32 v10, v7;
	v6 =	vsub.s32 s7, v6;
	s6 =	sadd.s32 $0x80000000, s9;
	s21 =	spop (v2sf)  }
0x1ad: {  	[tilespmem:s19+$0xC980] =	vst v7;
	v6 =	vadd.s32 v9, v6;
	v7 =	vsub.s32 s8, v8;
	s7 =	sadd.s32 s21, s6  }
0x1ae: {  	[tilespmem:s3+$0xC980] =	vst v6;
	v6 =	vadd.s32 v11, v7;
	v7 =	vsub.s32 s6, v12;
	s7 =	sadd.s32 $0x80000000, s7  }
0x1af: {  	[tilespmem:s20+$0xC980] =	vst v6;
	v6 =	vadd.s32 v15, v7;
	v7 =	vsub.s32 s7, v13  }
0x1b0: {  	[tilespmem:s4+$0xC980] =	vst v6;
	v6 =	vadd.s32 v16, v7  }
0x1b1: {  	s8 =	simm.s32 $0x50A0;
	[tilespmem:s5+$0xC980] =	vst v6  }
0x1b2: {  	v12 =	vld [tilespmem:s8+$0x10];
	_ =	sdelay $0x4  }
0x1b3: {  	s19 =	simm.s32 $0x50E0;
	v13 =	vld [tilespmem:s8+$0xFFFFFFE0];
	v6 =	vand.u32 $0xFF, v12  }
0x1b4: {  	v18 =	vld [tilespmem:s19+$0x10]  }
0x1b5: {  	v29 =	vld [tilespmem:s8+$0x0]  }
0x1b6: {  	s9 =	simm.s32 $0xB0A0;
	v15 =	vld [tilespmem:s8+$0xFFFFFFF0]  }
0x1b7: {  	v11 =	vld [tilespmem:s9+$0x10]  }
0x1b8: {  	v9 =	vand.u32 $0xFF, v13;
	v8 =	vld.idx.msk [tilespmem:v6+s26+$0x0], $0xffff;
	v6 =	vxor.u32 $0x80000000, v16  }
0x1b9: {  	v7 =	vld [tilespmem:s19+$0xFFFFFFF0];
	v17 =	vand.u32 $0xFF, v18;
	(xrf0) =	vmax.scan.msk.u32 $0xffff, v6  }
0x1ba: {  	v10 =	vld [tilespmem:s19+$0xFFFFFFE0];
	v16 =	vand.u32 $0xFF, v29  }
0x1bb: {  	s20 =	simm.s32 $0xB0E0;
	v20 =	vld [tilespmem:s9+$0xFFFFFFE0]  }
0x1bc: {  	v24 =	vld [tilespmem:s20+$0x10];
	v14 =	vand.u32 $0xFF, v15  }
0x1bd: {  	v9 =	vld.idx.msk [tilespmem:v9+s26+$0x0], $0xffff  }
0x1be: {  	v17 =	vld.idx.msk [tilespmem:v17+s26+$0x0], $0xffff  }
0x1bf: {  	v19 =	vld.idx.msk [tilespmem:v16+s26+$0x0], $0xffff;
	v16, _, _ =	vpop (xrf0)  }
0x1c0: {  	v21 =	vld [tilespmem:s9+$0x0];
	(v2sf) =	vpush v16, $0xF  }
0x1c1: {  	v14 =	vld.idx.msk [tilespmem:v14+s26+$0x0], $0xffff  }
0x1c2: {  	s21 =	simm.s32 $0x5120;
	v25 =	vand.u32 $0xFF, v7;
	v6 =	vld [tilespmem:s19+$0x0];
	v20 =	vadd.s32 v9, v20  }
0x1c3: {  	v22 =	vadd.s32 v8, v11;
	v11 =	vld [tilespmem:s21+$0x10]  }
0x1c4: {  	v28 =	vadd.s32 v17, v24;
	v16 =	vld [tilespmem:s9+$0xFFFFFFF0]  }
0x1c5: {  	v23 =	vand.u32 $0xFF, v10;
	v9 =	vld [tilespmem:s21+$0xFFFFFFF0]  }
0x1c6: {  	v8 =	vld [tilespmem:s21+$0x0]  }
0x1c7: {  	v17 =	vld.idx.msk [tilespmem:v25+s26+$0x0], $0xffff;
	[tilespmem:v20+s28+$0x0] =	vst.idx.msk $0xffff, v13;
	v13 =	vadd.s32 v19, v21  }
0x1c8: {  	s6 =	simm.s32 $0x30;
	v24 =	vld [tilespmem:s20+$0xFFFFFFF0];
	v26 =	vand.u32 $0xFF, v6;
	[tilespmem:v22+s28+$0x0] =	vst.idx.msk $0xffff, v12  }
0x1c9: {  	v12 =	vld [tilespmem:s21+$0xFFFFFFE0];
	v30 =	vand.u32 $0xFF, v11;
	[tilespmem:v28+s28+$0x0] =	vst.idx.msk $0xffff, v18;
	v27 =	vadd.s32 v14, v16;
	v14 =	vor.u32 s6, v0  }
0x1ca: {  	v16 =	vld.idx.msk [tilespmem:v23+s26+$0x0], $0xffff;
	[tilespmem:v22+s29+$0x0] =	vst.idx.msk $0xffff, v14;
	v22 =	vor.u32 s2, v0  }
0x1cb: {  	s9 =	simm.s32 $0x70;
	[tilespmem:v20+s29+$0x0] =	vst.idx.msk $0xffff, v22;
	v22 =	vld [tilespmem:s20+$0xFFFFFFE0]  }
0x1cc: {  	s7 =	simm.s32 $0x10;
	v23 =	vld [tilespmem:s20+$0x0];
	v20 =	vor.u32 s9, v0;
	[tilespmem:v13+s28+$0x0] =	vst.idx.msk $0xffff, v29  }
0x1cd: {  	s19 =	simm.s32 $0x50;
	v19 =	vor.u32 s7, v0;
	v18 =	vand.u32 $0xFF, v8;
	v14 =	vld.idx.msk [tilespmem:v26+s26+$0x0], $0xffff;
	[tilespmem:v28+s29+$0x0] =	vst.idx.msk $0xffff, v20  }
0x1ce: {  	s8 =	simm.s32 $0x20;
	v21 =	vor.u32 s0, v0;
	s2 =	simm.s32 $0xB120;
	s20 =	simm.s32 $0x60;
	v26 =	vld.idx.msk [tilespmem:v30+s26+$0x0], $0xffff;
	v25 =	vand.u32 $0xFF, v12;
	v20 =	vor.u32 s19, v0;
	[tilespmem:v27+s28+$0x0] =	vst.idx.msk $0xffff, v15  }
0x1cf: {  	s3 =	simm.s32 $0x8;
	s4 =	simm.s32 $0x5160;
	v28 =	vld [tilespmem:s2+$0x10];
	v15 =	vor.u32 s8, v0;
	[tilespmem:v27+s29+$0x0] =	vst.idx.msk $0xffff, v19;
	v19 =	vand.u32 $0xFF, v9;
	v27 =	vor.u32 s20, v0;
	s21 =	spop (v2sf)  }
.LBB2_8:
0x1d0: {  	v29 =	vld [tilespmem:s4+$0x10];
	v22 =	vadd.s32 v16, v22;
	[tilespmem:v13+s29+$0x0] =	vst.idx.msk $0xffff, v15;
	v15 =	vmov v27  }
0x1d1: {  	s3 =	sadd.s32 $0x4, s3;
	v27 =	vld [tilespmem:s4+$0xFFFFFFF0];
	v30 =	vadd.s32 v17, v24  }
0x1d2: {  	p0 =	slt.u32 s3, $0x17C;
	v31 =	vld [tilespmem:s4+$0x0];
	v13 =	vadd.s32 v14, v23  }
0x1d3: {  	v23 =	vld [tilespmem:s4+$0xFFFFFFE0]  }
0x1d4: {  	v16 =	vld.idx.msk [tilespmem:v25+s26+$0x0], $0xffff;
	v28 =	vadd.s32 v26, v28  }
0x1d5: {  	v26 =	vand.u32 $0xFF, v29;
	v17 =	vld.idx.msk [tilespmem:v19+s26+$0x0], $0xffff;
	[tilespmem:v22+s28+$0x0] =	vst.idx.msk $0xffff, v10;
	v10 =	vmov v12  }
0x1d6: {  	v19 =	vand.u32 $0xFF, v27;
	v14 =	vld.idx.msk [tilespmem:v18+s26+$0x0], $0xffff;
	[tilespmem:v22+s29+$0x0] =	vst.idx.msk $0xffff, v21  }
.Ltmp3:
0x1d7: {  	s0 =	sadd.s32 $0x40, s0;
	v18 =	vand.u32 $0xFF, v31;
	v22 =	vld [tilespmem:s2+$0xFFFFFFE0];
	[tilespmem:v30+s28+$0x0] =	vst.idx.msk $0xffff, v7;
	v7 =	vmov v9;
	v9 =	vmov v27;
	(pc) =	sbr.rel @p0 .LBB2_8-.Ltmp3, $4  }
0x1d8: {  	s5 =	sadd.s32 $0x10, s0;
	s6 =	sadd.s32 $0x20, s0;
	s7 =	sadd.s32 $0x30, s0;
	v21 =	vor.u32 s0, v0;
	v25 =	vand.u32 $0xFF, v23;
	v24 =	vld [tilespmem:s2+$0xFFFFFFF0];
	[tilespmem:v30+s29+$0x0] =	vst.idx.msk $0xffff, v20;
	v12 =	vmov v23  }
0x1d9: {  	v20 =	vor.u32 s5, v0;
	v30 =	vor.u32 s7, v0;
	v23 =	vld [tilespmem:s2+$0x0];
	[tilespmem:v28+s28+$0x0] =	vst.idx.msk $0xffff, v11;
	v11 =	vmov v29  }
0x1da: {  	v27 =	vor.u32 s6, v0;
	s2 =	sadd.s32 $0x40, s2;
	v26 =	vld.idx.msk [tilespmem:v26+s26+$0x0], $0xffff;
	[tilespmem:v28+s29+$0x0] =	vst.idx.msk $0xffff, v30  }
0x1db: {  	s4 =	sadd.s32 $0x40, s4;
	v28 =	vld [tilespmem:s2+$0x10];
	[tilespmem:v13+s28+$0x0] =	vst.idx.msk $0xffff, v6;
	v6 =	vmov v8;
	v8 =	vmov v31  }
0x1dc: {  	_ =	sdelay $0x2  }
0x1dd: {  	v16 =	vadd.s32 v16, v22  }
0x1de: {  	v57 =	vld.idx.msk [tilespmem:v25+s26+$0x0], $0xffff  }
0x1df: {  	v58 =	vld [tilespmem:s2+$0xFFFFFFE0];
	v17 =	vadd.s32 v17, v24  }
0x1e0: {  	v60 =	vld.idx.msk [tilespmem:v19+s26+$0x0], $0xffff  }
0x1e1: {  	[tilespmem:v13+s29+$0x0] =	vst.idx.msk $0xffff, v15;
	v61 =	vld [tilespmem:s2+$0xFFFFFFF0];
	v14 =	vadd.s32 v14, v23  }
0x1e2: {  	[tilespmem:v16+s28+$0x0] =	vst.idx.msk $0xffff, v10  }
0x1e3: {  	v18 =	vld.idx.msk [tilespmem:v18+s26+$0x0], $0xffff;
	v59 =	vadd.s32 v26, v28;
	[tilespmem:v16+s29+$0x0] =	vst.idx.msk $0xffff, v21  }
0x1e4: {  	[tilespmem:v17+s28+$0x0] =	vst.idx.msk $0xffff, v7;
	v7 =	vld [tilespmem:s2+$0x0]  }
0x1e5: {  	v62 =	vadd.s32 v57, v58;
	[tilespmem:v17+s29+$0x0] =	vst.idx.msk $0xffff, v20  }
0x1e6: {  	s0 =	sadd.s32 $0x40, s0;
	v10 =	vadd.s32 v60, v61;
	[tilespmem:v14+s28+$0x0] =	vst.idx.msk $0xffff, v6  }
0x1e7: {  	s20 =	sadd.s32 $0x30, s0;
	[tilespmem:v14+s29+$0x0] =	vst.idx.msk $0xffff, v27  }
0x1e8: {  	v63 =	vor.u32 s20, v0;
	[tilespmem:v59+s28+$0x0] =	vst.idx.msk $0xffff, v11  }
0x1e9: {  	[tilespmem:v59+s29+$0x0] =	vst.idx.msk $0xffff, v63;
	v6 =	vadd.s32 v18, v7  }
0x1ea: {  	[tilespmem:v62+s28+$0x0] =	vst.idx.msk $0xffff, v12  }
0x1eb: {  	s21 =	sadd.s32 $0x10, s0;
	[tilespmem:v10+s28+$0x0] =	vst.idx.msk $0xffff, v9;
	v7 =	vor.u32 s0, v0  }
0x1ec: {  	[tilespmem:v62+s29+$0x0] =	vst.idx.msk $0xffff, v7;
	v7 =	vor.u32 s21, v0  }
0x1ed: {  	s0 =	sadd.s32 $0x20, s0;
	[tilespmem:v10+s29+$0x0] =	vst.idx.msk $0xffff, v7  }
0x1ee: {  	v7 =	vor.u32 s0, v0;
	[tilespmem:v6+s28+$0x0] =	vst.idx.msk $0xffff, v8  }
0x1ef: {  	[tilespmem:v6+s29+$0x0] =	vst.idx.msk $0xffff, v7  }
0x1f0: {  	[tilespmem:$0xC880] =	vst v5  }
0x1f1: {  	[tilespmem:$0xC890] =	vst v5  }
0x1f2: {  	[tilespmem:$0xC8A0] =	vst v5  }
0x1f3: {  	[tilespmem:$0xC8B0] =	vst v5  }
0x1f4: {  	[tilespmem:$0xC8C0] =	vst v5  }
0x1f5: {  	[tilespmem:$0xC8D0] =	vst v5  }
0x1f6: {  	[tilespmem:$0xC8E0] =	vst v5  }
0x1f7: {  	[tilespmem:$0xC8F0] =	vst v5  }
0x1f8: {  	[tilespmem:$0xC900] =	vst v5  }
0x1f9: {  	[tilespmem:$0xC910] =	vst v5  }
0x1fa: {  	[tilespmem:$0xC920] =	vst v5  }
0x1fb: {  	[tilespmem:$0xC930] =	vst v5  }
0x1fc: {  	[tilespmem:$0xC940] =	vst v5  }
0x1fd: {  	[tilespmem:$0xC950] =	vst v5  }
0x1fe: {  	[tilespmem:$0xC960] =	vst v5  }
0x1ff: {  	s3 =	simm.s32 $0x68A0;
	s2 =	simm.s32 $0xB0A0;
	s0 =	simm.s32 $0xFFFFFFFC;
	[tilespmem:$0xC970] =	vst v5  }
.LBB2_10:
0x200: {  	v6 =	vld [tilespmem:s3+$0xFFFFFFE0];
	_ =	sdelay $0x4  }
0x201: {  	v6 =	vshrl.u32 v6, $0x8  }
0x202: {  	v6 =	vand.u32 $0xFF, v6  }
0x203: {  	(xrf1) =	vunique.msk.u32 $0xffff, v6;
	_ =	sdelay $0xb  }
0x204: {  	v7 =	vld.idx.msk [tilespmem:v6+s25+$0x0], $0xffff;
	_ =	sdelay $0x1  }
0x205: {  	_, v8, vm1 =	vpop (xrf1);
	_ =	sdelay $0x2  }
0x206: {  	v7 =	vadd.s32 v7, v8  }
0x207: {  	v8 =	vadd.s32 $0xFFFFFFFF, v7  }
0x208: {  	[tilespmem:s2+$0xFFFFFFE0] =	vst v8  }
0x209: {  	[tilespmem:v6+s25+$0x0] =	vst.idx.msk vm1, v7  }
0x20a: {  	v6 =	vld [tilespmem:s3+$0xFFFFFFF0];
	_ =	sdelay $0x4  }
0x20b: {  	v6 =	vshrl.u32 v6, $0x8  }
0x20c: {  	v6 =	vand.u32 $0xFF, v6  }
0x20d: {  	(xrf1) =	vunique.msk.u32 $0xffff, v6;
	_ =	sdelay $0xb  }
0x20e: {  	v7 =	vld.idx.msk [tilespmem:v6+s25+$0x0], $0xffff;
	_ =	sdelay $0x1  }
0x20f: {  	_, v61, vm1 =	vpop (xrf1);
	_ =	sdelay $0x2  }
0x210: {  	v7 =	vadd.s32 v7, v61  }
0x211: {  	v8 =	vadd.s32 $0xFFFFFFFF, v7  }
0x212: {  	[tilespmem:s2+$0xFFFFFFF0] =	vst v8  }
0x213: {  	[tilespmem:v6+s25+$0x0] =	vst.idx.msk vm1, v7  }
0x214: {  	v6 =	vld [tilespmem:s3+$0x0];
	_ =	sdelay $0x4  }
0x215: {  	v6 =	vshrl.u32 v6, $0x8  }
0x216: {  	v6 =	vand.u32 $0xFF, v6  }
0x217: {  	(xrf1) =	vunique.msk.u32 $0xffff, v6;
	_ =	sdelay $0xb  }
0x218: {  	v7 =	vld.idx.msk [tilespmem:v6+s25+$0x0], $0xffff;
	_ =	sdelay $0x1  }
0x219: {  	_, v62, vm1 =	vpop (xrf1);
	_ =	sdelay $0x2  }
0x21a: {  	v7 =	vadd.s32 v7, v62  }
0x21b: {  	v8 =	vadd.s32 $0xFFFFFFFF, v7  }
0x21c: {  	[tilespmem:s2+$0x0] =	vst v8  }
0x21d: {  	[tilespmem:v6+s25+$0x0] =	vst.idx.msk vm1, v7  }
0x21e: {  	v6 =	vld [tilespmem:s3+$0x10];
	_ =	sdelay $0x4  }
0x21f: {  	v6 =	vshrl.u32 v6, $0x8  }
0x220: {  	v6 =	vand.u32 $0xFF, v6  }
0x221: {  	(xrf1) =	vunique.msk.u32 $0xffff, v6;
	_ =	sdelay $0xb  }
0x222: {  	v7 =	vld.idx.msk [tilespmem:v6+s25+$0x0], $0xffff;
	_ =	sdelay $0x1  }
0x223: {  	s0 =	sadd.s32 $0x4, s0;
	_, v63, vm1 =	vpop (xrf1)  }
0x224: {  	p0 =	slt.u32 s0, $0x17C  }
.Ltmp4:
0x225: {  	_ = 	snop;
	(pc) =	sbr.rel @p0 .LBB2_10-.Ltmp4, $4  }
0x226: {  	v7 =	vadd.s32 v7, v63  }
0x227: {  	v8 =	vadd.s32 $0xFFFFFFFF, v7  }
0x228: {  	[tilespmem:s2+$0x10] =	vst v8  }
0x229: {  	s20 =	simm.s32 $0x0;
	s3 =	sadd.s32 $0x40, s3;
	s2 =	sadd.s32 $0x40, s2;
	[tilespmem:v6+s25+$0x0] =	vst.idx.msk vm1, v7  }
0x22a: {  	s19 =	simm.s32 $0x0  }
0x22b: {  	v13 =	vld [tilespmem:s19+$0xC880];
	_ =	sdelay $0x4  }
0x22c: {  	s0 =	simm.s32 $0x10;
	(xrf0) =	vadd.scan.msk.s32 $0xffff, v13  }
0x22d: {  	v7 =	vld [tilespmem:s0+$0xC880];
	_ =	sdelay $0x2  }
0x22e: {  	s3 =	simm.s32 $0x20  }
0x22f: {  	v6 =	vld [tilespmem:s3+$0xC880]  }
0x230: {  	v14, _, _ =	vpop (xrf0);
	(xrf0) =	vadd.scan.msk.s32 $0xffff, v7;
	_ =	sdelay $0x1  }
0x231: {  	v8 =	vxor.u32 $0x80000000, v14  }
0x232: {  	(xrf0) =	vmax.scan.msk.u32 $0xffff, v8  }
0x233: {  	(xrf0) =	vadd.scan.msk.s32 $0xffff, v6  }
0x234: {  	s2 =	simm.s32 $0x30  }
0x235: {  	v8 =	vld [tilespmem:s2+$0xC880];
	v10, _, _ =	vpop (xrf0)  }
0x236: {  	v9 =	vxor.u32 $0x80000000, v10;
	_ =	sdelay $0x1  }
0x237: {  	v11, _, _ =	vpop (xrf0)  }
0x238: {  	(xrf0) =	vmax.scan.msk.u32 $0xffff, v9;
	v9, _, _ =	vpop (xrf0)  }
0x239: {  	(xrf0) =	vadd.scan.msk.s32 $0xffff, v8;
	v12 =	vxor.u32 $0x80000000, v9  }
0x23a: {  	(xrf0) =	vmax.scan.msk.u32 $0xffff, v12;
	_ =	sdelay $0x2  }
0x23b: {  	(v2sf) =	vpush v11, $0xF  }
0x23c: {  	v15, _, _ =	vpop (xrf0)  }
0x23d: {  	v11, _, _ =	vpop (xrf0)  }
0x23e: {  	s4 =	simm.s32 $0x40;
	(v2sf) =	vpush v15, $0xF;
	v16, _, _ =	vpop (xrf0)  }
0x23f: {  	v12 =	vld [tilespmem:s4+$0xC880];
	(v2sf) =	vpush v16, $0xF;
	_ =	sdelay $0x4  }
0x240: {  	s5 =	simm.s32 $0x50;
	(xrf0) =	vadd.scan.msk.s32 $0xffff, v12  }
0x241: {  	v17 =	vsub.s32 s20, v13;
	v13 =	vld [tilespmem:s5+$0xC880];
	v15 =	vxor.u32 $0x80000000, v11  }
0x242: {  	(xrf0) =	vmax.scan.msk.u32 $0xffff, v15  }
0x243: {  	s6 =	simm.s32 $0x180;
	v14 =	vadd.s32 v14, v17  }
.LBB2_12:
0x244: {  	s7 =	sshra.s32 s6, $0x2  }
0x245: {  	[tilespmem:s19+$0xC980] =	vst v14;
	s19 =	smov.u32 s0;
	s0 =	smov.u32 s3;
	p0 =	sne.s32 s6, $0x3C0  }
.Ltmp5:
0x246: {  	s6 =	sadd.s32 $0x40, s6;
	(xrf0) =	vadd.scan.msk.s32 $0xffff, v13;
	v15, _, _ =	vpop (xrf0);
	s3 =	spop (v2sf);
	(pc) =	sbr.rel @p0 .LBB2_12-.Ltmp5, $4  }
0x247: {  	v16 =	vmov v13;
	v17 =	vxor.u32 $0x80000000, v15;
	s8 =	sadd.s32 s3, s20;
	v13 =	vld [tilespmem:s7+$0xC880];
	s3 =	smov.u32 s2;
	s2 =	smov.u32 s4  }
0x248: {  	s4 =	smov.u32 s5;
	s5 =	smov.u32 s7;
	(xrf0) =	vmax.scan.msk.u32 $0xffff, v17;
	v14, _, _ =	vpop (xrf0);
	s20 =	sadd.s32 $0x80000000, s8  }
0x249: {  	(v2sf) =	vpush v14, $0xF;
	v14 =	vsub.s32 s20, v7;
	v7 =	vmovc v6;
	v6 =	vmovc v8;
	v8 =	vmov v12  }
0x24a: {  	v12 =	vmovc v16;
	v14 =	vadd.s32 v10, v14;
	v10 =	vmovc v9;
	v9 =	vmov v11;
	v11 =	vmov v15  }
0x24b: {  	_ = 	snop  }
0x24c: {  	v15, _, _ =	vpop (xrf0)  }
0x24d: {  	(xrf0) =	vadd.scan.msk.s32 $0xffff, v13;
	v16 =	vxor.u32 $0x80000000, v15  }
0x24e: {  	(xrf0) =	vmax.scan.msk.u32 $0xffff, v16;
	_ =	sdelay $0x3  }
0x24f: {  	v16, _, _ =	vpop (xrf0)  }
0x250: {  	(v2sf) =	vpush v16, $0xF;
	v16, _, _ =	vpop (xrf0)  }
0x251: {  	v17, _, _ =	vpop (xrf0)  }
0x252: {  	(v2sf) =	vpush v17, $0xF;
	_ =	sdelay $0x6  }
0x253: {  	s6 =	spop (v2sf)  }
0x254: {  	s6 =	sadd.s32 s6, s20  }
0x255: {  	s7 =	spop (v2sf);
	s6 =	sadd.s32 $0x80000000, s6  }
0x256: {  	s7 =	sadd.s32 s7, s6  }
0x257: {  	s7 =	sadd.s32 $0x80000000, s7;
	s8 =	spop (v2sf)  }
0x258: {  	s8 =	sadd.s32 s8, s7  }
0x259: {  	s8 =	sadd.s32 $0x80000000, s8;
	s9 =	spop (v2sf)  }
0x25a: {  	v7 =	vsub.s32 s6, v7;
	s9 =	sadd.s32 s9, s8  }
0x25b: {  	[tilespmem:s19+$0xC980] =	vst v14;
	v7 =	vadd.s32 v10, v7;
	v6 =	vsub.s32 s7, v6;
	s6 =	sadd.s32 $0x80000000, s9;
	s20 =	spop (v2sf)  }
0x25c: {  	[tilespmem:s0+$0xC980] =	vst v7;
	v6 =	vadd.s32 v9, v6;
	v7 =	vsub.s32 s8, v8;
	s21 =	sadd.s32 s20, s6  }
0x25d: {  	[tilespmem:s3+$0xC980] =	vst v6;
	v6 =	vadd.s32 v11, v7;
	v7 =	vsub.s32 s6, v12;
	s0 =	sadd.s32 $0x80000000, s21  }
0x25e: {  	[tilespmem:s2+$0xC980] =	vst v6;
	v6 =	vadd.s32 v15, v7;
	v7 =	vsub.s32 s0, v13  }
0x25f: {  	[tilespmem:s4+$0xC980] =	vst v6;
	v6 =	vadd.s32 v16, v7  }
0x260: {  	s6 =	simm.s32 $0x68A0;
	[tilespmem:s5+$0xC980] =	vst v6  }
0x261: {  	v7 =	vld [tilespmem:s6+$0x10];
	_ =	sdelay $0x4  }
0x262: {  	v6 =	vshrl.u32 v7, $0x8  }
0x263: {  	v6 =	vand.u32 $0xFF, v6  }
0x264: {  	v13 =	vld [tilespmem:s6+$0xFFFFFFF0]  }
0x265: {  	v14 =	vld [tilespmem:s6+$0xFFFFFFE0]  }
0x266: {  	s7 =	simm.s32 $0xB0A0;
	v15 =	vld [tilespmem:s6+$0x0]  }
0x267: {  	v10 =	vld [tilespmem:s7+$0x10]  }
0x268: {  	s8 =	simm.s32 $0x68E0;
	v6 =	vld.idx.msk [tilespmem:v6+s26+$0x0], $0xffff  }
0x269: {  	v17 =	vld [tilespmem:s8+$0x10]  }
0x26a: {  	v23 =	vld [tilespmem:s8+$0xFFFFFFF0]  }
0x26b: {  	v19 =	vld [tilespmem:s8+$0xFFFFFFE0];
	v8 =	vshrl.u32 v13, $0x8  }
0x26c: {  	v12 =	vxor.u32 $0x80000000, v16;
	v16 =	vld [tilespmem:s7+$0xFFFFFFE0];
	v9 =	vshrl.u32 v14, $0x8;
	v8 =	vand.u32 $0xFF, v8  }
0x26d: {  	v11 =	vshrl.u32 v15, $0x8;
	v9 =	vand.u32 $0xFF, v9;
	v20 =	vadd.s32 v6, v10;
	v6 =	vld [tilespmem:s8+$0x0]  }
0x26e: {  	v21 =	vld [tilespmem:s7+$0xFFFFFFF0];
	v11 =	vand.u32 $0xFF, v11;
	v10 =	vshrl.u32 v17, $0x8  }
0x26f: {  	s19 =	simm.s32 $0xB0E0;
	v22 =	vld [tilespmem:s7+$0x0];
	v18 =	vshrl.u32 v23, $0x8;
	v10 =	vand.u32 $0xFF, v10  }
0x270: {  	(xrf0) =	vmax.scan.msk.u32 $0xffff, v12;
	v25 =	vld [tilespmem:s19+$0x10];
	v12 =	vand.u32 $0xFF, v18;
	v18 =	vshrl.u32 v19, $0x8  }
0x271: {  	v18 =	vand.u32 $0xFF, v18;
	v8 =	vld.idx.msk [tilespmem:v8+s26+$0x0], $0xffff  }
0x272: {  	v9 =	vld.idx.msk [tilespmem:v9+s26+$0x0], $0xffff;
	[tilespmem:v20+s30+$0x0] =	vst.idx.msk $0xffff, v7;
	v7 =	vshrl.u32 v6, $0x8  }
0x273: {  	v11 =	vld.idx.msk [tilespmem:v11+s26+$0x0], $0xffff;
	v7 =	vand.u32 $0xFF, v7  }
0x274: {  	v10 =	vld.idx.msk [tilespmem:v10+s26+$0x0], $0xffff  }
0x275: {  	v26 =	vld.idx.msk [tilespmem:v12+s26+$0x0], $0xffff  }
0x276: {  	s20 =	simm.s32 $0x6920;
	v12, _, _ =	vpop (xrf0);
	v18 =	vld.idx.msk [tilespmem:v18+s26+$0x0], $0xffff  }
0x277: {  	(v2sf) =	vpush v12, $0xF;
	v12 =	vld [tilespmem:s20+$0x10]  }
0x278: {  	v27 =	vld.idx.msk [tilespmem:v7+s26+$0x0], $0xffff  }
0x279: {  	v25 =	vadd.s32 v10, v25;
	v10 =	vadd.s32 v8, v21;
	v8 =	vld [tilespmem:s20+$0xFFFFFFE0]  }
0x27a: {  	v16 =	vadd.s32 v9, v16;
	v21 =	vld [tilespmem:s19+$0xFFFFFFE0]  }
0x27b: {  	v7 =	vld [tilespmem:s20+$0xFFFFFFF0]  }
0x27c: {  	v28 =	vld [tilespmem:s19+$0xFFFFFFF0]  }
0x27d: {  	v9 =	vld [tilespmem:s20+$0x0];
	v11 =	vadd.s32 v11, v22  }
0x27e: {  	s9 =	simm.s32 $0x98A0;
	v29 =	vld [tilespmem:s19+$0x0];
	v22 =	vshrl.u32 v12, $0x8;
	[tilespmem:v10+s30+$0x0] =	vst.idx.msk $0xffff, v13;
	v13 =	vshrl.u32 v8, $0x8  }
0x27f: {  	v22 =	vand.u32 $0xFF, v22;
	[tilespmem:v16+s30+$0x0] =	vst.idx.msk $0xffff, v14;
	v24 =	vld [tilespmem:s9+$0x10];
	v33 =	vand.u32 $0xFF, v13;
	v13 =	vadd.s32 v18, v21  }
0x280: {  	s0 =	simm.s32 $0x98E0;
	v32 =	vld [tilespmem:s9+$0xFFFFFFE0];
	[tilespmem:v25+s30+$0x0] =	vst.idx.msk $0xffff, v17;
	v14 =	vshrl.u32 v7, $0x8  }
0x281: {  	v30 =	vld [tilespmem:s0+$0x10];
	v31 =	vand.u32 $0xFF, v14  }
0x282: {  	[tilespmem:v11+s30+$0x0] =	vst.idx.msk $0xffff, v15;
	v14 =	vshrl.u32 v9, $0x8;
	v17 =	vld [tilespmem:s9+$0xFFFFFFF0]  }
0x283: {  	v18 =	vld [tilespmem:s9+$0x0];
	v34 =	vand.u32 $0xFF, v14;
	v14 =	vadd.s32 v26, v28  }
0x284: {  	s2 =	simm.s32 $0xB120;
	v21 =	vld.idx.msk [tilespmem:v22+s26+$0x0], $0xffff;
	[tilespmem:v13+s30+$0x0] =	vst.idx.msk $0xffff, v19;
	v19 =	vadd.s32 v27, v29  }
0x285: {  	[tilespmem:v20+s31+$0x0] =	vst.idx.msk $0xffff, v24;
	v22 =	vld [tilespmem:s2+$0x10]  }
0x286: {  	[tilespmem:v16+s31+$0x0] =	vst.idx.msk $0xffff, v32;
	v15 =	vld.idx.msk [tilespmem:v31+s26+$0x0], $0xffff  }
0x287: {  	s3 =	simm.s32 $0x98E0;
	[tilespmem:v25+s31+$0x0] =	vst.idx.msk $0xffff, v30;
	v20 =	vld.idx.msk [tilespmem:v33+s26+$0x0], $0xffff  }
0x288: {  	s4 =	simm.s32 $0x8;
	s5 =	simm.s32 $0x6960;
	s21 =	spop (v2sf);
	v16 =	vld.idx.msk [tilespmem:v34+s26+$0x0], $0xffff;
	[tilespmem:v14+s30+$0x0] =	vst.idx.msk $0xffff, v23  }
.LBB2_14:
0x289: {  	v23 =	vld [tilespmem:s5+$0x10];
	s4 =	sadd.s32 $0x4, s4;
	[tilespmem:v19+s30+$0x0] =	vst.idx.msk $0xffff, v6;
	v6 =	vmov v9  }
0x28a: {  	v24 =	vld [tilespmem:s5+$0xFFFFFFF0];
	p0 =	slt.u32 s4, $0x17C;
	v25 =	vadd.s32 v21, v22;
	[tilespmem:v10+s31+$0x0] =	vst.idx.msk $0xffff, v17;
	v10 =	vmov v14  }
0x28b: {  	v9 =	vld [tilespmem:s5+$0x0];
	[tilespmem:v11+s31+$0x0] =	vst.idx.msk $0xffff, v18;
	v11 =	vmov v19  }
0x28c: {  	v26 =	vld [tilespmem:s5+$0xFFFFFFE0]  }
0x28d: {  	v14 =	vld [tilespmem:s2+$0xFFFFFFE0]  }
0x28e: {  	v17 =	vshrl.u32 v23, $0x8;
	v18 =	vld [tilespmem:s2+$0xFFFFFFF0]  }
0x28f: {  	s0 =	sadd.s32 $0x40, s0;
	v19 =	vshrl.u32 v24, $0x8;
	v21 =	vand.u32 $0xFF, v17;
	v22 =	vld [tilespmem:s2+$0x0];
	[tilespmem:v25+s30+$0x0] =	vst.idx.msk $0xffff, v12;
	v12 =	vmov v23  }
0x290: {  	v23 =	vand.u32 $0xFF, v19;
	v17 =	vshrl.u32 v9, $0x8;
	v27 =	vld [tilespmem:s0+$0x10]  }
0x291: {  	v19 =	vshrl.u32 v26, $0x8;
	v28 =	vand.u32 $0xFF, v17;
	v29 =	vld [tilespmem:s3+$0xFFFFFFE0]  }
0x292: {  	v30 =	vand.u32 $0xFF, v19;
	v31 =	vadd.s32 v20, v14;
	v17 =	vld [tilespmem:s3+$0xFFFFFFF0]  }
0x293: {  	v14 =	vadd.s32 v15, v18;
	v18 =	vld [tilespmem:s3+$0x0];
	s3 =	smov.u32 s0  }
.Ltmp6:
0x294: {  	s2 =	sadd.s32 $0x40, s2;
	v21 =	vld.idx.msk [tilespmem:v21+s26+$0x0], $0xffff;
	v19 =	vadd.s32 v16, v22;
	(pc) =	sbr.rel @p0 .LBB2_14-.Ltmp6, $4  }
0x295: {  	v22 =	vld [tilespmem:s2+$0x10];
	[tilespmem:v25+s31+$0x0] =	vst.idx.msk $0xffff, v27  }
0x296: {  	v15 =	vld.idx.msk [tilespmem:v23+s26+$0x0], $0xffff;
	[tilespmem:v13+s31+$0x0] =	vst.idx.msk $0xffff, v29;
	v13 =	vmov v31  }
0x297: {  	v20 =	vld.idx.msk [tilespmem:v30+s26+$0x0], $0xffff;
	[tilespmem:v31+s30+$0x0] =	vst.idx.msk $0xffff, v8;
	v8 =	vmov v26  }
0x298: {  	s5 =	sadd.s32 $0x40, s5;
	v16 =	vld.idx.msk [tilespmem:v28+s26+$0x0], $0xffff;
	[tilespmem:v14+s30+$0x0] =	vst.idx.msk $0xffff, v7;
	v7 =	vmov v24  }
0x299: {  	v58 =	vld [tilespmem:s2+$0xFFFFFFE0]  }
0x29a: {  	v23 =	vld [tilespmem:s2+$0xFFFFFFF0]  }
0x29b: {  	v24 =	vld [tilespmem:s2+$0x0]  }
0x29c: {  	v60 =	vld [tilespmem:s3+$0xFFFFFFE0]  }
0x29d: {  	v21 =	vadd.s32 v21, v22  }
0x29e: {  	[tilespmem:v19+s30+$0x0] =	vst.idx.msk $0xffff, v6;
	v20 =	vadd.s32 v20, v58  }
0x29f: {  	[tilespmem:v10+s31+$0x0] =	vst.idx.msk $0xffff, v17;
	v6 =	vadd.s32 v15, v23  }
0x2a0: {  	[tilespmem:v11+s31+$0x0] =	vst.idx.msk $0xffff, v18;
	v59 =	vadd.s32 v16, v24  }
0x2a1: {  	v61 =	vld [tilespmem:s3+$0xFFFFFFF0];
	[tilespmem:v13+s31+$0x0] =	vst.idx.msk $0xffff, v60  }
0x2a2: {  	s0 =	sadd.s32 $0x40, s0;
	v62 =	vld [tilespmem:s3+$0x0];
	[tilespmem:v21+s30+$0x0] =	vst.idx.msk $0xffff, v12  }
0x2a3: {  	v12 =	vld [tilespmem:s0+$0x10];
	[tilespmem:v20+s30+$0x0] =	vst.idx.msk $0xffff, v8  }
0x2a4: {  	[tilespmem:v6+s30+$0x0] =	vst.idx.msk $0xffff, v7;
	v7 =	vld [tilespmem:s0+$0xFFFFFFE0]  }
0x2a5: {  	[tilespmem:v59+s30+$0x0] =	vst.idx.msk $0xffff, v9;
	v63 =	vld [tilespmem:s0+$0xFFFFFFF0]  }
0x2a6: {  	[tilespmem:v14+s31+$0x0] =	vst.idx.msk $0xffff, v61;
	v9 =	vld [tilespmem:s0+$0x0]  }
0x2a7: {  	[tilespmem:v19+s31+$0x0] =	vst.idx.msk $0xffff, v62  }
0x2a8: {  	[tilespmem:v21+s31+$0x0] =	vst.idx.msk $0xffff, v12  }
0x2a9: {  	[tilespmem:v20+s31+$0x0] =	vst.idx.msk $0xffff, v7  }
0x2aa: {  	[tilespmem:v6+s31+$0x0] =	vst.idx.msk $0xffff, v63  }
0x2ab: {  	[tilespmem:v59+s31+$0x0] =	vst.idx.msk $0xffff, v9  }
0x2ac: {  	[tilespmem:$0xC880] =	vst v5  }
0x2ad: {  	[tilespmem:$0xC890] =	vst v5  }
0x2ae: {  	[tilespmem:$0xC8A0] =	vst v5  }
0x2af: {  	[tilespmem:$0xC8B0] =	vst v5  }
0x2b0: {  	[tilespmem:$0xC8C0] =	vst v5  }
0x2b1: {  	[tilespmem:$0xC8D0] =	vst v5  }
0x2b2: {  	[tilespmem:$0xC8E0] =	vst v5  }
0x2b3: {  	[tilespmem:$0xC8F0] =	vst v5  }
0x2b4: {  	[tilespmem:$0xC900] =	vst v5  }
0x2b5: {  	[tilespmem:$0xC910] =	vst v5  }
0x2b6: {  	[tilespmem:$0xC920] =	vst v5  }
0x2b7: {  	[tilespmem:$0xC930] =	vst v5  }
0x2b8: {  	[tilespmem:$0xC940] =	vst v5  }
0x2b9: {  	[tilespmem:$0xC950] =	vst v5  }
0x2ba: {  	[tilespmem:$0xC960] =	vst v5  }
0x2bb: {  	s2 =	simm.s32 $0xB0A0;
	s3 =	simm.s32 $0x50A0;
	s0 =	simm.s32 $0xFFFFFFFC;
	[tilespmem:$0xC970] =	vst v5  }
.LBB2_16:
0x2bc: {  	v6 =	vld [tilespmem:s3+$0xFFFFFFE0];
	_ =	sdelay $0x4  }
0x2bd: {  	v6 =	vshrl.u32 v6, $0x10  }
0x2be: {  	v6 =	vand.u32 $0xFF, v6  }
0x2bf: {  	(xrf1) =	vunique.msk.u32 $0xffff, v6;
	_ =	sdelay $0xb  }
0x2c0: {  	v7 =	vld.idx.msk [tilespmem:v6+s25+$0x0], $0xffff;
	_ =	sdelay $0x1  }
0x2c1: {  	_, v8, vm1 =	vpop (xrf1);
	_ =	sdelay $0x2  }
0x2c2: {  	v7 =	vadd.s32 v7, v8  }
0x2c3: {  	v8 =	vadd.s32 $0xFFFFFFFF, v7  }
0x2c4: {  	[tilespmem:s2+$0xFFFFFFE0] =	vst v8  }
0x2c5: {  	[tilespmem:v6+s25+$0x0] =	vst.idx.msk vm1, v7  }
0x2c6: {  	v6 =	vld [tilespmem:s3+$0xFFFFFFF0];
	_ =	sdelay $0x4  }
0x2c7: {  	v6 =	vshrl.u32 v6, $0x10  }
0x2c8: {  	v6 =	vand.u32 $0xFF, v6  }
0x2c9: {  	(xrf1) =	vunique.msk.u32 $0xffff, v6;
	_ =	sdelay $0xb  }
0x2ca: {  	v7 =	vld.idx.msk [tilespmem:v6+s25+$0x0], $0xffff;
	_ =	sdelay $0x1  }
0x2cb: {  	_, v61, vm1 =	vpop (xrf1);
	_ =	sdelay $0x2  }
0x2cc: {  	v7 =	vadd.s32 v7, v61  }
0x2cd: {  	v8 =	vadd.s32 $0xFFFFFFFF, v7  }
0x2ce: {  	[tilespmem:s2+$0xFFFFFFF0] =	vst v8  }
0x2cf: {  	[tilespmem:v6+s25+$0x0] =	vst.idx.msk vm1, v7  }
0x2d0: {  	v6 =	vld [tilespmem:s3+$0x0];
	_ =	sdelay $0x4  }
0x2d1: {  	v6 =	vshrl.u32 v6, $0x10  }
0x2d2: {  	v6 =	vand.u32 $0xFF, v6  }
0x2d3: {  	(xrf1) =	vunique.msk.u32 $0xffff, v6;
	_ =	sdelay $0xb  }
0x2d4: {  	v7 =	vld.idx.msk [tilespmem:v6+s25+$0x0], $0xffff;
	_ =	sdelay $0x1  }
0x2d5: {  	_, v62, vm1 =	vpop (xrf1);
	_ =	sdelay $0x2  }
0x2d6: {  	v7 =	vadd.s32 v7, v62  }
0x2d7: {  	v8 =	vadd.s32 $0xFFFFFFFF, v7  }
0x2d8: {  	[tilespmem:s2+$0x0] =	vst v8  }
0x2d9: {  	[tilespmem:v6+s25+$0x0] =	vst.idx.msk vm1, v7  }
0x2da: {  	v6 =	vld [tilespmem:s3+$0x10];
	_ =	sdelay $0x4  }
0x2db: {  	v6 =	vshrl.u32 v6, $0x10  }
0x2dc: {  	v6 =	vand.u32 $0xFF, v6  }
0x2dd: {  	(xrf1) =	vunique.msk.u32 $0xffff, v6;
	_ =	sdelay $0xb  }
0x2de: {  	v7 =	vld.idx.msk [tilespmem:v6+s25+$0x0], $0xffff;
	_ =	sdelay $0x1  }
0x2df: {  	s0 =	sadd.s32 $0x4, s0;
	_, v63, vm1 =	vpop (xrf1)  }
0x2e0: {  	p0 =	slt.u32 s0, $0x17C  }
.Ltmp7:
0x2e1: {  	_ = 	snop;
	(pc) =	sbr.rel @p0 .LBB2_16-.Ltmp7, $4  }
0x2e2: {  	v7 =	vadd.s32 v7, v63  }
0x2e3: {  	v8 =	vadd.s32 $0xFFFFFFFF, v7  }
0x2e4: {  	[tilespmem:s2+$0x10] =	vst v8  }
0x2e5: {  	s20 =	simm.s32 $0x0;
	s3 =	sadd.s32 $0x40, s3;
	s2 =	sadd.s32 $0x40, s2;
	[tilespmem:v6+s25+$0x0] =	vst.idx.msk vm1, v7  }
0x2e6: {  	s19 =	simm.s32 $0x0  }
0x2e7: {  	v13 =	vld [tilespmem:s19+$0xC880];
	_ =	sdelay $0x4  }
0x2e8: {  	s0 =	simm.s32 $0x10;
	(xrf0) =	vadd.scan.msk.s32 $0xffff, v13  }
0x2e9: {  	v7 =	vld [tilespmem:s0+$0xC880];
	_ =	sdelay $0x2  }
0x2ea: {  	s3 =	simm.s32 $0x20  }
0x2eb: {  	v6 =	vld [tilespmem:s3+$0xC880]  }
0x2ec: {  	v14, _, _ =	vpop (xrf0);
	(xrf0) =	vadd.scan.msk.s32 $0xffff, v7;
	_ =	sdelay $0x1  }
0x2ed: {  	v8 =	vxor.u32 $0x80000000, v14  }
0x2ee: {  	(xrf0) =	vmax.scan.msk.u32 $0xffff, v8  }
0x2ef: {  	(xrf0) =	vadd.scan.msk.s32 $0xffff, v6  }
0x2f0: {  	s2 =	simm.s32 $0x30  }
0x2f1: {  	v8 =	vld [tilespmem:s2+$0xC880];
	v10, _, _ =	vpop (xrf0)  }
0x2f2: {  	v9 =	vxor.u32 $0x80000000, v10;
	_ =	sdelay $0x1  }
0x2f3: {  	v11, _, _ =	vpop (xrf0)  }
0x2f4: {  	(xrf0) =	vmax.scan.msk.u32 $0xffff, v9;
	v9, _, _ =	vpop (xrf0)  }
0x2f5: {  	(xrf0) =	vadd.scan.msk.s32 $0xffff, v8;
	v12 =	vxor.u32 $0x80000000, v9  }
0x2f6: {  	(xrf0) =	vmax.scan.msk.u32 $0xffff, v12;
	_ =	sdelay $0x2  }
0x2f7: {  	(v2sf) =	vpush v11, $0xF  }
0x2f8: {  	v15, _, _ =	vpop (xrf0)  }
0x2f9: {  	v11, _, _ =	vpop (xrf0)  }
0x2fa: {  	s4 =	simm.s32 $0x40;
	(v2sf) =	vpush v15, $0xF;
	v16, _, _ =	vpop (xrf0)  }
0x2fb: {  	v12 =	vld [tilespmem:s4+$0xC880];
	(v2sf) =	vpush v16, $0xF;
	_ =	sdelay $0x4  }
0x2fc: {  	s5 =	simm.s32 $0x50;
	(xrf0) =	vadd.scan.msk.s32 $0xffff, v12  }
0x2fd: {  	v17 =	vsub.s32 s20, v13;
	v13 =	vld [tilespmem:s5+$0xC880];
	v15 =	vxor.u32 $0x80000000, v11  }
0x2fe: {  	(xrf0) =	vmax.scan.msk.u32 $0xffff, v15  }
0x2ff: {  	s6 =	simm.s32 $0x180;
	v14 =	vadd.s32 v14, v17  }
.LBB2_18:
0x300: {  	s7 =	sshra.s32 s6, $0x2  }
0x301: {  	[tilespmem:s19+$0xC980] =	vst v14;
	s19 =	smov.u32 s0;
	s0 =	smov.u32 s3;
	p0 =	sne.s32 s6, $0x3C0  }
.Ltmp8:
0x302: {  	s6 =	sadd.s32 $0x40, s6;
	(xrf0) =	vadd.scan.msk.s32 $0xffff, v13;
	v15, _, _ =	vpop (xrf0);
	s3 =	spop (v2sf);
	(pc) =	sbr.rel @p0 .LBB2_18-.Ltmp8, $4  }
0x303: {  	v16 =	vmov v13;
	v17 =	vxor.u32 $0x80000000, v15;
	s8 =	sadd.s32 s3, s20;
	v13 =	vld [tilespmem:s7+$0xC880];
	s3 =	smov.u32 s2;
	s2 =	smov.u32 s4  }
0x304: {  	s4 =	smov.u32 s5;
	s5 =	smov.u32 s7;
	(xrf0) =	vmax.scan.msk.u32 $0xffff, v17;
	v14, _, _ =	vpop (xrf0);
	s20 =	sadd.s32 $0x80000000, s8  }
0x305: {  	(v2sf) =	vpush v14, $0xF;
	v14 =	vsub.s32 s20, v7;
	v7 =	vmovc v6;
	v6 =	vmovc v8;
	v8 =	vmov v12  }
0x306: {  	v12 =	vmovc v16;
	v14 =	vadd.s32 v10, v14;
	v10 =	vmovc v9;
	v9 =	vmov v11;
	v11 =	vmov v15  }
0x307: {  	_ = 	snop  }
0x308: {  	v15, _, _ =	vpop (xrf0)  }
0x309: {  	(xrf0) =	vadd.scan.msk.s32 $0xffff, v13;
	v16 =	vxor.u32 $0x80000000, v15  }
0x30a: {  	(xrf0) =	vmax.scan.msk.u32 $0xffff, v16;
	_ =	sdelay $0x3  }
0x30b: {  	v16, _, _ =	vpop (xrf0)  }
0x30c: {  	(v2sf) =	vpush v16, $0xF;
	v16, _, _ =	vpop (xrf0)  }
0x30d: {  	v17, _, _ =	vpop (xrf0)  }
0x30e: {  	(v2sf) =	vpush v17, $0xF;
	_ =	sdelay $0x6  }
0x30f: {  	s6 =	spop (v2sf)  }
0x310: {  	s6 =	sadd.s32 s6, s20  }
0x311: {  	s7 =	spop (v2sf);
	s6 =	sadd.s32 $0x80000000, s6  }
0x312: {  	s7 =	sadd.s32 s7, s6  }
0x313: {  	s7 =	sadd.s32 $0x80000000, s7;
	s8 =	spop (v2sf)  }
0x314: {  	s8 =	sadd.s32 s8, s7  }
0x315: {  	s8 =	sadd.s32 $0x80000000, s8;
	s9 =	spop (v2sf)  }
0x316: {  	v7 =	vsub.s32 s6, v7;
	s9 =	sadd.s32 s9, s8  }
0x317: {  	[tilespmem:s19+$0xC980] =	vst v14;
	v7 =	vadd.s32 v10, v7;
	v6 =	vsub.s32 s7, v6;
	s6 =	sadd.s32 $0x80000000, s9;
	s20 =	spop (v2sf)  }
0x318: {  	[tilespmem:s0+$0xC980] =	vst v7;
	v6 =	vadd.s32 v9, v6;
	v7 =	vsub.s32 s8, v8;
	s21 =	sadd.s32 s20, s6  }
0x319: {  	[tilespmem:s3+$0xC980] =	vst v6;
	v6 =	vadd.s32 v11, v7;
	v7 =	vsub.s32 s6, v12;
	s0 =	sadd.s32 $0x80000000, s21  }
0x31a: {  	[tilespmem:s2+$0xC980] =	vst v6;
	v6 =	vadd.s32 v15, v7;
	v7 =	vsub.s32 s0, v13  }
0x31b: {  	[tilespmem:s4+$0xC980] =	vst v6;
	v6 =	vadd.s32 v16, v7  }
0x31c: {  	s6 =	simm.s32 $0x50A0;
	[tilespmem:s5+$0xC980] =	vst v6  }
0x31d: {  	v7 =	vld [tilespmem:s6+$0x10];
	_ =	sdelay $0x4  }
0x31e: {  	v6 =	vshrl.u32 v7, $0x10  }
0x31f: {  	v6 =	vand.u32 $0xFF, v6  }
0x320: {  	v13 =	vld [tilespmem:s6+$0xFFFFFFF0]  }
0x321: {  	v14 =	vld [tilespmem:s6+$0xFFFFFFE0]  }
0x322: {  	s7 =	simm.s32 $0xB0A0;
	v15 =	vld [tilespmem:s6+$0x0]  }
0x323: {  	v10 =	vld [tilespmem:s7+$0x10]  }
0x324: {  	s8 =	simm.s32 $0x50E0;
	v6 =	vld.idx.msk [tilespmem:v6+s26+$0x0], $0xffff  }
0x325: {  	v17 =	vld [tilespmem:s8+$0x10]  }
0x326: {  	v23 =	vld [tilespmem:s8+$0xFFFFFFF0]  }
0x327: {  	v19 =	vld [tilespmem:s8+$0xFFFFFFE0];
	v8 =	vshrl.u32 v13, $0x10  }
0x328: {  	v12 =	vxor.u32 $0x80000000, v16;
	v16 =	vld [tilespmem:s7+$0xFFFFFFE0];
	v9 =	vshrl.u32 v14, $0x10;
	v8 =	vand.u32 $0xFF, v8  }
0x329: {  	v11 =	vshrl.u32 v15, $0x10;
	v9 =	vand.u32 $0xFF, v9;
	v20 =	vadd.s32 v6, v10;
	v6 =	vld [tilespmem:s8+$0x0]  }
0x32a: {  	v21 =	vld [tilespmem:s7+$0xFFFFFFF0];
	v11 =	vand.u32 $0xFF, v11;
	v10 =	vshrl.u32 v17, $0x10  }
0x32b: {  	s19 =	simm.s32 $0xB0E0;
	v22 =	vld [tilespmem:s7+$0x0];
	v18 =	vshrl.u32 v23, $0x10;
	v10 =	vand.u32 $0xFF, v10  }
0x32c: {  	(xrf0) =	vmax.scan.msk.u32 $0xffff, v12;
	v25 =	vld [tilespmem:s19+$0x10];
	v12 =	vand.u32 $0xFF, v18;
	v18 =	vshrl.u32 v19, $0x10  }
0x32d: {  	v18 =	vand.u32 $0xFF, v18;
	v8 =	vld.idx.msk [tilespmem:v8+s26+$0x0], $0xffff  }
0x32e: {  	v9 =	vld.idx.msk [tilespmem:v9+s26+$0x0], $0xffff;
	[tilespmem:v20+s28+$0x0] =	vst.idx.msk $0xffff, v7;
	v7 =	vshrl.u32 v6, $0x10  }
0x32f: {  	v11 =	vld.idx.msk [tilespmem:v11+s26+$0x0], $0xffff;
	v7 =	vand.u32 $0xFF, v7  }
0x330: {  	v10 =	vld.idx.msk [tilespmem:v10+s26+$0x0], $0xffff  }
0x331: {  	v26 =	vld.idx.msk [tilespmem:v12+s26+$0x0], $0xffff  }
0x332: {  	s20 =	simm.s32 $0x5120;
	v12, _, _ =	vpop (xrf0);
	v18 =	vld.idx.msk [tilespmem:v18+s26+$0x0], $0xffff  }
0x333: {  	(v2sf) =	vpush v12, $0xF;
	v12 =	vld [tilespmem:s20+$0x10]  }
0x334: {  	v27 =	vld.idx.msk [tilespmem:v7+s26+$0x0], $0xffff  }
0x335: {  	v25 =	vadd.s32 v10, v25;
	v10 =	vadd.s32 v8, v21;
	v8 =	vld [tilespmem:s20+$0xFFFFFFE0]  }
0x336: {  	v16 =	vadd.s32 v9, v16;
	v21 =	vld [tilespmem:s19+$0xFFFFFFE0]  }
0x337: {  	v7 =	vld [tilespmem:s20+$0xFFFFFFF0]  }
0x338: {  	v28 =	vld [tilespmem:s19+$0xFFFFFFF0]  }
0x339: {  	v9 =	vld [tilespmem:s20+$0x0];
	v11 =	vadd.s32 v11, v22  }
0x33a: {  	s9 =	simm.s32 $0x80A0;
	v29 =	vld [tilespmem:s19+$0x0];
	v22 =	vshrl.u32 v12, $0x10;
	[tilespmem:v10+s28+$0x0] =	vst.idx.msk $0xffff, v13;
	v13 =	vshrl.u32 v8, $0x10  }
0x33b: {  	v22 =	vand.u32 $0xFF, v22;
	[tilespmem:v16+s28+$0x0] =	vst.idx.msk $0xffff, v14;
	v24 =	vld [tilespmem:s9+$0x10];
	v33 =	vand.u32 $0xFF, v13;
	v13 =	vadd.s32 v18, v21  }
0x33c: {  	s0 =	simm.s32 $0x80E0;
	v32 =	vld [tilespmem:s9+$0xFFFFFFE0];
	[tilespmem:v25+s28+$0x0] =	vst.idx.msk $0xffff, v17;
	v14 =	vshrl.u32 v7, $0x10  }
0x33d: {  	v30 =	vld [tilespmem:s0+$0x10];
	v31 =	vand.u32 $0xFF, v14  }
0x33e: {  	[tilespmem:v11+s28+$0x0] =	vst.idx.msk $0xffff, v15;
	v14 =	vshrl.u32 v9, $0x10;
	v17 =	vld [tilespmem:s9+$0xFFFFFFF0]  }
0x33f: {  	v18 =	vld [tilespmem:s9+$0x0];
	v34 =	vand.u32 $0xFF, v14;
	v14 =	vadd.s32 v26, v28  }
0x340: {  	s2 =	simm.s32 $0xB120;
	v21 =	vld.idx.msk [tilespmem:v22+s26+$0x0], $0xffff;
	[tilespmem:v13+s28+$0x0] =	vst.idx.msk $0xffff, v19;
	v19 =	vadd.s32 v27, v29  }
0x341: {  	[tilespmem:v20+s29+$0x0] =	vst.idx.msk $0xffff, v24;
	v22 =	vld [tilespmem:s2+$0x10]  }
0x342: {  	[tilespmem:v16+s29+$0x0] =	vst.idx.msk $0xffff, v32;
	v15 =	vld.idx.msk [tilespmem:v31+s26+$0x0], $0xffff  }
0x343: {  	s3 =	simm.s32 $0x80E0;
	[tilespmem:v25+s29+$0x0] =	vst.idx.msk $0xffff, v30;
	v20 =	vld.idx.msk [tilespmem:v33+s26+$0x0], $0xffff  }
0x344: {  	s4 =	simm.s32 $0x8;
	s5 =	simm.s32 $0x5160;
	s21 =	spop (v2sf);
	v16 =	vld.idx.msk [tilespmem:v34+s26+$0x0], $0xffff;
	[tilespmem:v14+s28+$0x0] =	vst.idx.msk $0xffff, v23  }
.LBB2_20:
0x345: {  	v23 =	vld [tilespmem:s5+$0x10];
	s4 =	sadd.s32 $0x4, s4;
	[tilespmem:v19+s28+$0x0] =	vst.idx.msk $0xffff, v6;
	v6 =	vmov v9  }
0x346: {  	v24 =	vld [tilespmem:s5+$0xFFFFFFF0];
	p0 =	slt.u32 s4, $0x17C;
	v25 =	vadd.s32 v21, v22;
	[tilespmem:v10+s29+$0x0] =	vst.idx.msk $0xffff, v17;
	v10 =	vmov v14  }
0x347: {  	v9 =	vld [tilespmem:s5+$0x0];
	[tilespmem:v11+s29+$0x0] =	vst.idx.msk $0xffff, v18;
	v11 =	vmov v19  }
0x348: {  	v26 =	vld [tilespmem:s5+$0xFFFFFFE0]  }
0x349: {  	v14 =	vld [tilespmem:s2+$0xFFFFFFE0]  }
0x34a: {  	v17 =	vshrl.u32 v23, $0x10;
	v18 =	vld [tilespmem:s2+$0xFFFFFFF0]  }
0x34b: {  	s0 =	sadd.s32 $0x40, s0;
	v19 =	vshrl.u32 v24, $0x10;
	v21 =	vand.u32 $0xFF, v17;
	v22 =	vld [tilespmem:s2+$0x0];
	[tilespmem:v25+s28+$0x0] =	vst.idx.msk $0xffff, v12;
	v12 =	vmov v23  }
0x34c: {  	v23 =	vand.u32 $0xFF, v19;
	v17 =	vshrl.u32 v9, $0x10;
	v27 =	vld [tilespmem:s0+$0x10]  }
0x34d: {  	v19 =	vshrl.u32 v26, $0x10;
	v28 =	vand.u32 $0xFF, v17;
	v29 =	vld [tilespmem:s3+$0xFFFFFFE0]  }
0x34e: {  	v30 =	vand.u32 $0xFF, v19;
	v31 =	vadd.s32 v20, v14;
	v17 =	vld [tilespmem:s3+$0xFFFFFFF0]  }
0x34f: {  	v14 =	vadd.s32 v15, v18;
	v18 =	vld [tilespmem:s3+$0x0];
	s3 =	smov.u32 s0  }
.Ltmp9:
0x350: {  	s2 =	sadd.s32 $0x40, s2;
	v21 =	vld.idx.msk [tilespmem:v21+s26+$0x0], $0xffff;
	v19 =	vadd.s32 v16, v22;
	(pc) =	sbr.rel @p0 .LBB2_20-.Ltmp9, $4  }
0x351: {  	v22 =	vld [tilespmem:s2+$0x10];
	[tilespmem:v25+s29+$0x0] =	vst.idx.msk $0xffff, v27  }
0x352: {  	v15 =	vld.idx.msk [tilespmem:v23+s26+$0x0], $0xffff;
	[tilespmem:v13+s29+$0x0] =	vst.idx.msk $0xffff, v29;
	v13 =	vmov v31  }
0x353: {  	v20 =	vld.idx.msk [tilespmem:v30+s26+$0x0], $0xffff;
	[tilespmem:v31+s28+$0x0] =	vst.idx.msk $0xffff, v8;
	v8 =	vmov v26  }
0x354: {  	s5 =	sadd.s32 $0x40, s5;
	v16 =	vld.idx.msk [tilespmem:v28+s26+$0x0], $0xffff;
	[tilespmem:v14+s28+$0x0] =	vst.idx.msk $0xffff, v7;
	v7 =	vmov v24  }
0x355: {  	v58 =	vld [tilespmem:s2+$0xFFFFFFE0]  }
0x356: {  	v23 =	vld [tilespmem:s2+$0xFFFFFFF0]  }
0x357: {  	v24 =	vld [tilespmem:s2+$0x0]  }
0x358: {  	v60 =	vld [tilespmem:s3+$0xFFFFFFE0]  }
0x359: {  	v21 =	vadd.s32 v21, v22  }
0x35a: {  	[tilespmem:v19+s28+$0x0] =	vst.idx.msk $0xffff, v6;
	v20 =	vadd.s32 v20, v58  }
0x35b: {  	[tilespmem:v10+s29+$0x0] =	vst.idx.msk $0xffff, v17;
	v6 =	vadd.s32 v15, v23  }
0x35c: {  	[tilespmem:v11+s29+$0x0] =	vst.idx.msk $0xffff, v18;
	v59 =	vadd.s32 v16, v24  }
0x35d: {  	v61 =	vld [tilespmem:s3+$0xFFFFFFF0];
	[tilespmem:v13+s29+$0x0] =	vst.idx.msk $0xffff, v60  }
0x35e: {  	s0 =	sadd.s32 $0x40, s0;
	v62 =	vld [tilespmem:s3+$0x0];
	[tilespmem:v21+s28+$0x0] =	vst.idx.msk $0xffff, v12  }
0x35f: {  	v12 =	vld [tilespmem:s0+$0x10];
	[tilespmem:v20+s28+$0x0] =	vst.idx.msk $0xffff, v8  }
0x360: {  	[tilespmem:v6+s28+$0x0] =	vst.idx.msk $0xffff, v7;
	v7 =	vld [tilespmem:s0+$0xFFFFFFE0]  }
0x361: {  	[tilespmem:v59+s28+$0x0] =	vst.idx.msk $0xffff, v9;
	v63 =	vld [tilespmem:s0+$0xFFFFFFF0]  }
0x362: {  	[tilespmem:v14+s29+$0x0] =	vst.idx.msk $0xffff, v61;
	v9 =	vld [tilespmem:s0+$0x0]  }
0x363: {  	[tilespmem:v19+s29+$0x0] =	vst.idx.msk $0xffff, v62  }
0x364: {  	[tilespmem:v21+s29+$0x0] =	vst.idx.msk $0xffff, v12  }
0x365: {  	[tilespmem:v20+s29+$0x0] =	vst.idx.msk $0xffff, v7  }
0x366: {  	[tilespmem:v6+s29+$0x0] =	vst.idx.msk $0xffff, v63  }
0x367: {  	[tilespmem:v59+s29+$0x0] =	vst.idx.msk $0xffff, v9  }
0x368: {  	[tilespmem:$0xC880] =	vst v5  }
0x369: {  	[tilespmem:$0xC890] =	vst v5  }
0x36a: {  	[tilespmem:$0xC8A0] =	vst v5  }
0x36b: {  	[tilespmem:$0xC8B0] =	vst v5  }
0x36c: {  	[tilespmem:$0xC8C0] =	vst v5  }
0x36d: {  	[tilespmem:$0xC8D0] =	vst v5  }
0x36e: {  	[tilespmem:$0xC8E0] =	vst v5  }
0x36f: {  	[tilespmem:$0xC8F0] =	vst v5  }
0x370: {  	[tilespmem:$0xC900] =	vst v5  }
0x371: {  	[tilespmem:$0xC910] =	vst v5  }
0x372: {  	[tilespmem:$0xC920] =	vst v5  }
0x373: {  	[tilespmem:$0xC930] =	vst v5  }
0x374: {  	[tilespmem:$0xC940] =	vst v5  }
0x375: {  	[tilespmem:$0xC950] =	vst v5  }
0x376: {  	[tilespmem:$0xC960] =	vst v5  }
0x377: {  	s2 =	simm.s32 $0xB0A0;
	s3 =	simm.s32 $0x68A0;
	s0 =	simm.s32 $0xFFFFFFFC;
	[tilespmem:$0xC970] =	vst v5  }
.LBB2_22:
0x378: {  	v6 =	vld [tilespmem:s3+$0xFFFFFFE0];
	_ =	sdelay $0x4  }
0x379: {  	v6 =	vshrl.u32 v6, $0x18  }
0x37a: {  	(xrf1) =	vunique.msk.u32 $0xffff, v6;
	_ =	sdelay $0xb  }
0x37b: {  	v7 =	vld.idx.msk [tilespmem:v6+s25+$0x0], $0xffff;
	_ =	sdelay $0x1  }
0x37c: {  	_, v8, vm1 =	vpop (xrf1);
	_ =	sdelay $0x2  }
0x37d: {  	v7 =	vadd.s32 v7, v8  }
0x37e: {  	v8 =	vadd.s32 $0xFFFFFFFF, v7  }
0x37f: {  	[tilespmem:s2+$0xFFFFFFE0] =	vst v8  }
0x380: {  	[tilespmem:v6+s25+$0x0] =	vst.idx.msk vm1, v7  }
0x381: {  	v6 =	vld [tilespmem:s3+$0xFFFFFFF0];
	_ =	sdelay $0x4  }
0x382: {  	v6 =	vshrl.u32 v6, $0x18  }
0x383: {  	(xrf1) =	vunique.msk.u32 $0xffff, v6;
	_ =	sdelay $0xb  }
0x384: {  	v7 =	vld.idx.msk [tilespmem:v6+s25+$0x0], $0xffff;
	_ =	sdelay $0x1  }
0x385: {  	_, v61, vm1 =	vpop (xrf1);
	_ =	sdelay $0x2  }
0x386: {  	v7 =	vadd.s32 v7, v61  }
0x387: {  	v8 =	vadd.s32 $0xFFFFFFFF, v7  }
0x388: {  	[tilespmem:s2+$0xFFFFFFF0] =	vst v8  }
0x389: {  	[tilespmem:v6+s25+$0x0] =	vst.idx.msk vm1, v7  }
0x38a: {  	v6 =	vld [tilespmem:s3+$0x0];
	_ =	sdelay $0x4  }
0x38b: {  	v6 =	vshrl.u32 v6, $0x18  }
0x38c: {  	(xrf1) =	vunique.msk.u32 $0xffff, v6;
	_ =	sdelay $0xb  }
0x38d: {  	v7 =	vld.idx.msk [tilespmem:v6+s25+$0x0], $0xffff;
	_ =	sdelay $0x1  }
0x38e: {  	_, v62, vm1 =	vpop (xrf1);
	_ =	sdelay $0x2  }
0x38f: {  	v7 =	vadd.s32 v7, v62  }
0x390: {  	v8 =	vadd.s32 $0xFFFFFFFF, v7  }
0x391: {  	[tilespmem:s2+$0x0] =	vst v8  }
0x392: {  	[tilespmem:v6+s25+$0x0] =	vst.idx.msk vm1, v7  }
0x393: {  	v6 =	vld [tilespmem:s3+$0x10];
	_ =	sdelay $0x4  }
0x394: {  	v6 =	vshrl.u32 v6, $0x18  }
0x395: {  	(xrf1) =	vunique.msk.u32 $0xffff, v6;
	_ =	sdelay $0xb  }
0x396: {  	v7 =	vld.idx.msk [tilespmem:v6+s25+$0x0], $0xffff;
	_ =	sdelay $0x1  }
0x397: {  	s0 =	sadd.s32 $0x4, s0;
	_, v63, vm1 =	vpop (xrf1)  }
0x398: {  	p0 =	slt.u32 s0, $0x17C  }
.Ltmp10:
0x399: {  	_ = 	snop;
	(pc) =	sbr.rel @p0 .LBB2_22-.Ltmp10, $4  }
0x39a: {  	v7 =	vadd.s32 v7, v63  }
0x39b: {  	v8 =	vadd.s32 $0xFFFFFFFF, v7  }
0x39c: {  	[tilespmem:s2+$0x10] =	vst v8  }
0x39d: {  	s20 =	simm.s32 $0x0;
	s3 =	sadd.s32 $0x40, s3;
	s2 =	sadd.s32 $0x40, s2;
	[tilespmem:v6+s25+$0x0] =	vst.idx.msk vm1, v7  }
0x39e: {  	s19 =	simm.s32 $0x0  }
0x39f: {  	v13 =	vld [tilespmem:s19+$0xC880];
	_ =	sdelay $0x4  }
0x3a0: {  	s0 =	simm.s32 $0x10;
	(xrf0) =	vadd.scan.msk.s32 $0xffff, v13  }
0x3a1: {  	v7 =	vld [tilespmem:s0+$0xC880];
	_ =	sdelay $0x2  }
0x3a2: {  	s3 =	simm.s32 $0x20  }
0x3a3: {  	v6 =	vld [tilespmem:s3+$0xC880]  }
0x3a4: {  	v14, _, _ =	vpop (xrf0);
	(xrf0) =	vadd.scan.msk.s32 $0xffff, v7;
	_ =	sdelay $0x1  }
0x3a5: {  	v8 =	vxor.u32 $0x80000000, v14  }
0x3a6: {  	(xrf0) =	vmax.scan.msk.u32 $0xffff, v8  }
0x3a7: {  	(xrf0) =	vadd.scan.msk.s32 $0xffff, v6  }
0x3a8: {  	s2 =	simm.s32 $0x30  }
0x3a9: {  	v8 =	vld [tilespmem:s2+$0xC880];
	v10, _, _ =	vpop (xrf0)  }
0x3aa: {  	v9 =	vxor.u32 $0x80000000, v10;
	_ =	sdelay $0x1  }
0x3ab: {  	v11, _, _ =	vpop (xrf0)  }
0x3ac: {  	(xrf0) =	vmax.scan.msk.u32 $0xffff, v9;
	v9, _, _ =	vpop (xrf0)  }
0x3ad: {  	(xrf0) =	vadd.scan.msk.s32 $0xffff, v8;
	v12 =	vxor.u32 $0x80000000, v9  }
0x3ae: {  	(xrf0) =	vmax.scan.msk.u32 $0xffff, v12;
	_ =	sdelay $0x2  }
0x3af: {  	(v2sf) =	vpush v11, $0xF  }
0x3b0: {  	v15, _, _ =	vpop (xrf0)  }
0x3b1: {  	v11, _, _ =	vpop (xrf0)  }
0x3b2: {  	s4 =	simm.s32 $0x40;
	(v2sf) =	vpush v15, $0xF;
	v16, _, _ =	vpop (xrf0)  }
0x3b3: {  	v12 =	vld [tilespmem:s4+$0xC880];
	(v2sf) =	vpush v16, $0xF;
	_ =	sdelay $0x4  }
0x3b4: {  	s5 =	simm.s32 $0x50;
	(xrf0) =	vadd.scan.msk.s32 $0xffff, v12  }
0x3b5: {  	v17 =	vsub.s32 s20, v13;
	v13 =	vld [tilespmem:s5+$0xC880];
	v15 =	vxor.u32 $0x80000000, v11  }
0x3b6: {  	(xrf0) =	vmax.scan.msk.u32 $0xffff, v15  }
0x3b7: {  	s6 =	simm.s32 $0x180;
	v14 =	vadd.s32 v14, v17  }
.LBB2_24:
0x3b8: {  	s7 =	sshra.s32 s6, $0x2  }
0x3b9: {  	[tilespmem:s19+$0xC980] =	vst v14;
	s19 =	smov.u32 s0;
	s0 =	smov.u32 s3;
	p0 =	sne.s32 s6, $0x3C0  }
.Ltmp11:
0x3ba: {  	s6 =	sadd.s32 $0x40, s6;
	(xrf0) =	vadd.scan.msk.s32 $0xffff, v13;
	v15, _, _ =	vpop (xrf0);
	s3 =	spop (v2sf);
	(pc) =	sbr.rel @p0 .LBB2_24-.Ltmp11, $4  }
0x3bb: {  	v16 =	vmov v13;
	v17 =	vxor.u32 $0x80000000, v15;
	s8 =	sadd.s32 s3, s20;
	v13 =	vld [tilespmem:s7+$0xC880];
	s3 =	smov.u32 s2;
	s2 =	smov.u32 s4  }
0x3bc: {  	s4 =	smov.u32 s5;
	s5 =	smov.u32 s7;
	(xrf0) =	vmax.scan.msk.u32 $0xffff, v17;
	v14, _, _ =	vpop (xrf0);
	s20 =	sadd.s32 $0x80000000, s8  }
0x3bd: {  	(v2sf) =	vpush v14, $0xF;
	v14 =	vsub.s32 s20, v7;
	v7 =	vmovc v6;
	v6 =	vmovc v8;
	v8 =	vmov v12  }
0x3be: {  	v12 =	vmovc v16;
	v14 =	vadd.s32 v10, v14;
	v10 =	vmovc v9;
	v9 =	vmov v11;
	v11 =	vmov v15  }
0x3bf: {  	_ = 	snop  }
0x3c0: {  	v15, _, _ =	vpop (xrf0)  }
0x3c1: {  	(xrf0) =	vadd.scan.msk.s32 $0xffff, v13;
	v16 =	vxor.u32 $0x80000000, v15  }
0x3c2: {  	(xrf0) =	vmax.scan.msk.u32 $0xffff, v16;
	_ =	sdelay $0x3  }
0x3c3: {  	v16, _, _ =	vpop (xrf0)  }
0x3c4: {  	(v2sf) =	vpush v16, $0xF;
	v16, _, _ =	vpop (xrf0)  }
0x3c5: {  	v17, _, _ =	vpop (xrf0)  }
0x3c6: {  	(v2sf) =	vpush v17, $0xF;
	_ =	sdelay $0x6  }
0x3c7: {  	s6 =	spop (v2sf)  }
0x3c8: {  	s6 =	sadd.s32 s6, s20  }
0x3c9: {  	s7 =	spop (v2sf);
	s6 =	sadd.s32 $0x80000000, s6  }
0x3ca: {  	s7 =	sadd.s32 s7, s6  }
0x3cb: {  	s7 =	sadd.s32 $0x80000000, s7;
	s8 =	spop (v2sf)  }
0x3cc: {  	s8 =	sadd.s32 s8, s7  }
0x3cd: {  	s8 =	sadd.s32 $0x80000000, s8;
	s9 =	spop (v2sf)  }
0x3ce: {  	v7 =	vsub.s32 s6, v7;
	s9 =	sadd.s32 s9, s8  }
0x3cf: {  	[tilespmem:s19+$0xC980] =	vst v14;
	v7 =	vadd.s32 v10, v7;
	v6 =	vsub.s32 s7, v6;
	s6 =	sadd.s32 $0x80000000, s9;
	s20 =	spop (v2sf)  }
0x3d0: {  	[tilespmem:s0+$0xC980] =	vst v7;
	v6 =	vadd.s32 v9, v6;
	v7 =	vsub.s32 s8, v8;
	s21 =	sadd.s32 s20, s6  }
0x3d1: {  	[tilespmem:s3+$0xC980] =	vst v6;
	v6 =	vadd.s32 v11, v7;
	v7 =	vsub.s32 s6, v12;
	s0 =	sadd.s32 $0x80000000, s21  }
0x3d2: {  	[tilespmem:s2+$0xC980] =	vst v6;
	v6 =	vadd.s32 v15, v7;
	v7 =	vsub.s32 s0, v13  }
0x3d3: {  	[tilespmem:s4+$0xC980] =	vst v6;
	v6 =	vadd.s32 v16, v7  }
0x3d4: {  	s6 =	simm.s32 $0x68A0;
	[tilespmem:s5+$0xC980] =	vst v6  }
0x3d5: {  	v6 =	vld [tilespmem:s6+$0x10];
	_ =	sdelay $0x2  }
0x3d6: {  	v12 =	vld [tilespmem:s6+$0xFFFFFFF0]  }
0x3d7: {  	v13 =	vld [tilespmem:s6+$0xFFFFFFE0]  }
0x3d8: {  	s7 =	simm.s32 $0xB0A0;
	v14 =	vld [tilespmem:s6+$0x0];
	v7 =	vshrl.u32 v6, $0x18  }
0x3d9: {  	s8 =	simm.s32 $0x68E0;
	v10 =	vld [tilespmem:s7+$0x10]  }
0x3da: {  	v15 =	vld [tilespmem:s8+$0x10]  }
0x3db: {  	v20 =	vld [tilespmem:s8+$0xFFFFFFF0]  }
0x3dc: {  	v18 =	vld [tilespmem:s8+$0xFFFFFFE0]  }
0x3dd: {  	v9 =	vshrl.u32 v13, $0x18;
	v7 =	vld.idx.msk [tilespmem:v7+s26+$0x0], $0xffff  }
0x3de: {  	v21 =	vld [tilespmem:s8+$0x0];
	v11 =	vshrl.u32 v14, $0x18  }
0x3df: {  	v19 =	vld [tilespmem:s7+$0xFFFFFFE0]  }
0x3e0: {  	s19 =	simm.s32 $0xB0E0;
	v23 =	vld [tilespmem:s7+$0x0];
	v8 =	vshrl.u32 v12, $0x18  }
0x3e1: {  	v25 =	vld [tilespmem:s19+$0x10];
	v22 =	vshrl.u32 v20, $0x18  }
0x3e2: {  	v9 =	vld.idx.msk [tilespmem:v9+s26+$0x0], $0xffff;
	v17 =	vadd.s32 v7, v10  }
0x3e3: {  	v11 =	vld.idx.msk [tilespmem:v11+s26+$0x0], $0xffff  }
0x3e4: {  	v28 =	vld [tilespmem:s19+$0xFFFFFFE0]  }
0x3e5: {  	v8 =	vld.idx.msk [tilespmem:v8+s26+$0x0], $0xffff;
	v7 =	vshrl.u32 v15, $0x18;
	v10 =	vxor.u32 $0x80000000, v16  }
0x3e6: {  	v22 =	vld.idx.msk [tilespmem:v22+s26+$0x0], $0xffff;
	(xrf0) =	vmax.scan.msk.u32 $0xffff, v10;
	v10 =	vshrl.u32 v21, $0x18  }
0x3e7: {  	s20 =	simm.s32 $0x6920;
	v16 =	vld [tilespmem:s7+$0xFFFFFFF0];
	[tilespmem:v17+s30+$0x0] =	vst.idx.msk $0xffff, v6;
	v6 =	vshrl.u32 v18, $0x18  }
0x3e8: {  	v29 =	vadd.s32 v9, v19;
	v9 =	vadd.s32 v11, v23;
	v11 =	vld [tilespmem:s20+$0xFFFFFFE0]  }
0x3e9: {  	v23 =	vld [tilespmem:s19+$0x0]  }
0x3ea: {  	v7 =	vld.idx.msk [tilespmem:v7+s26+$0x0], $0xffff  }
0x3eb: {  	v27 =	vld.idx.msk [tilespmem:v10+s26+$0x0], $0xffff  }
0x3ec: {  	v26 =	vld.idx.msk [tilespmem:v6+s26+$0x0], $0xffff;
	v6, _, _ =	vpop (xrf0)  }
0x3ed: {  	v10 =	vld [tilespmem:s20+$0x10];
	(v2sf) =	vpush v6, $0xF  }
0x3ee: {  	s9 =	simm.s32 $0x98A0;
	v30 =	vadd.s32 v8, v16;
	v16 =	vld [tilespmem:s19+$0xFFFFFFF0]  }
0x3ef: {  	[tilespmem:v29+s30+$0x0] =	vst.idx.msk $0xffff, v13;
	v24 =	vld [tilespmem:s9+$0x10]  }
0x3f0: {  	v61 =	vld [tilespmem:s9+$0xFFFFFFE0];
	v25 =	vadd.s32 v7, v25  }
0x3f1: {  	v6 =	vld [tilespmem:s20+$0xFFFFFFF0]  }
0x3f2: {  	v7 =	vld [tilespmem:s20+$0x0];
	v19 =	vshrl.u32 v10, $0x18  }
0x3f3: {  	[tilespmem:v30+s30+$0x0] =	vst.idx.msk $0xffff, v12;
	v12 =	vadd.s32 v22, v16  }
0x3f4: {  	[tilespmem:v9+s30+$0x0] =	vst.idx.msk $0xffff, v14;
	v31 =	vld [tilespmem:s9+$0xFFFFFFF0]  }
0x3f5: {  	s0 =	simm.s32 $0x98E0;
	v62 =	vshrl.u32 v11, $0x18;
	v16 =	vld [tilespmem:s9+$0x0];
	v8 =	vadd.s32 v26, v28;
	[tilespmem:v25+s30+$0x0] =	vst.idx.msk $0xffff, v15  }
0x3f6: {  	[tilespmem:v17+s31+$0x0] =	vst.idx.msk $0xffff, v24;
	v13 =	vld [tilespmem:s0+$0x10];
	v15 =	vshrl.u32 v6, $0x18  }
0x3f7: {  	s2 =	simm.s32 $0xB120;
	v14 =	vadd.s32 v27, v23;
	[tilespmem:v29+s31+$0x0] =	vst.idx.msk $0xffff, v61;
	v63 =	vshrl.u32 v7, $0x18;
	v17 =	vld.idx.msk [tilespmem:v19+s26+$0x0], $0xffff  }
0x3f8: {  	[tilespmem:v12+s30+$0x0] =	vst.idx.msk $0xffff, v20;
	v19 =	vld [tilespmem:s2+$0x10]  }
0x3f9: {  	v20 =	vld [tilespmem:s2+$0xFFFFFFE0];
	[tilespmem:v30+s31+$0x0] =	vst.idx.msk $0xffff, v31  }
0x3fa: {  	[tilespmem:v8+s30+$0x0] =	vst.idx.msk $0xffff, v18;
	v18 =	vld.idx.msk [tilespmem:v62+s26+$0x0], $0xffff  }
0x3fb: {  	s3 =	simm.s32 $0x98E0;
	[tilespmem:v25+s31+$0x0] =	vst.idx.msk $0xffff, v13;
	v13 =	vld.idx.msk [tilespmem:v15+s26+$0x0], $0xffff  }
0x3fc: {  	s4 =	simm.s32 $0x8;
	s5 =	simm.s32 $0x6960;
	[tilespmem:v14+s30+$0x0] =	vst.idx.msk $0xffff, v21;
	v15 =	vld.idx.msk [tilespmem:v63+s26+$0x0], $0xffff;
	s21 =	spop (v2sf)  }
.LBB2_26:
0x3fd: {  	v21 =	vld [tilespmem:s5+$0x10];
	s4 =	sadd.s32 $0x4, s4;
	v22 =	vadd.s32 v17, v19;
	[tilespmem:v9+s31+$0x0] =	vst.idx.msk $0xffff, v16;
	v9 =	vmov v14  }
0x3fe: {  	v23 =	vld [tilespmem:s5+$0xFFFFFFF0];
	p0 =	slt.u32 s4, $0x17C  }
0x3ff: {  	v24 =	vld [tilespmem:s5+$0x0]  }
0x400: {  	v14 =	vld [tilespmem:s5+$0xFFFFFFE0]  }
0x401: {  	v18 =	vadd.s32 v18, v20;
	v16 =	vld [tilespmem:s2+$0xFFFFFFF0]  }
0x402: {  	s0 =	sadd.s32 $0x40, s0;
	v17 =	vshrl.u32 v21, $0x18;
	v19 =	vld [tilespmem:s2+$0x0];
	[tilespmem:v22+s30+$0x0] =	vst.idx.msk $0xffff, v10;
	v10 =	vmov v21  }
0x403: {  	v20 =	vshrl.u32 v23, $0x18;
	v21 =	vld [tilespmem:s0+$0x10]  }
0x404: {  	v25 =	vshrl.u32 v24, $0x18;
	v26 =	vld [tilespmem:s3+$0xFFFFFFE0]  }
0x405: {  	v27 =	vshrl.u32 v14, $0x18;
	v28 =	vld [tilespmem:s3+$0xFFFFFFF0]  }
0x406: {  	[tilespmem:v18+s30+$0x0] =	vst.idx.msk $0xffff, v11;
	v29 =	vadd.s32 v13, v16;
	v16 =	vld [tilespmem:s3+$0x0];
	v11 =	vmov v14;
	s3 =	smov.u32 s0  }
0x407: {  	s2 =	sadd.s32 $0x40, s2;
	v17 =	vld.idx.msk [tilespmem:v17+s26+$0x0], $0xffff;
	v14 =	vadd.s32 v15, v19  }
.Ltmp12:
0x408: {  	v19 =	vld [tilespmem:s2+$0x10];
	[tilespmem:v22+s31+$0x0] =	vst.idx.msk $0xffff, v21;
	(pc) =	sbr.rel @p0 .LBB2_26-.Ltmp12, $4  }
0x409: {  	v13 =	vld.idx.msk [tilespmem:v20+s26+$0x0], $0xffff;
	[tilespmem:v8+s31+$0x0] =	vst.idx.msk $0xffff, v26;
	v8 =	vmov v18  }
0x40a: {  	v18 =	vld.idx.msk [tilespmem:v27+s26+$0x0], $0xffff;
	[tilespmem:v12+s31+$0x0] =	vst.idx.msk $0xffff, v28;
	v12 =	vmov v29  }
0x40b: {  	v15 =	vld.idx.msk [tilespmem:v25+s26+$0x0], $0xffff;
	[tilespmem:v29+s30+$0x0] =	vst.idx.msk $0xffff, v6;
	v6 =	vmov v23  }
0x40c: {  	s5 =	sadd.s32 $0x40, s5;
	v20 =	vld [tilespmem:s2+$0xFFFFFFE0];
	[tilespmem:v14+s30+$0x0] =	vst.idx.msk $0xffff, v7;
	v7 =	vmov v24  }
0x40d: {  	_ = 	snop  }
0x40e: {  	v17 =	vadd.s32 v17, v19;
	v19 =	vld [tilespmem:s2+$0xFFFFFFF0]  }
0x40f: {  	v21 =	vld [tilespmem:s2+$0x0];
	_ =	sdelay $0x1  }
0x410: {  	[tilespmem:v9+s31+$0x0] =	vst.idx.msk $0xffff, v16;
	v9 =	vld [tilespmem:s3+$0xFFFFFFE0]  }
0x411: {  	v18 =	vadd.s32 v18, v20  }
0x412: {  	v13 =	vadd.s32 v13, v19  }
0x413: {  	v15 =	vadd.s32 v15, v21  }
0x414: {  	s0 =	sadd.s32 $0x40, s0;
	v16 =	vld [tilespmem:s3+$0xFFFFFFF0];
	[tilespmem:v17+s30+$0x0] =	vst.idx.msk $0xffff, v10  }
0x415: {  	[tilespmem:v8+s31+$0x0] =	vst.idx.msk $0xffff, v9;
	v10 =	vld [tilespmem:s0+$0x10]  }
0x416: {  	[tilespmem:v18+s30+$0x0] =	vst.idx.msk $0xffff, v11;
	v11 =	vld [tilespmem:s3+$0x0]  }
0x417: {  	[tilespmem:v13+s30+$0x0] =	vst.idx.msk $0xffff, v6;
	v6 =	vld [tilespmem:s0+$0xFFFFFFE0]  }
0x418: {  	[tilespmem:v15+s30+$0x0] =	vst.idx.msk $0xffff, v7;
	v7 =	vld [tilespmem:s0+$0xFFFFFFF0]  }
0x419: {  	[tilespmem:v12+s31+$0x0] =	vst.idx.msk $0xffff, v16;
	v8 =	vld [tilespmem:s0+$0x0]  }
0x41a: {  	[tilespmem:v17+s31+$0x0] =	vst.idx.msk $0xffff, v10  }
0x41b: {  	[tilespmem:v14+s31+$0x0] =	vst.idx.msk $0xffff, v11  }
0x41c: {  	[tilespmem:v18+s31+$0x0] =	vst.idx.msk $0xffff, v6  }
0x41d: {  	[tilespmem:v13+s31+$0x0] =	vst.idx.msk $0xffff, v7  }
0x41e: {  	s19 =	simm.s32 $0x80A0;
	[tilespmem:v15+s31+$0x0] =	vst.idx.msk $0xffff, v8  }
0x41f: {  	v7 =	vld [tilespmem:s19+$0xFFFFFFF0]  }
0x420: {  	v8 =	vld [tilespmem:s19+$0x0]  }
0x421: {  	v6 =	vld [tilespmem:s19+$0x10]  }
0x422: {  	s20 =	simm.s32 $0x80E0;
	v11 =	vld [tilespmem:s19+$0xFFFFFFE0]  }
0x423: {  	v13 =	vld [tilespmem:s20+$0xFFFFFFF0]  }
0x424: {  	v12 =	vld [tilespmem:s20+$0x10]  }
0x425: {  	v16 =	vld [tilespmem:s20+$0x0];
	_ =	sdelay $0x1  }
0x426: {  	v10 =	vld.idx.msk [tilespmem:v7+s23+$0x0], $0xffff  }
0x427: {  	v14 =	vld.idx.msk [tilespmem:v8+s23+$0x0], $0xffff  }
0x428: {  	v9 =	vld.idx.msk [tilespmem:v6+s23+$0x0], $0xffff  }
0x429: {  	v17 =	vld.idx.msk [tilespmem:v11+s23+$0x0], $0xffff  }
0x42a: {  	s21 =	simm.s32 $0xCAA0;
	v19 =	vld.idx.msk [tilespmem:v13+s23+$0x0], $0xffff  }
0x42b: {  	[tilespmem:s21+$0xFFFFFFF0] =	vst v10;
	v10 =	vld.idx.msk [tilespmem:v12+s23+$0x0], $0xffff  }
0x42c: {  	s4 =	simm.s32 $0x8120;
	[tilespmem:s21+$0x0] =	vst v14;
	v14 =	vld.idx.msk [tilespmem:v16+s23+$0x0], $0xffff  }
0x42d: {  	[tilespmem:s21+$0x10] =	vst v9;
	v9 =	vld [tilespmem:s4+$0x10]  }
0x42e: {  	v15 =	vld.idx.msk [tilespmem:v6+s24+$0x0], $0xffff  }
0x42f: {  	v6 =	vld [tilespmem:s20+$0xFFFFFFE0]  }
0x430: {  	v18 =	vld.idx.msk [tilespmem:v7+s24+$0x0], $0xffff  }
0x431: {  	v62 =	vld.idx.msk [tilespmem:v8+s24+$0x0], $0xffff  }
0x432: {  	v7 =	vld [tilespmem:s4+$0xFFFFFFF0]  }
0x433: {  	s0 =	simm.s32 $0xCAE0;
	v8 =	vld [tilespmem:s4+$0x0]  }
0x434: {  	[tilespmem:s0+$0x10] =	vst v10;
	v10 =	vld [tilespmem:s4+$0xFFFFFFE0]  }
0x435: {  	s3 =	simm.s32 $0xD0A0;
	[tilespmem:s21+$0xFFFFFFE0] =	vst v17;
	v63 =	vld.idx.msk [tilespmem:v12+s24+$0x0], $0xffff  }
0x436: {  	[tilespmem:s3+$0x10] =	vst v15;
	v15 =	vld.idx.msk [tilespmem:v11+s24+$0x0], $0xffff  }
0x437: {  	[tilespmem:s0+$0xFFFFFFF0] =	vst v19;
	v17 =	vld.idx.msk [tilespmem:v6+s23+$0x0], $0xffff  }
0x438: {  	[tilespmem:s0+$0x0] =	vst v14;
	v11 =	vld.idx.msk [tilespmem:v13+s24+$0x0], $0xffff  }
0x439: {  	[tilespmem:s3+$0xFFFFFFF0] =	vst v18;
	v16 =	vld.idx.msk [tilespmem:v16+s24+$0x0], $0xffff  }
0x43a: {  	s2 =	simm.s32 $0xD0E0;
	[tilespmem:s3+$0x0] =	vst v62;
	v12 =	vld.idx.msk [tilespmem:v9+s23+$0x0], $0xffff  }
0x43b: {  	v13 =	vld.idx.msk [tilespmem:v7+s23+$0x0], $0xffff;
	[tilespmem:s2+$0x10] =	vst v63  }
0x43c: {  	s5 =	simm.s32 $0x8160;
	s4 =	simm.s32 $0x8;
	v14 =	vld.idx.msk [tilespmem:v8+s23+$0x0], $0xffff;
	[tilespmem:s0+$0xFFFFFFE0] =	vst v17  }
.LBB2_28:
0x43d: {  	v17 =	vld [tilespmem:s5+$0x10];
	s4 =	sadd.s32 $0x4, s4;
	[tilespmem:s3+$0xFFFFFFE0] =	vst v15;
	s3 =	smov.u32 s2  }
0x43e: {  	s0 =	sadd.s32 $0x40, s0;
	v18 =	vld [tilespmem:s5+$0xFFFFFFF0];
	p0 =	slt.u32 s4, $0x5C;
	[tilespmem:s2+$0xFFFFFFF0] =	vst v11  }
0x43f: {  	v19 =	vld [tilespmem:s5+$0x0];
	[tilespmem:s0+$0x10] =	vst v12  }
0x440: {  	[tilespmem:s0+$0xFFFFFFF0] =	vst v13;
	v20 =	vld.idx.msk [tilespmem:v9+s24+$0x0], $0xffff  }
0x441: {  	v21 =	vld [tilespmem:s5+$0xFFFFFFE0];
	[tilespmem:s0+$0x0] =	vst v14  }
0x442: {  	v22 =	vld.idx.msk [tilespmem:v10+s23+$0x0], $0xffff;
	[tilespmem:s2+$0x0] =	vst v16;
	v9 =	vmov v17  }
0x443: {  	v15 =	vld.idx.msk [tilespmem:v6+s24+$0x0], $0xffff;
	v6 =	vmov v10  }
.Ltmp13:
0x444: {  	v11 =	vld.idx.msk [tilespmem:v7+s24+$0x0], $0xffff;
	v7 =	vmov v18;
	(pc) =	sbr.rel @p0 .LBB2_28-.Ltmp13, $4  }
0x445: {  	s2 =	sadd.s32 $0x40, s2;
	v12 =	vld.idx.msk [tilespmem:v17+s23+$0x0], $0xffff  }
0x446: {  	v13 =	vld.idx.msk [tilespmem:v18+s23+$0x0], $0xffff;
	[tilespmem:s2+$0x10] =	vst v20;
	v10 =	vmov v21  }
0x447: {  	v14 =	vld.idx.msk [tilespmem:v19+s23+$0x0], $0xffff  }
0x448: {  	s5 =	sadd.s32 $0x40, s5;
	[tilespmem:s0+$0xFFFFFFE0] =	vst v22;
	v16 =	vld.idx.msk [tilespmem:v8+s24+$0x0], $0xffff;
	v8 =	vmov v19  }
0x449: {  	_ =	sdelay $0x3  }
0x44a: {  	[tilespmem:s3+$0xFFFFFFE0] =	vst v15;
	v15 =	vld.idx.msk [tilespmem:v10+s23+$0x0], $0xffff  }
0x44b: {  	s0 =	sadd.s32 $0x40, s0;
	[tilespmem:s2+$0xFFFFFFF0] =	vst v11  }
0x44c: {  	v6 =	vld.idx.msk [tilespmem:v6+s24+$0x0], $0xffff;
	[tilespmem:s0+$0x10] =	vst v12  }
0x44d: {  	v9 =	vld.idx.msk [tilespmem:v9+s24+$0x0], $0xffff;
	[tilespmem:s0+$0xFFFFFFF0] =	vst v13  }
0x44e: {  	[tilespmem:s0+$0x0] =	vst v14;
	v7 =	vld.idx.msk [tilespmem:v7+s24+$0x0], $0xffff  }
0x44f: {  	v8 =	vld.idx.msk [tilespmem:v8+s24+$0x0], $0xffff;
	[tilespmem:s0+$0xFFFFFFE0] =	vst v15  }
0x450: {  	[tilespmem:s2+$0x0] =	vst v16;
	v10 =	vld.idx.msk [tilespmem:v10+s24+$0x0], $0xffff  }
0x451: {  	s9 =	sadd.s32 $0x40, s2;
	[tilespmem:s2+$0xFFFFFFE0] =	vst v6  }
0x452: {  	[tilespmem:s9+$0x10] =	vst v9  }
0x453: {  	[tilespmem:s9+$0xFFFFFFF0] =	vst v7  }
0x454: {  	[tilespmem:s9+$0x0] =	vst v8  }
0x455: {  	s19 =	simm.s32 $0xCA80;
	[tilespmem:s9+$0xFFFFFFE0] =	vst v10  }
0x456: {  	[hbm4b:s10+s1] =	stream.linear.scatter [tilespmem:s19], [sflag:$0x2], $0x600, $0x38;
	[tilespmem:$0xD680] =	vst v63  }
0x457: {  	_ =	swait.ge [sflag:s18], $0x600  }
0x458: {  	[sflag:s18] =	ssyncset.done $0x0  }
0x459: {  	s20 =	simm.s32 $0xD080;
	[sflag:s18] =	ssyncadd.s32 $0xFFFFFA00  }
0x45a: {  	[hbm4b:s11+s1] =	stream.linear.scatter [tilespmem:s20], [sflag:$0x2], $0x600, $0x38;
	[tilespmem:$0xD680] =	vst v63  }
0x45b: {  	_ =	swait.ge [sflag:s18], $0x600  }
0x45c: {  	[sflag:s18] =	ssyncset.done $0x0  }
0x45d: {  	[sflag:s18] =	ssyncadd.s32 $0xFFFFFA00  }
0x45e: {  	[tilespmem:s23], [sflag:$0x2] =	stream.linear.gather [hbm4b:s12+s1], $0x1800, $0x38;
	[tilespmem:$0xD680] =	vst v63  }
0x45f: {  	_ =	swait.ge [sflag:s18], $0x1800  }
0x460: {  	[sflag:s18] =	ssyncset.done $0x0  }
0x461: {  	[sflag:s18] =	ssyncadd.s32 $0xFFFFE800  }
0x462: {  	[tilespmem:s24], [sflag:$0x2] =	stream.linear.gather [hbm4b:s13+s1], $0x1800, $0x38;
	[tilespmem:$0xD680] =	vst v63  }
0x463: {  	_ =	swait.ge [sflag:s18], $0x1800  }
0x464: {  	[sflag:s18] =	ssyncset.done $0x0  }
0x465: {  	s21 =	simm.s32 $0x38A0;
	[sflag:s18] =	ssyncadd.s32 $0xFFFFE800  }
0x466: {  	s19 =	simm.s32 $0x20A0;
	v6 =	vld [tilespmem:s21+$0x10]  }
0x467: {  	v7 =	vld [tilespmem:s19+$0x10]  }
0x468: {  	v8 =	vld [tilespmem:s19+$0xFFFFFFF0]  }
0x469: {  	v9 =	vld [tilespmem:s19+$0x0]  }
0x46a: {  	v10 =	vld [tilespmem:s19+$0xFFFFFFE0]  }
0x46b: {  	v11 =	vld [tilespmem:s21+$0xFFFFFFE0]  }
0x46c: {  	v12 =	vld [tilespmem:s21+$0xFFFFFFF0];
	v7 =	vadd.f32 v7, v7;
	v6 =	vadd.f32 v6, v6  }
0x46d: {  	v13 =	vld [tilespmem:s21+$0x0];
	v8 =	vadd.f32 v8, v8  }
0x46e: {  	v7 =	vadd.f32 $-1.000000000e+00, v7;
	v6 =	vadd.f32 $-1.000000000e+00, v6  }
0x46f: {  	v10 =	vadd.f32 v10, v10;
	v9 =	vadd.f32 v9, v9  }
0x470: {  	v7 =	vadd.f32 $1.000000000e+00, v7;
	v6 =	vadd.f32 $1.000000000e+00, v6  }
0x471: {  	v11 =	vadd.f32 v11, v11;
	v12 =	vadd.f32 v12, v12  }
0x472: {  	v13 =	vadd.f32 v13, v13;
	v7 =	vmul.f32 $6.400000000e+01, v7;
	v6 =	vmul.f32 $6.400000000e+01, v6  }
0x473: {  	v10 =	vadd.f32 $-1.000000000e+00, v10;
	v8 =	vadd.f32 $-1.000000000e+00, v8  }
0x474: {  	v7 =	vadd.f32 $-1.000000000e+00, v7;
	v6 =	vadd.f32 $-1.000000000e+00, v6  }
0x475: {  	v11 =	vadd.f32 $-1.000000000e+00, v11;
	v9 =	vadd.f32 $-1.000000000e+00, v9  }
0x476: {  	v12 =	vadd.f32 $-1.000000000e+00, v12;
	v7 =	vmul.f32 v7, v3;
	v6 =	vmul.f32 v6, v3  }
0x477: {  	v13 =	vadd.f32 $-1.000000000e+00, v13;
	v10 =	vadd.f32 $1.000000000e+00, v10  }
0x478: {  	v8 =	vadd.f32 $1.000000000e+00, v8;
	v14 =	vtrunc.f32 v7;
	v15 =	vtrunc.f32 v6  }
0x479: {  	v9 =	vadd.f32 $1.000000000e+00, v9;
	v14 =	vcvt.f32.s32 v14;
	v15 =	vcvt.f32.s32 v15  }
0x47a: {  	v11 =	vadd.f32 $1.000000000e+00, v11;
	v10 =	vmul.f32 $6.400000000e+01, v10;
	v8 =	vmul.f32 $6.400000000e+01, v8  }
0x47b: {  	v12 =	vadd.f32 $1.000000000e+00, v12;
	v14 =	vcvt.s32.f32 v14;
	v15 =	vcvt.s32.f32 v15  }
0x47c: {  	v9 =	vmul.f32 $6.400000000e+01, v9;
	vm1 =	vlt.f32 v7, $0.0e+00;
	vm2 =	vlt.f32 v6, $0.0e+00  }
0x47d: {  	v11 =	vmul.f32 $6.400000000e+01, v11;
	v14 =	vsel vm1, $0xBF800000, v14;
	v15 =	vsel vm2, $0xBF800000, v15  }
0x47e: {  	v12 =	vmul.f32 $6.400000000e+01, v12;
	v16 =	vadd.f32 $1.000000000e+00, v15;
	v17 =	vtrunc.f32 v14  }
0x47f: {  	v18 =	vadd.f32 $1.000000000e+00, v14;
	v19 =	vtrunc.f32 v15;
	v17 =	vcvt.f32.s32 v17  }
0x480: {  	v13 =	vadd.f32 $1.000000000e+00, v13;
	v19 =	vcvt.f32.s32 v19;
	v21 =	vtrunc.f32 v16  }
0x481: {  	v12 =	vadd.f32 $-1.000000000e+00, v12;
	v20 =	vtrunc.f32 v18;
	v21 =	vcvt.f32.s32 v21  }
0x482: {  	vm1 =	vgt.s32 v17, $0x0;
	vm2 =	vgt.s32 v19, $0x0;
	v20 =	vcvt.f32.s32 v20  }
0x483: {  	v17 =	vnsel vm1, $0x0, v17;
	v19 =	vnsel vm2, $0x0, v19;
	vm2 =	vlt.s32 v21, $0x3F  }
0x484: {  	vm1 =	vlt.s32 v20, $0x3F;
	v19 =	vshll.u32 v19, $0x6;
	v21 =	vnsel vm2, $0x3F, v21  }
0x485: {  	v20 =	vnsel vm1, $0x3F, v20;
	v22 =	vadd.s32 v17, v19;
	v21 =	vshll.u32 v21, $0x6  }
0x486: {  	v23 =	vand.u32 $0x7F, v22;
	v22 =	vshll.u32 v22, $0x1;
	v19 =	vadd.s32 v20, v19  }
0x487: {  	v22 =	vand.u32 $0xFFFFFF00, v22;
	v17 =	vadd.s32 v17, v21;
	v24 =	vand.u32 $0x7F, v19  }
0x488: {  	v19 =	vshll.u32 v19, $0x1;
	v20 =	vadd.s32 v20, v21;
	v25 =	vand.u32 $0x7F, v17  }
0x489: {  	v22 =	vor.u32 v22, v23;
	v19 =	vand.u32 $0xFFFFFF00, v19;
	v17 =	vshll.u32 v17, $0x1  }
0x48a: {  	v22 =	vor.u32 $0x80, v22;
	v19 =	vor.u32 v19, v24;
	v17 =	vand.u32 $0xFFFFFF00, v17  }
0x48b: {  	v21 =	vshll.u32 v20, $0x1;
	v19 =	vor.u32 $0x80, v19;
	v17 =	vor.u32 v17, v25  }
0x48c: {  	v20 =	vand.u32 $0x7F, v20;
	v21 =	vand.u32 $0xFFFFFF00, v21;
	v17 =	vor.u32 $0x80, v17  }
0x48d: {  	v13 =	vmul.f32 $6.400000000e+01, v13;
	v12 =	vmul.f32 v12, v3;
	v20 =	vor.u32 v21, v20  }
0x48e: {  	v7 =	vsub.f32 v7, v14;
	vm1 =	vge.f32 v14, $0.0e+00;
	v20 =	vor.u32 $0x80, v20  }
0x48f: {  	v6 =	vsub.f32 v6, v15;
	vm2 =	vge.f32 v15, $0.0e+00;
	v15 =	vsel vm1, $0x3F800000, v4;
	v14 =	vld.idx.msk [tilespmem:v22+s1+$0x0], $0xffff  }
0x490: {  	vm1 =	vle.f32 v18, $6.300000000e+01;
	v18 =	vsel vm2, $0x3F800000, v4;
	vm2 =	vle.f32 v16, $6.300000000e+01;
	v19 =	vld.idx.msk [tilespmem:v19+s1+$0x0], $0xffff  }
0x491: {  	v23 =	vsub.f32 $1.000000000e+00, v6;
	v24 =	vmul.f32 v18, v15;
	v21 =	vsel vm1, $0x3F800000, v4;
	v16 =	vld.idx.msk [tilespmem:v17+s1+$0x0], $0xffff  }
0x492: {  	v18 =	vmul.f32 v18, v21;
	v22 =	vsel vm2, $0x3F800000, v4;
	v17 =	vsub.f32 $1.000000000e+00, v7  }
0x493: {  	v25 =	vmul.f32 v22, v21;
	v15 =	vmul.f32 v22, v15;
	v20 =	vld.idx.msk [tilespmem:v20+s1+$0x0], $0xffff  }
0x494: {  	v22 =	vmul.f32 v23, v7;
	v21 =	vmul.f32 v23, v17  }
0x495: {  	v10 =	vadd.f32 $-1.000000000e+00, v10;
	v14 =	vmul.f32 v24, v14;
	v18 =	vmul.f32 v18, v19  }
0x496: {  	v8 =	vadd.f32 $-1.000000000e+00, v8;
	v15 =	vmul.f32 v15, v16;
	v16 =	vmul.f32 v6, v17  }
0x497: {  	v14 =	vmul.f32 v14, v21;
	v17 =	vadd.f32 $-1.000000000e+00, v9;
	v9 =	vmul.f32 v10, v3  }
0x498: {  	v6 =	vmul.f32 v6, v7;
	v19 =	vmul.f32 v25, v20  }
0x499: {  	v10 =	vadd.f32 $-1.000000000e+00, v11;
	v11 =	vmul.f32 v8, v3;
	v18 =	vmul.f32 v18, v22  }
0x49a: {  	v8 =	vadd.f32 $-1.000000000e+00, v13;
	v15 =	vmul.f32 v15, v16;
	v7 =	vmul.f32 v17, v3  }
0x49b: {  	v10 =	vmul.f32 v10, v3;
	v6 =	vmul.f32 v19, v6  }
0x49c: {  	v16 =	vtrunc.f32 v11;
	v13 =	vadd.f32 v18, v14;
	v14 =	vmul.f32 v8, v3  }
0x49d: {  	vm5 =	vlt.f32 v12, $0.0e+00;
	v8 =	vtrunc.f32 v9;
	v16 =	vcvt.f32.s32 v16  }
0x49e: {  	vm1 =	vlt.f32 v9, $0.0e+00;
	v8 =	vcvt.f32.s32 v8;
	v17 =	vtrunc.f32 v10  }
0x49f: {  	v13 =	vadd.f32 v15, v13;
	v15 =	vtrunc.f32 v7;
	v17 =	vcvt.f32.s32 v17  }
0x4a0: {  	vm2 =	vlt.f32 v11, $0.0e+00;
	v18 =	vtrunc.f32 v14;
	v16 =	vcvt.s32.f32 v16  }
0x4a1: {  	vm3 =	vlt.f32 v7, $0.0e+00;
	v15 =	vcvt.f32.s32 v15;
	v18 =	vcvt.f32.s32 v18  }
0x4a2: {  	v8 =	vcvt.s32.f32 v8;
	v6 =	vadd.f32 v13, v6;
	v13 =	vtrunc.f32 v12  }
0x4a3: {  	vm4 =	vlt.f32 v10, $0.0e+00;
	v20 =	vcvt.s32.f32 v17;
	v19 =	vcvt.f32.s32 v13  }
0x4a4: {  	v15 =	vcvt.s32.f32 v15;
	v13 =	vsel vm1, $0xBF800000, v8;
	vm1 =	vlt.f32 v14, $0.0e+00  }
0x4a5: {  	v22 =	vadd.f32 $1.000000000e+00, v13;
	v20 =	vsel vm4, $0xBF800000, v20;
	v9 =	vsub.f32 v9, v13  }
0x4a6: {  	v8 =	vcvt.s32.f32 v19;
	v19 =	vcvt.s32.f32 v18;
	v18 =	vsel vm2, $0xBF800000, v16  }
0x4a7: {  	v17 =	vsel vm3, $0xBF800000, v15;
	v15 =	vadd.f32 $1.000000000e+00, v20;
	v10 =	vsub.f32 v10, v20  }
0x4a8: {  	v25 =	vtrunc.f32 v20;
	v23 =	vadd.f32 $1.000000000e+00, v18;
	v24 =	vadd.f32 $1.000000000e+00, v17  }
0x4a9: {  	v27 =	vtrunc.f32 v22;
	vm2 =	vle.f32 v22, $6.300000000e+01;
	v25 =	vcvt.f32.s32 v25  }
0x4aa: {  	v30 =	vtrunc.f32 v17;
	v11 =	vsub.f32 v11, v18;
	v21 =	vsel vm5, $0xBF800000, v8  }
0x4ab: {  	v19 =	vsel vm1, $0xBF800000, v19;
	v27 =	vcvt.f32.s32 v27;
	v31 =	vtrunc.f32 v15  }
0x4ac: {  	v30 =	vcvt.f32.s32 v30;
	vm5 =	vge.f32 v20, $0.0e+00;
	v42 =	vsub.f32 $1.000000000e+00, v10  }
0x4ad: {  	v16 =	vadd.f32 $1.000000000e+00, v21;
	v26 =	vtrunc.f32 v21;
	v28 =	vtrunc.f32 v19  }
0x4ae: {  	v8 =	vadd.f32 $1.000000000e+00, v19;
	v29 =	vtrunc.f32 v23;
	v22 =	vtrunc.f32 v24  }
0x4af: {  	vm1 =	vle.f32 v23, $6.300000000e+01;
	vm3 =	vle.f32 v24, $6.300000000e+01;
	v31 =	vcvt.f32.s32 v31  }
0x4b0: {  	vm14 =	vgt.s32 v25, $0x0;
	v23 =	vcvt.f32.s32 v26;
	v26 =	vtrunc.f32 v13  }
0x4b1: {  	v14 =	vsub.f32 v14, v19;
	v24 =	vcvt.f32.s32 v28;
	v28 =	vtrunc.f32 v18  }
0x4b2: {  	v29 =	vcvt.f32.s32 v29;
	v22 =	vcvt.f32.s32 v22;
	vm7 =	vlt.s32 v27, $0x3F  }
0x4b3: {  	v25 =	vnsel vm14, $0x0, v25;
	vm13 =	vgt.s32 v30, $0x0;
	v20 =	vsel vm1, $0x3F800000, v4  }
0x4b4: {  	vm1 =	vle.f32 v15, $6.300000000e+01;
	v32 =	vtrunc.f32 v16;
	v33 =	vtrunc.f32 v8  }
0x4b5: {  	v26 =	vcvt.f32.s32 v26;
	v28 =	vcvt.f32.s32 v28;
	v27 =	vnsel vm7, $0x3F, v27  }
0x4b6: {  	vm14 =	vlt.s32 v31, $0x3F;
	v25 =	vshll.u32 v25, $0x6;
	v30 =	vnsel vm13, $0x0, v30  }
0x4b7: {  	vm13 =	vge.f32 v21, $0.0e+00;
	v46 =	vsub.f32 $1.000000000e+00, v14;
	vm15 =	vgt.s32 v23, $0x0  }
0x4b8: {  	vm6 =	vgt.s32 v24, $0x0;
	vm8 =	vlt.s32 v29, $0x3F;
	vm9 =	vlt.s32 v22, $0x3F  }
0x4b9: {  	v32 =	vcvt.f32.s32 v32;
	v33 =	vcvt.f32.s32 v33;
	v34 =	vadd.s32 v27, v25  }
0x4ba: {  	v31 =	vnsel vm14, $0x3F, v31;
	vm14 =	vge.f32 v17, $0.0e+00;
	vm4 =	vgt.s32 v26, $0x0  }
0x4bb: {  	v23 =	vnsel vm15, $0x0, v23;
	v24 =	vnsel vm6, $0x0, v24;
	vm12 =	vgt.s32 v28, $0x0  }
0x4bc: {  	v29 =	vnsel vm8, $0x3F, v29;
	v22 =	vnsel vm9, $0x3F, v22;
	v37 =	vshll.u32 v34, $0x1  }
0x4bd: {  	v31 =	vshll.u32 v31, $0x6;
	v34 =	vand.u32 $0x7F, v34;
	v54 =	vsel vm14, $0x3F800000, v4  }
0x4be: {  	vm15 =	vlt.s32 v32, $0x3F;
	v23 =	vshll.u32 v23, $0x6;
	v26 =	vnsel vm4, $0x0, v26  }
0x4bf: {  	vm11 =	vlt.s32 v33, $0x3F;
	v24 =	vshll.u32 v24, $0x6;
	v28 =	vnsel vm12, $0x0, v28  }
0x4c0: {  	v37 =	vand.u32 $0xFFFFFF00, v37;
	v27 =	vadd.s32 v27, v31;
	vm4 =	vge.f32 v13, $0.0e+00  }
0x4c1: {  	v13 =	vsub.f32 v12, v21;
	vm12 =	vge.f32 v18, $0.0e+00;
	v12 =	vsub.f32 v7, v17  }
0x4c2: {  	v18 =	vsel vm3, $0x3F800000, v4;
	v35 =	vadd.s32 v29, v23;
	v36 =	vadd.s32 v22, v24  }
0x4c3: {  	v25 =	vadd.s32 v26, v25;
	v32 =	vnsel vm15, $0x3F, v32;
	v23 =	vadd.s32 v28, v23  }
0x4c4: {  	v33 =	vnsel vm11, $0x3F, v33;
	v24 =	vadd.s32 v30, v24;
	v34 =	vor.u32 v37, v34  }
0x4c5: {  	v26 =	vadd.s32 v26, v31;
	v31 =	vshll.u32 v27, $0x1;
	v27 =	vand.u32 $0x7F, v27  }
0x4c6: {  	vm15 =	vge.f32 v19, $0.0e+00;
	v19 =	vsel vm2, $0x3F800000, v4;
	vm2 =	vle.f32 v16, $6.300000000e+01  }
0x4c7: {  	v16 =	vsel vm1, $0x3F800000, v4;
	vm1 =	vle.f32 v8, $6.300000000e+01;
	v38 =	vshll.u32 v35, $0x1  }
0x4c8: {  	v39 =	vshll.u32 v36, $0x1;
	v40 =	vshll.u32 v25, $0x1;
	v32 =	vshll.u32 v32, $0x6  }
0x4c9: {  	v41 =	vshll.u32 v23, $0x1;
	v33 =	vshll.u32 v33, $0x6;
	v59 =	vshll.u32 v24, $0x1  }
0x4ca: {  	v35 =	vand.u32 $0x7F, v35;
	v25 =	vand.u32 $0x7F, v25;
	v36 =	vand.u32 $0x7F, v36  }
0x4cb: {  	v23 =	vand.u32 $0x7F, v23;
	v24 =	vand.u32 $0x7F, v24;
	v60 =	vshll.u32 v26, $0x1  }
0x4cc: {  	v34 =	vor.u32 $0x80, v34;
	v26 =	vand.u32 $0x7F, v26;
	v31 =	vand.u32 $0xFFFFFF00, v31  }
0x4cd: {  	v55 =	vsel vm15, $0x3F800000, v4;
	v43 =	vsub.f32 $1.000000000e+00, v13;
	v40 =	vand.u32 $0xFFFFFF00, v40  }
0x4ce: {  	v38 =	vand.u32 $0xFFFFFF00, v38;
	v39 =	vand.u32 $0xFFFFFF00, v39;
	v41 =	vand.u32 $0xFFFFFF00, v41  }
0x4cf: {  	v28 =	vadd.s32 v28, v32;
	v37 =	vand.u32 $0xFFFFFF00, v59;
	v30 =	vadd.s32 v30, v33  }
0x4d0: {  	v29 =	vadd.s32 v29, v32;
	v22 =	vadd.s32 v22, v33;
	v7 =	vor.u32 v31, v27  }
0x4d1: {  	v27 =	vsel vm4, $0x3F800000, v4;
	v31 =	vsel vm12, $0x3F800000, v4;
	v25 =	vor.u32 v40, v25  }
0x4d2: {  	v35 =	vor.u32 v38, v35;
	v36 =	vor.u32 v39, v36;
	v23 =	vor.u32 v41, v23  }
0x4d3: {  	v61 =	vshll.u32 v28, $0x1;
	v24 =	vor.u32 v37, v24;
	v62 =	vshll.u32 v30, $0x1  }
0x4d4: {  	v38 =	vand.u32 $0xFFFFFF00, v60;
	v28 =	vand.u32 $0x7F, v28;
	v30 =	vand.u32 $0x7F, v30  }
0x4d5: {  	v32 =	vshll.u32 v29, $0x1;
	v33 =	vshll.u32 v22, $0x1;
	v29 =	vand.u32 $0x7F, v29  }
0x4d6: {  	v22 =	vand.u32 $0x7F, v22;
	v53 =	vor.u32 $0x80, v7;
	v60 =	vmul.f32 v55, v18  }
0x4d7: {  	v25 =	vor.u32 $0x80, v25;
	v35 =	vor.u32 $0x80, v35;
	v36 =	vor.u32 $0x80, v36  }
0x4d8: {  	v23 =	vor.u32 $0x80, v23;
	v39 =	vand.u32 $0xFFFFFF00, v61;
	v24 =	vor.u32 $0x80, v24  }
0x4d9: {  	v37 =	vand.u32 $0xFFFFFF00, v62;
	v26 =	vor.u32 v38, v26;
	v28 =	vor.u32 v39, v28  }
0x4da: {  	v61 =	vmul.f32 v16, v27;
	v63 =	vor.u32 $0x80, v28;
	v28 =	vand.u32 $0xFFFFFF00, v32  }
0x4db: {  	v30 =	vor.u32 v37, v30;
	v26 =	vor.u32 $0x80, v26;
	v17 =	vor.u32 v28, v29;
	v28 =	vld.idx.msk [tilespmem:v34+s1+$0x0], $0xffff  }
0x4dc: {  	v52 =	vor.u32 $0x80, v30;
	v30 =	vand.u32 $0xFFFFFF00, v33;
	v32 =	vmul.f32 v55, v54;
	v29 =	vld.idx.msk [tilespmem:v35+s1+$0x0], $0xffff  }
0x4dd: {  	v21 =	vor.u32 v30, v22;
	v22 =	vsel vm5, $0x3F800000, v4;
	v30 =	vsel vm13, $0x3F800000, v4;
	v7 =	vld.idx.msk [tilespmem:v36+s1+$0x0], $0xffff  }
0x4de: {  	v56 =	vmul.f32 v22, v19;
	v57 =	vor.u32 $0x80, v17;
	v58 =	vor.u32 $0x80, v21;
	v25 =	vld.idx.msk [tilespmem:v25+s1+$0x0], $0xffff  }
0x4df: {  	v21 =	vsub.f32 $1.000000000e+00, v9;
	v59 =	vmul.f32 v30, v20;
	v15 =	vmul.f32 v22, v27;
	v23 =	vld.idx.msk [tilespmem:v23+s1+$0x0], $0xffff  }
0x4e0: {  	v44 =	vmul.f32 v30, v31;
	v17 =	vsub.f32 $1.000000000e+00, v12;
	v27 =	vmul.f32 v42, v9;
	v24 =	vld.idx.msk [tilespmem:v24+s1+$0x0], $0xffff  }
0x4e1: {  	v8 =	vmul.f32 v42, v21;
	v45 =	vmul.f32 v56, v28;
	v28 =	vsel vm2, $0x3F800000, v4  }
0x4e2: {  	v36 =	vmul.f32 v46, v17;
	v34 =	vmul.f32 v28, v31  }
0x4e3: {  	v48 =	vld.idx.msk [tilespmem:v26+s1+$0x0], $0xffff;
	v31 =	vmul.f32 v43, v11;
	v47 =	vmul.f32 v59, v29  }
0x4e4: {  	v22 =	vsub.f32 $1.000000000e+00, v11;
	v41 =	vmul.f32 v60, v7;
	v30 =	vmul.f32 v15, v25  }
0x4e5: {  	v29 =	vmul.f32 v44, v23;
	v7 =	vmul.f32 v32, v24;
	v23 =	vld.idx.msk [tilespmem:v63+s1+$0x0], $0xffff  }
0x4e6: {  	v26 =	vld.idx.msk [tilespmem:v52+s1+$0x0], $0xffff;
	v15 =	vsel vm1, $0x3F800000, v4;
	v32 =	vmul.f32 v43, v22;
	v24 =	vand.u32 $0x7FFFFFFF, v6  }
0x4e7: {  	v63 =	vmul.f32 v46, v12;
	v25 =	vld.idx.msk [tilespmem:v57+s1+$0x0], $0xffff;
	v37 =	vmul.f32 v45, v27;
	v62 =	vsub.f32 $0.0e+00, v24  }
0x4e8: {  	s21 =	simm.s32 $0x50A0;
	v27 =	vld.idx.msk [tilespmem:v58+s1+$0x0], $0xffff;
	v6 =	vmul.f32 v15, v54;
	v35 =	vmul.f32 v61, v48  }
0x4e9: {  	s0 =	simm.s32 $0x0;
	s2 =	simm.s32 $0x38E0;
	s20 =	simm.s32 $0x50A0;
	v24 =	vld.idx.msk [tilespmem:v53+s1+$0x0], $0xffff;
	v31 =	vmul.f32 v47, v31;
	v33 =	vmul.f32 v41, v63;
	[tilespmem:s21+$0x10] =	vst v62  }
.LBB2_30:
0x4ea: {  	v38 =	vld [tilespmem:s2+$0x10];
	v8 =	vmul.f32 v30, v8;
	v23 =	vmul.f32 v34, v23;
	s19 =	sadd.s32 $0x40, s19  }
0x4eb: {  	v29 =	vmul.f32 v29, v32;
	v26 =	vmul.f32 v6, v26;
	v30 =	vld [tilespmem:s19+$0x10]  }
0x4ec: {  	v19 =	vmul.f32 v16, v19;
	v32 =	vld [tilespmem:s19+$0xFFFFFFF0];
	v6 =	vadd.f32 v37, v8;
	v8 =	vmul.f32 v7, v36  }
0x4ed: {  	s0 =	sadd.s32 $0x4, s0;
	v16 =	vmul.f32 v10, v21;
	v20 =	vmul.f32 v28, v20;
	v7 =	vadd.f32 v31, v29;
	v34 =	vld [tilespmem:s19+$0x0]  }
0x4ee: {  	v22 =	vmul.f32 v13, v22;
	v28 =	vmul.f32 v15, v18;
	p0 =	slt.u32 s0, $0x17C;
	v21 =	vld [tilespmem:s19+$0xFFFFFFE0];
	v15 =	vadd.f32 v33, v8  }
0x4ef: {  	v18 =	vmul.f32 v14, v17;
	v16 =	vmul.f32 v35, v16;
	v8 =	vld [tilespmem:s2+$0xFFFFFFE0]  }
0x4f0: {  	v17 =	vmul.f32 v23, v22;
	v31 =	vadd.f32 v38, v38;
	v29 =	vld [tilespmem:s2+$0xFFFFFFF0];
	v30 =	vadd.f32 v30, v30  }
0x4f1: {  	v19 =	vmul.f32 v19, v24;
	v18 =	vmul.f32 v26, v18;
	v22 =	vadd.f32 v32, v32;
	v23 =	vld [tilespmem:s2+$0x0]  }
0x4f2: {  	v20 =	vmul.f32 v20, v25;
	v26 =	vadd.f32 $-1.000000000e+00, v31;
	v24 =	vadd.f32 $-1.000000000e+00, v30  }
0x4f3: {  	v27 =	vmul.f32 v28, v27;
	v25 =	vadd.f32 v34, v34;
	v21 =	vadd.f32 v21, v21  }
0x4f4: {  	v9 =	vmul.f32 v10, v9;
	v26 =	vadd.f32 $1.000000000e+00, v26;
	v24 =	vadd.f32 $1.000000000e+00, v24  }
0x4f5: {  	v10 =	vmul.f32 v13, v11;
	v8 =	vadd.f32 v8, v8;
	v28 =	vadd.f32 v29, v29  }
0x4f6: {  	v11 =	vadd.f32 v23, v23;
	v13 =	vmul.f32 $6.400000000e+01, v24;
	v23 =	vmul.f32 $6.400000000e+01, v26  }
0x4f7: {  	v12 =	vmul.f32 v14, v12;
	v22 =	vadd.f32 $-1.000000000e+00, v22;
	v21 =	vadd.f32 $-1.000000000e+00, v21  }
0x4f8: {  	v9 =	vmul.f32 v19, v9;
	v13 =	vadd.f32 $-1.000000000e+00, v13;
	v14 =	vadd.f32 $-1.000000000e+00, v23  }
0x4f9: {  	v10 =	vmul.f32 v20, v10;
	v19 =	vadd.f32 $-1.000000000e+00, v8;
	v23 =	vadd.f32 $-1.000000000e+00, v25  }
0x4fa: {  	v20 =	vadd.f32 $-1.000000000e+00, v28;
	v13 =	vmul.f32 v13, v3;
	v14 =	vmul.f32 v14, v3  }
0x4fb: {  	v8 =	vmul.f32 v27, v12;
	v21 =	vadd.f32 $1.000000000e+00, v21;
	v11 =	vadd.f32 $-1.000000000e+00, v11  }
0x4fc: {  	v12 =	vadd.f32 $1.000000000e+00, v22;
	v22 =	vtrunc.f32 v13;
	v24 =	vtrunc.f32 v14  }
0x4fd: {  	v23 =	vadd.f32 $1.000000000e+00, v23;
	v22 =	vcvt.f32.s32 v22;
	v24 =	vcvt.f32.s32 v24  }
0x4fe: {  	v19 =	vadd.f32 $1.000000000e+00, v19;
	v21 =	vmul.f32 $6.400000000e+01, v21;
	v20 =	vadd.f32 $1.000000000e+00, v20  }
0x4ff: {  	v11 =	vadd.f32 $1.000000000e+00, v11;
	v22 =	vcvt.s32.f32 v22;
	v24 =	vcvt.s32.f32 v24  }
0x500: {  	v12 =	vmul.f32 $6.400000000e+01, v12;
	vm1 =	vlt.f32 v13, $0.0e+00;
	vm2 =	vlt.f32 v14, $0.0e+00  }
0x501: {  	v23 =	vmul.f32 $6.400000000e+01, v23;
	v22 =	vsel vm1, $0xBF800000, v22;
	v24 =	vsel vm2, $0xBF800000, v24  }
0x502: {  	v19 =	vmul.f32 $6.400000000e+01, v19;
	v25 =	vadd.f32 $1.000000000e+00, v24;
	v26 =	vtrunc.f32 v22  }
0x503: {  	v27 =	vadd.f32 $1.000000000e+00, v22;
	v28 =	vtrunc.f32 v24;
	v26 =	vcvt.f32.s32 v26  }
0x504: {  	v21 =	vadd.f32 $-1.000000000e+00, v21;
	v20 =	vmul.f32 $6.400000000e+01, v20;
	v28 =	vcvt.f32.s32 v28  }
0x505: {  	v29 =	vtrunc.f32 v27;
	v30 =	vtrunc.f32 v25;
	vm1 =	vgt.s32 v26, $0x0  }
0x506: {  	vm2 =	vgt.s32 v28, $0x0;
	v29 =	vcvt.f32.s32 v29;
	v30 =	vcvt.f32.s32 v30  }
0x507: {  	v11 =	vmul.f32 $6.400000000e+01, v11;
	v26 =	vnsel vm1, $0x0, v26;
	v28 =	vnsel vm2, $0x0, v28  }
0x508: {  	vm1 =	vlt.s32 v29, $0x3F;
	vm2 =	vlt.s32 v30, $0x3F;
	v28 =	vshll.u32 v28, $0x6  }
0x509: {  	v29 =	vnsel vm1, $0x3F, v29;
	v30 =	vnsel vm2, $0x3F, v30;
	v31 =	vadd.s32 v26, v28  }
0x50a: {  	v30 =	vshll.u32 v30, $0x6;
	v32 =	vand.u32 $0x7F, v31;
	v31 =	vshll.u32 v31, $0x1  }
0x50b: {  	v28 =	vadd.s32 v29, v28;
	v31 =	vand.u32 $0xFFFFFF00, v31;
	v26 =	vadd.s32 v26, v30  }
0x50c: {  	v33 =	vand.u32 $0x7F, v28;
	v28 =	vshll.u32 v28, $0x1;
	v34 =	vand.u32 $0x7F, v26  }
0x50d: {  	v31 =	vor.u32 v31, v32;
	v28 =	vand.u32 $0xFFFFFF00, v28;
	v26 =	vshll.u32 v26, $0x1  }
0x50e: {  	v31 =	vor.u32 $0x80, v31;
	v28 =	vor.u32 v28, v33;
	v26 =	vand.u32 $0xFFFFFF00, v26  }
0x50f: {  	v29 =	vadd.s32 v29, v30;
	v28 =	vor.u32 $0x80, v28;
	v26 =	vor.u32 v26, v34  }
0x510: {  	v12 =	vadd.f32 $-1.000000000e+00, v12;
	v30 =	vshll.u32 v29, $0x1;
	v26 =	vor.u32 $0x80, v26  }
0x511: {  	v23 =	vadd.f32 $-1.000000000e+00, v23;
	v29 =	vand.u32 $0x7F, v29;
	v30 =	vand.u32 $0xFFFFFF00, v30  }
0x512: {  	v19 =	vadd.f32 $-1.000000000e+00, v19;
	v20 =	vadd.f32 $-1.000000000e+00, v20;
	v29 =	vor.u32 v30, v29  }
0x513: {  	v13 =	vsub.f32 v13, v22;
	vm1 =	vge.f32 v22, $0.0e+00;
	v29 =	vor.u32 $0x80, v29;
	v22 =	vld.idx.msk [tilespmem:v31+s1+$0x0], $0xffff  }
0x514: {  	v14 =	vsub.f32 v14, v24;
	v30 =	vsel vm1, $0x3F800000, v4;
	vm1 =	vge.f32 v24, $0.0e+00;
	v24 =	vld.idx.msk [tilespmem:v28+s1+$0x0], $0xffff  }
0x515: {  	vm2 =	vle.f32 v27, $6.300000000e+01;
	v27 =	vsel vm1, $0x3F800000, v4;
	vm1 =	vle.f32 v25, $6.300000000e+01;
	v25 =	vld.idx.msk [tilespmem:v26+s1+$0x0], $0xffff  }
0x516: {  	v31 =	vsel vm1, $0x3F800000, v4;
	v28 =	vsel vm2, $0x3F800000, v4;
	v26 =	vsub.f32 $1.000000000e+00, v13  }
0x517: {  	v32 =	vsub.f32 $1.000000000e+00, v14;
	v33 =	vmul.f32 v27, v30;
	v34 =	vmul.f32 v31, v28  }
0x518: {  	v35 =	vadd.f32 $-1.000000000e+00, v11;
	v11 =	vmul.f32 v27, v28;
	v27 =	vmul.f32 v31, v30;
	v28 =	vld.idx.msk [tilespmem:v29+s1+$0x0], $0xffff  }
0x519: {  	v6 =	vadd.f32 v16, v6;
	v30 =	vmul.f32 v32, v13;
	v29 =	vmul.f32 v32, v26  }
0x51a: {  	v7 =	vadd.f32 v17, v7;
	v16 =	vmul.f32 v33, v22;
	v11 =	vmul.f32 v11, v24  }
0x51b: {  	v15 =	vadd.f32 v18, v15;
	v22 =	vmul.f32 v14, v26;
	v17 =	vmul.f32 v27, v25  }
0x51c: {  	v6 =	vadd.f32 v6, v9;
	v16 =	vmul.f32 v16, v29;
	v11 =	vmul.f32 v11, v30  }
0x51d: {  	v7 =	vadd.f32 v7, v10;
	v9 =	vmul.f32 v21, v3;
	v13 =	vmul.f32 v14, v13  }
0x51e: {  	v17 =	vmul.f32 v17, v22;
	v14 =	vmul.f32 v34, v28;
	v16 =	vadd.f32 v11, v16  }
0x51f: {  	vm1 =	vlt.f32 v9, $0.0e+00;
	v11 =	vmul.f32 v12, v3;
	v12 =	vmul.f32 v23, v3  }
0x520: {  	v10 =	vmul.f32 v19, v3;
	v16 =	vadd.f32 v17, v16;
	v17 =	vmul.f32 v14, v13  }
0x521: {  	v13 =	vmul.f32 v20, v3;
	vm2 =	vlt.f32 v11, $0.0e+00;
	v14 =	vmul.f32 v35, v3  }
0x522: {  	v18 =	vtrunc.f32 v9;
	v19 =	vtrunc.f32 v11;
	v16 =	vadd.f32 v16, v17  }
0x523: {  	vm3 =	vlt.f32 v12, $0.0e+00;
	v17 =	vcvt.f32.s32 v18;
	v18 =	vtrunc.f32 v12  }
0x524: {  	v19 =	vcvt.f32.s32 v19;
	v18 =	vcvt.f32.s32 v18;
	v16 =	vand.u32 $0x7FFFFFFF, v16  }
0x525: {  	v20 =	vtrunc.f32 v10;
	v21 =	vtrunc.f32 v13;
	v16 =	vsub.f32 $0.0e+00, v16  }
0x526: {  	s21 =	sadd.s32 $0x40, s21;
	vm4 =	vlt.f32 v10, $0.0e+00;
	v20 =	vcvt.f32.s32 v20;
	v22 =	vtrunc.f32 v14  }
0x527: {  	vm5 =	vlt.f32 v13, $0.0e+00;
	v23 =	vcvt.f32.s32 v21;
	v22 =	vcvt.f32.s32 v22;
	[tilespmem:s21+$0x10] =	vst v16  }
0x528: {  	vm6 =	vlt.f32 v14, $0.0e+00;
	v16 =	vcvt.s32.f32 v17;
	v17 =	vcvt.s32.f32 v19  }
0x529: {  	v8 =	vadd.f32 v15, v8;
	v20 =	vcvt.s32.f32 v20;
	v18 =	vcvt.s32.f32 v18  }
0x52a: {  	v15 =	vcvt.s32.f32 v23;
	v24 =	vcvt.s32.f32 v22;
	v21 =	vsel vm1, $0xBF800000, v16  }
0x52b: {  	v18 =	vsel vm3, $0xBF800000, v18;
	v19 =	vsel vm2, $0xBF800000, v17;
	v25 =	vadd.f32 $1.000000000e+00, v21  }
0x52c: {  	v23 =	vsel vm4, $0xBF800000, v20;
	v27 =	vadd.f32 $1.000000000e+00, v18;
	v26 =	vadd.f32 $1.000000000e+00, v19  }
0x52d: {  	v22 =	vsel vm5, $0xBF800000, v15;
	v20 =	vsel vm6, $0xBF800000, v24;
	v16 =	vadd.f32 $1.000000000e+00, v23  }
0x52e: {  	v24 =	vtrunc.f32 v23;
	v28 =	vtrunc.f32 v22;
	v17 =	vadd.f32 $1.000000000e+00, v22  }
0x52f: {  	v15 =	vadd.f32 $1.000000000e+00, v20;
	v30 =	vtrunc.f32 v20;
	v29 =	vtrunc.f32 v25  }
0x530: {  	v31 =	vtrunc.f32 v27;
	vm1 =	vle.f32 v25, $6.300000000e+01;
	v25 =	vtrunc.f32 v26  }
0x531: {  	v24 =	vcvt.f32.s32 v24;
	vm2 =	vle.f32 v26, $6.300000000e+01;
	v26 =	vcvt.f32.s32 v28  }
0x532: {  	vm3 =	vle.f32 v27, $6.300000000e+01;
	v27 =	vcvt.f32.s32 v30;
	v28 =	vtrunc.f32 v21  }
0x533: {  	v32 =	vtrunc.f32 v18;
	vm4 =	vgt.s32 v24, $0x0;
	v30 =	vtrunc.f32 v19  }
0x534: {  	v29 =	vcvt.f32.s32 v29;
	v25 =	vcvt.f32.s32 v25;
	vm5 =	vgt.s32 v26, $0x0  }
0x535: {  	v31 =	vcvt.f32.s32 v31;
	v33 =	vtrunc.f32 v16;
	vm6 =	vgt.s32 v27, $0x0  }
0x536: {  	v35 =	vtrunc.f32 v15;
	v34 =	vtrunc.f32 v17;
	vm7 =	vlt.s32 v29, $0x3F  }
0x537: {  	v30 =	vcvt.f32.s32 v30;
	v28 =	vcvt.f32.s32 v28;
	vm8 =	vlt.s32 v25, $0x3F  }
0x538: {  	v32 =	vcvt.f32.s32 v32;
	v33 =	vcvt.f32.s32 v33;
	vm9 =	vlt.s32 v31, $0x3F  }
0x539: {  	v24 =	vnsel vm4, $0x0, v24;
	v35 =	vcvt.f32.s32 v35;
	v34 =	vcvt.f32.s32 v34  }
0x53a: {  	v27 =	vnsel vm6, $0x0, v27;
	vm4 =	vgt.s32 v28, $0x0;
	v26 =	vnsel vm5, $0x0, v26  }
0x53b: {  	vm6 =	vgt.s32 v32, $0x0;
	vm5 =	vgt.s32 v30, $0x0;
	v29 =	vnsel vm7, $0x3F, v29  }
0x53c: {  	v31 =	vnsel vm9, $0x3F, v31;
	vm7 =	vlt.s32 v33, $0x3F;
	v25 =	vnsel vm8, $0x3F, v25  }
0x53d: {  	v24 =	vshll.u32 v24, $0x6;
	vm8 =	vlt.s32 v34, $0x3F;
	v26 =	vshll.u32 v26, $0x6  }
0x53e: {  	v27 =	vshll.u32 v27, $0x6;
	v28 =	vnsel vm4, $0x0, v28;
	vm4 =	vlt.s32 v35, $0x3F  }
0x53f: {  	v32 =	vnsel vm6, $0x0, v32;
	v30 =	vnsel vm5, $0x0, v30;
	v36 =	vadd.s32 v29, v24  }
0x540: {  	v38 =	vadd.s32 v31, v27;
	v33 =	vnsel vm7, $0x3F, v33;
	v37 =	vadd.s32 v25, v26  }
0x541: {  	v24 =	vadd.s32 v28, v24;
	v34 =	vnsel vm8, $0x3F, v34;
	v26 =	vadd.s32 v30, v26  }
0x542: {  	v27 =	vadd.s32 v32, v27;
	v35 =	vnsel vm4, $0x3F, v35;
	v39 =	vshll.u32 v36, $0x1  }
0x543: {  	v41 =	vshll.u32 v38, $0x1;
	v33 =	vshll.u32 v33, $0x6;
	v40 =	vshll.u32 v37, $0x1  }
0x544: {  	v42 =	vshll.u32 v24, $0x1;
	v34 =	vshll.u32 v34, $0x6;
	v43 =	vshll.u32 v26, $0x1  }
0x545: {  	v44 =	vshll.u32 v27, $0x1;
	v35 =	vshll.u32 v35, $0x6;
	v39 =	vand.u32 $0xFFFFFF00, v39  }
0x546: {  	v41 =	vand.u32 $0xFFFFFF00, v41;
	v42 =	vand.u32 $0xFFFFFF00, v42;
	v40 =	vand.u32 $0xFFFFFF00, v40  }
0x547: {  	v36 =	vand.u32 $0x7F, v36;
	v28 =	vadd.s32 v28, v33;
	v43 =	vand.u32 $0xFFFFFF00, v43  }
0x548: {  	v44 =	vand.u32 $0xFFFFFF00, v44;
	v37 =	vand.u32 $0x7F, v37;
	v30 =	vadd.s32 v30, v34  }
0x549: {  	v38 =	vand.u32 $0x7F, v38;
	v24 =	vand.u32 $0x7F, v24;
	v32 =	vadd.s32 v32, v35  }
0x54a: {  	v27 =	vand.u32 $0x7F, v27;
	v26 =	vand.u32 $0x7F, v26;
	v36 =	vor.u32 v39, v36  }
0x54b: {  	v38 =	vor.u32 v41, v38;
	v24 =	vor.u32 v42, v24;
	v37 =	vor.u32 v40, v37  }
0x54c: {  	v39 =	vshll.u32 v28, $0x1;
	v26 =	vor.u32 v43, v26;
	v40 =	vshll.u32 v30, $0x1  }
0x54d: {  	v27 =	vor.u32 v44, v27;
	v41 =	vshll.u32 v32, $0x1;
	v36 =	vor.u32 $0x80, v36  }
0x54e: {  	v38 =	vor.u32 $0x80, v38;
	v24 =	vor.u32 $0x80, v24;
	v37 =	vor.u32 $0x80, v37  }
0x54f: {  	v39 =	vand.u32 $0xFFFFFF00, v39;
	v26 =	vor.u32 $0x80, v26;
	v40 =	vand.u32 $0xFFFFFF00, v40  }
0x550: {  	v27 =	vor.u32 $0x80, v27;
	v28 =	vand.u32 $0x7F, v28;
	v41 =	vand.u32 $0xFFFFFF00, v41  }
0x551: {  	v29 =	vadd.s32 v29, v33;
	v30 =	vand.u32 $0x7F, v30;
	v32 =	vand.u32 $0x7F, v32  }
0x552: {  	v25 =	vadd.s32 v25, v34;
	v31 =	vadd.s32 v31, v35;
	v28 =	vor.u32 v39, v28;
	v33 =	vld.idx.msk [tilespmem:v36+s1+$0x0], $0xffff  }
0x553: {  	v34 =	vshll.u32 v29, $0x1;
	v30 =	vor.u32 v40, v30;
	v32 =	vor.u32 v41, v32;
	v35 =	vld.idx.msk [tilespmem:v37+s1+$0x0], $0xffff  }
0x554: {  	v28 =	vor.u32 $0x80, v28;
	v36 =	vshll.u32 v25, $0x1;
	v37 =	vld.idx.msk [tilespmem:v38+s1+$0x0], $0xffff;
	v38 =	vshll.u32 v31, $0x1  }
0x555: {  	v30 =	vor.u32 $0x80, v30;
	v32 =	vor.u32 $0x80, v32;
	v39 =	vld.idx.msk [tilespmem:v24+s1+$0x0], $0xffff;
	v24 =	vand.u32 $0xFFFFFF00, v34  }
0x556: {  	v29 =	vand.u32 $0x7F, v29;
	v36 =	vand.u32 $0xFFFFFF00, v36;
	v38 =	vand.u32 $0xFFFFFF00, v38;
	v34 =	vld.idx.msk [tilespmem:v26+s1+$0x0], $0xffff  }
0x557: {  	v9 =	vsub.f32 v9, v21;
	v25 =	vand.u32 $0x7F, v25;
	v40 =	vld.idx.msk [tilespmem:v27+s1+$0x0], $0xffff;
	v27 =	vand.u32 $0x7F, v31  }
0x558: {  	v10 =	vsub.f32 v10, v23;
	vm5 =	vge.f32 v23, $0.0e+00;
	vm4 =	vge.f32 v21, $0.0e+00  }
0x559: {  	v13 =	vsub.f32 v13, v22;
	v11 =	vsub.f32 v11, v19;
	vm6 =	vge.f32 v19, $0.0e+00;
	v41 =	vld.idx.msk [tilespmem:v28+s1+$0x0], $0xffff  }
0x55a: {  	v12 =	vsub.f32 v12, v18;
	v14 =	vsub.f32 v14, v20;
	vm7 =	vge.f32 v22, $0.0e+00;
	v23 =	vld.idx.msk [tilespmem:v30+s1+$0x0], $0xffff  }
0x55b: {  	vm9 =	vge.f32 v20, $0.0e+00;
	vm8 =	vge.f32 v18, $0.0e+00;
	v21 =	vor.u32 v24, v29;
	v26 =	vld.idx.msk [tilespmem:v32+s1+$0x0], $0xffff  }
0x55c: {  	v19 =	vsel vm1, $0x3F800000, v4;
	v22 =	vor.u32 v36, v25;
	v24 =	vor.u32 v38, v27  }
0x55d: {  	v20 =	vsel vm2, $0x3F800000, v4;
	v18 =	vsel vm3, $0x3F800000, v4;
	v31 =	vsel vm4, $0x3F800000, v4  }
0x55e: {  	v25 =	vsel vm5, $0x3F800000, v4;
	v27 =	vsel vm7, $0x3F800000, v4;
	v32 =	vsel vm6, $0x3F800000, v4  }
0x55f: {  	v36 =	vsel vm8, $0x3F800000, v4;
	v29 =	vsel vm9, $0x3F800000, v4;
	v28 =	vor.u32 $0x80, v21  }
0x560: {  	v38 =	vor.u32 $0x80, v22;
	v42 =	vor.u32 $0x80, v24;
	v30 =	vmul.f32 v25, v19  }
0x561: {  	v44 =	vmul.f32 v29, v18;
	v21 =	vsub.f32 $1.000000000e+00, v9;
	v43 =	vmul.f32 v27, v20  }
0x562: {  	v45 =	vsub.f32 $1.000000000e+00, v10;
	vm1 =	vle.f32 v16, $6.300000000e+01;
	v46 =	vmul.f32 v25, v31  }
0x563: {  	v47 =	vsub.f32 $1.000000000e+00, v13;
	vm2 =	vle.f32 v17, $6.300000000e+01;
	v22 =	vsub.f32 $1.000000000e+00, v11  }
0x564: {  	v49 =	vsub.f32 $1.000000000e+00, v14;
	v17 =	vsub.f32 $1.000000000e+00, v12;
	v48 =	vmul.f32 v27, v32;
	v24 =	vld.idx.msk [tilespmem:v28+s1+$0x0], $0xffff  }
0x565: {  	v16 =	vsel vm1, $0x3F800000, v4;
	vm1 =	vle.f32 v15, $6.300000000e+01;
	v25 =	vld.idx.msk [tilespmem:v38+s1+$0x0], $0xffff;
	v38 =	vmul.f32 v29, v36  }
0x566: {  	v15 =	vsel vm1, $0x3F800000, v4;
	v33 =	vmul.f32 v30, v33;
	v28 =	vsel vm2, $0x3F800000, v4;
	v27 =	vld.idx.msk [tilespmem:v42+s1+$0x0], $0xffff  }
0x567: {  	v6 =	vand.u32 $0x7FFFFFFF, v6;
	v35 =	vmul.f32 v43, v35;
	v42 =	vmul.f32 v44, v37  }
0x568: {  	v30 =	vmul.f32 v46, v39;
	v29 =	vmul.f32 v48, v34;
	v37 =	vand.u32 $0x7FFFFFFF, v7  }
0x569: {  	v39 =	vmul.f32 v16, v31;
	v31 =	vand.u32 $0x7FFFFFFF, v8;
	v7 =	vmul.f32 v38, v40  }
0x56a: {  	v8 =	vmul.f32 v45, v21;
	v38 =	vmul.f32 v45, v9;
	v40 =	vsub.f32 $0.0e+00, v6  }
.Ltmp14:
0x56b: {  	v34 =	vmul.f32 v28, v32;
	v32 =	vmul.f32 v47, v22;
	v37 =	vsub.f32 $0.0e+00, v37;
	(pc) =	sbr.rel @p0 .LBB2_30-.Ltmp14, $4  }
0x56c: {  	v43 =	vmul.f32 v47, v11;
	v6 =	vmul.f32 v15, v36;
	[tilespmem:s20+$0xFFFFFFE0] =	vst v40;
	v40 =	vsub.f32 $0.0e+00, v31  }
0x56d: {  	v44 =	vmul.f32 v49, v12;
	v36 =	vmul.f32 v49, v17;
	[tilespmem:s20+$0xFFFFFFF0] =	vst v37  }
0x56e: {  	v31 =	vmul.f32 v35, v43;
	v37 =	vmul.f32 v33, v38;
	[tilespmem:s20+$0x0] =	vst v40;
	s20 =	smov.u32 s21  }
0x56f: {  	s2 =	sadd.s32 $0x40, s2;
	v35 =	vmul.f32 v39, v41;
	v33 =	vmul.f32 v42, v44  }
0x570: {  	v8 =	vmul.f32 v30, v8;
	v23 =	vmul.f32 v34, v23  }
0x571: {  	v29 =	vmul.f32 v29, v32;
	v6 =	vmul.f32 v6, v26  }
0x572: {  	v16 =	vmul.f32 v16, v19;
	v7 =	vmul.f32 v7, v36  }
0x573: {  	v56 =	vmul.f32 v10, v21;
	v20 =	vmul.f32 v28, v20  }
0x574: {  	v57 =	vmul.f32 v13, v22;
	v15 =	vmul.f32 v15, v18  }
0x575: {  	v17 =	vmul.f32 v14, v17;
	v9 =	vmul.f32 v10, v9  }
0x576: {  	v11 =	vmul.f32 v13, v11;
	v12 =	vmul.f32 v14, v12  }
0x577: {  	v58 =	vmul.f32 v35, v56;
	v59 =	vmul.f32 v23, v57  }
0x578: {  	v8 =	vadd.f32 v37, v8;
	v16 =	vmul.f32 v16, v24;
	v6 =	vmul.f32 v6, v17  }
0x579: {  	v60 =	vadd.f32 v31, v29;
	v20 =	vmul.f32 v20, v25;
	v7 =	vadd.f32 v33, v7  }
0x57a: {  	v61 =	vmul.f32 v15, v27;
	v9 =	vmul.f32 v16, v9;
	v8 =	vadd.f32 v58, v8  }
0x57b: {  	v11 =	vmul.f32 v20, v11;
	v62 =	vadd.f32 v59, v60  }
0x57c: {  	v10 =	vmul.f32 v61, v12;
	v6 =	vadd.f32 v6, v7;
	v7 =	vadd.f32 v8, v9  }
0x57d: {  	v63 =	vadd.f32 v62, v11  }
0x57e: {  	v6 =	vadd.f32 v6, v10;
	v7 =	vand.u32 $0x7FFFFFFF, v7  }
0x57f: {  	v8 =	vand.u32 $0x7FFFFFFF, v63;
	v7 =	vsub.f32 $0.0e+00, v7  }
0x580: {  	v6 =	vand.u32 $0x7FFFFFFF, v6;
	v8 =	vsub.f32 $0.0e+00, v8  }
0x581: {  	v6 =	vsub.f32 $0.0e+00, v6;
	[tilespmem:s20+$0xFFFFFFE0] =	vst v7  }
0x582: {  	[tilespmem:s20+$0xFFFFFFF0] =	vst v8  }
0x583: {  	[tilespmem:s20+$0x0] =	vst v6  }
0x584: {  	[tilespmem:$0xC880] =	vst v5  }
0x585: {  	[tilespmem:$0xC890] =	vst v5  }
0x586: {  	[tilespmem:$0xC8A0] =	vst v5  }
0x587: {  	[tilespmem:$0xC8B0] =	vst v5  }
0x588: {  	[tilespmem:$0xC8C0] =	vst v5  }
0x589: {  	[tilespmem:$0xC8D0] =	vst v5  }
0x58a: {  	[tilespmem:$0xC8E0] =	vst v5  }
0x58b: {  	[tilespmem:$0xC8F0] =	vst v5  }
0x58c: {  	[tilespmem:$0xC900] =	vst v5  }
0x58d: {  	[tilespmem:$0xC910] =	vst v5  }
0x58e: {  	[tilespmem:$0xC920] =	vst v5  }
0x58f: {  	[tilespmem:$0xC930] =	vst v5  }
0x590: {  	[tilespmem:$0xC940] =	vst v5  }
0x591: {  	[tilespmem:$0xC950] =	vst v5  }
0x592: {  	[tilespmem:$0xC960] =	vst v5  }
0x593: {  	s0 =	simm.s32 $0xFFFFFFFC;
	s3 =	simm.s32 $0xB0A0;
	s4 =	simm.s32 $0x50A0;
	[tilespmem:$0xC970] =	vst v5  }
.LBB2_32:
0x594: {  	v6 =	vld [tilespmem:s4+$0xFFFFFFE0];
	_ =	sdelay $0x4  }
0x595: {  	v6 =	vand.u32 $0xFF, v6  }
0x596: {  	(xrf1) =	vunique.msk.u32 $0xffff, v6;
	_ =	sdelay $0xb  }
0x597: {  	v7 =	vld.idx.msk [tilespmem:v6+s25+$0x0], $0xffff;
	_ =	sdelay $0x1  }
0x598: {  	_, v8, vm1 =	vpop (xrf1);
	_ =	sdelay $0x2  }
0x599: {  	v7 =	vadd.s32 v7, v8  }
0x59a: {  	v8 =	vadd.s32 $0xFFFFFFFF, v7  }
0x59b: {  	[tilespmem:s3+$0xFFFFFFE0] =	vst v8  }
0x59c: {  	[tilespmem:v6+s25+$0x0] =	vst.idx.msk vm1, v7  }
0x59d: {  	v6 =	vld [tilespmem:s4+$0xFFFFFFF0];
	_ =	sdelay $0x4  }
0x59e: {  	v6 =	vand.u32 $0xFF, v6  }
0x59f: {  	(xrf1) =	vunique.msk.u32 $0xffff, v6;
	_ =	sdelay $0xb  }
0x5a0: {  	v7 =	vld.idx.msk [tilespmem:v6+s25+$0x0], $0xffff;
	_ =	sdelay $0x1  }
0x5a1: {  	_, v61, vm1 =	vpop (xrf1);
	_ =	sdelay $0x2  }
0x5a2: {  	v7 =	vadd.s32 v7, v61  }
0x5a3: {  	v8 =	vadd.s32 $0xFFFFFFFF, v7  }
0x5a4: {  	[tilespmem:s3+$0xFFFFFFF0] =	vst v8  }
0x5a5: {  	[tilespmem:v6+s25+$0x0] =	vst.idx.msk vm1, v7  }
0x5a6: {  	v6 =	vld [tilespmem:s4+$0x0];
	_ =	sdelay $0x4  }
0x5a7: {  	v6 =	vand.u32 $0xFF, v6  }
0x5a8: {  	(xrf1) =	vunique.msk.u32 $0xffff, v6;
	_ =	sdelay $0xb  }
0x5a9: {  	v7 =	vld.idx.msk [tilespmem:v6+s25+$0x0], $0xffff;
	_ =	sdelay $0x1  }
0x5aa: {  	_, v62, vm1 =	vpop (xrf1);
	_ =	sdelay $0x2  }
0x5ab: {  	v7 =	vadd.s32 v7, v62  }
0x5ac: {  	v8 =	vadd.s32 $0xFFFFFFFF, v7  }
0x5ad: {  	[tilespmem:s3+$0x0] =	vst v8  }
0x5ae: {  	[tilespmem:v6+s25+$0x0] =	vst.idx.msk vm1, v7  }
0x5af: {  	v6 =	vld [tilespmem:s4+$0x10];
	_ =	sdelay $0x4  }
0x5b0: {  	v6 =	vand.u32 $0xFF, v6  }
0x5b1: {  	(xrf1) =	vunique.msk.u32 $0xffff, v6;
	_ =	sdelay $0xb  }
0x5b2: {  	v7 =	vld.idx.msk [tilespmem:v6+s25+$0x0], $0xffff;
	_ =	sdelay $0x1  }
0x5b3: {  	s0 =	sadd.s32 $0x4, s0;
	_, v63, vm1 =	vpop (xrf1)  }
0x5b4: {  	p0 =	slt.u32 s0, $0x17C  }
.Ltmp15:
0x5b5: {  	_ = 	snop;
	(pc) =	sbr.rel @p0 .LBB2_32-.Ltmp15, $4  }
0x5b6: {  	v7 =	vadd.s32 v7, v63  }
0x5b7: {  	v8 =	vadd.s32 $0xFFFFFFFF, v7  }
0x5b8: {  	[tilespmem:s3+$0x10] =	vst v8  }
0x5b9: {  	s2 =	simm.s32 $0x0;
	s4 =	sadd.s32 $0x40, s4;
	s3 =	sadd.s32 $0x40, s3;
	[tilespmem:v6+s25+$0x0] =	vst.idx.msk vm1, v7  }
0x5ba: {  	s21 =	simm.s32 $0x0  }
0x5bb: {  	v13 =	vld [tilespmem:s21+$0xC880];
	_ =	sdelay $0x4  }
0x5bc: {  	s19 =	simm.s32 $0x10;
	(xrf0) =	vadd.scan.msk.s32 $0xffff, v13  }
0x5bd: {  	v7 =	vld [tilespmem:s19+$0xC880];
	_ =	sdelay $0x2  }
0x5be: {  	s3 =	simm.s32 $0x20  }
0x5bf: {  	v6 =	vld [tilespmem:s3+$0xC880]  }
0x5c0: {  	v14, _, _ =	vpop (xrf0);
	(xrf0) =	vadd.scan.msk.s32 $0xffff, v7;
	_ =	sdelay $0x1  }
0x5c1: {  	v8 =	vxor.u32 $0x80000000, v14  }
0x5c2: {  	(xrf0) =	vmax.scan.msk.u32 $0xffff, v8  }
0x5c3: {  	(xrf0) =	vadd.scan.msk.s32 $0xffff, v6  }
0x5c4: {  	s20 =	simm.s32 $0x30  }
0x5c5: {  	v8 =	vld [tilespmem:s20+$0xC880];
	v10, _, _ =	vpop (xrf0)  }
0x5c6: {  	v9 =	vxor.u32 $0x80000000, v10;
	_ =	sdelay $0x1  }
0x5c7: {  	v11, _, _ =	vpop (xrf0)  }
0x5c8: {  	(xrf0) =	vmax.scan.msk.u32 $0xffff, v9;
	v9, _, _ =	vpop (xrf0)  }
0x5c9: {  	(xrf0) =	vadd.scan.msk.s32 $0xffff, v8;
	v12 =	vxor.u32 $0x80000000, v9  }
0x5ca: {  	(xrf0) =	vmax.scan.msk.u32 $0xffff, v12;
	_ =	sdelay $0x2  }
0x5cb: {  	(v2sf) =	vpush v11, $0xF  }
0x5cc: {  	v15, _, _ =	vpop (xrf0)  }
0x5cd: {  	v11, _, _ =	vpop (xrf0)  }
0x5ce: {  	s4 =	simm.s32 $0x40;
	(v2sf) =	vpush v15, $0xF;
	v16, _, _ =	vpop (xrf0)  }
0x5cf: {  	v12 =	vld [tilespmem:s4+$0xC880];
	(v2sf) =	vpush v16, $0xF;
	_ =	sdelay $0x4  }
0x5d0: {  	s5 =	simm.s32 $0x50;
	(xrf0) =	vadd.scan.msk.s32 $0xffff, v12  }
0x5d1: {  	v17 =	vsub.s32 s2, v13;
	v13 =	vld [tilespmem:s5+$0xC880];
	v15 =	vxor.u32 $0x80000000, v11  }
0x5d2: {  	(xrf0) =	vmax.scan.msk.u32 $0xffff, v15  }
0x5d3: {  	s0 =	simm.s32 $0x40;
	s6 =	simm.s32 $0x180;
	s7 =	simm.s32 $0x0;
	v14 =	vadd.s32 v14, v17  }
.LBB2_34:
0x5d4: {  	s8 =	sshra.s32 s6, $0x2  }
0x5d5: {  	[tilespmem:s21+$0xC980] =	vst v14;
	s21 =	smov.u32 s19;
	s19 =	smov.u32 s3;
	p0 =	sne.s32 s6, $0x3C0  }
.Ltmp16:
0x5d6: {  	s6 =	sadd.s32 $0x40, s6;
	(xrf0) =	vadd.scan.msk.s32 $0xffff, v13;
	v15, _, _ =	vpop (xrf0);
	s3 =	spop (v2sf);
	(pc) =	sbr.rel @p0 .LBB2_34-.Ltmp16, $4  }
0x5d7: {  	v16 =	vmov v13;
	v17 =	vxor.u32 $0x80000000, v15;
	s7 =	sadd.s32 s3, s7;
	v13 =	vld [tilespmem:s8+$0xC880];
	s3 =	smov.u32 s20;
	s20 =	smov.u32 s4  }
0x5d8: {  	s4 =	smov.u32 s5;
	s5 =	smov.u32 s8;
	(xrf0) =	vmax.scan.msk.u32 $0xffff, v17;
	v14, _, _ =	vpop (xrf0);
	s7 =	sadd.s32 $0x80000000, s7  }
0x5d9: {  	(v2sf) =	vpush v14, $0xF;
	v14 =	vsub.s32 s7, v7;
	v7 =	vmovc v6;
	v6 =	vmovc v8;
	v8 =	vmov v12  }
0x5da: {  	v12 =	vmovc v16;
	v14 =	vadd.s32 v10, v14;
	v10 =	vmovc v9;
	v9 =	vmov v11;
	v11 =	vmov v15  }
0x5db: {  	_ = 	snop  }
0x5dc: {  	v15, _, _ =	vpop (xrf0)  }
0x5dd: {  	(xrf0) =	vadd.scan.msk.s32 $0xffff, v13;
	v16 =	vxor.u32 $0x80000000, v15  }
0x5de: {  	(xrf0) =	vmax.scan.msk.u32 $0xffff, v16;
	_ =	sdelay $0x3  }
0x5df: {  	v16, _, _ =	vpop (xrf0)  }
0x5e0: {  	(v2sf) =	vpush v16, $0xF;
	v16, _, _ =	vpop (xrf0)  }
0x5e1: {  	v17, _, _ =	vpop (xrf0)  }
0x5e2: {  	(v2sf) =	vpush v17, $0xF;
	_ =	sdelay $0x6  }
0x5e3: {  	s6 =	spop (v2sf)  }
0x5e4: {  	s6 =	sadd.s32 s6, s7  }
0x5e5: {  	s8 =	spop (v2sf);
	s6 =	sadd.s32 $0x80000000, s6  }
0x5e6: {  	s7 =	sadd.s32 s8, s6  }
0x5e7: {  	s7 =	sadd.s32 $0x80000000, s7;
	s8 =	spop (v2sf)  }
0x5e8: {  	s8 =	sadd.s32 s8, s7  }
0x5e9: {  	s8 =	sadd.s32 $0x80000000, s8;
	s9 =	spop (v2sf)  }
0x5ea: {  	v7 =	vsub.s32 s6, v7;
	s9 =	sadd.s32 s9, s8  }
0x5eb: {  	[tilespmem:s21+$0xC980] =	vst v14;
	v7 =	vadd.s32 v10, v7;
	v6 =	vsub.s32 s7, v6;
	s6 =	sadd.s32 $0x80000000, s9;
	s21 =	spop (v2sf)  }
0x5ec: {  	[tilespmem:s19+$0xC980] =	vst v7;
	v6 =	vadd.s32 v9, v6;
	v7 =	vsub.s32 s8, v8;
	s7 =	sadd.s32 s21, s6  }
0x5ed: {  	[tilespmem:s3+$0xC980] =	vst v6;
	v6 =	vadd.s32 v11, v7;
	v7 =	vsub.s32 s6, v12;
	s7 =	sadd.s32 $0x80000000, s7  }
0x5ee: {  	[tilespmem:s20+$0xC980] =	vst v6;
	v6 =	vadd.s32 v15, v7;
	v7 =	vsub.s32 s7, v13  }
0x5ef: {  	[tilespmem:s4+$0xC980] =	vst v6;
	v6 =	vadd.s32 v16, v7  }
0x5f0: {  	s8 =	simm.s32 $0x50A0;
	[tilespmem:s5+$0xC980] =	vst v6  }
0x5f1: {  	v12 =	vld [tilespmem:s8+$0x10];
	_ =	sdelay $0x4  }
0x5f2: {  	s19 =	simm.s32 $0x50E0;
	v13 =	vld [tilespmem:s8+$0xFFFFFFE0];
	v6 =	vand.u32 $0xFF, v12  }
0x5f3: {  	v18 =	vld [tilespmem:s19+$0x10]  }
0x5f4: {  	v29 =	vld [tilespmem:s8+$0x0]  }
0x5f5: {  	s9 =	simm.s32 $0xB0A0;
	v15 =	vld [tilespmem:s8+$0xFFFFFFF0]  }
0x5f6: {  	v11 =	vld [tilespmem:s9+$0x10]  }
0x5f7: {  	v9 =	vand.u32 $0xFF, v13;
	v8 =	vld.idx.msk [tilespmem:v6+s26+$0x0], $0xffff;
	v6 =	vxor.u32 $0x80000000, v16  }
0x5f8: {  	v7 =	vld [tilespmem:s19+$0xFFFFFFF0];
	v17 =	vand.u32 $0xFF, v18;
	(xrf0) =	vmax.scan.msk.u32 $0xffff, v6  }
0x5f9: {  	v10 =	vld [tilespmem:s19+$0xFFFFFFE0];
	v16 =	vand.u32 $0xFF, v29  }
0x5fa: {  	s20 =	simm.s32 $0xB0E0;
	v20 =	vld [tilespmem:s9+$0xFFFFFFE0]  }
0x5fb: {  	v24 =	vld [tilespmem:s20+$0x10];
	v14 =	vand.u32 $0xFF, v15  }
0x5fc: {  	v9 =	vld.idx.msk [tilespmem:v9+s26+$0x0], $0xffff  }
0x5fd: {  	v17 =	vld.idx.msk [tilespmem:v17+s26+$0x0], $0xffff  }
0x5fe: {  	v19 =	vld.idx.msk [tilespmem:v16+s26+$0x0], $0xffff;
	v16, _, _ =	vpop (xrf0)  }
0x5ff: {  	v21 =	vld [tilespmem:s9+$0x0];
	(v2sf) =	vpush v16, $0xF  }
0x600: {  	v14 =	vld.idx.msk [tilespmem:v14+s26+$0x0], $0xffff  }
0x601: {  	s21 =	simm.s32 $0x5120;
	v25 =	vand.u32 $0xFF, v7;
	v6 =	vld [tilespmem:s19+$0x0];
	v20 =	vadd.s32 v9, v20  }
0x602: {  	v22 =	vadd.s32 v8, v11;
	v11 =	vld [tilespmem:s21+$0x10]  }
0x603: {  	v28 =	vadd.s32 v17, v24;
	v16 =	vld [tilespmem:s9+$0xFFFFFFF0]  }
0x604: {  	v23 =	vand.u32 $0xFF, v10;
	v9 =	vld [tilespmem:s21+$0xFFFFFFF0]  }
0x605: {  	v8 =	vld [tilespmem:s21+$0x0]  }
0x606: {  	v17 =	vld.idx.msk [tilespmem:v25+s26+$0x0], $0xffff;
	[tilespmem:v20+s28+$0x0] =	vst.idx.msk $0xffff, v13;
	v13 =	vadd.s32 v19, v21  }
0x607: {  	s6 =	simm.s32 $0x30;
	v24 =	vld [tilespmem:s20+$0xFFFFFFF0];
	v26 =	vand.u32 $0xFF, v6;
	[tilespmem:v22+s28+$0x0] =	vst.idx.msk $0xffff, v12  }
0x608: {  	v12 =	vld [tilespmem:s21+$0xFFFFFFE0];
	v30 =	vand.u32 $0xFF, v11;
	[tilespmem:v28+s28+$0x0] =	vst.idx.msk $0xffff, v18;
	v27 =	vadd.s32 v14, v16;
	v14 =	vor.u32 s6, v0  }
0x609: {  	v16 =	vld.idx.msk [tilespmem:v23+s26+$0x0], $0xffff;
	[tilespmem:v22+s29+$0x0] =	vst.idx.msk $0xffff, v14;
	v22 =	vor.u32 s2, v0  }
0x60a: {  	s9 =	simm.s32 $0x70;
	[tilespmem:v20+s29+$0x0] =	vst.idx.msk $0xffff, v22;
	v22 =	vld [tilespmem:s20+$0xFFFFFFE0]  }
0x60b: {  	s7 =	simm.s32 $0x10;
	v23 =	vld [tilespmem:s20+$0x0];
	v20 =	vor.u32 s9, v0;
	[tilespmem:v13+s28+$0x0] =	vst.idx.msk $0xffff, v29  }
0x60c: {  	s19 =	simm.s32 $0x50;
	v19 =	vor.u32 s7, v0;
	v18 =	vand.u32 $0xFF, v8;
	v14 =	vld.idx.msk [tilespmem:v26+s26+$0x0], $0xffff;
	[tilespmem:v28+s29+$0x0] =	vst.idx.msk $0xffff, v20  }
0x60d: {  	s8 =	simm.s32 $0x20;
	v21 =	vor.u32 s0, v0;
	s2 =	simm.s32 $0xB120;
	s20 =	simm.s32 $0x60;
	v26 =	vld.idx.msk [tilespmem:v30+s26+$0x0], $0xffff;
	v25 =	vand.u32 $0xFF, v12;
	v20 =	vor.u32 s19, v0;
	[tilespmem:v27+s28+$0x0] =	vst.idx.msk $0xffff, v15  }
0x60e: {  	s3 =	simm.s32 $0x8;
	s4 =	simm.s32 $0x5160;
	v28 =	vld [tilespmem:s2+$0x10];
	v15 =	vor.u32 s8, v0;
	[tilespmem:v27+s29+$0x0] =	vst.idx.msk $0xffff, v19;
	v19 =	vand.u32 $0xFF, v9;
	v27 =	vor.u32 s20, v0;
	s21 =	spop (v2sf)  }
.LBB2_36:
0x60f: {  	v29 =	vld [tilespmem:s4+$0x10];
	v22 =	vadd.s32 v16, v22;
	[tilespmem:v13+s29+$0x0] =	vst.idx.msk $0xffff, v15;
	v15 =	vmov v27  }
0x610: {  	s3 =	sadd.s32 $0x4, s3;
	v27 =	vld [tilespmem:s4+$0xFFFFFFF0];
	v30 =	vadd.s32 v17, v24  }
0x611: {  	p0 =	slt.u32 s3, $0x17C;
	v31 =	vld [tilespmem:s4+$0x0];
	v13 =	vadd.s32 v14, v23  }
0x612: {  	v23 =	vld [tilespmem:s4+$0xFFFFFFE0]  }
0x613: {  	v16 =	vld.idx.msk [tilespmem:v25+s26+$0x0], $0xffff;
	v28 =	vadd.s32 v26, v28  }
0x614: {  	v26 =	vand.u32 $0xFF, v29;
	v17 =	vld.idx.msk [tilespmem:v19+s26+$0x0], $0xffff;
	[tilespmem:v22+s28+$0x0] =	vst.idx.msk $0xffff, v10;
	v10 =	vmov v12  }
0x615: {  	v19 =	vand.u32 $0xFF, v27;
	v14 =	vld.idx.msk [tilespmem:v18+s26+$0x0], $0xffff;
	[tilespmem:v22+s29+$0x0] =	vst.idx.msk $0xffff, v21  }
.Ltmp17:
0x616: {  	s0 =	sadd.s32 $0x40, s0;
	v18 =	vand.u32 $0xFF, v31;
	v22 =	vld [tilespmem:s2+$0xFFFFFFE0];
	[tilespmem:v30+s28+$0x0] =	vst.idx.msk $0xffff, v7;
	v7 =	vmov v9;
	v9 =	vmov v27;
	(pc) =	sbr.rel @p0 .LBB2_36-.Ltmp17, $4  }
0x617: {  	s5 =	sadd.s32 $0x10, s0;
	s6 =	sadd.s32 $0x20, s0;
	s7 =	sadd.s32 $0x30, s0;
	v21 =	vor.u32 s0, v0;
	v25 =	vand.u32 $0xFF, v23;
	v24 =	vld [tilespmem:s2+$0xFFFFFFF0];
	[tilespmem:v30+s29+$0x0] =	vst.idx.msk $0xffff, v20;
	v12 =	vmov v23  }
0x618: {  	v20 =	vor.u32 s5, v0;
	v30 =	vor.u32 s7, v0;
	v23 =	vld [tilespmem:s2+$0x0];
	[tilespmem:v28+s28+$0x0] =	vst.idx.msk $0xffff, v11;
	v11 =	vmov v29  }
0x619: {  	v27 =	vor.u32 s6, v0;
	s2 =	sadd.s32 $0x40, s2;
	v26 =	vld.idx.msk [tilespmem:v26+s26+$0x0], $0xffff;
	[tilespmem:v28+s29+$0x0] =	vst.idx.msk $0xffff, v30  }
0x61a: {  	s4 =	sadd.s32 $0x40, s4;
	v28 =	vld [tilespmem:s2+$0x10];
	[tilespmem:v13+s28+$0x0] =	vst.idx.msk $0xffff, v6;
	v6 =	vmov v8;
	v8 =	vmov v31  }
0x61b: {  	_ =	sdelay $0x2  }
0x61c: {  	v16 =	vadd.s32 v16, v22  }
0x61d: {  	v57 =	vld.idx.msk [tilespmem:v25+s26+$0x0], $0xffff  }
0x61e: {  	v58 =	vld [tilespmem:s2+$0xFFFFFFE0];
	v17 =	vadd.s32 v17, v24  }
0x61f: {  	v60 =	vld.idx.msk [tilespmem:v19+s26+$0x0], $0xffff  }
0x620: {  	[tilespmem:v13+s29+$0x0] =	vst.idx.msk $0xffff, v15;
	v61 =	vld [tilespmem:s2+$0xFFFFFFF0];
	v14 =	vadd.s32 v14, v23  }
0x621: {  	[tilespmem:v16+s28+$0x0] =	vst.idx.msk $0xffff, v10  }
0x622: {  	v18 =	vld.idx.msk [tilespmem:v18+s26+$0x0], $0xffff;
	v59 =	vadd.s32 v26, v28;
	[tilespmem:v16+s29+$0x0] =	vst.idx.msk $0xffff, v21  }
0x623: {  	[tilespmem:v17+s28+$0x0] =	vst.idx.msk $0xffff, v7;
	v7 =	vld [tilespmem:s2+$0x0]  }
0x624: {  	v62 =	vadd.s32 v57, v58;
	[tilespmem:v17+s29+$0x0] =	vst.idx.msk $0xffff, v20  }
0x625: {  	s0 =	sadd.s32 $0x40, s0;
	v10 =	vadd.s32 v60, v61;
	[tilespmem:v14+s28+$0x0] =	vst.idx.msk $0xffff, v6  }
0x626: {  	s20 =	sadd.s32 $0x30, s0;
	[tilespmem:v14+s29+$0x0] =	vst.idx.msk $0xffff, v27  }
0x627: {  	v63 =	vor.u32 s20, v0;
	[tilespmem:v59+s28+$0x0] =	vst.idx.msk $0xffff, v11  }
0x628: {  	[tilespmem:v59+s29+$0x0] =	vst.idx.msk $0xffff, v63;
	v6 =	vadd.s32 v18, v7  }
0x629: {  	[tilespmem:v62+s28+$0x0] =	vst.idx.msk $0xffff, v12  }
0x62a: {  	s21 =	sadd.s32 $0x10, s0;
	[tilespmem:v10+s28+$0x0] =	vst.idx.msk $0xffff, v9;
	v7 =	vor.u32 s0, v0  }
0x62b: {  	[tilespmem:v62+s29+$0x0] =	vst.idx.msk $0xffff, v7;
	v7 =	vor.u32 s21, v0  }
0x62c: {  	s0 =	sadd.s32 $0x20, s0;
	[tilespmem:v10+s29+$0x0] =	vst.idx.msk $0xffff, v7  }
0x62d: {  	v7 =	vor.u32 s0, v0;
	[tilespmem:v6+s28+$0x0] =	vst.idx.msk $0xffff, v8  }
0x62e: {  	[tilespmem:v6+s29+$0x0] =	vst.idx.msk $0xffff, v7  }
0x62f: {  	[tilespmem:$0xC880] =	vst v5  }
0x630: {  	[tilespmem:$0xC890] =	vst v5  }
0x631: {  	[tilespmem:$0xC8A0] =	vst v5  }
0x632: {  	[tilespmem:$0xC8B0] =	vst v5  }
0x633: {  	[tilespmem:$0xC8C0] =	vst v5  }
0x634: {  	[tilespmem:$0xC8D0] =	vst v5  }
0x635: {  	[tilespmem:$0xC8E0] =	vst v5  }
0x636: {  	[tilespmem:$0xC8F0] =	vst v5  }
0x637: {  	[tilespmem:$0xC900] =	vst v5  }
0x638: {  	[tilespmem:$0xC910] =	vst v5  }
0x639: {  	[tilespmem:$0xC920] =	vst v5  }
0x63a: {  	[tilespmem:$0xC930] =	vst v5  }
0x63b: {  	[tilespmem:$0xC940] =	vst v5  }
0x63c: {  	[tilespmem:$0xC950] =	vst v5  }
0x63d: {  	[tilespmem:$0xC960] =	vst v5  }
0x63e: {  	s3 =	simm.s32 $0x68A0;
	s2 =	simm.s32 $0xB0A0;
	s0 =	simm.s32 $0xFFFFFFFC;
	[tilespmem:$0xC970] =	vst v5  }
.LBB2_38:
0x63f: {  	v6 =	vld [tilespmem:s3+$0xFFFFFFE0];
	_ =	sdelay $0x4  }
0x640: {  	v6 =	vshrl.u32 v6, $0x8  }
0x641: {  	v6 =	vand.u32 $0xFF, v6  }
0x642: {  	(xrf1) =	vunique.msk.u32 $0xffff, v6;
	_ =	sdelay $0xb  }
0x643: {  	v7 =	vld.idx.msk [tilespmem:v6+s25+$0x0], $0xffff;
	_ =	sdelay $0x1  }
0x644: {  	_, v8, vm1 =	vpop (xrf1);
	_ =	sdelay $0x2  }
0x645: {  	v7 =	vadd.s32 v7, v8  }
0x646: {  	v8 =	vadd.s32 $0xFFFFFFFF, v7  }
0x647: {  	[tilespmem:s2+$0xFFFFFFE0] =	vst v8  }
0x648: {  	[tilespmem:v6+s25+$0x0] =	vst.idx.msk vm1, v7  }
0x649: {  	v6 =	vld [tilespmem:s3+$0xFFFFFFF0];
	_ =	sdelay $0x4  }
0x64a: {  	v6 =	vshrl.u32 v6, $0x8  }
0x64b: {  	v6 =	vand.u32 $0xFF, v6  }
0x64c: {  	(xrf1) =	vunique.msk.u32 $0xffff, v6;
	_ =	sdelay $0xb  }
0x64d: {  	v7 =	vld.idx.msk [tilespmem:v6+s25+$0x0], $0xffff;
	_ =	sdelay $0x1  }
0x64e: {  	_, v61, vm1 =	vpop (xrf1);
	_ =	sdelay $0x2  }
0x64f: {  	v7 =	vadd.s32 v7, v61  }
0x650: {  	v8 =	vadd.s32 $0xFFFFFFFF, v7  }
0x651: {  	[tilespmem:s2+$0xFFFFFFF0] =	vst v8  }
0x652: {  	[tilespmem:v6+s25+$0x0] =	vst.idx.msk vm1, v7  }
0x653: {  	v6 =	vld [tilespmem:s3+$0x0];
	_ =	sdelay $0x4  }
0x654: {  	v6 =	vshrl.u32 v6, $0x8  }
0x655: {  	v6 =	vand.u32 $0xFF, v6  }
0x656: {  	(xrf1) =	vunique.msk.u32 $0xffff, v6;
	_ =	sdelay $0xb  }
0x657: {  	v7 =	vld.idx.msk [tilespmem:v6+s25+$0x0], $0xffff;
	_ =	sdelay $0x1  }
0x658: {  	_, v62, vm1 =	vpop (xrf1);
	_ =	sdelay $0x2  }
0x659: {  	v7 =	vadd.s32 v7, v62  }
0x65a: {  	v8 =	vadd.s32 $0xFFFFFFFF, v7  }
0x65b: {  	[tilespmem:s2+$0x0] =	vst v8  }
0x65c: {  	[tilespmem:v6+s25+$0x0] =	vst.idx.msk vm1, v7  }
0x65d: {  	v6 =	vld [tilespmem:s3+$0x10];
	_ =	sdelay $0x4  }
0x65e: {  	v6 =	vshrl.u32 v6, $0x8  }
0x65f: {  	v6 =	vand.u32 $0xFF, v6  }
0x660: {  	(xrf1) =	vunique.msk.u32 $0xffff, v6;
	_ =	sdelay $0xb  }
0x661: {  	v7 =	vld.idx.msk [tilespmem:v6+s25+$0x0], $0xffff;
	_ =	sdelay $0x1  }
0x662: {  	s0 =	sadd.s32 $0x4, s0;
	_, v63, vm1 =	vpop (xrf1)  }
0x663: {  	p0 =	slt.u32 s0, $0x17C  }
.Ltmp18:
0x664: {  	_ = 	snop;
	(pc) =	sbr.rel @p0 .LBB2_38-.Ltmp18, $4  }
0x665: {  	v7 =	vadd.s32 v7, v63  }
0x666: {  	v8 =	vadd.s32 $0xFFFFFFFF, v7  }
0x667: {  	[tilespmem:s2+$0x10] =	vst v8  }
0x668: {  	s20 =	simm.s32 $0x0;
	s3 =	sadd.s32 $0x40, s3;
	s2 =	sadd.s32 $0x40, s2;
	[tilespmem:v6+s25+$0x0] =	vst.idx.msk vm1, v7  }
0x669: {  	s19 =	simm.s32 $0x0  }
0x66a: {  	v13 =	vld [tilespmem:s19+$0xC880];
	_ =	sdelay $0x4  }
0x66b: {  	s0 =	simm.s32 $0x10;
	(xrf0) =	vadd.scan.msk.s32 $0xffff, v13  }
0x66c: {  	v7 =	vld [tilespmem:s0+$0xC880];
	_ =	sdelay $0x2  }
0x66d: {  	s3 =	simm.s32 $0x20  }
0x66e: {  	v6 =	vld [tilespmem:s3+$0xC880]  }
0x66f: {  	v14, _, _ =	vpop (xrf0);
	(xrf0) =	vadd.scan.msk.s32 $0xffff, v7;
	_ =	sdelay $0x1  }
0x670: {  	v8 =	vxor.u32 $0x80000000, v14  }
0x671: {  	(xrf0) =	vmax.scan.msk.u32 $0xffff, v8  }
0x672: {  	(xrf0) =	vadd.scan.msk.s32 $0xffff, v6  }
0x673: {  	s2 =	simm.s32 $0x30  }
0x674: {  	v8 =	vld [tilespmem:s2+$0xC880];
	v10, _, _ =	vpop (xrf0)  }
0x675: {  	v9 =	vxor.u32 $0x80000000, v10;
	_ =	sdelay $0x1  }
0x676: {  	v11, _, _ =	vpop (xrf0)  }
0x677: {  	(xrf0) =	vmax.scan.msk.u32 $0xffff, v9;
	v9, _, _ =	vpop (xrf0)  }
0x678: {  	(xrf0) =	vadd.scan.msk.s32 $0xffff, v8;
	v12 =	vxor.u32 $0x80000000, v9  }
0x679: {  	(xrf0) =	vmax.scan.msk.u32 $0xffff, v12;
	_ =	sdelay $0x2  }
0x67a: {  	(v2sf) =	vpush v11, $0xF  }
0x67b: {  	v15, _, _ =	vpop (xrf0)  }
0x67c: {  	v11, _, _ =	vpop (xrf0)  }
0x67d: {  	s4 =	simm.s32 $0x40;
	(v2sf) =	vpush v15, $0xF;
	v16, _, _ =	vpop (xrf0)  }
0x67e: {  	v12 =	vld [tilespmem:s4+$0xC880];
	(v2sf) =	vpush v16, $0xF;
	_ =	sdelay $0x4  }
0x67f: {  	s5 =	simm.s32 $0x50;
	(xrf0) =	vadd.scan.msk.s32 $0xffff, v12  }
0x680: {  	v17 =	vsub.s32 s20, v13;
	v13 =	vld [tilespmem:s5+$0xC880];
	v15 =	vxor.u32 $0x80000000, v11  }
0x681: {  	(xrf0) =	vmax.scan.msk.u32 $0xffff, v15  }
0x682: {  	s6 =	simm.s32 $0x180;
	v14 =	vadd.s32 v14, v17  }
.LBB2_40:
0x683: {  	s7 =	sshra.s32 s6, $0x2  }
0x684: {  	[tilespmem:s19+$0xC980] =	vst v14;
	s19 =	smov.u32 s0;
	s0 =	smov.u32 s3;
	p0 =	sne.s32 s6, $0x3C0  }
.Ltmp19:
0x685: {  	s6 =	sadd.s32 $0x40, s6;
	(xrf0) =	vadd.scan.msk.s32 $0xffff, v13;
	v15, _, _ =	vpop (xrf0);
	s3 =	spop (v2sf);
	(pc) =	sbr.rel @p0 .LBB2_40-.Ltmp19, $4  }
0x686: {  	v16 =	vmov v13;
	v17 =	vxor.u32 $0x80000000, v15;
	s8 =	sadd.s32 s3, s20;
	v13 =	vld [tilespmem:s7+$0xC880];
	s3 =	smov.u32 s2;
	s2 =	smov.u32 s4  }
0x687: {  	s4 =	smov.u32 s5;
	s5 =	smov.u32 s7;
	(xrf0) =	vmax.scan.msk.u32 $0xffff, v17;
	v14, _, _ =	vpop (xrf0);
	s20 =	sadd.s32 $0x80000000, s8  }
0x688: {  	(v2sf) =	vpush v14, $0xF;
	v14 =	vsub.s32 s20, v7;
	v7 =	vmovc v6;
	v6 =	vmovc v8;
	v8 =	vmov v12  }
0x689: {  	v12 =	vmovc v16;
	v14 =	vadd.s32 v10, v14;
	v10 =	vmovc v9;
	v9 =	vmov v11;
	v11 =	vmov v15  }
0x68a: {  	_ = 	snop  }
0x68b: {  	v15, _, _ =	vpop (xrf0)  }
0x68c: {  	(xrf0) =	vadd.scan.msk.s32 $0xffff, v13;
	v16 =	vxor.u32 $0x80000000, v15  }
0x68d: {  	(xrf0) =	vmax.scan.msk.u32 $0xffff, v16;
	_ =	sdelay $0x3  }
0x68e: {  	v16, _, _ =	vpop (xrf0)  }
0x68f: {  	(v2sf) =	vpush v16, $0xF;
	v16, _, _ =	vpop (xrf0)  }
0x690: {  	v17, _, _ =	vpop (xrf0)  }
0x691: {  	(v2sf) =	vpush v17, $0xF;
	_ =	sdelay $0x6  }
0x692: {  	s6 =	spop (v2sf)  }
0x693: {  	s6 =	sadd.s32 s6, s20  }
0x694: {  	s7 =	spop (v2sf);
	s6 =	sadd.s32 $0x80000000, s6  }
0x695: {  	s7 =	sadd.s32 s7, s6  }
0x696: {  	s7 =	sadd.s32 $0x80000000, s7;
	s8 =	spop (v2sf)  }
0x697: {  	s8 =	sadd.s32 s8, s7  }
0x698: {  	s8 =	sadd.s32 $0x80000000, s8;
	s9 =	spop (v2sf)  }
0x699: {  	v7 =	vsub.s32 s6, v7;
	s9 =	sadd.s32 s9, s8  }
0x69a: {  	[tilespmem:s19+$0xC980] =	vst v14;
	v7 =	vadd.s32 v10, v7;
	v6 =	vsub.s32 s7, v6;
	s6 =	sadd.s32 $0x80000000, s9;
	s20 =	spop (v2sf)  }
0x69b: {  	[tilespmem:s0+$0xC980] =	vst v7;
	v6 =	vadd.s32 v9, v6;
	v7 =	vsub.s32 s8, v8;
	s21 =	sadd.s32 s20, s6  }
0x69c: {  	[tilespmem:s3+$0xC980] =	vst v6;
	v6 =	vadd.s32 v11, v7;
	v7 =	vsub.s32 s6, v12;
	s0 =	sadd.s32 $0x80000000, s21  }
0x69d: {  	[tilespmem:s2+$0xC980] =	vst v6;
	v6 =	vadd.s32 v15, v7;
	v7 =	vsub.s32 s0, v13  }
0x69e: {  	[tilespmem:s4+$0xC980] =	vst v6;
	v6 =	vadd.s32 v16, v7  }
0x69f: {  	s6 =	simm.s32 $0x68A0;
	[tilespmem:s5+$0xC980] =	vst v6  }
0x6a0: {  	v7 =	vld [tilespmem:s6+$0x10];
	_ =	sdelay $0x4  }
0x6a1: {  	v6 =	vshrl.u32 v7, $0x8  }
0x6a2: {  	v6 =	vand.u32 $0xFF, v6  }
0x6a3: {  	v13 =	vld [tilespmem:s6+$0xFFFFFFF0]  }
0x6a4: {  	v14 =	vld [tilespmem:s6+$0xFFFFFFE0]  }
0x6a5: {  	s7 =	simm.s32 $0xB0A0;
	v15 =	vld [tilespmem:s6+$0x0]  }
0x6a6: {  	v10 =	vld [tilespmem:s7+$0x10]  }
0x6a7: {  	s8 =	simm.s32 $0x68E0;
	v6 =	vld.idx.msk [tilespmem:v6+s26+$0x0], $0xffff  }
0x6a8: {  	v17 =	vld [tilespmem:s8+$0x10]  }
0x6a9: {  	v23 =	vld [tilespmem:s8+$0xFFFFFFF0]  }
0x6aa: {  	v19 =	vld [tilespmem:s8+$0xFFFFFFE0];
	v8 =	vshrl.u32 v13, $0x8  }
0x6ab: {  	v12 =	vxor.u32 $0x80000000, v16;
	v16 =	vld [tilespmem:s7+$0xFFFFFFE0];
	v9 =	vshrl.u32 v14, $0x8;
	v8 =	vand.u32 $0xFF, v8  }
0x6ac: {  	v11 =	vshrl.u32 v15, $0x8;
	v9 =	vand.u32 $0xFF, v9;
	v20 =	vadd.s32 v6, v10;
	v6 =	vld [tilespmem:s8+$0x0]  }
0x6ad: {  	v21 =	vld [tilespmem:s7+$0xFFFFFFF0];
	v11 =	vand.u32 $0xFF, v11;
	v10 =	vshrl.u32 v17, $0x8  }
0x6ae: {  	s19 =	simm.s32 $0xB0E0;
	v22 =	vld [tilespmem:s7+$0x0];
	v18 =	vshrl.u32 v23, $0x8;
	v10 =	vand.u32 $0xFF, v10  }
0x6af: {  	(xrf0) =	vmax.scan.msk.u32 $0xffff, v12;
	v25 =	vld [tilespmem:s19+$0x10];
	v12 =	vand.u32 $0xFF, v18;
	v18 =	vshrl.u32 v19, $0x8  }
0x6b0: {  	v18 =	vand.u32 $0xFF, v18;
	v8 =	vld.idx.msk [tilespmem:v8+s26+$0x0], $0xffff  }
0x6b1: {  	v9 =	vld.idx.msk [tilespmem:v9+s26+$0x0], $0xffff;
	[tilespmem:v20+s30+$0x0] =	vst.idx.msk $0xffff, v7;
	v7 =	vshrl.u32 v6, $0x8  }
0x6b2: {  	v11 =	vld.idx.msk [tilespmem:v11+s26+$0x0], $0xffff;
	v7 =	vand.u32 $0xFF, v7  }
0x6b3: {  	v10 =	vld.idx.msk [tilespmem:v10+s26+$0x0], $0xffff  }
0x6b4: {  	v26 =	vld.idx.msk [tilespmem:v12+s26+$0x0], $0xffff  }
0x6b5: {  	s20 =	simm.s32 $0x6920;
	v12, _, _ =	vpop (xrf0);
	v18 =	vld.idx.msk [tilespmem:v18+s26+$0x0], $0xffff  }
0x6b6: {  	(v2sf) =	vpush v12, $0xF;
	v12 =	vld [tilespmem:s20+$0x10]  }
0x6b7: {  	v27 =	vld.idx.msk [tilespmem:v7+s26+$0x0], $0xffff  }
0x6b8: {  	v25 =	vadd.s32 v10, v25;
	v10 =	vadd.s32 v8, v21;
	v8 =	vld [tilespmem:s20+$0xFFFFFFE0]  }
0x6b9: {  	v16 =	vadd.s32 v9, v16;
	v21 =	vld [tilespmem:s19+$0xFFFFFFE0]  }
0x6ba: {  	v7 =	vld [tilespmem:s20+$0xFFFFFFF0]  }
0x6bb: {  	v28 =	vld [tilespmem:s19+$0xFFFFFFF0]  }
0x6bc: {  	v9 =	vld [tilespmem:s20+$0x0];
	v11 =	vadd.s32 v11, v22  }
0x6bd: {  	s9 =	simm.s32 $0x98A0;
	v29 =	vld [tilespmem:s19+$0x0];
	v22 =	vshrl.u32 v12, $0x8;
	[tilespmem:v10+s30+$0x0] =	vst.idx.msk $0xffff, v13;
	v13 =	vshrl.u32 v8, $0x8  }
0x6be: {  	v22 =	vand.u32 $0xFF, v22;
	[tilespmem:v16+s30+$0x0] =	vst.idx.msk $0xffff, v14;
	v24 =	vld [tilespmem:s9+$0x10];
	v33 =	vand.u32 $0xFF, v13;
	v13 =	vadd.s32 v18, v21  }
0x6bf: {  	s0 =	simm.s32 $0x98E0;
	v32 =	vld [tilespmem:s9+$0xFFFFFFE0];
	[tilespmem:v25+s30+$0x0] =	vst.idx.msk $0xffff, v17;
	v14 =	vshrl.u32 v7, $0x8  }
0x6c0: {  	v30 =	vld [tilespmem:s0+$0x10];
	v31 =	vand.u32 $0xFF, v14  }
0x6c1: {  	[tilespmem:v11+s30+$0x0] =	vst.idx.msk $0xffff, v15;
	v14 =	vshrl.u32 v9, $0x8;
	v17 =	vld [tilespmem:s9+$0xFFFFFFF0]  }
0x6c2: {  	v18 =	vld [tilespmem:s9+$0x0];
	v34 =	vand.u32 $0xFF, v14;
	v14 =	vadd.s32 v26, v28  }
0x6c3: {  	s2 =	simm.s32 $0xB120;
	v21 =	vld.idx.msk [tilespmem:v22+s26+$0x0], $0xffff;
	[tilespmem:v13+s30+$0x0] =	vst.idx.msk $0xffff, v19;
	v19 =	vadd.s32 v27, v29  }
0x6c4: {  	[tilespmem:v20+s31+$0x0] =	vst.idx.msk $0xffff, v24;
	v22 =	vld [tilespmem:s2+$0x10]  }
0x6c5: {  	[tilespmem:v16+s31+$0x0] =	vst.idx.msk $0xffff, v32;
	v15 =	vld.idx.msk [tilespmem:v31+s26+$0x0], $0xffff  }
0x6c6: {  	s3 =	simm.s32 $0x98E0;
	[tilespmem:v25+s31+$0x0] =	vst.idx.msk $0xffff, v30;
	v20 =	vld.idx.msk [tilespmem:v33+s26+$0x0], $0xffff  }
0x6c7: {  	s4 =	simm.s32 $0x8;
	s5 =	simm.s32 $0x6960;
	s21 =	spop (v2sf);
	v16 =	vld.idx.msk [tilespmem:v34+s26+$0x0], $0xffff;
	[tilespmem:v14+s30+$0x0] =	vst.idx.msk $0xffff, v23  }
.LBB2_42:
0x6c8: {  	v23 =	vld [tilespmem:s5+$0x10];
	s4 =	sadd.s32 $0x4, s4;
	[tilespmem:v19+s30+$0x0] =	vst.idx.msk $0xffff, v6;
	v6 =	vmov v9  }
0x6c9: {  	v24 =	vld [tilespmem:s5+$0xFFFFFFF0];
	p0 =	slt.u32 s4, $0x17C;
	v25 =	vadd.s32 v21, v22;
	[tilespmem:v10+s31+$0x0] =	vst.idx.msk $0xffff, v17;
	v10 =	vmov v14  }
0x6ca: {  	v9 =	vld [tilespmem:s5+$0x0];
	[tilespmem:v11+s31+$0x0] =	vst.idx.msk $0xffff, v18;
	v11 =	vmov v19  }
0x6cb: {  	v26 =	vld [tilespmem:s5+$0xFFFFFFE0]  }
0x6cc: {  	v14 =	vld [tilespmem:s2+$0xFFFFFFE0]  }
0x6cd: {  	v17 =	vshrl.u32 v23, $0x8;
	v18 =	vld [tilespmem:s2+$0xFFFFFFF0]  }
0x6ce: {  	s0 =	sadd.s32 $0x40, s0;
	v19 =	vshrl.u32 v24, $0x8;
	v21 =	vand.u32 $0xFF, v17;
	v22 =	vld [tilespmem:s2+$0x0];
	[tilespmem:v25+s30+$0x0] =	vst.idx.msk $0xffff, v12;
	v12 =	vmov v23  }
0x6cf: {  	v23 =	vand.u32 $0xFF, v19;
	v17 =	vshrl.u32 v9, $0x8;
	v27 =	vld [tilespmem:s0+$0x10]  }
0x6d0: {  	v19 =	vshrl.u32 v26, $0x8;
	v28 =	vand.u32 $0xFF, v17;
	v29 =	vld [tilespmem:s3+$0xFFFFFFE0]  }
0x6d1: {  	v30 =	vand.u32 $0xFF, v19;
	v31 =	vadd.s32 v20, v14;
	v17 =	vld [tilespmem:s3+$0xFFFFFFF0]  }
0x6d2: {  	v14 =	vadd.s32 v15, v18;
	v18 =	vld [tilespmem:s3+$0x0];
	s3 =	smov.u32 s0  }
.Ltmp20:
0x6d3: {  	s2 =	sadd.s32 $0x40, s2;
	v21 =	vld.idx.msk [tilespmem:v21+s26+$0x0], $0xffff;
	v19 =	vadd.s32 v16, v22;
	(pc) =	sbr.rel @p0 .LBB2_42-.Ltmp20, $4  }
0x6d4: {  	v22 =	vld [tilespmem:s2+$0x10];
	[tilespmem:v25+s31+$0x0] =	vst.idx.msk $0xffff, v27  }
0x6d5: {  	v15 =	vld.idx.msk [tilespmem:v23+s26+$0x0], $0xffff;
	[tilespmem:v13+s31+$0x0] =	vst.idx.msk $0xffff, v29;
	v13 =	vmov v31  }
0x6d6: {  	v20 =	vld.idx.msk [tilespmem:v30+s26+$0x0], $0xffff;
	[tilespmem:v31+s30+$0x0] =	vst.idx.msk $0xffff, v8;
	v8 =	vmov v26  }
0x6d7: {  	s5 =	sadd.s32 $0x40, s5;
	v16 =	vld.idx.msk [tilespmem:v28+s26+$0x0], $0xffff;
	[tilespmem:v14+s30+$0x0] =	vst.idx.msk $0xffff, v7;
	v7 =	vmov v24  }
0x6d8: {  	v58 =	vld [tilespmem:s2+$0xFFFFFFE0]  }
0x6d9: {  	v23 =	vld [tilespmem:s2+$0xFFFFFFF0]  }
0x6da: {  	v24 =	vld [tilespmem:s2+$0x0]  }
0x6db: {  	v60 =	vld [tilespmem:s3+$0xFFFFFFE0]  }
0x6dc: {  	v21 =	vadd.s32 v21, v22  }
0x6dd: {  	[tilespmem:v19+s30+$0x0] =	vst.idx.msk $0xffff, v6;
	v20 =	vadd.s32 v20, v58  }
0x6de: {  	[tilespmem:v10+s31+$0x0] =	vst.idx.msk $0xffff, v17;
	v6 =	vadd.s32 v15, v23  }
0x6df: {  	[tilespmem:v11+s31+$0x0] =	vst.idx.msk $0xffff, v18;
	v59 =	vadd.s32 v16, v24  }
0x6e0: {  	v61 =	vld [tilespmem:s3+$0xFFFFFFF0];
	[tilespmem:v13+s31+$0x0] =	vst.idx.msk $0xffff, v60  }
0x6e1: {  	s0 =	sadd.s32 $0x40, s0;
	v62 =	vld [tilespmem:s3+$0x0];
	[tilespmem:v21+s30+$0x0] =	vst.idx.msk $0xffff, v12  }
0x6e2: {  	v12 =	vld [tilespmem:s0+$0x10];
	[tilespmem:v20+s30+$0x0] =	vst.idx.msk $0xffff, v8  }
0x6e3: {  	[tilespmem:v6+s30+$0x0] =	vst.idx.msk $0xffff, v7;
	v7 =	vld [tilespmem:s0+$0xFFFFFFE0]  }
0x6e4: {  	[tilespmem:v59+s30+$0x0] =	vst.idx.msk $0xffff, v9;
	v63 =	vld [tilespmem:s0+$0xFFFFFFF0]  }
0x6e5: {  	[tilespmem:v14+s31+$0x0] =	vst.idx.msk $0xffff, v61;
	v9 =	vld [tilespmem:s0+$0x0]  }
0x6e6: {  	[tilespmem:v19+s31+$0x0] =	vst.idx.msk $0xffff, v62  }
0x6e7: {  	[tilespmem:v21+s31+$0x0] =	vst.idx.msk $0xffff, v12  }
0x6e8: {  	[tilespmem:v20+s31+$0x0] =	vst.idx.msk $0xffff, v7  }
0x6e9: {  	[tilespmem:v6+s31+$0x0] =	vst.idx.msk $0xffff, v63  }
0x6ea: {  	[tilespmem:v59+s31+$0x0] =	vst.idx.msk $0xffff, v9  }
0x6eb: {  	[tilespmem:$0xC880] =	vst v5  }
0x6ec: {  	[tilespmem:$0xC890] =	vst v5  }
0x6ed: {  	[tilespmem:$0xC8A0] =	vst v5  }
0x6ee: {  	[tilespmem:$0xC8B0] =	vst v5  }
0x6ef: {  	[tilespmem:$0xC8C0] =	vst v5  }
0x6f0: {  	[tilespmem:$0xC8D0] =	vst v5  }
0x6f1: {  	[tilespmem:$0xC8E0] =	vst v5  }
0x6f2: {  	[tilespmem:$0xC8F0] =	vst v5  }
0x6f3: {  	[tilespmem:$0xC900] =	vst v5  }
0x6f4: {  	[tilespmem:$0xC910] =	vst v5  }
0x6f5: {  	[tilespmem:$0xC920] =	vst v5  }
0x6f6: {  	[tilespmem:$0xC930] =	vst v5  }
0x6f7: {  	[tilespmem:$0xC940] =	vst v5  }
0x6f8: {  	[tilespmem:$0xC950] =	vst v5  }
0x6f9: {  	[tilespmem:$0xC960] =	vst v5  }
0x6fa: {  	s2 =	simm.s32 $0xB0A0;
	s3 =	simm.s32 $0x50A0;
	s0 =	simm.s32 $0xFFFFFFFC;
	[tilespmem:$0xC970] =	vst v5  }
.LBB2_44:
0x6fb: {  	v6 =	vld [tilespmem:s3+$0xFFFFFFE0];
	_ =	sdelay $0x4  }
0x6fc: {  	v6 =	vshrl.u32 v6, $0x10  }
0x6fd: {  	v6 =	vand.u32 $0xFF, v6  }
0x6fe: {  	(xrf1) =	vunique.msk.u32 $0xffff, v6;
	_ =	sdelay $0xb  }
0x6ff: {  	v7 =	vld.idx.msk [tilespmem:v6+s25+$0x0], $0xffff;
	_ =	sdelay $0x1  }
0x700: {  	_, v8, vm1 =	vpop (xrf1);
	_ =	sdelay $0x2  }
0x701: {  	v7 =	vadd.s32 v7, v8  }
0x702: {  	v8 =	vadd.s32 $0xFFFFFFFF, v7  }
0x703: {  	[tilespmem:s2+$0xFFFFFFE0] =	vst v8  }
0x704: {  	[tilespmem:v6+s25+$0x0] =	vst.idx.msk vm1, v7  }
0x705: {  	v6 =	vld [tilespmem:s3+$0xFFFFFFF0];
	_ =	sdelay $0x4  }
0x706: {  	v6 =	vshrl.u32 v6, $0x10  }
0x707: {  	v6 =	vand.u32 $0xFF, v6  }
0x708: {  	(xrf1) =	vunique.msk.u32 $0xffff, v6;
	_ =	sdelay $0xb  }
0x709: {  	v7 =	vld.idx.msk [tilespmem:v6+s25+$0x0], $0xffff;
	_ =	sdelay $0x1  }
0x70a: {  	_, v61, vm1 =	vpop (xrf1);
	_ =	sdelay $0x2  }
0x70b: {  	v7 =	vadd.s32 v7, v61  }
0x70c: {  	v8 =	vadd.s32 $0xFFFFFFFF, v7  }
0x70d: {  	[tilespmem:s2+$0xFFFFFFF0] =	vst v8  }
0x70e: {  	[tilespmem:v6+s25+$0x0] =	vst.idx.msk vm1, v7  }
0x70f: {  	v6 =	vld [tilespmem:s3+$0x0];
	_ =	sdelay $0x4  }
0x710: {  	v6 =	vshrl.u32 v6, $0x10  }
0x711: {  	v6 =	vand.u32 $0xFF, v6  }
0x712: {  	(xrf1) =	vunique.msk.u32 $0xffff, v6;
	_ =	sdelay $0xb  }
0x713: {  	v7 =	vld.idx.msk [tilespmem:v6+s25+$0x0], $0xffff;
	_ =	sdelay $0x1  }
0x714: {  	_, v62, vm1 =	vpop (xrf1);
	_ =	sdelay $0x2  }
0x715: {  	v7 =	vadd.s32 v7, v62  }
0x716: {  	v8 =	vadd.s32 $0xFFFFFFFF, v7  }
0x717: {  	[tilespmem:s2+$0x0] =	vst v8  }
0x718: {  	[tilespmem:v6+s25+$0x0] =	vst.idx.msk vm1, v7  }
0x719: {  	v6 =	vld [tilespmem:s3+$0x10];
	_ =	sdelay $0x4  }
0x71a: {  	v6 =	vshrl.u32 v6, $0x10  }
0x71b: {  	v6 =	vand.u32 $0xFF, v6  }
0x71c: {  	(xrf1) =	vunique.msk.u32 $0xffff, v6;
	_ =	sdelay $0xb  }
0x71d: {  	v7 =	vld.idx.msk [tilespmem:v6+s25+$0x0], $0xffff;
	_ =	sdelay $0x1  }
0x71e: {  	s0 =	sadd.s32 $0x4, s0;
	_, v63, vm1 =	vpop (xrf1)  }
0x71f: {  	p0 =	slt.u32 s0, $0x17C  }
.Ltmp21:
0x720: {  	_ = 	snop;
	(pc) =	sbr.rel @p0 .LBB2_44-.Ltmp21, $4  }
0x721: {  	v7 =	vadd.s32 v7, v63  }
0x722: {  	v8 =	vadd.s32 $0xFFFFFFFF, v7  }
0x723: {  	[tilespmem:s2+$0x10] =	vst v8  }
0x724: {  	s20 =	simm.s32 $0x0;
	s3 =	sadd.s32 $0x40, s3;
	s2 =	sadd.s32 $0x40, s2;
	[tilespmem:v6+s25+$0x0] =	vst.idx.msk vm1, v7  }
0x725: {  	s19 =	simm.s32 $0x0  }
0x726: {  	v13 =	vld [tilespmem:s19+$0xC880];
	_ =	sdelay $0x4  }
0x727: {  	s0 =	simm.s32 $0x10;
	(xrf0) =	vadd.scan.msk.s32 $0xffff, v13  }
0x728: {  	v7 =	vld [tilespmem:s0+$0xC880];
	_ =	sdelay $0x2  }
0x729: {  	s3 =	simm.s32 $0x20  }
0x72a: {  	v6 =	vld [tilespmem:s3+$0xC880]  }
0x72b: {  	v14, _, _ =	vpop (xrf0);
	(xrf0) =	vadd.scan.msk.s32 $0xffff, v7;
	_ =	sdelay $0x1  }
0x72c: {  	v8 =	vxor.u32 $0x80000000, v14  }
0x72d: {  	(xrf0) =	vmax.scan.msk.u32 $0xffff, v8  }
0x72e: {  	(xrf0) =	vadd.scan.msk.s32 $0xffff, v6  }
0x72f: {  	s2 =	simm.s32 $0x30  }
0x730: {  	v8 =	vld [tilespmem:s2+$0xC880];
	v10, _, _ =	vpop (xrf0)  }
0x731: {  	v9 =	vxor.u32 $0x80000000, v10;
	_ =	sdelay $0x1  }
0x732: {  	v11, _, _ =	vpop (xrf0)  }
0x733: {  	(xrf0) =	vmax.scan.msk.u32 $0xffff, v9;
	v9, _, _ =	vpop (xrf0)  }
0x734: {  	(xrf0) =	vadd.scan.msk.s32 $0xffff, v8;
	v12 =	vxor.u32 $0x80000000, v9  }
0x735: {  	(xrf0) =	vmax.scan.msk.u32 $0xffff, v12;
	_ =	sdelay $0x2  }
0x736: {  	(v2sf) =	vpush v11, $0xF  }
0x737: {  	v15, _, _ =	vpop (xrf0)  }
0x738: {  	v11, _, _ =	vpop (xrf0)  }
0x739: {  	s4 =	simm.s32 $0x40;
	(v2sf) =	vpush v15, $0xF;
	v16, _, _ =	vpop (xrf0)  }
0x73a: {  	v12 =	vld [tilespmem:s4+$0xC880];
	(v2sf) =	vpush v16, $0xF;
	_ =	sdelay $0x4  }
0x73b: {  	s5 =	simm.s32 $0x50;
	(xrf0) =	vadd.scan.msk.s32 $0xffff, v12  }
0x73c: {  	v17 =	vsub.s32 s20, v13;
	v13 =	vld [tilespmem:s5+$0xC880];
	v15 =	vxor.u32 $0x80000000, v11  }
0x73d: {  	(xrf0) =	vmax.scan.msk.u32 $0xffff, v15  }
0x73e: {  	s6 =	simm.s32 $0x180;
	v14 =	vadd.s32 v14, v17  }
.LBB2_46:
0x73f: {  	s7 =	sshra.s32 s6, $0x2  }
0x740: {  	[tilespmem:s19+$0xC980] =	vst v14;
	s19 =	smov.u32 s0;
	s0 =	smov.u32 s3;
	p0 =	sne.s32 s6, $0x3C0  }
.Ltmp22:
0x741: {  	s6 =	sadd.s32 $0x40, s6;
	(xrf0) =	vadd.scan.msk.s32 $0xffff, v13;
	v15, _, _ =	vpop (xrf0);
	s3 =	spop (v2sf);
	(pc) =	sbr.rel @p0 .LBB2_46-.Ltmp22, $4  }
0x742: {  	v16 =	vmov v13;
	v17 =	vxor.u32 $0x80000000, v15;
	s8 =	sadd.s32 s3, s20;
	v13 =	vld [tilespmem:s7+$0xC880];
	s3 =	smov.u32 s2;
	s2 =	smov.u32 s4  }
0x743: {  	s4 =	smov.u32 s5;
	s5 =	smov.u32 s7;
	(xrf0) =	vmax.scan.msk.u32 $0xffff, v17;
	v14, _, _ =	vpop (xrf0);
	s20 =	sadd.s32 $0x80000000, s8  }
0x744: {  	(v2sf) =	vpush v14, $0xF;
	v14 =	vsub.s32 s20, v7;
	v7 =	vmovc v6;
	v6 =	vmovc v8;
	v8 =	vmov v12  }
0x745: {  	v12 =	vmovc v16;
	v14 =	vadd.s32 v10, v14;
	v10 =	vmovc v9;
	v9 =	vmov v11;
	v11 =	vmov v15  }
0x746: {  	_ = 	snop  }
0x747: {  	v15, _, _ =	vpop (xrf0)  }
0x748: {  	(xrf0) =	vadd.scan.msk.s32 $0xffff, v13;
	v16 =	vxor.u32 $0x80000000, v15  }
0x749: {  	(xrf0) =	vmax.scan.msk.u32 $0xffff, v16;
	_ =	sdelay $0x3  }
0x74a: {  	v16, _, _ =	vpop (xrf0)  }
0x74b: {  	(v2sf) =	vpush v16, $0xF;
	v16, _, _ =	vpop (xrf0)  }
0x74c: {  	v17, _, _ =	vpop (xrf0)  }
0x74d: {  	(v2sf) =	vpush v17, $0xF;
	_ =	sdelay $0x6  }
0x74e: {  	s6 =	spop (v2sf)  }
0x74f: {  	s6 =	sadd.s32 s6, s20  }
0x750: {  	s7 =	spop (v2sf);
	s6 =	sadd.s32 $0x80000000, s6  }
0x751: {  	s7 =	sadd.s32 s7, s6  }
0x752: {  	s7 =	sadd.s32 $0x80000000, s7;
	s8 =	spop (v2sf)  }
0x753: {  	s8 =	sadd.s32 s8, s7  }
0x754: {  	s8 =	sadd.s32 $0x80000000, s8;
	s9 =	spop (v2sf)  }
0x755: {  	v7 =	vsub.s32 s6, v7;
	s9 =	sadd.s32 s9, s8  }
0x756: {  	[tilespmem:s19+$0xC980] =	vst v14;
	v7 =	vadd.s32 v10, v7;
	v6 =	vsub.s32 s7, v6;
	s6 =	sadd.s32 $0x80000000, s9;
	s20 =	spop (v2sf)  }
0x757: {  	[tilespmem:s0+$0xC980] =	vst v7;
	v6 =	vadd.s32 v9, v6;
	v7 =	vsub.s32 s8, v8;
	s21 =	sadd.s32 s20, s6  }
0x758: {  	[tilespmem:s3+$0xC980] =	vst v6;
	v6 =	vadd.s32 v11, v7;
	v7 =	vsub.s32 s6, v12;
	s0 =	sadd.s32 $0x80000000, s21  }
0x759: {  	[tilespmem:s2+$0xC980] =	vst v6;
	v6 =	vadd.s32 v15, v7;
	v7 =	vsub.s32 s0, v13  }
0x75a: {  	[tilespmem:s4+$0xC980] =	vst v6;
	v6 =	vadd.s32 v16, v7  }
0x75b: {  	s6 =	simm.s32 $0x50A0;
	[tilespmem:s5+$0xC980] =	vst v6  }
0x75c: {  	v7 =	vld [tilespmem:s6+$0x10];
	_ =	sdelay $0x4  }
0x75d: {  	v6 =	vshrl.u32 v7, $0x10  }
0x75e: {  	v6 =	vand.u32 $0xFF, v6  }
0x75f: {  	v13 =	vld [tilespmem:s6+$0xFFFFFFF0]  }
0x760: {  	v14 =	vld [tilespmem:s6+$0xFFFFFFE0]  }
0x761: {  	s7 =	simm.s32 $0xB0A0;
	v15 =	vld [tilespmem:s6+$0x0]  }
0x762: {  	v10 =	vld [tilespmem:s7+$0x10]  }
0x763: {  	s8 =	simm.s32 $0x50E0;
	v6 =	vld.idx.msk [tilespmem:v6+s26+$0x0], $0xffff  }
0x764: {  	v17 =	vld [tilespmem:s8+$0x10]  }
0x765: {  	v23 =	vld [tilespmem:s8+$0xFFFFFFF0]  }
0x766: {  	v19 =	vld [tilespmem:s8+$0xFFFFFFE0];
	v8 =	vshrl.u32 v13, $0x10  }
0x767: {  	v12 =	vxor.u32 $0x80000000, v16;
	v16 =	vld [tilespmem:s7+$0xFFFFFFE0];
	v9 =	vshrl.u32 v14, $0x10;
	v8 =	vand.u32 $0xFF, v8  }
0x768: {  	v11 =	vshrl.u32 v15, $0x10;
	v9 =	vand.u32 $0xFF, v9;
	v20 =	vadd.s32 v6, v10;
	v6 =	vld [tilespmem:s8+$0x0]  }
0x769: {  	v21 =	vld [tilespmem:s7+$0xFFFFFFF0];
	v11 =	vand.u32 $0xFF, v11;
	v10 =	vshrl.u32 v17, $0x10  }
0x76a: {  	s19 =	simm.s32 $0xB0E0;
	v22 =	vld [tilespmem:s7+$0x0];
	v18 =	vshrl.u32 v23, $0x10;
	v10 =	vand.u32 $0xFF, v10  }
0x76b: {  	(xrf0) =	vmax.scan.msk.u32 $0xffff, v12;
	v25 =	vld [tilespmem:s19+$0x10];
	v12 =	vand.u32 $0xFF, v18;
	v18 =	vshrl.u32 v19, $0x10  }
0x76c: {  	v18 =	vand.u32 $0xFF, v18;
	v8 =	vld.idx.msk [tilespmem:v8+s26+$0x0], $0xffff  }
0x76d: {  	v9 =	vld.idx.msk [tilespmem:v9+s26+$0x0], $0xffff;
	[tilespmem:v20+s28+$0x0] =	vst.idx.msk $0xffff, v7;
	v7 =	vshrl.u32 v6, $0x10  }
0x76e: {  	v11 =	vld.idx.msk [tilespmem:v11+s26+$0x0], $0xffff;
	v7 =	vand.u32 $0xFF, v7  }
0x76f: {  	v10 =	vld.idx.msk [tilespmem:v10+s26+$0x0], $0xffff  }
0x770: {  	v26 =	vld.idx.msk [tilespmem:v12+s26+$0x0], $0xffff  }
0x771: {  	s20 =	simm.s32 $0x5120;
	v12, _, _ =	vpop (xrf0);
	v18 =	vld.idx.msk [tilespmem:v18+s26+$0x0], $0xffff  }
0x772: {  	(v2sf) =	vpush v12, $0xF;
	v12 =	vld [tilespmem:s20+$0x10]  }
0x773: {  	v27 =	vld.idx.msk [tilespmem:v7+s26+$0x0], $0xffff  }
0x774: {  	v25 =	vadd.s32 v10, v25;
	v10 =	vadd.s32 v8, v21;
	v8 =	vld [tilespmem:s20+$0xFFFFFFE0]  }
0x775: {  	v16 =	vadd.s32 v9, v16;
	v21 =	vld [tilespmem:s19+$0xFFFFFFE0]  }
0x776: {  	v7 =	vld [tilespmem:s20+$0xFFFFFFF0]  }
0x777: {  	v28 =	vld [tilespmem:s19+$0xFFFFFFF0]  }
0x778: {  	v9 =	vld [tilespmem:s20+$0x0];
	v11 =	vadd.s32 v11, v22  }
0x779: {  	s9 =	simm.s32 $0x80A0;
	v29 =	vld [tilespmem:s19+$0x0];
	v22 =	vshrl.u32 v12, $0x10;
	[tilespmem:v10+s28+$0x0] =	vst.idx.msk $0xffff, v13;
	v13 =	vshrl.u32 v8, $0x10  }
0x77a: {  	v22 =	vand.u32 $0xFF, v22;
	[tilespmem:v16+s28+$0x0] =	vst.idx.msk $0xffff, v14;
	v24 =	vld [tilespmem:s9+$0x10];
	v33 =	vand.u32 $0xFF, v13;
	v13 =	vadd.s32 v18, v21  }
0x77b: {  	s0 =	simm.s32 $0x80E0;
	v32 =	vld [tilespmem:s9+$0xFFFFFFE0];
	[tilespmem:v25+s28+$0x0] =	vst.idx.msk $0xffff, v17;
	v14 =	vshrl.u32 v7, $0x10  }
0x77c: {  	v30 =	vld [tilespmem:s0+$0x10];
	v31 =	vand.u32 $0xFF, v14  }
0x77d: {  	[tilespmem:v11+s28+$0x0] =	vst.idx.msk $0xffff, v15;
	v14 =	vshrl.u32 v9, $0x10;
	v17 =	vld [tilespmem:s9+$0xFFFFFFF0]  }
0x77e: {  	v18 =	vld [tilespmem:s9+$0x0];
	v34 =	vand.u32 $0xFF, v14;
	v14 =	vadd.s32 v26, v28  }
0x77f: {  	s2 =	simm.s32 $0xB120;
	v21 =	vld.idx.msk [tilespmem:v22+s26+$0x0], $0xffff;
	[tilespmem:v13+s28+$0x0] =	vst.idx.msk $0xffff, v19;
	v19 =	vadd.s32 v27, v29  }
0x780: {  	[tilespmem:v20+s29+$0x0] =	vst.idx.msk $0xffff, v24;
	v22 =	vld [tilespmem:s2+$0x10]  }
0x781: {  	[tilespmem:v16+s29+$0x0] =	vst.idx.msk $0xffff, v32;
	v15 =	vld.idx.msk [tilespmem:v31+s26+$0x0], $0xffff  }
0x782: {  	s3 =	simm.s32 $0x80E0;
	[tilespmem:v25+s29+$0x0] =	vst.idx.msk $0xffff, v30;
	v20 =	vld.idx.msk [tilespmem:v33+s26+$0x0], $0xffff  }
0x783: {  	s4 =	simm.s32 $0x8;
	s5 =	simm.s32 $0x5160;
	s21 =	spop (v2sf);
	v16 =	vld.idx.msk [tilespmem:v34+s26+$0x0], $0xffff;
	[tilespmem:v14+s28+$0x0] =	vst.idx.msk $0xffff, v23  }
.LBB2_48:
0x784: {  	v23 =	vld [tilespmem:s5+$0x10];
	s4 =	sadd.s32 $0x4, s4;
	[tilespmem:v19+s28+$0x0] =	vst.idx.msk $0xffff, v6;
	v6 =	vmov v9  }
0x785: {  	v24 =	vld [tilespmem:s5+$0xFFFFFFF0];
	p0 =	slt.u32 s4, $0x17C;
	v25 =	vadd.s32 v21, v22;
	[tilespmem:v10+s29+$0x0] =	vst.idx.msk $0xffff, v17;
	v10 =	vmov v14  }
0x786: {  	v9 =	vld [tilespmem:s5+$0x0];
	[tilespmem:v11+s29+$0x0] =	vst.idx.msk $0xffff, v18;
	v11 =	vmov v19  }
0x787: {  	v26 =	vld [tilespmem:s5+$0xFFFFFFE0]  }
0x788: {  	v14 =	vld [tilespmem:s2+$0xFFFFFFE0]  }
0x789: {  	v17 =	vshrl.u32 v23, $0x10;
	v18 =	vld [tilespmem:s2+$0xFFFFFFF0]  }
0x78a: {  	s0 =	sadd.s32 $0x40, s0;
	v19 =	vshrl.u32 v24, $0x10;
	v21 =	vand.u32 $0xFF, v17;
	v22 =	vld [tilespmem:s2+$0x0];
	[tilespmem:v25+s28+$0x0] =	vst.idx.msk $0xffff, v12;
	v12 =	vmov v23  }
0x78b: {  	v23 =	vand.u32 $0xFF, v19;
	v17 =	vshrl.u32 v9, $0x10;
	v27 =	vld [tilespmem:s0+$0x10]  }
0x78c: {  	v19 =	vshrl.u32 v26, $0x10;
	v28 =	vand.u32 $0xFF, v17;
	v29 =	vld [tilespmem:s3+$0xFFFFFFE0]  }
0x78d: {  	v30 =	vand.u32 $0xFF, v19;
	v31 =	vadd.s32 v20, v14;
	v17 =	vld [tilespmem:s3+$0xFFFFFFF0]  }
0x78e: {  	v14 =	vadd.s32 v15, v18;
	v18 =	vld [tilespmem:s3+$0x0];
	s3 =	smov.u32 s0  }
.Ltmp23:
0x78f: {  	s2 =	sadd.s32 $0x40, s2;
	v21 =	vld.idx.msk [tilespmem:v21+s26+$0x0], $0xffff;
	v19 =	vadd.s32 v16, v22;
	(pc) =	sbr.rel @p0 .LBB2_48-.Ltmp23, $4  }
0x790: {  	v22 =	vld [tilespmem:s2+$0x10];
	[tilespmem:v25+s29+$0x0] =	vst.idx.msk $0xffff, v27  }
0x791: {  	v15 =	vld.idx.msk [tilespmem:v23+s26+$0x0], $0xffff;
	[tilespmem:v13+s29+$0x0] =	vst.idx.msk $0xffff, v29;
	v13 =	vmov v31  }
0x792: {  	v20 =	vld.idx.msk [tilespmem:v30+s26+$0x0], $0xffff;
	[tilespmem:v31+s28+$0x0] =	vst.idx.msk $0xffff, v8;
	v8 =	vmov v26  }
0x793: {  	s5 =	sadd.s32 $0x40, s5;
	v16 =	vld.idx.msk [tilespmem:v28+s26+$0x0], $0xffff;
	[tilespmem:v14+s28+$0x0] =	vst.idx.msk $0xffff, v7;
	v7 =	vmov v24  }
0x794: {  	v58 =	vld [tilespmem:s2+$0xFFFFFFE0]  }
0x795: {  	v23 =	vld [tilespmem:s2+$0xFFFFFFF0]  }
0x796: {  	v24 =	vld [tilespmem:s2+$0x0]  }
0x797: {  	v60 =	vld [tilespmem:s3+$0xFFFFFFE0]  }
0x798: {  	v21 =	vadd.s32 v21, v22  }
0x799: {  	[tilespmem:v19+s28+$0x0] =	vst.idx.msk $0xffff, v6;
	v20 =	vadd.s32 v20, v58  }
0x79a: {  	[tilespmem:v10+s29+$0x0] =	vst.idx.msk $0xffff, v17;
	v6 =	vadd.s32 v15, v23  }
0x79b: {  	[tilespmem:v11+s29+$0x0] =	vst.idx.msk $0xffff, v18;
	v59 =	vadd.s32 v16, v24  }
0x79c: {  	v61 =	vld [tilespmem:s3+$0xFFFFFFF0];
	[tilespmem:v13+s29+$0x0] =	vst.idx.msk $0xffff, v60  }
0x79d: {  	s0 =	sadd.s32 $0x40, s0;
	v62 =	vld [tilespmem:s3+$0x0];
	[tilespmem:v21+s28+$0x0] =	vst.idx.msk $0xffff, v12  }
0x79e: {  	v12 =	vld [tilespmem:s0+$0x10];
	[tilespmem:v20+s28+$0x0] =	vst.idx.msk $0xffff, v8  }
0x79f: {  	[tilespmem:v6+s28+$0x0] =	vst.idx.msk $0xffff, v7;
	v7 =	vld [tilespmem:s0+$0xFFFFFFE0]  }
0x7a0: {  	[tilespmem:v59+s28+$0x0] =	vst.idx.msk $0xffff, v9;
	v63 =	vld [tilespmem:s0+$0xFFFFFFF0]  }
0x7a1: {  	[tilespmem:v14+s29+$0x0] =	vst.idx.msk $0xffff, v61;
	v9 =	vld [tilespmem:s0+$0x0]  }
0x7a2: {  	[tilespmem:v19+s29+$0x0] =	vst.idx.msk $0xffff, v62  }
0x7a3: {  	[tilespmem:v21+s29+$0x0] =	vst.idx.msk $0xffff, v12  }
0x7a4: {  	[tilespmem:v20+s29+$0x0] =	vst.idx.msk $0xffff, v7  }
0x7a5: {  	[tilespmem:v6+s29+$0x0] =	vst.idx.msk $0xffff, v63  }
0x7a6: {  	[tilespmem:v59+s29+$0x0] =	vst.idx.msk $0xffff, v9  }
0x7a7: {  	[tilespmem:$0xC880] =	vst v5  }
0x7a8: {  	[tilespmem:$0xC890] =	vst v5  }
0x7a9: {  	[tilespmem:$0xC8A0] =	vst v5  }
0x7aa: {  	[tilespmem:$0xC8B0] =	vst v5  }
0x7ab: {  	[tilespmem:$0xC8C0] =	vst v5  }
0x7ac: {  	[tilespmem:$0xC8D0] =	vst v5  }
0x7ad: {  	[tilespmem:$0xC8E0] =	vst v5  }
0x7ae: {  	[tilespmem:$0xC8F0] =	vst v5  }
0x7af: {  	[tilespmem:$0xC900] =	vst v5  }
0x7b0: {  	[tilespmem:$0xC910] =	vst v5  }
0x7b1: {  	[tilespmem:$0xC920] =	vst v5  }
0x7b2: {  	[tilespmem:$0xC930] =	vst v5  }
0x7b3: {  	[tilespmem:$0xC940] =	vst v5  }
0x7b4: {  	[tilespmem:$0xC950] =	vst v5  }
0x7b5: {  	[tilespmem:$0xC960] =	vst v5  }
0x7b6: {  	s2 =	simm.s32 $0xB0A0;
	s3 =	simm.s32 $0x68A0;
	s0 =	simm.s32 $0xFFFFFFFC;
	[tilespmem:$0xC970] =	vst v5  }
.LBB2_50:
0x7b7: {  	v6 =	vld [tilespmem:s3+$0xFFFFFFE0];
	_ =	sdelay $0x4  }
0x7b8: {  	v6 =	vshrl.u32 v6, $0x18  }
0x7b9: {  	(xrf1) =	vunique.msk.u32 $0xffff, v6;
	_ =	sdelay $0xb  }
0x7ba: {  	v7 =	vld.idx.msk [tilespmem:v6+s25+$0x0], $0xffff;
	_ =	sdelay $0x1  }
0x7bb: {  	_, v8, vm1 =	vpop (xrf1);
	_ =	sdelay $0x2  }
0x7bc: {  	v7 =	vadd.s32 v7, v8  }
0x7bd: {  	v8 =	vadd.s32 $0xFFFFFFFF, v7  }
0x7be: {  	[tilespmem:s2+$0xFFFFFFE0] =	vst v8  }
0x7bf: {  	[tilespmem:v6+s25+$0x0] =	vst.idx.msk vm1, v7  }
0x7c0: {  	v6 =	vld [tilespmem:s3+$0xFFFFFFF0];
	_ =	sdelay $0x4  }
0x7c1: {  	v6 =	vshrl.u32 v6, $0x18  }
0x7c2: {  	(xrf1) =	vunique.msk.u32 $0xffff, v6;
	_ =	sdelay $0xb  }
0x7c3: {  	v7 =	vld.idx.msk [tilespmem:v6+s25+$0x0], $0xffff;
	_ =	sdelay $0x1  }
0x7c4: {  	_, v61, vm1 =	vpop (xrf1);
	_ =	sdelay $0x2  }
0x7c5: {  	v7 =	vadd.s32 v7, v61  }
0x7c6: {  	v8 =	vadd.s32 $0xFFFFFFFF, v7  }
0x7c7: {  	[tilespmem:s2+$0xFFFFFFF0] =	vst v8  }
0x7c8: {  	[tilespmem:v6+s25+$0x0] =	vst.idx.msk vm1, v7  }
0x7c9: {  	v6 =	vld [tilespmem:s3+$0x0];
	_ =	sdelay $0x4  }
0x7ca: {  	v6 =	vshrl.u32 v6, $0x18  }
0x7cb: {  	(xrf1) =	vunique.msk.u32 $0xffff, v6;
	_ =	sdelay $0xb  }
0x7cc: {  	v7 =	vld.idx.msk [tilespmem:v6+s25+$0x0], $0xffff;
	_ =	sdelay $0x1  }
0x7cd: {  	_, v62, vm1 =	vpop (xrf1);
	_ =	sdelay $0x2  }
0x7ce: {  	v7 =	vadd.s32 v7, v62  }
0x7cf: {  	v8 =	vadd.s32 $0xFFFFFFFF, v7  }
0x7d0: {  	[tilespmem:s2+$0x0] =	vst v8  }
0x7d1: {  	[tilespmem:v6+s25+$0x0] =	vst.idx.msk vm1, v7  }
0x7d2: {  	v6 =	vld [tilespmem:s3+$0x10];
	_ =	sdelay $0x4  }
0x7d3: {  	v6 =	vshrl.u32 v6, $0x18  }
0x7d4: {  	(xrf1) =	vunique.msk.u32 $0xffff, v6;
	_ =	sdelay $0xb  }
0x7d5: {  	v7 =	vld.idx.msk [tilespmem:v6+s25+$0x0], $0xffff;
	_ =	sdelay $0x1  }
0x7d6: {  	s0 =	sadd.s32 $0x4, s0;
	_, v63, vm1 =	vpop (xrf1)  }
0x7d7: {  	p0 =	slt.u32 s0, $0x17C  }
.Ltmp24:
0x7d8: {  	_ = 	snop;
	(pc) =	sbr.rel @p0 .LBB2_50-.Ltmp24, $4  }
0x7d9: {  	v7 =	vadd.s32 v7, v63  }
0x7da: {  	v8 =	vadd.s32 $0xFFFFFFFF, v7  }
0x7db: {  	[tilespmem:s2+$0x10] =	vst v8  }
0x7dc: {  	s20 =	simm.s32 $0x0;
	s3 =	sadd.s32 $0x40, s3;
	s2 =	sadd.s32 $0x40, s2;
	[tilespmem:v6+s25+$0x0] =	vst.idx.msk vm1, v7  }
0x7dd: {  	s19 =	simm.s32 $0x0  }
0x7de: {  	v13 =	vld [tilespmem:s19+$0xC880];
	_ =	sdelay $0x4  }
0x7df: {  	s0 =	simm.s32 $0x10;
	(xrf0) =	vadd.scan.msk.s32 $0xffff, v13  }
0x7e0: {  	v7 =	vld [tilespmem:s0+$0xC880];
	_ =	sdelay $0x2  }
0x7e1: {  	s3 =	simm.s32 $0x20  }
0x7e2: {  	v6 =	vld [tilespmem:s3+$0xC880]  }
0x7e3: {  	v14, _, _ =	vpop (xrf0);
	(xrf0) =	vadd.scan.msk.s32 $0xffff, v7;
	_ =	sdelay $0x1  }
0x7e4: {  	v8 =	vxor.u32 $0x80000000, v14  }
0x7e5: {  	(xrf0) =	vmax.scan.msk.u32 $0xffff, v8  }
0x7e6: {  	(xrf0) =	vadd.scan.msk.s32 $0xffff, v6  }
0x7e7: {  	s2 =	simm.s32 $0x30  }
0x7e8: {  	v8 =	vld [tilespmem:s2+$0xC880];
	v10, _, _ =	vpop (xrf0)  }
0x7e9: {  	v9 =	vxor.u32 $0x80000000, v10;
	_ =	sdelay $0x1  }
0x7ea: {  	v11, _, _ =	vpop (xrf0)  }
0x7eb: {  	(xrf0) =	vmax.scan.msk.u32 $0xffff, v9;
	v9, _, _ =	vpop (xrf0)  }
0x7ec: {  	(xrf0) =	vadd.scan.msk.s32 $0xffff, v8;
	v12 =	vxor.u32 $0x80000000, v9  }
0x7ed: {  	(xrf0) =	vmax.scan.msk.u32 $0xffff, v12;
	_ =	sdelay $0x2  }
0x7ee: {  	(v2sf) =	vpush v11, $0xF  }
0x7ef: {  	v15, _, _ =	vpop (xrf0)  }
0x7f0: {  	v11, _, _ =	vpop (xrf0)  }
0x7f1: {  	s4 =	simm.s32 $0x40;
	(v2sf) =	vpush v15, $0xF;
	v16, _, _ =	vpop (xrf0)  }
0x7f2: {  	v12 =	vld [tilespmem:s4+$0xC880];
	(v2sf) =	vpush v16, $0xF;
	_ =	sdelay $0x4  }
0x7f3: {  	s5 =	simm.s32 $0x50;
	(xrf0) =	vadd.scan.msk.s32 $0xffff, v12  }
0x7f4: {  	v17 =	vsub.s32 s20, v13;
	v13 =	vld [tilespmem:s5+$0xC880];
	v15 =	vxor.u32 $0x80000000, v11  }
0x7f5: {  	(xrf0) =	vmax.scan.msk.u32 $0xffff, v15  }
0x7f6: {  	s6 =	simm.s32 $0x180;
	v14 =	vadd.s32 v14, v17  }
.LBB2_52:
0x7f7: {  	s7 =	sshra.s32 s6, $0x2  }
0x7f8: {  	[tilespmem:s19+$0xC980] =	vst v14;
	s19 =	smov.u32 s0;
	s0 =	smov.u32 s3;
	p0 =	sne.s32 s6, $0x3C0  }
.Ltmp25:
0x7f9: {  	s6 =	sadd.s32 $0x40, s6;
	(xrf0) =	vadd.scan.msk.s32 $0xffff, v13;
	v15, _, _ =	vpop (xrf0);
	s3 =	spop (v2sf);
	(pc) =	sbr.rel @p0 .LBB2_52-.Ltmp25, $4  }
0x7fa: {  	v16 =	vmov v13;
	v17 =	vxor.u32 $0x80000000, v15;
	s8 =	sadd.s32 s3, s20;
	v13 =	vld [tilespmem:s7+$0xC880];
	s3 =	smov.u32 s2;
	s2 =	smov.u32 s4  }
0x7fb: {  	s4 =	smov.u32 s5;
	s5 =	smov.u32 s7;
	(xrf0) =	vmax.scan.msk.u32 $0xffff, v17;
	v14, _, _ =	vpop (xrf0);
	s20 =	sadd.s32 $0x80000000, s8  }
0x7fc: {  	(v2sf) =	vpush v14, $0xF;
	v14 =	vsub.s32 s20, v7;
	v7 =	vmovc v6;
	v6 =	vmovc v8;
	v8 =	vmov v12  }
0x7fd: {  	v12 =	vmovc v16;
	v14 =	vadd.s32 v10, v14;
	v10 =	vmovc v9;
	v9 =	vmov v11;
	v11 =	vmov v15  }
0x7fe: {  	_ = 	snop  }
0x7ff: {  	v15, _, _ =	vpop (xrf0)  }
0x800: {  	(xrf0) =	vadd.scan.msk.s32 $0xffff, v13;
	v16 =	vxor.u32 $0x80000000, v15  }
0x801: {  	(xrf0) =	vmax.scan.msk.u32 $0xffff, v16;
	_ =	sdelay $0x3  }
0x802: {  	v16, _, _ =	vpop (xrf0)  }
0x803: {  	(v2sf) =	vpush v16, $0xF;
	v16, _, _ =	vpop (xrf0)  }
0x804: {  	v17, _, _ =	vpop (xrf0)  }
0x805: {  	(v2sf) =	vpush v17, $0xF;
	_ =	sdelay $0x6  }
0x806: {  	s6 =	spop (v2sf)  }
0x807: {  	s6 =	sadd.s32 s6, s20  }
0x808: {  	s7 =	spop (v2sf);
	s6 =	sadd.s32 $0x80000000, s6  }
0x809: {  	s7 =	sadd.s32 s7, s6  }
0x80a: {  	s7 =	sadd.s32 $0x80000000, s7;
	s8 =	spop (v2sf)  }
0x80b: {  	s8 =	sadd.s32 s8, s7  }
0x80c: {  	s8 =	sadd.s32 $0x80000000, s8;
	s9 =	spop (v2sf)  }
0x80d: {  	v7 =	vsub.s32 s6, v7;
	s9 =	sadd.s32 s9, s8  }
0x80e: {  	[tilespmem:s19+$0xC980] =	vst v14;
	v7 =	vadd.s32 v10, v7;
	v6 =	vsub.s32 s7, v6;
	s6 =	sadd.s32 $0x80000000, s9;
	s20 =	spop (v2sf)  }
0x80f: {  	[tilespmem:s0+$0xC980] =	vst v7;
	v6 =	vadd.s32 v9, v6;
	v7 =	vsub.s32 s8, v8;
	s21 =	sadd.s32 s20, s6  }
0x810: {  	[tilespmem:s3+$0xC980] =	vst v6;
	v6 =	vadd.s32 v11, v7;
	v7 =	vsub.s32 s6, v12;
	s0 =	sadd.s32 $0x80000000, s21  }
0x811: {  	[tilespmem:s2+$0xC980] =	vst v6;
	v6 =	vadd.s32 v15, v7;
	v7 =	vsub.s32 s0, v13  }
0x812: {  	[tilespmem:s4+$0xC980] =	vst v6;
	v6 =	vadd.s32 v16, v7  }
0x813: {  	s6 =	simm.s32 $0x68A0;
	[tilespmem:s5+$0xC980] =	vst v6  }
0x814: {  	v6 =	vld [tilespmem:s6+$0x10];
	_ =	sdelay $0x2  }
0x815: {  	v12 =	vld [tilespmem:s6+$0xFFFFFFF0]  }
0x816: {  	v13 =	vld [tilespmem:s6+$0xFFFFFFE0]  }
0x817: {  	s7 =	simm.s32 $0xB0A0;
	v14 =	vld [tilespmem:s6+$0x0];
	v7 =	vshrl.u32 v6, $0x18  }
0x818: {  	s8 =	simm.s32 $0x68E0;
	v10 =	vld [tilespmem:s7+$0x10]  }
0x819: {  	v15 =	vld [tilespmem:s8+$0x10]  }
0x81a: {  	v20 =	vld [tilespmem:s8+$0xFFFFFFF0]  }
0x81b: {  	v18 =	vld [tilespmem:s8+$0xFFFFFFE0]  }
0x81c: {  	v9 =	vshrl.u32 v13, $0x18;
	v7 =	vld.idx.msk [tilespmem:v7+s26+$0x0], $0xffff  }
0x81d: {  	v21 =	vld [tilespmem:s8+$0x0];
	v11 =	vshrl.u32 v14, $0x18  }
0x81e: {  	v19 =	vld [tilespmem:s7+$0xFFFFFFE0]  }
0x81f: {  	s19 =	simm.s32 $0xB0E0;
	v23 =	vld [tilespmem:s7+$0x0];
	v8 =	vshrl.u32 v12, $0x18  }
0x820: {  	v25 =	vld [tilespmem:s19+$0x10];
	v22 =	vshrl.u32 v20, $0x18  }
0x821: {  	v9 =	vld.idx.msk [tilespmem:v9+s26+$0x0], $0xffff;
	v17 =	vadd.s32 v7, v10  }
0x822: {  	v11 =	vld.idx.msk [tilespmem:v11+s26+$0x0], $0xffff  }
0x823: {  	v28 =	vld [tilespmem:s19+$0xFFFFFFE0]  }
0x824: {  	v8 =	vld.idx.msk [tilespmem:v8+s26+$0x0], $0xffff;
	v7 =	vshrl.u32 v15, $0x18;
	v10 =	vxor.u32 $0x80000000, v16  }
0x825: {  	v22 =	vld.idx.msk [tilespmem:v22+s26+$0x0], $0xffff;
	(xrf0) =	vmax.scan.msk.u32 $0xffff, v10;
	v10 =	vshrl.u32 v21, $0x18  }
0x826: {  	s20 =	simm.s32 $0x6920;
	v16 =	vld [tilespmem:s7+$0xFFFFFFF0];
	[tilespmem:v17+s30+$0x0] =	vst.idx.msk $0xffff, v6;
	v6 =	vshrl.u32 v18, $0x18  }
0x827: {  	v29 =	vadd.s32 v9, v19;
	v9 =	vadd.s32 v11, v23;
	v11 =	vld [tilespmem:s20+$0xFFFFFFE0]  }
0x828: {  	v23 =	vld [tilespmem:s19+$0x0]  }
0x829: {  	v7 =	vld.idx.msk [tilespmem:v7+s26+$0x0], $0xffff  }
0x82a: {  	v27 =	vld.idx.msk [tilespmem:v10+s26+$0x0], $0xffff  }
0x82b: {  	v26 =	vld.idx.msk [tilespmem:v6+s26+$0x0], $0xffff;
	v6, _, _ =	vpop (xrf0)  }
0x82c: {  	v10 =	vld [tilespmem:s20+$0x10];
	(v2sf) =	vpush v6, $0xF  }
0x82d: {  	s9 =	simm.s32 $0x98A0;
	v30 =	vadd.s32 v8, v16;
	v16 =	vld [tilespmem:s19+$0xFFFFFFF0]  }
0x82e: {  	[tilespmem:v29+s30+$0x0] =	vst.idx.msk $0xffff, v13;
	v24 =	vld [tilespmem:s9+$0x10]  }
0x82f: {  	v61 =	vld [tilespmem:s9+$0xFFFFFFE0];
	v25 =	vadd.s32 v7, v25  }
0x830: {  	v6 =	vld [tilespmem:s20+$0xFFFFFFF0]  }
0x831: {  	v7 =	vld [tilespmem:s20+$0x0];
	v19 =	vshrl.u32 v10, $0x18  }
0x832: {  	[tilespmem:v30+s30+$0x0] =	vst.idx.msk $0xffff, v12;
	v12 =	vadd.s32 v22, v16  }
0x833: {  	[tilespmem:v9+s30+$0x0] =	vst.idx.msk $0xffff, v14;
	v31 =	vld [tilespmem:s9+$0xFFFFFFF0]  }
0x834: {  	s0 =	simm.s32 $0x98E0;
	v62 =	vshrl.u32 v11, $0x18;
	v16 =	vld [tilespmem:s9+$0x0];
	v8 =	vadd.s32 v26, v28;
	[tilespmem:v25+s30+$0x0] =	vst.idx.msk $0xffff, v15  }
0x835: {  	[tilespmem:v17+s31+$0x0] =	vst.idx.msk $0xffff, v24;
	v13 =	vld [tilespmem:s0+$0x10];
	v15 =	vshrl.u32 v6, $0x18  }
0x836: {  	s2 =	simm.s32 $0xB120;
	v14 =	vadd.s32 v27, v23;
	[tilespmem:v29+s31+$0x0] =	vst.idx.msk $0xffff, v61;
	v63 =	vshrl.u32 v7, $0x18;
	v17 =	vld.idx.msk [tilespmem:v19+s26+$0x0], $0xffff  }
0x837: {  	[tilespmem:v12+s30+$0x0] =	vst.idx.msk $0xffff, v20;
	v19 =	vld [tilespmem:s2+$0x10]  }
0x838: {  	v20 =	vld [tilespmem:s2+$0xFFFFFFE0];
	[tilespmem:v30+s31+$0x0] =	vst.idx.msk $0xffff, v31  }
0x839: {  	[tilespmem:v8+s30+$0x0] =	vst.idx.msk $0xffff, v18;
	v18 =	vld.idx.msk [tilespmem:v62+s26+$0x0], $0xffff  }
0x83a: {  	s3 =	simm.s32 $0x98E0;
	[tilespmem:v25+s31+$0x0] =	vst.idx.msk $0xffff, v13;
	v13 =	vld.idx.msk [tilespmem:v15+s26+$0x0], $0xffff  }
0x83b: {  	s4 =	simm.s32 $0x8;
	s5 =	simm.s32 $0x6960;
	[tilespmem:v14+s30+$0x0] =	vst.idx.msk $0xffff, v21;
	v15 =	vld.idx.msk [tilespmem:v63+s26+$0x0], $0xffff;
	s21 =	spop (v2sf)  }
.LBB2_54:
0x83c: {  	v21 =	vld [tilespmem:s5+$0x10];
	s4 =	sadd.s32 $0x4, s4;
	v22 =	vadd.s32 v17, v19;
	[tilespmem:v9+s31+$0x0] =	vst.idx.msk $0xffff, v16;
	v9 =	vmov v14  }
0x83d: {  	v23 =	vld [tilespmem:s5+$0xFFFFFFF0];
	p0 =	slt.u32 s4, $0x17C  }
0x83e: {  	v24 =	vld [tilespmem:s5+$0x0]  }
0x83f: {  	v14 =	vld [tilespmem:s5+$0xFFFFFFE0]  }
0x840: {  	v18 =	vadd.s32 v18, v20;
	v16 =	vld [tilespmem:s2+$0xFFFFFFF0]  }
0x841: {  	s0 =	sadd.s32 $0x40, s0;
	v17 =	vshrl.u32 v21, $0x18;
	v19 =	vld [tilespmem:s2+$0x0];
	[tilespmem:v22+s30+$0x0] =	vst.idx.msk $0xffff, v10;
	v10 =	vmov v21  }
0x842: {  	v20 =	vshrl.u32 v23, $0x18;
	v21 =	vld [tilespmem:s0+$0x10]  }
0x843: {  	v25 =	vshrl.u32 v24, $0x18;
	v26 =	vld [tilespmem:s3+$0xFFFFFFE0]  }
0x844: {  	v27 =	vshrl.u32 v14, $0x18;
	v28 =	vld [tilespmem:s3+$0xFFFFFFF0]  }
0x845: {  	[tilespmem:v18+s30+$0x0] =	vst.idx.msk $0xffff, v11;
	v29 =	vadd.s32 v13, v16;
	v16 =	vld [tilespmem:s3+$0x0];
	v11 =	vmov v14;
	s3 =	smov.u32 s0  }
0x846: {  	s2 =	sadd.s32 $0x40, s2;
	v17 =	vld.idx.msk [tilespmem:v17+s26+$0x0], $0xffff;
	v14 =	vadd.s32 v15, v19  }
.Ltmp26:
0x847: {  	v19 =	vld [tilespmem:s2+$0x10];
	[tilespmem:v22+s31+$0x0] =	vst.idx.msk $0xffff, v21;
	(pc) =	sbr.rel @p0 .LBB2_54-.Ltmp26, $4  }
0x848: {  	v13 =	vld.idx.msk [tilespmem:v20+s26+$0x0], $0xffff;
	[tilespmem:v8+s31+$0x0] =	vst.idx.msk $0xffff, v26;
	v8 =	vmov v18  }
0x849: {  	v18 =	vld.idx.msk [tilespmem:v27+s26+$0x0], $0xffff;
	[tilespmem:v12+s31+$0x0] =	vst.idx.msk $0xffff, v28;
	v12 =	vmov v29  }
0x84a: {  	v15 =	vld.idx.msk [tilespmem:v25+s26+$0x0], $0xffff;
	[tilespmem:v29+s30+$0x0] =	vst.idx.msk $0xffff, v6;
	v6 =	vmov v23  }
0x84b: {  	s5 =	sadd.s32 $0x40, s5;
	v20 =	vld [tilespmem:s2+$0xFFFFFFE0];
	[tilespmem:v14+s30+$0x0] =	vst.idx.msk $0xffff, v7;
	v7 =	vmov v24  }
0x84c: {  	_ = 	snop  }
0x84d: {  	v17 =	vadd.s32 v17, v19;
	v19 =	vld [tilespmem:s2+$0xFFFFFFF0]  }
0x84e: {  	v21 =	vld [tilespmem:s2+$0x0];
	_ =	sdelay $0x1  }
0x84f: {  	[tilespmem:v9+s31+$0x0] =	vst.idx.msk $0xffff, v16;
	v9 =	vld [tilespmem:s3+$0xFFFFFFE0]  }
0x850: {  	v18 =	vadd.s32 v18, v20  }
0x851: {  	v13 =	vadd.s32 v13, v19  }
0x852: {  	v15 =	vadd.s32 v15, v21  }
0x853: {  	s0 =	sadd.s32 $0x40, s0;
	v16 =	vld [tilespmem:s3+$0xFFFFFFF0];
	[tilespmem:v17+s30+$0x0] =	vst.idx.msk $0xffff, v10  }
0x854: {  	[tilespmem:v8+s31+$0x0] =	vst.idx.msk $0xffff, v9;
	v10 =	vld [tilespmem:s0+$0x10]  }
0x855: {  	[tilespmem:v18+s30+$0x0] =	vst.idx.msk $0xffff, v11;
	v11 =	vld [tilespmem:s3+$0x0]  }
0x856: {  	[tilespmem:v13+s30+$0x0] =	vst.idx.msk $0xffff, v6;
	v6 =	vld [tilespmem:s0+$0xFFFFFFE0]  }
0x857: {  	[tilespmem:v15+s30+$0x0] =	vst.idx.msk $0xffff, v7;
	v7 =	vld [tilespmem:s0+$0xFFFFFFF0]  }
0x858: {  	[tilespmem:v12+s31+$0x0] =	vst.idx.msk $0xffff, v16;
	v8 =	vld [tilespmem:s0+$0x0]  }
0x859: {  	[tilespmem:v17+s31+$0x0] =	vst.idx.msk $0xffff, v10  }
0x85a: {  	[tilespmem:v14+s31+$0x0] =	vst.idx.msk $0xffff, v11  }
0x85b: {  	[tilespmem:v18+s31+$0x0] =	vst.idx.msk $0xffff, v6  }
0x85c: {  	[tilespmem:v13+s31+$0x0] =	vst.idx.msk $0xffff, v7  }
0x85d: {  	s19 =	simm.s32 $0x80A0;
	[tilespmem:v15+s31+$0x0] =	vst.idx.msk $0xffff, v8  }
0x85e: {  	v7 =	vld [tilespmem:s19+$0xFFFFFFF0]  }
0x85f: {  	v8 =	vld [tilespmem:s19+$0x0]  }
0x860: {  	v6 =	vld [tilespmem:s19+$0x10]  }
0x861: {  	s20 =	simm.s32 $0x80E0;
	v11 =	vld [tilespmem:s19+$0xFFFFFFE0]  }
0x862: {  	v13 =	vld [tilespmem:s20+$0xFFFFFFF0]  }
0x863: {  	v12 =	vld [tilespmem:s20+$0x10]  }
0x864: {  	v16 =	vld [tilespmem:s20+$0x0];
	_ =	sdelay $0x1  }
0x865: {  	v10 =	vld.idx.msk [tilespmem:v7+s23+$0x0], $0xffff  }
0x866: {  	v14 =	vld.idx.msk [tilespmem:v8+s23+$0x0], $0xffff  }
0x867: {  	v9 =	vld.idx.msk [tilespmem:v6+s23+$0x0], $0xffff  }
0x868: {  	v17 =	vld.idx.msk [tilespmem:v11+s23+$0x0], $0xffff  }
0x869: {  	s21 =	simm.s32 $0xCAA0;
	v19 =	vld.idx.msk [tilespmem:v13+s23+$0x0], $0xffff  }
0x86a: {  	[tilespmem:s21+$0xFFFFFFF0] =	vst v10;
	v10 =	vld.idx.msk [tilespmem:v12+s23+$0x0], $0xffff  }
0x86b: {  	s4 =	simm.s32 $0x8120;
	[tilespmem:s21+$0x0] =	vst v14;
	v14 =	vld.idx.msk [tilespmem:v16+s23+$0x0], $0xffff  }
0x86c: {  	[tilespmem:s21+$0x10] =	vst v9;
	v9 =	vld [tilespmem:s4+$0x10]  }
0x86d: {  	v15 =	vld.idx.msk [tilespmem:v6+s24+$0x0], $0xffff  }
0x86e: {  	v6 =	vld [tilespmem:s20+$0xFFFFFFE0]  }
0x86f: {  	v18 =	vld.idx.msk [tilespmem:v7+s24+$0x0], $0xffff  }
0x870: {  	v62 =	vld.idx.msk [tilespmem:v8+s24+$0x0], $0xffff  }
0x871: {  	v7 =	vld [tilespmem:s4+$0xFFFFFFF0]  }
0x872: {  	s0 =	simm.s32 $0xCAE0;
	v8 =	vld [tilespmem:s4+$0x0]  }
0x873: {  	[tilespmem:s0+$0x10] =	vst v10;
	v10 =	vld [tilespmem:s4+$0xFFFFFFE0]  }
0x874: {  	s3 =	simm.s32 $0xD0A0;
	[tilespmem:s21+$0xFFFFFFE0] =	vst v17;
	v63 =	vld.idx.msk [tilespmem:v12+s24+$0x0], $0xffff  }
0x875: {  	[tilespmem:s3+$0x10] =	vst v15;
	v15 =	vld.idx.msk [tilespmem:v11+s24+$0x0], $0xffff  }
0x876: {  	[tilespmem:s0+$0xFFFFFFF0] =	vst v19;
	v17 =	vld.idx.msk [tilespmem:v6+s23+$0x0], $0xffff  }
0x877: {  	[tilespmem:s0+$0x0] =	vst v14;
	v11 =	vld.idx.msk [tilespmem:v13+s24+$0x0], $0xffff  }
0x878: {  	[tilespmem:s3+$0xFFFFFFF0] =	vst v18;
	v16 =	vld.idx.msk [tilespmem:v16+s24+$0x0], $0xffff  }
0x879: {  	s2 =	simm.s32 $0xD0E0;
	[tilespmem:s3+$0x0] =	vst v62;
	v12 =	vld.idx.msk [tilespmem:v9+s23+$0x0], $0xffff  }
0x87a: {  	v13 =	vld.idx.msk [tilespmem:v7+s23+$0x0], $0xffff;
	[tilespmem:s2+$0x10] =	vst v63  }
0x87b: {  	s5 =	simm.s32 $0x8160;
	s4 =	simm.s32 $0x8;
	v14 =	vld.idx.msk [tilespmem:v8+s23+$0x0], $0xffff;
	[tilespmem:s0+$0xFFFFFFE0] =	vst v17  }
.LBB2_56:
0x87c: {  	v17 =	vld [tilespmem:s5+$0x10];
	s4 =	sadd.s32 $0x4, s4;
	[tilespmem:s3+$0xFFFFFFE0] =	vst v15;
	s3 =	smov.u32 s2  }
0x87d: {  	s0 =	sadd.s32 $0x40, s0;
	v18 =	vld [tilespmem:s5+$0xFFFFFFF0];
	p0 =	slt.u32 s4, $0x5C;
	[tilespmem:s2+$0xFFFFFFF0] =	vst v11  }
0x87e: {  	v19 =	vld [tilespmem:s5+$0x0];
	[tilespmem:s0+$0x10] =	vst v12  }
0x87f: {  	[tilespmem:s0+$0xFFFFFFF0] =	vst v13;
	v20 =	vld.idx.msk [tilespmem:v9+s24+$0x0], $0xffff  }
0x880: {  	v21 =	vld [tilespmem:s5+$0xFFFFFFE0];
	[tilespmem:s0+$0x0] =	vst v14  }
0x881: {  	v22 =	vld.idx.msk [tilespmem:v10+s23+$0x0], $0xffff;
	[tilespmem:s2+$0x0] =	vst v16;
	v9 =	vmov v17  }
0x882: {  	v15 =	vld.idx.msk [tilespmem:v6+s24+$0x0], $0xffff;
	v6 =	vmov v10  }
.Ltmp27:
0x883: {  	v11 =	vld.idx.msk [tilespmem:v7+s24+$0x0], $0xffff;
	v7 =	vmov v18;
	(pc) =	sbr.rel @p0 .LBB2_56-.Ltmp27, $4  }
0x884: {  	s2 =	sadd.s32 $0x40, s2;
	v12 =	vld.idx.msk [tilespmem:v17+s23+$0x0], $0xffff  }
0x885: {  	v13 =	vld.idx.msk [tilespmem:v18+s23+$0x0], $0xffff;
	[tilespmem:s2+$0x10] =	vst v20;
	v10 =	vmov v21  }
0x886: {  	v14 =	vld.idx.msk [tilespmem:v19+s23+$0x0], $0xffff  }
0x887: {  	s5 =	sadd.s32 $0x40, s5;
	[tilespmem:s0+$0xFFFFFFE0] =	vst v22;
	v16 =	vld.idx.msk [tilespmem:v8+s24+$0x0], $0xffff;
	v8 =	vmov v19  }
0x888: {  	_ =	sdelay $0x3  }
0x889: {  	[tilespmem:s3+$0xFFFFFFE0] =	vst v15;
	v62 =	vld.idx.msk [tilespmem:v10+s23+$0x0], $0xffff  }
0x88a: {  	s0 =	sadd.s32 $0x40, s0;
	[tilespmem:s2+$0xFFFFFFF0] =	vst v11  }
0x88b: {  	v6 =	vld.idx.msk [tilespmem:v6+s24+$0x0], $0xffff;
	[tilespmem:s0+$0x10] =	vst v12  }
0x88c: {  	v9 =	vld.idx.msk [tilespmem:v9+s24+$0x0], $0xffff;
	[tilespmem:s0+$0xFFFFFFF0] =	vst v13  }
0x88d: {  	[tilespmem:s0+$0x0] =	vst v14;
	v7 =	vld.idx.msk [tilespmem:v7+s24+$0x0], $0xffff  }
0x88e: {  	v8 =	vld.idx.msk [tilespmem:v8+s24+$0x0], $0xffff;
	[tilespmem:s0+$0xFFFFFFE0] =	vst v62  }
0x88f: {  	[tilespmem:s2+$0x0] =	vst v16;
	v63 =	vld.idx.msk [tilespmem:v10+s24+$0x0], $0xffff  }
0x890: {  	s19 =	sadd.s32 $0x40, s2;
	[tilespmem:s2+$0xFFFFFFE0] =	vst v6  }
0x891: {  	[tilespmem:s19+$0x10] =	vst v9  }
0x892: {  	[tilespmem:s19+$0xFFFFFFF0] =	vst v7  }
0x893: {  	[tilespmem:s19+$0x0] =	vst v8  }
0x894: {  	s20 =	simm.s32 $0xCA80;
	[tilespmem:s19+$0xFFFFFFE0] =	vst v63  }
0x895: {  	[hbm4b:s14+s1] =	stream.linear.scatter [tilespmem:s20], [sflag:$0x2], $0x600, $0x38;
	[tilespmem:$0xD680] =	vst v63  }
0x896: {  	s17 =	sadd.s32 $0x1, s17;
	_ =	swait.ge [sflag:s18], $0x600  }
0x897: {  	p0 =	sne.s32 s17, s16;
	[sflag:s18] =	ssyncset.done $0x0  }
.Ltmp28:
0x898: {  	s21 =	simm.s32 $0xD080;
	[sflag:s18] =	ssyncadd.s32 $0xFFFFFA00;
	(pc) =	sbr.rel @p0 .LBB2_1-.Ltmp28, $4  }
0x899: {  	[hbm4b:s15+s1] =	stream.linear.scatter [tilespmem:s21], [sflag:$0x2], $0x600, $0x38;
	[tilespmem:$0xD680] =	vst v63  }
0x89a: {  	_ =	swait.ge [sflag:s18], $0x600  }
0x89b: {  	[sflag:s18] =	ssyncset.done $0x0  }
0x89c: {  	[sflag:s18] =	ssyncadd.s32 $0xFFFFFA00  }
0x89d: {  	_ =	sfence.sel $0x180000  }
0x89e: {  	[bflag:$0x0] =	sbarrier.arrive $0xFFFF  }
0x89f: {  	_ =	strace $0x9000004A  }
0x8a0: {  	s0 =	stileid.u32;
	[bflag:$0x2] =	sbarrier.arrive $0xFFFF  }
0x8a1: {  	p0 =	sne.s32 s0, $0x0;
	s0 =	rddreg [dreg:$0x2]  }
0x8a2: {  	s0 =	sadd.s32 @!p0 $0x100000, s0  }
0x8a3: {  	[sflag:s0] =	ssyncadd.tile.s32 @!p0 $0x1;
	_ =	shalt  }
.Lfunc_end2:
_tile_overlayer_lowered:
.L_overlay_start_2:
0x8a4: {  	(tag) =	ssettag $0x2  }
0x8a5: {  	s0 =	rddreg [dreg:$0x0];
	s2 =	stileid.u32  }
0x8a6: {  	s1 =	rddreg [dreg:$0x1];
	p0 =	sne.s32 s2, $0x0  }
0x8a7: {  	s3 =	rddreg [dreg:$0x2];
	[bflag:$0x3] =	sbarrier.arrive $0xFFFF;
	s2 =	simm.s32 @!p0 $0x1C02  }
0x8a8: {  	[timem:s3], [sflag:s2] =	dma.local @!p0 [hbm:s0], s1  }
0x8a9: {  	s0 =	simm.s32 @!p0 $0x2  }
0x8aa: {  	_ =	swait.ge @!p0 [sflag:s0], s1  }
0x8ab: {  	s1 =	ssub.s32 @!p0 $0x0, s1;
	[sflag:s0] =	ssyncset.done @!p0 $0x0  }
0x8ac: {  	[sflag:s0] =	ssyncadd.s32 @!p0 s1  }
0x8ad: {  	[bflag:$0x3] =	sbarrier.arrive $0xFFFF  }
0x8ae: {  	_ =	shalt  }

// kernel: sparse-core-data-format-call.cloned.1.call-start
scs
called_computation_lowered:
.L_overlay_start_0:
0x0: {  	s2 =	sld [smem:$0x3FD9]  }
0x1: {  	s3 =	sld [smem:$0x3FFE];
	_ =	sdelay $0x1  }
0x2: {  	s1 =	srdreg.scid  }
0x3: {  	s0 =	sand.u32 $0x1, s1  }
0x4: {  	s18 =	sshll.u32 s0, $0xA;
	s2 =	sadd.s32 s3, s2  }
0x5: {  	s2 =	sadd.s32 s2, s18  }
0x6: {  	[smem:$0x3FC6] =	sst s2  }
0x7: {  	_ = 	snop  }
0x8: {  	s2 =	sld [smem:$0x3FC9];
	(tm) =	ssettm $0x1  }
0x9: {  	s19 =	sld [smem:$0x3FFB];
	_ =	sdelay $0x3  }
0xa: {  	_ =	strace s19  }
0xb: {  	s3 =	sld [smem:$0x3FFC];
	_ =	sdelay $0x3  }
0xc: {  	_ =	strace s3  }
0xd: {  	s3 =	sld [smem:$0x3FFD];
	_ =	sdelay $0x3  }
0xe: {  	_ =	strace s3  }
0xf: {  	_ =	strace $0x8FFFFFFF  }
0x10: {  	s20 =	sld [smem:$0x3FDB];
	_ =	sdelay $0x1  }
0x11: {  	s4 =	simm.s32 $_scs_section_size  }
0x12: {  	s5 =	simm.s32 $_size__tile_overlayer_lowered;
	s6 =	simm.s32 $_tile_overlayer_lowered  }
0x13: {  	s23 =	simm.s32 $0x1BFF;
	s22 =	sshll.u32 s6, $0x1;
	s3 =	sadd.s32 s4, s20  }
0x14: {  	s7 =	simm.s32 $0x0;
	s21 =	sshll.u32 s5, $0x1;
	s5 =	sadd.s32 s22, s3  }
0x15: {  	[timem:s7], [sflag:s23] =	dma.local [hbm:s5], s21  }
0x16: {  	_ =	swait.ge [sflag:s23], s21  }
0x17: {  	s4 =	ssub.s32 $0x0, s21;
	[sflag:s23] =	ssyncset.done $0x0  }
0x18: {  	[sflag:s23] =	ssyncadd.s32 s4;
	_ =	sdelay $0x1  }
0x19: {  	s24 =	simm.s32 $0x1B8B  }
0x1a: {  	_ =	swait.ge [sflag:s24], $0x1  }
0x1b: {  	[sflag:s24] =	ssyncset.done $0x0  }
0x1c: {  	s26 =	simm.s32 $0x1B8E;
	s25 =	sld [smem:$0x3FFE];
	[sflag:s24] =	ssyncadd.s32 $0xFFFFFFFF  }
0x1d: {  	s27 =	simm.s32 $execute0_lowered;
	[smem:$0x3FD2] =	sst s26  }
0x1e: {  	s5 =	sshll.u32 s27, $0x1;
	_ =	strace $0x80000046;
	[dreg:$0x1] =	wrdreg $0xFFFFFFFF  }
0x1f: {  	s28 =	simm.s32 $_size_execute0_lowered;
	s3 =	sadd.s32 s3, s5;
	[dreg:$0x0] =	wrdreg $0x0  }
0x20: {  	s5 =	sshll.u32 s28, $0x1;
	[dreg:$0x2] =	wrdreg s3  }
0x21: {  	[dreg:$0x3] =	wrdreg s5  }
0x22: {  	[dreg:$0x4] =	wrdreg $0xC0  }
0x23: {  	_ =	task [dreg:s7], $0x5FFFF  }
0x24: {  	[dreg:$0x1] =	wrdreg $0xFFFFFFFF  }
0x25: {  	[dreg:$0x0] =	wrdreg $0x60  }
0x26: {  	[dreg:$0x2] =	wrdreg s2  }
0x27: {  	[dreg:$0x3] =	wrdreg s25  }
0x28: {  	[dreg:$0x4] =	wrdreg $0x9  }
0x29: {  	_ =	task.clear_ibuf [dreg:s7], $0x5FFFF;
	_ =	strace $0x90000046  }
0x2a: {  	s29 =	simm.s32 $0x9;
	_ =	strace $0x80000048  }
0x2b: {  	_ =	swait.ge [sflag:s29], $0x1  }
0x2c: {  	[sflag:s29] =	ssyncadd.s32 $0xFFFFFFFF  }
0x2d: {  	_ =	strace $0x90000048  }
0x2e: {  	_ =	sfence  }
0x2f: {  	s30 =	sld [smem:$0x0];
	_ =	sdelay $0x2  }
0x30: {  	s31 =	sshll.u32 s1, $0xD;
	s1 =	sshrl.u32 s1, $0x2  }
0x31: {  	s3 =	sand.u32 $0x4000, s31;
	s1 =	sadd.s32 s1, s30  }
0x32: {  	s0 =	sor.u32 s3, s0;
	s1 =	sshll.u32 s1, $0x11  }
0x33: {  	s0 =	sor.u32 s1, s0  }
0x34: {  	s0 =	sadd.s32 $0x8F2B, s0  }
0x35: {  	[sflag:s0] =	ssyncadd.remote.s32 $0x1  }
0x36: {  	_ =	sfence.sel $0xFFFF  }
0x37: {  	[dreg:$0x0] =	wrdreg $0xFFFFFFFF;
	(pc) =	sbr.abs _section_cstart, $3  }
0x38: {  	[dreg:$0x1] =	wrdreg $0xFFFFFFFF  }
0x39: {  	_ =	task.clear_ibuf [dreg:s7], $0x2FFFF;
	_ =	strace $0x9FFFFFFF  }
0x3a: {  	(tm) =	ssettm $0x7FFFFFFF  }
0x3b: {  	_ =	shalt  }
tec
execute0_lowered:
.L_overlay_start_1:
0x0: {  	(tag) =	ssettag $0x1  }
0x1: {  	s2 =	rddreg [dreg:$0x0]  }
0x2: {  	s4 =	rddreg [dreg:$0x1]  }
0x3: {  	s0 =	rddreg [dreg:$0x2];
	_ =	strace $0x80000047  }
0x4: {  	s3 =	srdreg.scid;
	s1 =	stileid.u32;
	s6 =	simm.s32 $0x2  }
0x5: {  	s13 =	simm.s32 $0x0;
	p0 =	por $0x0, $0x0;
	s7 =	simm.s32 $0x2000  }
.Ltmp0:
0x6: {  	s14 =	simm.s32 $0x0;
	s9 =	simm.s32 $0x0;
	(pc) =	sbr.rel .LBB1_1-.Ltmp0, $4  }
0x7: {  	s10 =	simm.s32 $0x0;
	s11 =	simm.s32 $0x0;
	s5 =	sshll.u32 s3, $0x4  }
0x8: {  	s8 =	simm.s32 $0x0;
	s3 =	simm.s32 $0x1;
	s5 =	sand.u32 $0x10, s5  }
0x9: {  	s4 =	sadd.s32 $0x1A00, s4;
	[sflag:s3] =	ssyncpa.u1 $0x0;
	s5 =	sor.u32 s1, s5  }
0xa: {  	[sflag:s6] =	ssyncpa.u1 $0x0;
	s6 =	simm.s32 $0x40;
	s12 =	smov.u32 s5  }
.LBB1_5:
0xb: {  	p1 =	slt.u32 s8, $0x2  }
0xc: {  	p2 =	sgt.s32 @!p1 s14, $0x3F  }
0xd: {  	s15 =	smov.u32 s14;
	s16 =	sshra.s32 @!p1 s14, $0x1F;
	p2 =	por !p2, p1  }
0xe: {  	s17 =	sshra.s32 @!p1 s13, $0x1F;
	s15 =	simm.s32 @p2 $0x3F;
	p2 =	sgt.s32 @!p1 s13, $0x3F  }
0xf: {  	s14 =	sand.u32 @!p1 s16, s14;
	s16 =	smov.u32 s13;
	p2 =	por !p2, p1  }
0x10: {  	s13 =	sand.u32 @!p1 s17, s13;
	s14 =	ssub.s32 @!p1 s15, s14;
	s16 =	simm.s32 @p2 $0x3F  }
0x11: {  	s17 =	smov.u32 s12;
	s15 =	sadd.s32 @!p1 $0xFFFFFFC1, s14;
	s13 =	ssub.s32 @!p1 s16, s13  }
0x12: {  	s14 =	ssub.s32 @!p1 $0x40, s14;
	p2 =	sgt.s32 @!p1 s15, $0x0;
	s13 =	sadd.s32 @!p1 $0xFFFFFFC1, s13  }
0x13: {  	s14 =	smul.u32 @!p1 $0x50, s14;
	p3 =	sgt.s32 @!p1 s13, $0x0;
	s13 =	sshll.u32 @!p1 s13, $0x6  }
0x14: {  	p2 =	por !p2, p1;
	s13 =	ssub.s32 @!p1 $0x40, s13;
	p3 =	por !p3, p1  }
0x15: {  	s15 =	sadd.s32 $0x1, s11;
	s14 =	simm.s32 @!p2 $0x0;
	s13 =	simm.s32 @!p3 $0x0  }
0x16: {  	p2 =	sgt.s32 s15, $0x3F;
	s13 =	smul.u32 @!p1 s14, s13;
	s14 =	sadd.s32 $0x20, s12  }
0x17: {  	s17 =	smov.u32 @p2 s14  }
0x18: {  	s8 =	sadd.s32 $0x1, s8;
	s15 =	simm.s32 @p2 $0x0;
	p2 =	sgt.s32 s17, $0x3F  }
0x19: {  	s17 =	smov.u32 @p2 s5;
	p2 =	sne.s32 s8, $0x82  }
.Ltmp1:
0x1a: {  	p0 =	por !p0, !p0;
	(pc) =	sbr.rel @!p2 .LBB1_6-.Ltmp1, $4  }
0x1b: {  	s16 =	simm.s32 @!p1 $0x2;
	s14 =	smov.u32 s10;
	s13 =	sand.u32 @!p1 $0x3FFFFC00, s13  }
0x1c: {  	s10 =	smov.u32 s12;
	_ =	swait.ge @!p1 [sflag:s16], s13;
	s18 =	ssub.s32 @!p1 $0x0, s13  }
0x1d: {  	s13 =	smov.u32 s9;
	s9 =	smov.u32 s11;
	[sflag:s16] =	ssyncset.done @!p1 $0x0  }
0x1e: {  	s11 =	smov.u32 s15;
	s12 =	smov.u32 s17;
	[sflag:s16] =	ssyncadd.s32 @!p1 s18  }
.LBB1_1:
0x1f: {  	p1 =	sgt.u32 s8, $0x7F  }
0x20: {  	s15 =	sxor.u32 @!p1 $0xFFFFFFFF, s8;
	s16 =	sshll.u32 @!p1 s12, $0x10  }
0x21: {  	s17 =	sshll.u32 @!p1 s11, $0xA;
	s15 =	sshll.u32 @!p1 s15, $0xD;
	s16 =	sadd.s32 @!p1 s2, s16  }
0x22: {  	s15 =	sand.u32 @!p1 $0x2000, s15;
	s16 =	sadd.s32 @!p1 s17, s16;
	s17 =	simm.s32 @!p1 $0x0  }
0x23: {  	[tilespmem:s15], [sflag:$0x1] =	stream.linear.gather @!p1 [hbm4b:s16+s17], $0x2000, $0x38;
	[tilespmem:$0x8100] =	vst v63  }
0x24: {  	p1 =	seq.s32 s8, $0x0  }
0x25: {  	p2 =	seq.s32 @!p1 s8, $0x81  }
0x26: {  	p1 =	por p1, p2  }
.Ltmp2:
0x27: {  	_ = 	snop;
	(pc) =	sbr.rel @p1 .LBB1_5-.Ltmp2, $1  }
0x28: {  	_ =	sdelay $0x3  }
0x29: {  	s15 =	simm.s32 $0x1  }
0x2a: {  	_ =	swait.ge [sflag:s3], $0x2000;
	s15 =	simm.s32 @!p0 $0x0  }
0x2b: {  	[sflag:s3] =	ssyncset.done $0x0;
	s16 =	sshll.u32 s15, $0xD  }
0x2c: {  	[sflag:s3] =	ssyncadd.s32 $0xFFFFE000;
	s16 =	sor.u32 $0x40, s16  }
0x2d: {  	s15 =	smul.u32 $0x8200, s15;
	v0 =	vld [tilespmem:s16+$0x30]  }
0x2e: {  	v1 =	vld [tilespmem:s16+$0xFFFFFFD0]  }
0x2f: {  	s15 =	sshrl.u32 s15, $0x2;
	v5 =	vld [tilespmem:s16+$0xFFFFFFE0]  }
0x30: {  	v6 =	vld [tilespmem:s16+$0xFFFFFFF0];
	s18 =	sor.u32 $0x4000, s15  }
0x31: {  	s31 =	sand.u32 $0x1, s8;
	v4 =	vld [tilespmem:s16+$0x0];
	s17 =	sadd.s32 $0x0, s18  }
0x32: {  	v3 =	vld [tilespmem:s16+$0x10];
	s15 =	smul.u32 $0x8200, s31;
	[tilespmem:s17+$0x1C70 ss:$0x41] =	vst.msk $0xffff, v0  }
0x33: {  	v2 =	vld [tilespmem:s16+$0x20];
	[tilespmem:s17+$0x410 ss:$0x41] =	vst.msk $0xffff, v1  }
0x34: {  	s15 =	sshrl.u32 s15, $0x2;
	v1 =	vld [tilespmem:s16+$0xFFFFFFC0];
	[tilespmem:s17+$0x820 ss:$0x41] =	vst.msk $0xffff, v5;
	s16 =	sadd.s32 $0x80, s16  }
0x35: {  	s19 =	simm.s32 $0x4;
	s20 =	simm.s32 $0x8;
	s15 =	sor.u32 $0x4000, s15;
	[tilespmem:s17+$0xC30 ss:$0x41] =	vst.msk $0xffff, v6;
	v0 =	vld [tilespmem:s16+$0x30]  }
.LBB1_3:
0x36: {  	p1 =	sne.s32 s20, $0xFC;
	v5 =	vld [tilespmem:s16+$0xFFFFFFD0];
	[tilespmem:s17+$0x1040 ss:$0x41] =	vst.msk $0xffff, v4  }
0x37: {  	v6 =	vld [tilespmem:s16+$0xFFFFFFE0];
	[tilespmem:s17+$0x1450 ss:$0x41] =	vst.msk $0xffff, v3  }
0x38: {  	s21 =	sshra.s32 s19, $0x2;
	s19 =	smov.u32 s20;
	v7 =	vld [tilespmem:s16+$0xFFFFFFF0];
	[tilespmem:s17+$0x1860 ss:$0x41] =	vst.msk $0xffff, v2  }
.Ltmp3:
0x39: {  	v4 =	vld [tilespmem:s16+$0x0];
	[tilespmem:s17+$0x0 ss:$0x41] =	vst.msk $0xffff, v1;
	s17 =	sadd.s32 s21, s18;
	(pc) =	sbr.rel @p1 .LBB1_3-.Ltmp3, $4  }
0x3a: {  	v3 =	vld [tilespmem:s16+$0x10];
	[tilespmem:s17+$0x1C70 ss:$0x41] =	vst.msk $0xffff, v0  }
0x3b: {  	[tilespmem:s17+$0x410 ss:$0x41] =	vst.msk $0xffff, v5;
	v2 =	vld [tilespmem:s16+$0x20]  }
0x3c: {  	v1 =	vld [tilespmem:s16+$0xFFFFFFC0];
	[tilespmem:s17+$0x820 ss:$0x41] =	vst.msk $0xffff, v6;
	s16 =	sadd.s32 $0x80, s16  }
0x3d: {  	s20 =	sadd.s32 $0x4, s20;
	v0 =	vld [tilespmem:s16+$0x30];
	[tilespmem:s17+$0xC30 ss:$0x41] =	vst.msk $0xffff, v7  }
0x3e: {  	s19 =	sshra.s32 s19, $0x2  }
0x3f: {  	v5 =	vld [tilespmem:s16+$0xFFFFFFD0];
	[tilespmem:s17+$0x1040 ss:$0x41] =	vst.msk $0xffff, v4;
	p1 =	sgt.s32 s10, $0x3F;
	s20 =	smov.u32 s10;
	s26 =	sshra.s32 s10, $0x1F  }
0x40: {  	v58 =	vld [tilespmem:s16+$0xFFFFFFE0];
	s21 =	smov.u32 s9;
	s22 =	sshra.s32 s9, $0x1F;
	[tilespmem:s17+$0x1450 ss:$0x41] =	vst.msk $0xffff, v3;
	s18 =	sadd.s32 s19, s18  }
0x41: {  	v59 =	vld [tilespmem:s16+$0xFFFFFFF0];
	s20 =	simm.s32 @!p1 $0x3F;
	s19 =	sand.u32 s26, s10;
	p1 =	sgt.s32 s9, $0x3F;
	[tilespmem:s17+$0x1860 ss:$0x41] =	vst.msk $0xffff, v2  }
0x42: {  	v60 =	vld [tilespmem:s16+$0x0];
	s28 =	sand.u32 s22, s9;
	s27 =	ssub.s32 s20, s19;
	s21 =	simm.s32 @!p1 $0x3F;
	[tilespmem:s17+$0x0 ss:$0x41] =	vst.msk $0xffff, v1  }
0x43: {  	v61 =	vld [tilespmem:s16+$0x10];
	s19 =	ssub.s32 s21, s28;
	s20 =	ssub.s32 $0x40, s27;
	[tilespmem:s18+$0x1C70 ss:$0x41] =	vst.msk $0xffff, v0  }
0x44: {  	v62 =	vld [tilespmem:s16+$0x20];
	s17 =	sadd.s32 $0xFFFFFFC1, s27;
	s20 =	smul.u32 $0x50, s20;
	s19 =	sadd.s32 $0xFFFFFFC1, s19;
	[tilespmem:s18+$0x410 ss:$0x41] =	vst.msk $0xffff, v5  }
0x45: {  	v63 =	vld [tilespmem:s16+$0xFFFFFFC0];
	s30 =	smul.u32 $0x14000, s10;
	p1 =	sgt.s32 s17, $0x0;
	[tilespmem:s18+$0x820 ss:$0x41] =	vst.msk $0xffff, v58;
	s29 =	sshll.u32 s19, $0x6  }
0x46: {  	[tilespmem:s18+$0xC30 ss:$0x41] =	vst.msk $0xffff, v59;
	s20 =	simm.s32 @p1 $0x0;
	p1 =	sgt.s32 s19, $0x0;
	s16 =	ssub.s32 $0x40, s29  }
.Ltmp4:
0x47: {  	[tilespmem:s18+$0x1040 ss:$0x41] =	vst.msk $0xffff, v60;
	s16 =	simm.s32 @p1 $0x0;
	(pc) =	sbr.rel .LBB1_5-.Ltmp4, $4  }
0x48: {  	s31 =	sshll.u32 s9, $0x4;
	[tilespmem:s18+$0x1450 ss:$0x41] =	vst.msk $0xffff, v61;
	s16 =	smul.u32 s20, s16  }
0x49: {  	s17 =	sadd.s32 s4, s30;
	[tilespmem:s18+$0x1860 ss:$0x41] =	vst.msk $0xffff, v62;
	s19 =	sand.u32 $0x3F0, s31  }
0x4a: {  	[tilespmem:s18+$0x0 ss:$0x41] =	vst.msk $0xffff, v63;
	s17 =	sadd.s32 s19, s17;
	s16 =	sand.u32 $0x3FFFFC00, s16  }
0x4b: {  	[hbm4b:s17+s6] =	stream.strided.scatter [tilespmem:s15], [sflag:$0x2], s16, s7, s6, $0x18;
	[tilespmem:$0x8100] =	vst v63  }
.LBB1_6:
0x4c: {  	_ =	sfence.sel $0x180000  }
0x4d: {  	s2 =	simm.s32 $0x1;
	[bflag:$0x0] =	sbarrier.arrive $0xFFFF  }
0x4e: {  	s31 =	simm.s32 $0x2;
	[sflag:s2] =	ssyncpa.u1 $0x1  }
0x4f: {  	[sflag:s31] =	ssyncpa.u1 $0x1  }
0x50: {  	p0 =	sne.s32 s1, $0x0;
	_ =	strace $0x90000047  }
0x51: {  	s0 =	sadd.s32 @!p0 $0x100000, s0;
	[bflag:$0x2] =	sbarrier.arrive $0xFFFF  }
0x52: {  	[sflag:s0] =	ssyncadd.tile.s32 @!p0 $0x1;
	_ =	shalt  }
.Lfunc_end1:
_tile_overlayer_lowered:
.L_overlay_start_2:
0x53: {  	(tag) =	ssettag $0x2  }
0x54: {  	s0 =	rddreg [dreg:$0x0];
	s2 =	stileid.u32  }
0x55: {  	s1 =	rddreg [dreg:$0x1];
	p0 =	sne.s32 s2, $0x0  }
0x56: {  	s3 =	rddreg [dreg:$0x2];
	[bflag:$0x3] =	sbarrier.arrive $0xFFFF;
	s2 =	simm.s32 @!p0 $0x1C01  }
0x57: {  	[timem:s3], [sflag:s2] =	dma.local @!p0 [hbm:s0], s1  }
0x58: {  	s0 =	simm.s32 @!p0 $0x1  }
0x59: {  	_ =	swait.ge @!p0 [sflag:s0], s1  }
0x5a: {  	s1 =	ssub.s32 @!p0 $0x0, s1;
	[sflag:s0] =	ssyncset.done @!p0 $0x0  }
0x5b: {  	[sflag:s0] =	ssyncadd.s32 @!p0 s1  }
0x5c: {  	[bflag:$0x3] =	sbarrier.arrive $0xFFFF  }
0x5d: {  	_ =	shalt  }

</sc_bundles>
